<compile_context>
chip_gen: v7x
topology: tpu7x:2x2x1
jax: 0.10.2.dev20260603
libtpu: 0.0.44.dev20260713+nightly
codegen_flags: <defaults>
</compile_context>

<pallas_src>
import functools

import jax
import jax.numpy as jnp
from jax import lax
from jax.experimental import pallas as pl
from jax.experimental.pallas import tpu as pltpu
from jax.experimental.pallas import tpu_sc as plsc

N_NODES = 100000
D_IN = 128
HID = 256
NCLS = 47
N0 = 495616
N1 = 45056
N2 = 4096
E0 = 450560
E1 = 40960

NC = 2
NS = 16
NW = NC * NS

E0_PT = E0 // NW
E0_G = E0_PT // 128
XT_PT = N1 // NW
XT_G = XT_PT // 128
E1_PT = E1 // NW
E1_G = E1_PT // 128


def _scgat1_body(gid0_hbm, esrc_hbm, table_hbm,
                 msg_hbm, xt_hbm,
                 b2d, gid1d, rows2, semg):
    cid = lax.axis_index("c")
    sid = lax.axis_index("s")
    wid = cid * NS + sid

    pltpu.sync_copy(esrc_hbm.at[wid], b2d)
    def _gidg(j10, _):
        cps = []
        for k in range(10):
            j = j10 * 10 + k
            cps.append(pltpu.async_copy(
                gid0_hbm.at[b2d.at[j]],
                gid1d.at[pl.ds(j * 128, 128)], semg))
        for cp in cps:
            cp.wait()
        return 0
    lax.fori_loop(0, E0_G // 10, _gidg, 0)

    def _mg(j2, _):
        ja = j2 * 2
        jb = ja + 1
        ga = pltpu.async_copy(
            table_hbm.at[gid1d.at[pl.ds(ja * 128, 128)]], rows2.at[0], semg)
        ga.wait()
        wa = pltpu.async_copy(
            rows2.at[0],
            msg_hbm.at[pl.ds(wid * E0_PT + ja * 128, 128)], semg)
        gb = pltpu.async_copy(
            table_hbm.at[gid1d.at[pl.ds(jb * 128, 128)]], rows2.at[1], semg)
        gb.wait()
        wb = pltpu.async_copy(
            rows2.at[1],
            msg_hbm.at[pl.ds(wid * E0_PT + jb * 128, 128)], semg)
        wa.wait()
        wb.wait()
        return 0
    lax.fori_loop(0, E0_G // 2, _mg, 0)

    pltpu.sync_copy(gid0_hbm.at[pl.ds(wid * XT_PT, XT_PT)],
                    gid1d.at[pl.ds(0, XT_PT)])
    def _xtg(j2, _):
        ja = j2 * 2
        jb = ja + 1
        ga = pltpu.async_copy(
            table_hbm.at[gid1d.at[pl.ds(ja * 128, 128)]], rows2.at[0], semg)
        ga.wait()
        wa = pltpu.async_copy(
            rows2.at[0], xt_hbm.at[pl.ds(wid * XT_PT + ja * 128, 128)], semg)
        gb = pltpu.async_copy(
            table_hbm.at[gid1d.at[pl.ds(jb * 128, 128)]], rows2.at[1], semg)
        gb.wait()
        wb = pltpu.async_copy(
            rows2.at[1], xt_hbm.at[pl.ds(wid * XT_PT + jb * 128, 128)], semg)
        wa.wait()
        wb.wait()
        return 0
    lax.fori_loop(0, XT_G // 2, _xtg, 0)
    ga = pltpu.async_copy(
        table_hbm.at[gid1d.at[pl.ds((XT_G - 1) * 128, 128)]],
        rows2.at[0], semg)
    ga.wait()
    pltpu.sync_copy(rows2.at[0],
                    xt_hbm.at[pl.ds(wid * XT_PT + (XT_G - 1) * 128, 128)])


_scgat1 = functools.partial(
    pl.kernel,
    out_type=[jax.ShapeDtypeStruct((E0, D_IN), jnp.float32),
              jax.ShapeDtypeStruct((N1, D_IN), jnp.float32)],
    mesh=plsc.VectorSubcoreMesh(core_axis_name="c", subcore_axis_name="s"),
    scratch_types=[
        pltpu.VMEM((E0_G, 128), jnp.int32),
        pltpu.VMEM((E0_PT,), jnp.int32),
        pltpu.VMEM((2, 128, 128), jnp.float32),
        pltpu.SemaphoreType.DMA,
    ],
)(_scgat1_body)


def _scgat2_body(h_hbm, esrc_hbm, msg_hbm, s2d, rows2, semg):
    cid = lax.axis_index("c")
    sid = lax.axis_index("s")
    wid = cid * NS + sid

    pltpu.sync_copy(esrc_hbm.at[wid], s2d)

    def _mg(j2, _):
        ja = j2 * 2
        jb = ja + 1
        ga = pltpu.async_copy(h_hbm.at[s2d.at[ja]], rows2.at[0], semg)
        ga.wait()
        wa = pltpu.async_copy(
            rows2.at[0],
            msg_hbm.at[pl.ds(wid * E1_PT + ja * 128, 128)], semg)
        gb = pltpu.async_copy(h_hbm.at[s2d.at[jb]], rows2.at[1], semg)
        gb.wait()
        wb = pltpu.async_copy(
            rows2.at[1],
            msg_hbm.at[pl.ds(wid * E1_PT + jb * 128, 128)], semg)
        wa.wait()
        wb.wait()
        return 0
    lax.fori_loop(0, E1_G // 2, _mg, 0)


_scgat2 = functools.partial(
    pl.kernel,
    out_type=[jax.ShapeDtypeStruct((E1, HID), jnp.float32)],
    mesh=plsc.VectorSubcoreMesh(core_axis_name="c", subcore_axis_name="s"),
    scratch_types=[
        pltpu.VMEM((E1_G, 128), jnp.int32),
        pltpu.VMEM((2, 128, HID), jnp.float32),
        pltpu.SemaphoreType.DMA,
    ],
)(_scgat2_body)



_BLK1 = 512


def _tc1_body(agg_ref, deg_ref, xt_ref, wn_ref, ws_ref, b_ref, o_ref):
    rdeg = 1.0 / jnp.maximum(deg_ref[...], 1.0)
    a = agg_ref[...] * rdeg
    h = jnp.dot(a, wn_ref[...], preferred_element_type=jnp.float32)
    h = h + jnp.dot(xt_ref[...], ws_ref[...], preferred_element_type=jnp.float32)
    h = h + b_ref[...]
    o_ref[...] = jnp.maximum(h, 0.0)


def _tc1(agg, deg, xt, wn, ws, b):
    return pl.pallas_call(
        _tc1_body,
        grid=(N1 // _BLK1,),
        in_specs=[
            pl.BlockSpec((_BLK1, D_IN), lambda i: (i, 0)),
            pl.BlockSpec((_BLK1, 1), lambda i: (i, 0)),
            pl.BlockSpec((_BLK1, D_IN), lambda i: (i, 0)),
            pl.BlockSpec((D_IN, HID), lambda i: (0, 0)),
            pl.BlockSpec((D_IN, HID), lambda i: (0, 0)),
            pl.BlockSpec((1, HID), lambda i: (0, 0)),
        ],
        out_specs=pl.BlockSpec((_BLK1, HID), lambda i: (i, 0)),
        out_shape=jax.ShapeDtypeStruct((N1, HID), jnp.float32),
    )(agg, deg, xt, wn, ws, b)


def _tc2_body(agg_ref, deg_ref, h_ref, wn_ref, ws_ref, b_ref, o_ref):
    rdeg = 1.0 / jnp.maximum(deg_ref[...], 1.0)
    a = agg_ref[...] * rdeg
    o = jnp.dot(a, wn_ref[...], preferred_element_type=jnp.float32)
    o = o + jnp.dot(h_ref[...], ws_ref[...], preferred_element_type=jnp.float32)
    o_ref[...] = o + b_ref[...]


def _tc2(agg, deg, h, wn, ws, b):
    return pl.pallas_call(
        _tc2_body,
        grid=(N2 // _BLK1,),
        in_specs=[
            pl.BlockSpec((_BLK1, HID), lambda i: (i, 0)),
            pl.BlockSpec((_BLK1, 1), lambda i: (i, 0)),
            pl.BlockSpec((_BLK1, HID), lambda i: (i, 0)),
            pl.BlockSpec((HID, 128), lambda i: (0, 0)),
            pl.BlockSpec((HID, 128), lambda i: (0, 0)),
            pl.BlockSpec((1, 128), lambda i: (0, 0)),
        ],
        out_specs=pl.BlockSpec((_BLK1, 128), lambda i: (i, 0)),
        out_shape=jax.ShapeDtypeStruct((N2, 128), jnp.float32),
    )(agg, deg, h, wn, ws, b)


def kernel(target_gid0, edge_src0, edge_dst0, edge_src1, edge_dst1, table,
           W_neigh0, W_self0, b0, W_neigh1, W_self1, b1):
    gid0 = target_gid0.astype(jnp.int32)
    src0 = edge_src0.astype(jnp.int32)
    dst0 = edge_dst0.astype(jnp.int32)
    src1 = edge_src1.astype(jnp.int32)
    dst1 = edge_dst1.astype(jnp.int32)

    msg0, xt = _scgat1(gid0, src0.reshape(NW, E0_G, 128), table)
    agg0 = jax.ops.segment_sum(msg0, dst0, num_segments=N1)
    deg0 = jax.ops.segment_sum(jnp.ones((E0,), jnp.float32), dst0,
                               num_segments=N1)[:, None]
    h = _tc1(agg0, deg0, xt, W_neigh0, W_self0, b0.reshape(1, HID))

    msg1, = _scgat2(h, src1.reshape(NW, E1_G, 128))
    agg1 = jax.ops.segment_sum(msg1, dst1, num_segments=N2)
    deg1 = jax.ops.segment_sum(jnp.ones((E1,), jnp.float32), dst1,
                               num_segments=N2)[:, None]
    wn1 = jnp.pad(W_neigh1, ((0, 0), (0, 128 - NCLS)))
    ws1 = jnp.pad(W_self1, ((0, 0), (0, 128 - NCLS)))
    b1p = jnp.pad(b1, (0, 128 - NCLS)).reshape(1, 128)
    out = _tc2(agg1, deg1, h, wn1, ws1, b1p)
    return out[:, :NCLS]

# --- scband reference (transcript-rebuilt; emitter-appended) ---
"""Pipeline reference for scband-homo-gnnmodel-32384053412201 (READ-ONLY COPY).

The authoritative reference and input builder live on the scoring server;
editing this copy changes nothing except your own understanding.
"""

import jax, jax.numpy as jnp
import numpy as np

N_NODES = 100000
D_IN = 128
HID = 256
NCLS = 47
N0 = 495616
N1 = 45056
N2 = 4096
E0 = 450560
E1 = 40960


def setup_inputs(seed: int = 0) -> dict:
    key = jax.random.key(seed)
    ks = jax.random.split(key, 12)
    inp = {
        'target_gid0': jax.random.randint(ks[0], (N0,), 0, N_NODES),
        'edge_src0': jax.random.randint(ks[1], (E0,), 0, N0),
        'edge_dst0': jax.random.randint(ks[2], (E0,), 0, N1),
        'edge_src1': jax.random.randint(ks[3], (E1,), 0, N1),
        'edge_dst1': jax.random.randint(ks[4], (E1,), 0, N2),
        'table': jax.random.normal(ks[5], (N_NODES, D_IN), dtype=jnp.float32) * 0.1,
        'W_neigh0': jax.random.normal(ks[6], (D_IN, HID), dtype=jnp.float32) * (1.0 / np.sqrt(D_IN)),
        'W_self0': jax.random.normal(ks[7], (D_IN, HID), dtype=jnp.float32) * (1.0 / np.sqrt(D_IN)),
        'b0': jnp.zeros((HID,), dtype=jnp.float32),
        'W_neigh1': jax.random.normal(ks[8], (HID, NCLS), dtype=jnp.float32) * (1.0 / np.sqrt(HID)),
        'W_self1': jax.random.normal(ks[9], (HID, NCLS), dtype=jnp.float32) * (1.0 / np.sqrt(HID)),
        'b1': jnp.zeros((NCLS,), dtype=jnp.float32),
    }
    return inp


def _sage_layer(x_src, x_dst, src, dst, n_dst, W_neigh, W_self, b):
    # mean-aggregator SAGEConv over a bipartite sampled block
    msg = jnp.take(x_src, src, axis=0)  # gather neighbor features
    agg = jax.ops.segment_sum(msg, dst, num_segments=n_dst)  # scatter-add
    deg = jax.ops.segment_sum(jnp.ones((src.shape[0],), x_src.dtype), dst, num_segments=n_dst)
    agg = agg / jnp.maximum(deg, 1.0)[:, None]
    return agg @ W_neigh + x_dst @ W_self + b


def reference(target_gid0, edge_src0, edge_dst0, edge_src1, edge_dst1,
              table, W_neigh0, W_self0, b0, W_neigh1, W_self1, b1):
    # gather_fn: WholeMemoryEmbedding gather of the full 2-hop neighborhood
    x_feat = jnp.take(table, target_gid0, axis=0)
    # layer 0 (SAGE mean): dst nodes are the prefix of the src node set
    x_target = x_feat[:N1]
    h = _sage_layer(x_feat, x_target, edge_src0, edge_dst0, N1, W_neigh0, W_self0, b0)
    h = jax.nn.relu(h)  # dropout p=0.0 / eval mode -> identity
    # layer 1 (SAGE mean) -> class logits
    h_target = h[:N2]
    out = _sage_layer(h, h_target, edge_src1, edge_dst1, N2, W_neigh1, W_self1, b1)
    return out

if __name__ == "__main__":
    import jax
    _d = setup_inputs()
    print(jax.jit(kernel)(*tuple(_d.values())))

</pallas_src>

<mosaic_0001>
#map = affine_map<(d0, d1) -> (0)>
#map1 = affine_map<(d0, d1) -> (0, 0, 0)>
#map2 = affine_map<(d0, d1) -> (0, 0)>
module attributes {stable_mosaic.version = 14 : i64} {
  func.func @_scgat1_body(%arg0: i32, %arg1: i32, %arg2: memref<495616xi32, #tpu.memory_space<hbm>>, %arg3: memref<32x110x128xi32, #tpu.memory_space<hbm>>, %arg4: memref<100000x128xf32, #tpu.memory_space<hbm>>, %arg5: memref<450560x128xf32, #tpu.memory_space<hbm>>, %arg6: memref<45056x128xf32, #tpu.memory_space<hbm>>, %arg7: memref<110x128xi32, #tpu.memory_space<vmem>>, %arg8: memref<14080xi32, #tpu.memory_space<vmem>>, %arg9: memref<2x128x128xf32, #tpu.memory_space<vmem>>, %arg10: memref<!tpu.dma_semaphore, #tpu.memory_space<semaphore_mem>>) attributes {dimension_semantics = [#tpu.dimension_semantics<core_parallel>, #tpu.dimension_semantics<subcore_parallel>], iteration_bounds = array<i64: 2, 16>, scalar_prefetch = 0 : i64, scratch_operands = 4 : i64, tpu.core_type = #tpu.core_type<sc_vector_subcore>, window_params = [{transform_indices = #map}, {transform_indices = #map1}, {transform_indices = #map2}, {transform_indices = #map2}, {transform_indices = #map2}]} {
    %mul3A = arith.constant 16 : i32
    %mul3A_0 = arith.muli %arg0, %mul3A : i32
    %add3A = arith.addi %mul3A_0, %arg1 : i32
    "tpu.region"() ({
      %run_scoped3A_45 = tpu.sem_alloc : memref<!tpu.dma_semaphore, #tpu.memory_space<semaphore_mem>>
      %dma_start3A_46 = arith.constant 0 : i32
      %dma_start3A_47 = arith.constant 0 : i32
      %dma_start3A_48 = tpu.memref_slice %arg3[%add3A, %dma_start3A_46, %dma_start3A_47] : memref<32x110x128xi32, #tpu.memory_space<hbm>> -> memref<1x110x128xi32, #tpu.memory_space<hbm>>
      %dma_start3A_49 = tpu.memref_squeeze %dma_start3A_48 : memref<1x110x128xi32, #tpu.memory_space<hbm>> -> memref<110x128xi32, #tpu.memory_space<hbm>>
      %dma_start3A_50 = arith.constant 0 : i32
      %dma_start3A_51 = arith.constant 0 : i32
      %dma_start3A_52 = tpu.memref_slice %arg3[%add3A, %dma_start3A_50, %dma_start3A_51] : memref<32x110x128xi32, #tpu.memory_space<hbm>> -> memref<1x110x128xi32, #tpu.memory_space<hbm>>
      %dma_start3A_53 = tpu.memref_squeeze %dma_start3A_52 : memref<1x110x128xi32, #tpu.memory_space<hbm>> -> memref<110x128xi32, #tpu.memory_space<hbm>>
      tpu.enqueue_dma source(%dma_start3A_53 : memref<110x128xi32, #tpu.memory_space<hbm>>) target(%arg7 : memref<110x128xi32, #tpu.memory_space<vmem>>) target_semaphore(%run_scoped3A_45 : memref<!tpu.dma_semaphore, #tpu.memory_space<semaphore_mem>>)
      %dma_wait3A_54 = arith.constant 0 : i32
      %dma_wait3A_55 = arith.constant 0 : i32
      %dma_wait3A_56 = tpu.memref_slice %arg3[%add3A, %dma_wait3A_54, %dma_wait3A_55] : memref<32x110x128xi32, #tpu.memory_space<hbm>> -> memref<1x110x128xi32, #tpu.memory_space<hbm>>
      %dma_wait3A_57 = tpu.memref_squeeze %dma_wait3A_56 : memref<1x110x128xi32, #tpu.memory_space<hbm>> -> memref<110x128xi32, #tpu.memory_space<hbm>>
      %dma_wait3A_58 = arith.constant 0 : i32
      %dma_wait3A_59 = arith.constant 0 : i32
      %dma_wait3A_60 = tpu.memref_slice %arg3[%add3A, %dma_wait3A_58, %dma_wait3A_59] : memref<32x110x128xi32, #tpu.memory_space<hbm>> -> memref<1x110x128xi32, #tpu.memory_space<hbm>>
      %dma_wait3A_61 = tpu.memref_squeeze %dma_wait3A_60 : memref<1x110x128xi32, #tpu.memory_space<hbm>> -> memref<110x128xi32, #tpu.memory_space<hbm>>
      tpu.wait_dma2 semaphore(%run_scoped3A_45 : memref<!tpu.dma_semaphore, #tpu.memory_space<semaphore_mem>>) src(%dma_wait3A_61 : memref<110x128xi32, #tpu.memory_space<hbm>>) dst(%arg7 : memref<110x128xi32, #tpu.memory_space<vmem>>)
      tpu.yield
    }) : () -> ()
    %scan3A = arith.constant 0 : i32
    %scan3A_1 = arith.constant 0 : i32
    %scan3A_2 = arith.constant 11 : i32
    %scan3A_3 = arith.addi %scan3A_1, %scan3A_2 : i32
    %scan3A_4 = arith.constant 1 : i32
    %scan3A_5 = scf.for %scan3A_45 = %scan3A_1 to %scan3A_3 step %scan3A_4 iter_args(%scan3A_46 = %scan3A) -> (i32)  : i32 {
      %mul3A_47 = arith.constant 10 : i32
      %mul3A_48 = arith.muli %scan3A_45, %mul3A_47 : i32
      %add3A_49 = arith.constant 0 : i32
      %add3A_50 = arith.addi %mul3A_48, %add3A_49 : i32
      %mul3A_51 = arith.constant 128 : i32
      %mul3A_52 = arith.muli %add3A_50, %mul3A_51 : i32
      %dma_start3A_53 = tpu.memref_slice %arg8[%mul3A_52] : memref<14080xi32, #tpu.memory_space<vmem>> -> memref<128xi32, #tpu.memory_space<vmem>>
      %dma_start3A_54 = arith.constant 0 : i32
      %dma_start3A_55 = tpu.memref_slice %arg7[%add3A_50, %dma_start3A_54] : memref<110x128xi32, #tpu.memory_space<vmem>> -> memref<1x128xi32, #tpu.memory_space<vmem>>
      %dma_start3A_56 = tpu.memref_squeeze %dma_start3A_55 : memref<1x128xi32, #tpu.memory_space<vmem>> -> memref<128xi32, #tpu.memory_space<vmem>>
      %dma_start3A_57 = arith.constant 0 : i32
      %dma_start3A_58 = tpu.memref_slice %arg2[%dma_start3A_57] : memref<495616xi32, #tpu.memory_space<hbm>> -> memref<495616xi32, #tpu.memory_space<hbm>>
      tpu.enqueue_indirect_dma source(%dma_start3A_58 : memref<495616xi32, #tpu.memory_space<hbm>>) target(%dma_start3A_53 : memref<128xi32, #tpu.memory_space<vmem>>) offsets(%dma_start3A_56 : memref<128xi32, #tpu.memory_space<vmem>>) semaphore(%arg10 : memref<!tpu.dma_semaphore, #tpu.memory_space<semaphore_mem>>)
      %mul3A_59 = arith.constant 10 : i32
      %mul3A_60 = arith.muli %scan3A_45, %mul3A_59 : i32
      %add3A_61 = arith.constant 1 : i32
      %add3A_62 = arith.addi %mul3A_60, %add3A_61 : i32
      %mul3A_63 = arith.constant 128 : i32
      %mul3A_64 = arith.muli %add3A_62, %mul3A_63 : i32
      %dma_start3A_65 = tpu.memref_slice %arg8[%mul3A_64] : memref<14080xi32, #tpu.memory_space<vmem>> -> memref<128xi32, #tpu.memory_space<vmem>>
      %dma_start3A_66 = arith.constant 0 : i32
      %dma_start3A_67 = tpu.memref_slice %arg7[%add3A_62, %dma_start3A_66] : memref<110x128xi32, #tpu.memory_space<vmem>> -> memref<1x128xi32, #tpu.memory_space<vmem>>
      %dma_start3A_68 = tpu.memref_squeeze %dma_start3A_67 : memref<1x128xi32, #tpu.memory_space<vmem>> -> memref<128xi32, #tpu.memory_space<vmem>>
      %dma_start3A_69 = arith.constant 0 : i32
      %dma_start3A_70 = tpu.memref_slice %arg2[%dma_start3A_69] : memref<495616xi32, #tpu.memory_space<hbm>> -> memref<495616xi32, #tpu.memory_space<hbm>>
      tpu.enqueue_indirect_dma source(%dma_start3A_70 : memref<495616xi32, #tpu.memory_space<hbm>>) target(%dma_start3A_65 : memref<128xi32, #tpu.memory_space<vmem>>) offsets(%dma_start3A_68 : memref<128xi32, #tpu.memory_space<vmem>>) semaphore(%arg10 : memref<!tpu.dma_semaphore, #tpu.memory_space<semaphore_mem>>)
      %mul3A_71 = arith.constant 10 : i32
      %mul3A_72 = arith.muli %scan3A_45, %mul3A_71 : i32
      %add3A_73 = arith.constant 2 : i32
      %add3A_74 = arith.addi %mul3A_72, %add3A_73 : i32
      %mul3A_75 = arith.constant 128 : i32
      %mul3A_76 = arith.muli %add3A_74, %mul3A_75 : i32
      %dma_start3A_77 = tpu.memref_slice %arg8[%mul3A_76] : memref<14080xi32, #tpu.memory_space<vmem>> -> memref<128xi32, #tpu.memory_space<vmem>>
      %dma_start3A_78 = arith.constant 0 : i32
      %dma_start3A_79 = tpu.memref_slice %arg7[%add3A_74, %dma_start3A_78] : memref<110x128xi32, #tpu.memory_space<vmem>> -> memref<1x128xi32, #tpu.memory_space<vmem>>
      %dma_start3A_80 = tpu.memref_squeeze %dma_start3A_79 : memref<1x128xi32, #tpu.memory_space<vmem>> -> memref<128xi32, #tpu.memory_space<vmem>>
      %dma_start3A_81 = arith.constant 0 : i32
      %dma_start3A_82 = tpu.memref_slice %arg2[%dma_start3A_81] : memref<495616xi32, #tpu.memory_space<hbm>> -> memref<495616xi32, #tpu.memory_space<hbm>>
      tpu.enqueue_indirect_dma source(%dma_start3A_82 : memref<495616xi32, #tpu.memory_space<hbm>>) target(%dma_start3A_77 : memref<128xi32, #tpu.memory_space<vmem>>) offsets(%dma_start3A_80 : memref<128xi32, #tpu.memory_space<vmem>>) semaphore(%arg10 : memref<!tpu.dma_semaphore, #tpu.memory_space<semaphore_mem>>)
      %mul3A_83 = arith.constant 10 : i32
      %mul3A_84 = arith.muli %scan3A_45, %mul3A_83 : i32
      %add3A_85 = arith.constant 3 : i32
      %add3A_86 = arith.addi %mul3A_84, %add3A_85 : i32
      %mul3A_87 = arith.constant 128 : i32
      %mul3A_88 = arith.muli %add3A_86, %mul3A_87 : i32
      %dma_start3A_89 = tpu.memref_slice %arg8[%mul3A_88] : memref<14080xi32, #tpu.memory_space<vmem>> -> memref<128xi32, #tpu.memory_space<vmem>>
      %dma_start3A_90 = arith.constant 0 : i32
      %dma_start3A_91 = tpu.memref_slice %arg7[%add3A_86, %dma_start3A_90] : memref<110x128xi32, #tpu.memory_space<vmem>> -> memref<1x128xi32, #tpu.memory_space<vmem>>
      %dma_start3A_92 = tpu.memref_squeeze %dma_start3A_91 : memref<1x128xi32, #tpu.memory_space<vmem>> -> memref<128xi32, #tpu.memory_space<vmem>>
      %dma_start3A_93 = arith.constant 0 : i32
      %dma_start3A_94 = tpu.memref_slice %arg2[%dma_start3A_93] : memref<495616xi32, #tpu.memory_space<hbm>> -> memref<495616xi32, #tpu.memory_space<hbm>>
      tpu.enqueue_indirect_dma source(%dma_start3A_94 : memref<495616xi32, #tpu.memory_space<hbm>>) target(%dma_start3A_89 : memref<128xi32, #tpu.memory_space<vmem>>) offsets(%dma_start3A_92 : memref<128xi32, #tpu.memory_space<vmem>>) semaphore(%arg10 : memref<!tpu.dma_semaphore, #tpu.memory_space<semaphore_mem>>)
      %mul3A_95 = arith.constant 10 : i32
      %mul3A_96 = arith.muli %scan3A_45, %mul3A_95 : i32
      %add3A_97 = arith.constant 4 : i32
      %add3A_98 = arith.addi %mul3A_96, %add3A_97 : i32
      %mul3A_99 = arith.constant 128 : i32
      %mul3A_100 = arith.muli %add3A_98, %mul3A_99 : i32
      %dma_start3A_101 = tpu.memref_slice %arg8[%mul3A_100] : memref<14080xi32, #tpu.memory_space<vmem>> -> memref<128xi32, #tpu.memory_space<vmem>>
      %dma_start3A_102 = arith.constant 0 : i32
      %dma_start3A_103 = tpu.memref_slice %arg7[%add3A_98, %dma_start3A_102] : memref<110x128xi32, #tpu.memory_space<vmem>> -> memref<1x128xi32, #tpu.memory_space<vmem>>
      %dma_start3A_104 = tpu.memref_squeeze %dma_start3A_103 : memref<1x128xi32, #tpu.memory_space<vmem>> -> memref<128xi32, #tpu.memory_space<vmem>>
      %dma_start3A_105 = arith.constant 0 : i32
      %dma_start3A_106 = tpu.memref_slice %arg2[%dma_start3A_105] : memref<495616xi32, #tpu.memory_space<hbm>> -> memref<495616xi32, #tpu.memory_space<hbm>>
      tpu.enqueue_indirect_dma source(%dma_start3A_106 : memref<495616xi32, #tpu.memory_space<hbm>>) target(%dma_start3A_101 : memref<128xi32, #tpu.memory_space<vmem>>) offsets(%dma_start3A_104 : memref<128xi32, #tpu.memory_space<vmem>>) semaphore(%arg10 : memref<!tpu.dma_semaphore, #tpu.memory_space<semaphore_mem>>)
      %mul3A_107 = arith.constant 10 : i32
      %mul3A_108 = arith.muli %scan3A_45, %mul3A_107 : i32
      %add3A_109 = arith.constant 5 : i32
      %add3A_110 = arith.addi %mul3A_108, %add3A_109 : i32
      %mul3A_111 = arith.constant 128 : i32
      %mul3A_112 = arith.muli %add3A_110, %mul3A_111 : i32
      %dma_start3A_113 = tpu.memref_slice %arg8[%mul3A_112] : memref<14080xi32, #tpu.memory_space<vmem>> -> memref<128xi32, #tpu.memory_space<vmem>>
      %dma_start3A_114 = arith.constant 0 : i32
      %dma_start3A_115 = tpu.memref_slice %arg7[%add3A_110, %dma_start3A_114] : memref<110x128xi32, #tpu.memory_space<vmem>> -> memref<1x128xi32, #tpu.memory_space<vmem>>
      %dma_start3A_116 = tpu.memref_squeeze %dma_start3A_115 : memref<1x128xi32, #tpu.memory_space<vmem>> -> memref<128xi32, #tpu.memory_space<vmem>>
      %dma_start3A_117 = arith.constant 0 : i32
      %dma_start3A_118 = tpu.memref_slice %arg2[%dma_start3A_117] : memref<495616xi32, #tpu.memory_space<hbm>> -> memref<495616xi32, #tpu.memory_space<hbm>>
      tpu.enqueue_indirect_dma source(%dma_start3A_118 : memref<495616xi32, #tpu.memory_space<hbm>>) target(%dma_start3A_113 : memref<128xi32, #tpu.memory_space<vmem>>) offsets(%dma_start3A_116 : memref<128xi32, #tpu.memory_space<vmem>>) semaphore(%arg10 : memref<!tpu.dma_semaphore, #tpu.memory_space<semaphore_mem>>)
      %mul3A_119 = arith.constant 10 : i32
      %mul3A_120 = arith.muli %scan3A_45, %mul3A_119 : i32
      %add3A_121 = arith.constant 6 : i32
      %add3A_122 = arith.addi %mul3A_120, %add3A_121 : i32
      %mul3A_123 = arith.constant 128 : i32
      %mul3A_124 = arith.muli %add3A_122, %mul3A_123 : i32
      %dma_start3A_125 = tpu.memref_slice %arg8[%mul3A_124] : memref<14080xi32, #tpu.memory_space<vmem>> -> memref<128xi32, #tpu.memory_space<vmem>>
      %dma_start3A_126 = arith.constant 0 : i32
      %dma_start3A_127 = tpu.memref_slice %arg7[%add3A_122, %dma_start3A_126] : memref<110x128xi32, #tpu.memory_space<vmem>> -> memref<1x128xi32, #tpu.memory_space<vmem>>
      %dma_start3A_128 = tpu.memref_squeeze %dma_start3A_127 : memref<1x128xi32, #tpu.memory_space<vmem>> -> memref<128xi32, #tpu.memory_space<vmem>>
      %dma_start3A_129 = arith.constant 0 : i32
      %dma_start3A_130 = tpu.memref_slice %arg2[%dma_start3A_129] : memref<495616xi32, #tpu.memory_space<hbm>> -> memref<495616xi32, #tpu.memory_space<hbm>>
      tpu.enqueue_indirect_dma source(%dma_start3A_130 : memref<495616xi32, #tpu.memory_space<hbm>>) target(%dma_start3A_125 : memref<128xi32, #tpu.memory_space<vmem>>) offsets(%dma_start3A_128 : memref<128xi32, #tpu.memory_space<vmem>>) semaphore(%arg10 : memref<!tpu.dma_semaphore, #tpu.memory_space<semaphore_mem>>)
      %mul3A_131 = arith.constant 10 : i32
      %mul3A_132 = arith.muli %scan3A_45, %mul3A_131 : i32
      %add3A_133 = arith.constant 7 : i32
      %add3A_134 = arith.addi %mul3A_132, %add3A_133 : i32
      %mul3A_135 = arith.constant 128 : i32
      %mul3A_136 = arith.muli %add3A_134, %mul3A_135 : i32
      %dma_start3A_137 = tpu.memref_slice %arg8[%mul3A_136] : memref<14080xi32, #tpu.memory_space<vmem>> -> memref<128xi32, #tpu.memory_space<vmem>>
      %dma_start3A_138 = arith.constant 0 : i32
      %dma_start3A_139 = tpu.memref_slice %arg7[%add3A_134, %dma_start3A_138] : memref<110x128xi32, #tpu.memory_space<vmem>> -> memref<1x128xi32, #tpu.memory_space<vmem>>
      %dma_start3A_140 = tpu.memref_squeeze %dma_start3A_139 : memref<1x128xi32, #tpu.memory_space<vmem>> -> memref<128xi32, #tpu.memory_space<vmem>>
      %dma_start3A_141 = arith.constant 0 : i32
      %dma_start3A_142 = tpu.memref_slice %arg2[%dma_start3A_141] : memref<495616xi32, #tpu.memory_space<hbm>> -> memref<495616xi32, #tpu.memory_space<hbm>>
      tpu.enqueue_indirect_dma source(%dma_start3A_142 : memref<495616xi32, #tpu.memory_space<hbm>>) target(%dma_start3A_137 : memref<128xi32, #tpu.memory_space<vmem>>) offsets(%dma_start3A_140 : memref<128xi32, #tpu.memory_space<vmem>>) semaphore(%arg10 : memref<!tpu.dma_semaphore, #tpu.memory_space<semaphore_mem>>)
      %mul3A_143 = arith.constant 10 : i32
      %mul3A_144 = arith.muli %scan3A_45, %mul3A_143 : i32
      %add3A_145 = arith.constant 8 : i32
      %add3A_146 = arith.addi %mul3A_144, %add3A_145 : i32
      %mul3A_147 = arith.constant 128 : i32
      %mul3A_148 = arith.muli %add3A_146, %mul3A_147 : i32
      %dma_start3A_149 = tpu.memref_slice %arg8[%mul3A_148] : memref<14080xi32, #tpu.memory_space<vmem>> -> memref<128xi32, #tpu.memory_space<vmem>>
      %dma_start3A_150 = arith.constant 0 : i32
      %dma_start3A_151 = tpu.memref_slice %arg7[%add3A_146, %dma_start3A_150] : memref<110x128xi32, #tpu.memory_space<vmem>> -> memref<1x128xi32, #tpu.memory_space<vmem>>
      %dma_start3A_152 = tpu.memref_squeeze %dma_start3A_151 : memref<1x128xi32, #tpu.memory_space<vmem>> -> memref<128xi32, #tpu.memory_space<vmem>>
      %dma_start3A_153 = arith.constant 0 : i32
      %dma_start3A_154 = tpu.memref_slice %arg2[%dma_start3A_153] : memref<495616xi32, #tpu.memory_space<hbm>> -> memref<495616xi32, #tpu.memory_space<hbm>>
      tpu.enqueue_indirect_dma source(%dma_start3A_154 : memref<495616xi32, #tpu.memory_space<hbm>>) target(%dma_start3A_149 : memref<128xi32, #tpu.memory_space<vmem>>) offsets(%dma_start3A_152 : memref<128xi32, #tpu.memory_space<vmem>>) semaphore(%arg10 : memref<!tpu.dma_semaphore, #tpu.memory_space<semaphore_mem>>)
      %mul3A_155 = arith.constant 10 : i32
      %mul3A_156 = arith.muli %scan3A_45, %mul3A_155 : i32
      %add3A_157 = arith.constant 9 : i32
      %add3A_158 = arith.addi %mul3A_156, %add3A_157 : i32
      %mul3A_159 = arith.constant 128 : i32
      %mul3A_160 = arith.muli %add3A_158, %mul3A_159 : i32
      %dma_start3A_161 = tpu.memref_slice %arg8[%mul3A_160] : memref<14080xi32, #tpu.memory_space<vmem>> -> memref<128xi32, #tpu.memory_space<vmem>>
      %dma_start3A_162 = arith.constant 0 : i32
      %dma_start3A_163 = tpu.memref_slice %arg7[%add3A_158, %dma_start3A_162] : memref<110x128xi32, #tpu.memory_space<vmem>> -> memref<1x128xi32, #tpu.memory_space<vmem>>
      %dma_start3A_164 = tpu.memref_squeeze %dma_start3A_163 : memref<1x128xi32, #tpu.memory_space<vmem>> -> memref<128xi32, #tpu.memory_space<vmem>>
      %dma_start3A_165 = arith.constant 0 : i32
      %dma_start3A_166 = tpu.memref_slice %arg2[%dma_start3A_165] : memref<495616xi32, #tpu.memory_space<hbm>> -> memref<495616xi32, #tpu.memory_space<hbm>>
      tpu.enqueue_indirect_dma source(%dma_start3A_166 : memref<495616xi32, #tpu.memory_space<hbm>>) target(%dma_start3A_161 : memref<128xi32, #tpu.memory_space<vmem>>) offsets(%dma_start3A_164 : memref<128xi32, #tpu.memory_space<vmem>>) semaphore(%arg10 : memref<!tpu.dma_semaphore, #tpu.memory_space<semaphore_mem>>)
      %dma_wait3A_167 = tpu.memref_slice %arg8[%mul3A_52] : memref<14080xi32, #tpu.memory_space<vmem>> -> memref<128xi32, #tpu.memory_space<vmem>>
      %dma_wait3A_168 = arith.constant 0 : i32
      %dma_wait3A_169 = tpu.memref_slice %arg7[%add3A_50, %dma_wait3A_168] : memref<110x128xi32, #tpu.memory_space<vmem>> -> memref<1x128xi32, #tpu.memory_space<vmem>>
      %dma_wait3A_170 = tpu.memref_squeeze %dma_wait3A_169 : memref<1x128xi32, #tpu.memory_space<vmem>> -> memref<128xi32, #tpu.memory_space<vmem>>
      %dma_wait3A_171 = arith.constant 0 : i32
      %dma_wait3A_172 = tpu.memref_slice %arg2[%dma_wait3A_171] : memref<495616xi32, #tpu.memory_space<hbm>> -> memref<495616xi32, #tpu.memory_space<hbm>>
      tpu.wait_indirect_dma semaphore(%arg10 : memref<!tpu.dma_semaphore, #tpu.memory_space<semaphore_mem>>) src(%dma_wait3A_172 : memref<495616xi32, #tpu.memory_space<hbm>>) dst(%dma_wait3A_167 : memref<128xi32, #tpu.memory_space<vmem>>)
      %dma_wait3A_173 = tpu.memref_slice %arg8[%mul3A_64] : memref<14080xi32, #tpu.memory_space<vmem>> -> memref<128xi32, #tpu.memory_space<vmem>>
      %dma_wait3A_174 = arith.constant 0 : i32
      %dma_wait3A_175 = tpu.memref_slice %arg7[%add3A_62, %dma_wait3A_174] : memref<110x128xi32, #tpu.memory_space<vmem>> -> memref<1x128xi32, #tpu.memory_space<vmem>>
      %dma_wait3A_176 = tpu.memref_squeeze %dma_wait3A_175 : memref<1x128xi32, #tpu.memory_space<vmem>> -> memref<128xi32, #tpu.memory_space<vmem>>
      %dma_wait3A_177 = arith.constant 0 : i32
      %dma_wait3A_178 = tpu.memref_slice %arg2[%dma_wait3A_177] : memref<495616xi32, #tpu.memory_space<hbm>> -> memref<495616xi32, #tpu.memory_space<hbm>>
      tpu.wait_indirect_dma semaphore(%arg10 : memref<!tpu.dma_semaphore, #tpu.memory_space<semaphore_mem>>) src(%dma_wait3A_178 : memref<495616xi32, #tpu.memory_space<hbm>>) dst(%dma_wait3A_173 : memref<128xi32, #tpu.memory_space<vmem>>)
      %dma_wait3A_179 = tpu.memref_slice %arg8[%mul3A_76] : memref<14080xi32, #tpu.memory_space<vmem>> -> memref<128xi32, #tpu.memory_space<vmem>>
      %dma_wait3A_180 = arith.constant 0 : i32
      %dma_wait3A_181 = tpu.memref_slice %arg7[%add3A_74, %dma_wait3A_180] : memref<110x128xi32, #tpu.memory_space<vmem>> -> memref<1x128xi32, #tpu.memory_space<vmem>>
      %dma_wait3A_182 = tpu.memref_squeeze %dma_wait3A_181 : memref<1x128xi32, #tpu.memory_space<vmem>> -> memref<128xi32, #tpu.memory_space<vmem>>
      %dma_wait3A_183 = arith.constant 0 : i32
      %dma_wait3A_184 = tpu.memref_slice %arg2[%dma_wait3A_183] : memref<495616xi32, #tpu.memory_space<hbm>> -> memref<495616xi32, #tpu.memory_space<hbm>>
      tpu.wait_indirect_dma semaphore(%arg10 : memref<!tpu.dma_semaphore, #tpu.memory_space<semaphore_mem>>) src(%dma_wait3A_184 : memref<495616xi32, #tpu.memory_space<hbm>>) dst(%dma_wait3A_179 : memref<128xi32, #tpu.memory_space<vmem>>)
      %dma_wait3A_185 = tpu.memref_slice %arg8[%mul3A_88] : memref<14080xi32, #tpu.memory_space<vmem>> -> memref<128xi32, #tpu.memory_space<vmem>>
      %dma_wait3A_186 = arith.constant 0 : i32
      %dma_wait3A_187 = tpu.memref_slice %arg7[%add3A_86, %dma_wait3A_186] : memref<110x128xi32, #tpu.memory_space<vmem>> -> memref<1x128xi32, #tpu.memory_space<vmem>>
      %dma_wait3A_188 = tpu.memref_squeeze %dma_wait3A_187 : memref<1x128xi32, #tpu.memory_space<vmem>> -> memref<128xi32, #tpu.memory_space<vmem>>
      %dma_wait3A_189 = arith.constant 0 : i32
      %dma_wait3A_190 = tpu.memref_slice %arg2[%dma_wait3A_189] : memref<495616xi32, #tpu.memory_space<hbm>> -> memref<495616xi32, #tpu.memory_space<hbm>>
      tpu.wait_indirect_dma semaphore(%arg10 : memref<!tpu.dma_semaphore, #tpu.memory_space<semaphore_mem>>) src(%dma_wait3A_190 : memref<495616xi32, #tpu.memory_space<hbm>>) dst(%dma_wait3A_185 : memref<128xi32, #tpu.memory_space<vmem>>)
      %dma_wait3A_191 = tpu.memref_slice %arg8[%mul3A_100] : memref<14080xi32, #tpu.memory_space<vmem>> -> memref<128xi32, #tpu.memory_space<vmem>>
      %dma_wait3A_192 = arith.constant 0 : i32
      %dma_wait3A_193 = tpu.memref_slice %arg7[%add3A_98, %dma_wait3A_192] : memref<110x128xi32, #tpu.memory_space<vmem>> -> memref<1x128xi32, #tpu.memory_space<vmem>>
      %dma_wait3A_194 = tpu.memref_squeeze %dma_wait3A_193 : memref<1x128xi32, #tpu.memory_space<vmem>> -> memref<128xi32, #tpu.memory_space<vmem>>
      %dma_wait3A_195 = arith.constant 0 : i32
      %dma_wait3A_196 = tpu.memref_slice %arg2[%dma_wait3A_195] : memref<495616xi32, #tpu.memory_space<hbm>> -> memref<495616xi32, #tpu.memory_space<hbm>>
      tpu.wait_indirect_dma semaphore(%arg10 : memref<!tpu.dma_semaphore, #tpu.memory_space<semaphore_mem>>) src(%dma_wait3A_196 : memref<495616xi32, #tpu.memory_space<hbm>>) dst(%dma_wait3A_191 : memref<128xi32, #tpu.memory_space<vmem>>)
      %dma_wait3A_197 = tpu.memref_slice %arg8[%mul3A_112] : memref<14080xi32, #tpu.memory_space<vmem>> -> memref<128xi32, #tpu.memory_space<vmem>>
      %dma_wait3A_198 = arith.constant 0 : i32
      %dma_wait3A_199 = tpu.memref_slice %arg7[%add3A_110, %dma_wait3A_198] : memref<110x128xi32, #tpu.memory_space<vmem>> -> memref<1x128xi32, #tpu.memory_space<vmem>>
      %dma_wait3A_200 = tpu.memref_squeeze %dma_wait3A_199 : memref<1x128xi32, #tpu.memory_space<vmem>> -> memref<128xi32, #tpu.memory_space<vmem>>
      %dma_wait3A_201 = arith.constant 0 : i32
      %dma_wait3A_202 = tpu.memref_slice %arg2[%dma_wait3A_201] : memref<495616xi32, #tpu.memory_space<hbm>> -> memref<495616xi32, #tpu.memory_space<hbm>>
      tpu.wait_indirect_dma semaphore(%arg10 : memref<!tpu.dma_semaphore, #tpu.memory_space<semaphore_mem>>) src(%dma_wait3A_202 : memref<495616xi32, #tpu.memory_space<hbm>>) dst(%dma_wait3A_197 : memref<128xi32, #tpu.memory_space<vmem>>)
      %dma_wait3A_203 = tpu.memref_slice %arg8[%mul3A_124] : memref<14080xi32, #tpu.memory_space<vmem>> -> memref<128xi32, #tpu.memory_space<vmem>>
      %dma_wait3A_204 = arith.constant 0 : i32
      %dma_wait3A_205 = tpu.memref_slice %arg7[%add3A_122, %dma_wait3A_204] : memref<110x128xi32, #tpu.memory_space<vmem>> -> memref<1x128xi32, #tpu.memory_space<vmem>>
      %dma_wait3A_206 = tpu.memref_squeeze %dma_wait3A_205 : memref<1x128xi32, #tpu.memory_space<vmem>> -> memref<128xi32, #tpu.memory_space<vmem>>
      %dma_wait3A_207 = arith.constant 0 : i32
      %dma_wait3A_208 = tpu.memref_slice %arg2[%dma_wait3A_207] : memref<495616xi32, #tpu.memory_space<hbm>> -> memref<495616xi32, #tpu.memory_space<hbm>>
      tpu.wait_indirect_dma semaphore(%arg10 : memref<!tpu.dma_semaphore, #tpu.memory_space<semaphore_mem>>) src(%dma_wait3A_208 : memref<495616xi32, #tpu.memory_space<hbm>>) dst(%dma_wait3A_203 : memref<128xi32, #tpu.memory_space<vmem>>)
      %dma_wait3A_209 = tpu.memref_slice %arg8[%mul3A_136] : memref<14080xi32, #tpu.memory_space<vmem>> -> memref<128xi32, #tpu.memory_space<vmem>>
      %dma_wait3A_210 = arith.constant 0 : i32
      %dma_wait3A_211 = tpu.memref_slice %arg7[%add3A_134, %dma_wait3A_210] : memref<110x128xi32, #tpu.memory_space<vmem>> -> memref<1x128xi32, #tpu.memory_space<vmem>>
      %dma_wait3A_212 = tpu.memref_squeeze %dma_wait3A_211 : memref<1x128xi32, #tpu.memory_space<vmem>> -> memref<128xi32, #tpu.memory_space<vmem>>
      %dma_wait3A_213 = arith.constant 0 : i32
      %dma_wait3A_214 = tpu.memref_slice %arg2[%dma_wait3A_213] : memref<495616xi32, #tpu.memory_space<hbm>> -> memref<495616xi32, #tpu.memory_space<hbm>>
      tpu.wait_indirect_dma semaphore(%arg10 : memref<!tpu.dma_semaphore, #tpu.memory_space<semaphore_mem>>) src(%dma_wait3A_214 : memref<495616xi32, #tpu.memory_space<hbm>>) dst(%dma_wait3A_209 : memref<128xi32, #tpu.memory_space<vmem>>)
      %dma_wait3A_215 = tpu.memref_slice %arg8[%mul3A_148] : memref<14080xi32, #tpu.memory_space<vmem>> -> memref<128xi32, #tpu.memory_space<vmem>>
      %dma_wait3A_216 = arith.constant 0 : i32
      %dma_wait3A_217 = tpu.memref_slice %arg7[%add3A_146, %dma_wait3A_216] : memref<110x128xi32, #tpu.memory_space<vmem>> -> memref<1x128xi32, #tpu.memory_space<vmem>>
      %dma_wait3A_218 = tpu.memref_squeeze %dma_wait3A_217 : memref<1x128xi32, #tpu.memory_space<vmem>> -> memref<128xi32, #tpu.memory_space<vmem>>
      %dma_wait3A_219 = arith.constant 0 : i32
      %dma_wait3A_220 = tpu.memref_slice %arg2[%dma_wait3A_219] : memref<495616xi32, #tpu.memory_space<hbm>> -> memref<495616xi32, #tpu.memory_space<hbm>>
      tpu.wait_indirect_dma semaphore(%arg10 : memref<!tpu.dma_semaphore, #tpu.memory_space<semaphore_mem>>) src(%dma_wait3A_220 : memref<495616xi32, #tpu.memory_space<hbm>>) dst(%dma_wait3A_215 : memref<128xi32, #tpu.memory_space<vmem>>)
      %dma_wait3A_221 = tpu.memref_slice %arg8[%mul3A_160] : memref<14080xi32, #tpu.memory_space<vmem>> -> memref<128xi32, #tpu.memory_space<vmem>>
      %dma_wait3A_222 = arith.constant 0 : i32
      %dma_wait3A_223 = tpu.memref_slice %arg7[%add3A_158, %dma_wait3A_222] : memref<110x128xi32, #tpu.memory_space<vmem>> -> memref<1x128xi32, #tpu.memory_space<vmem>>
      %dma_wait3A_224 = tpu.memref_squeeze %dma_wait3A_223 : memref<1x128xi32, #tpu.memory_space<vmem>> -> memref<128xi32, #tpu.memory_space<vmem>>
      %dma_wait3A_225 = arith.constant 0 : i32
      %dma_wait3A_226 = tpu.memref_slice %arg2[%dma_wait3A_225] : memref<495616xi32, #tpu.memory_space<hbm>> -> memref<495616xi32, #tpu.memory_space<hbm>>
      tpu.wait_indirect_dma semaphore(%arg10 : memref<!tpu.dma_semaphore, #tpu.memory_space<semaphore_mem>>) src(%dma_wait3A_226 : memref<495616xi32, #tpu.memory_space<hbm>>) dst(%dma_wait3A_221 : memref<128xi32, #tpu.memory_space<vmem>>)
      %scan3A_227 = arith.constant 0 : i32
      scf.yield %scan3A_227 : i32
    }
    %scan3A_6 = arith.constant 11 : i32
    %scan3A_7 = arith.constant 0 : i32
    %scan3A_8 = arith.constant 0 : i32
    %scan3A_9 = arith.constant 55 : i32
    %scan3A_10 = arith.addi %scan3A_8, %scan3A_9 : i32
    %scan3A_11 = arith.constant 1 : i32
    %scan3A_12 = scf.for %scan3A_45 = %scan3A_8 to %scan3A_10 step %scan3A_11 iter_args(%scan3A_46 = %scan3A_7) -> (i32)  : i32 {
      %mul3A_47 = arith.constant 2 : i32
      %mul3A_48 = arith.muli %scan3A_45, %mul3A_47 : i32
      %add3A_49 = arith.constant 1 : i32
      %add3A_50 = arith.addi %mul3A_48, %add3A_49 : i32
      %mul3A_51 = arith.constant 128 : i32
      %mul3A_52 = arith.muli %mul3A_48, %mul3A_51 : i32
      %dma_start3A_53 = arith.constant 0 : i32
      %dma_start3A_54 = arith.constant 0 : i32
      %dma_start3A_55 = arith.constant 0 : i32
      %dma_start3A_56 = tpu.memref_slice %arg9[%dma_start3A_53, %dma_start3A_54, %dma_start3A_55] : memref<2x128x128xf32, #tpu.memory_space<vmem>> -> memref<1x128x128xf32, #tpu.memory_space<vmem>>
      %dma_start3A_57 = tpu.memref_squeeze %dma_start3A_56 : memref<1x128x128xf32, #tpu.memory_space<vmem>> -> memref<128x128xf32, #tpu.memory_space<vmem>>
      %dma_start3A_58 = tpu.memref_slice %arg8[%mul3A_52] : memref<14080xi32, #tpu.memory_space<vmem>> -> memref<128xi32, #tpu.memory_space<vmem>>
      %dma_start3A_59 = arith.constant 0 : i32
      %dma_start3A_60 = arith.constant 0 : i32
      %dma_start3A_61 = tpu.memref_slice %arg4[%dma_start3A_59, %dma_start3A_60] : memref<100000x128xf32, #tpu.memory_space<hbm>> -> memref<100000x128xf32, #tpu.memory_space<hbm>>
      tpu.enqueue_indirect_dma source(%dma_start3A_61 : memref<100000x128xf32, #tpu.memory_space<hbm>>) target(%dma_start3A_57 : memref<128x128xf32, #tpu.memory_space<vmem>>) offsets(%dma_start3A_58 : memref<128xi32, #tpu.memory_space<vmem>>) semaphore(%arg10 : memref<!tpu.dma_semaphore, #tpu.memory_space<semaphore_mem>>)
      %dma_wait3A_62 = arith.constant 0 : i32
      %dma_wait3A_63 = arith.constant 0 : i32
      %dma_wait3A_64 = arith.constant 0 : i32
      %dma_wait3A_65 = tpu.memref_slice %arg9[%dma_wait3A_62, %dma_wait3A_63, %dma_wait3A_64] : memref<2x128x128xf32, #tpu.memory_space<vmem>> -> memref<1x128x128xf32, #tpu.memory_space<vmem>>
      %dma_wait3A_66 = tpu.memref_squeeze %dma_wait3A_65 : memref<1x128x128xf32, #tpu.memory_space<vmem>> -> memref<128x128xf32, #tpu.memory_space<vmem>>
      %dma_wait3A_67 = tpu.memref_slice %arg8[%mul3A_52] : memref<14080xi32, #tpu.memory_space<vmem>> -> memref<128xi32, #tpu.memory_space<vmem>>
      %dma_wait3A_68 = arith.constant 0 : i32
      %dma_wait3A_69 = arith.constant 0 : i32
      %dma_wait3A_70 = tpu.memref_slice %arg4[%dma_wait3A_68, %dma_wait3A_69] : memref<100000x128xf32, #tpu.memory_space<hbm>> -> memref<100000x128xf32, #tpu.memory_space<hbm>>
      tpu.wait_indirect_dma semaphore(%arg10 : memref<!tpu.dma_semaphore, #tpu.memory_space<semaphore_mem>>) src(%dma_wait3A_70 : memref<100000x128xf32, #tpu.memory_space<hbm>>) dst(%dma_wait3A_66 : memref<128x128xf32, #tpu.memory_space<vmem>>)
      %mul3A_71 = arith.constant 14080 : i32
      %mul3A_72 = arith.muli %add3A, %mul3A_71 : i32
      %mul3A_73 = arith.constant 128 : i32
      %mul3A_74 = arith.muli %mul3A_48, %mul3A_73 : i32
      %add3A_75 = arith.addi %mul3A_72, %mul3A_74 : i32
      %dma_start3A_76 = arith.constant 0 : i32
      %dma_start3A_77 = arith.constant 0 : i32
      %dma_start3A_78 = arith.constant 0 : i32
      %dma_start3A_79 = tpu.memref_slice %arg9[%dma_start3A_76, %dma_start3A_77, %dma_start3A_78] : memref<2x128x128xf32, #tpu.memory_space<vmem>> -> memref<1x128x128xf32, #tpu.memory_space<vmem>>
      %dma_start3A_80 = tpu.memref_squeeze %dma_start3A_79 : memref<1x128x128xf32, #tpu.memory_space<vmem>> -> memref<128x128xf32, #tpu.memory_space<vmem>>
      %dma_start3A_81 = arith.constant 0 : i32
      %dma_start3A_82 = tpu.memref_slice %arg5[%add3A_75, %dma_start3A_81] : memref<450560x128xf32, #tpu.memory_space<hbm>> -> memref<128x128xf32, #tpu.memory_space<hbm>>
      %dma_start3A_83 = arith.constant 0 : i32
      %dma_start3A_84 = tpu.memref_slice %arg5[%add3A_75, %dma_start3A_83] : memref<450560x128xf32, #tpu.memory_space<hbm>> -> memref<128x128xf32, #tpu.memory_space<hbm>>
      %dma_start3A_85 = arith.constant 0 : i32
      %dma_start3A_86 = arith.constant 0 : i32
      %dma_start3A_87 = tpu.memref_slice %arg9[%dma_start3A_76, %dma_start3A_85, %dma_start3A_86] : memref<2x128x128xf32, #tpu.memory_space<vmem>> -> memref<1x128x128xf32, #tpu.memory_space<vmem>>
      %dma_start3A_88 = tpu.memref_squeeze %dma_start3A_87 : memref<1x128x128xf32, #tpu.memory_space<vmem>> -> memref<128x128xf32, #tpu.memory_space<vmem>>
      tpu.enqueue_dma source(%dma_start3A_88 : memref<128x128xf32, #tpu.memory_space<vmem>>) target(%dma_start3A_84 : memref<128x128xf32, #tpu.memory_space<hbm>>) target_semaphore(%arg10 : memref<!tpu.dma_semaphore, #tpu.memory_space<semaphore_mem>>)
      %mul3A_89 = arith.constant 128 : i32
      %mul3A_90 = arith.muli %add3A_50, %mul3A_89 : i32
      %dma_start3A_91 = arith.constant 1 : i32
      %dma_start3A_92 = arith.constant 0 : i32
      %dma_start3A_93 = arith.constant 0 : i32
      %dma_start3A_94 = tpu.memref_slice %arg9[%dma_start3A_91, %dma_start3A_92, %dma_start3A_93] : memref<2x128x128xf32, #tpu.memory_space<vmem>> -> memref<1x128x128xf32, #tpu.memory_space<vmem>>
      %dma_start3A_95 = tpu.memref_squeeze %dma_start3A_94 : memref<1x128x128xf32, #tpu.memory_space<vmem>> -> memref<128x128xf32, #tpu.memory_space<vmem>>
      %dma_start3A_96 = tpu.memref_slice %arg8[%mul3A_90] : memref<14080xi32, #tpu.memory_space<vmem>> -> memref<128xi32, #tpu.memory_space<vmem>>
      %dma_start3A_97 = arith.constant 0 : i32
      %dma_start3A_98 = arith.constant 0 : i32
      %dma_start3A_99 = tpu.memref_slice %arg4[%dma_start3A_97, %dma_start3A_98] : memref<100000x128xf32, #tpu.memory_space<hbm>> -> memref<100000x128xf32, #tpu.memory_space<hbm>>
      tpu.enqueue_indirect_dma source(%dma_start3A_99 : memref<100000x128xf32, #tpu.memory_space<hbm>>) target(%dma_start3A_95 : memref<128x128xf32, #tpu.memory_space<vmem>>) offsets(%dma_start3A_96 : memref<128xi32, #tpu.memory_space<vmem>>) semaphore(%arg10 : memref<!tpu.dma_semaphore, #tpu.memory_space<semaphore_mem>>)
      %dma_wait3A_100 = arith.constant 1 : i32
      %dma_wait3A_101 = arith.constant 0 : i32
      %dma_wait3A_102 = arith.constant 0 : i32
      %dma_wait3A_103 = tpu.memref_slice %arg9[%dma_wait3A_100, %dma_wait3A_101, %dma_wait3A_102] : memref<2x128x128xf32, #tpu.memory_space<vmem>> -> memref<1x128x128xf32, #tpu.memory_space<vmem>>
      %dma_wait3A_104 = tpu.memref_squeeze %dma_wait3A_103 : memref<1x128x128xf32, #tpu.memory_space<vmem>> -> memref<128x128xf32, #tpu.memory_space<vmem>>
      %dma_wait3A_105 = tpu.memref_slice %arg8[%mul3A_90] : memref<14080xi32, #tpu.memory_space<vmem>> -> memref<128xi32, #tpu.memory_space<vmem>>
      %dma_wait3A_106 = arith.constant 0 : i32
      %dma_wait3A_107 = arith.constant 0 : i32
      %dma_wait3A_108 = tpu.memref_slice %arg4[%dma_wait3A_106, %dma_wait3A_107] : memref<100000x128xf32, #tpu.memory_space<hbm>> -> memref<100000x128xf32, #tpu.memory_space<hbm>>
      tpu.wait_indirect_dma semaphore(%arg10 : memref<!tpu.dma_semaphore, #tpu.memory_space<semaphore_mem>>) src(%dma_wait3A_108 : memref<100000x128xf32, #tpu.memory_space<hbm>>) dst(%dma_wait3A_104 : memref<128x128xf32, #tpu.memory_space<vmem>>)
      %mul3A_109 = arith.constant 14080 : i32
      %mul3A_110 = arith.muli %add3A, %mul3A_109 : i32
      %mul3A_111 = arith.constant 128 : i32
      %mul3A_112 = arith.muli %add3A_50, %mul3A_111 : i32
      %add3A_113 = arith.addi %mul3A_110, %mul3A_112 : i32
      %dma_start3A_114 = arith.constant 1 : i32
      %dma_start3A_115 = arith.constant 0 : i32
      %dma_start3A_116 = arith.constant 0 : i32
      %dma_start3A_117 = tpu.memref_slice %arg9[%dma_start3A_114, %dma_start3A_115, %dma_start3A_116] : memref<2x128x128xf32, #tpu.memory_space<vmem>> -> memref<1x128x128xf32, #tpu.memory_space<vmem>>
      %dma_start3A_118 = tpu.memref_squeeze %dma_start3A_117 : memref<1x128x128xf32, #tpu.memory_space<vmem>> -> memref<128x128xf32, #tpu.memory_space<vmem>>
      %dma_start3A_119 = arith.constant 0 : i32
      %dma_start3A_120 = tpu.memref_slice %arg5[%add3A_113, %dma_start3A_119] : memref<450560x128xf32, #tpu.memory_space<hbm>> -> memref<128x128xf32, #tpu.memory_space<hbm>>
      %dma_start3A_121 = arith.constant 0 : i32
      %dma_start3A_122 = tpu.memref_slice %arg5[%add3A_113, %dma_start3A_121] : memref<450560x128xf32, #tpu.memory_space<hbm>> -> memref<128x128xf32, #tpu.memory_space<hbm>>
      %dma_start3A_123 = arith.constant 0 : i32
      %dma_start3A_124 = arith.constant 0 : i32
      %dma_start3A_125 = tpu.memref_slice %arg9[%dma_start3A_114, %dma_start3A_123, %dma_start3A_124] : memref<2x128x128xf32, #tpu.memory_space<vmem>> -> memref<1x128x128xf32, #tpu.memory_space<vmem>>
      %dma_start3A_126 = tpu.memref_squeeze %dma_start3A_125 : memref<1x128x128xf32, #tpu.memory_space<vmem>> -> memref<128x128xf32, #tpu.memory_space<vmem>>
      tpu.enqueue_dma source(%dma_start3A_126 : memref<128x128xf32, #tpu.memory_space<vmem>>) target(%dma_start3A_122 : memref<128x128xf32, #tpu.memory_space<hbm>>) target_semaphore(%arg10 : memref<!tpu.dma_semaphore, #tpu.memory_space<semaphore_mem>>)
      %dma_wait3A_127 = arith.constant 0 : i32
      %dma_wait3A_128 = arith.constant 0 : i32
      %dma_wait3A_129 = arith.constant 0 : i32
      %dma_wait3A_130 = tpu.memref_slice %arg9[%dma_wait3A_127, %dma_wait3A_128, %dma_wait3A_129] : memref<2x128x128xf32, #tpu.memory_space<vmem>> -> memref<1x128x128xf32, #tpu.memory_space<vmem>>
      %dma_wait3A_131 = tpu.memref_squeeze %dma_wait3A_130 : memref<1x128x128xf32, #tpu.memory_space<vmem>> -> memref<128x128xf32, #tpu.memory_space<vmem>>
      %dma_wait3A_132 = arith.constant 0 : i32
      %dma_wait3A_133 = tpu.memref_slice %arg5[%add3A_75, %dma_wait3A_132] : memref<450560x128xf32, #tpu.memory_space<hbm>> -> memref<128x128xf32, #tpu.memory_space<hbm>>
      %dma_wait3A_134 = arith.constant 0 : i32
      %dma_wait3A_135 = tpu.memref_slice %arg5[%add3A_75, %dma_wait3A_134] : memref<450560x128xf32, #tpu.memory_space<hbm>> -> memref<128x128xf32, #tpu.memory_space<hbm>>
      %dma_wait3A_136 = arith.constant 0 : i32
      %dma_wait3A_137 = arith.constant 0 : i32
      %dma_wait3A_138 = tpu.memref_slice %arg9[%dma_wait3A_127, %dma_wait3A_136, %dma_wait3A_137] : memref<2x128x128xf32, #tpu.memory_space<vmem>> -> memref<1x128x128xf32, #tpu.memory_space<vmem>>
      %dma_wait3A_139 = tpu.memref_squeeze %dma_wait3A_138 : memref<1x128x128xf32, #tpu.memory_space<vmem>> -> memref<128x128xf32, #tpu.memory_space<vmem>>
      tpu.wait_dma2 semaphore(%arg10 : memref<!tpu.dma_semaphore, #tpu.memory_space<semaphore_mem>>) src(%dma_wait3A_139 : memref<128x128xf32, #tpu.memory_space<vmem>>) dst(%dma_wait3A_135 : memref<128x128xf32, #tpu.memory_space<hbm>>)
      %dma_wait3A_140 = arith.constant 1 : i32
      %dma_wait3A_141 = arith.constant 0 : i32
      %dma_wait3A_142 = arith.constant 0 : i32
      %dma_wait3A_143 = tpu.memref_slice %arg9[%dma_wait3A_140, %dma_wait3A_141, %dma_wait3A_142] : memref<2x128x128xf32, #tpu.memory_space<vmem>> -> memref<1x128x128xf32, #tpu.memory_space<vmem>>
      %dma_wait3A_144 = tpu.memref_squeeze %dma_wait3A_143 : memref<1x128x128xf32, #tpu.memory_space<vmem>> -> memref<128x128xf32, #tpu.memory_space<vmem>>
      %dma_wait3A_145 = arith.constant 0 : i32
      %dma_wait3A_146 = tpu.memref_slice %arg5[%add3A_113, %dma_wait3A_145] : memref<450560x128xf32, #tpu.memory_space<hbm>> -> memref<128x128xf32, #tpu.memory_space<hbm>>
      %dma_wait3A_147 = arith.constant 0 : i32
      %dma_wait3A_148 = tpu.memref_slice %arg5[%add3A_113, %dma_wait3A_147] : memref<450560x128xf32, #tpu.memory_space<hbm>> -> memref<128x128xf32, #tpu.memory_space<hbm>>
      %dma_wait3A_149 = arith.constant 0 : i32
      %dma_wait3A_150 = arith.constant 0 : i32
      %dma_wait3A_151 = tpu.memref_slice %arg9[%dma_wait3A_140, %dma_wait3A_149, %dma_wait3A_150] : memref<2x128x128xf32, #tpu.memory_space<vmem>> -> memref<1x128x128xf32, #tpu.memory_space<vmem>>
      %dma_wait3A_152 = tpu.memref_squeeze %dma_wait3A_151 : memref<1x128x128xf32, #tpu.memory_space<vmem>> -> memref<128x128xf32, #tpu.memory_space<vmem>>
      tpu.wait_dma2 semaphore(%arg10 : memref<!tpu.dma_semaphore, #tpu.memory_space<semaphore_mem>>) src(%dma_wait3A_152 : memref<128x128xf32, #tpu.memory_space<vmem>>) dst(%dma_wait3A_148 : memref<128x128xf32, #tpu.memory_space<hbm>>)
      %scan3A_153 = arith.constant 0 : i32
      scf.yield %scan3A_153 : i32
    }
    %scan3A_13 = arith.constant 55 : i32
    %mul3A_14 = arith.constant 1408 : i32
    %mul3A_15 = arith.muli %add3A, %mul3A_14 : i32
    "tpu.region"() ({
      %run_scoped3A_45 = tpu.sem_alloc : memref<!tpu.dma_semaphore, #tpu.memory_space<semaphore_mem>>
      %dma_start3A_46 = arith.constant 0 : i32
      %dma_start3A_47 = tpu.memref_slice %arg8[%dma_start3A_46] : memref<14080xi32, #tpu.memory_space<vmem>> -> memref<1408xi32, #tpu.memory_space<vmem>>
      %dma_start3A_48 = tpu.memref_slice %arg2[%mul3A_15] : memref<495616xi32, #tpu.memory_space<hbm>> -> memref<1408xi32, #tpu.memory_space<hbm>>
      %dma_start3A_49 = arith.constant 0 : i32
      %dma_start3A_50 = tpu.memref_slice %arg8[%dma_start3A_49] : memref<14080xi32, #tpu.memory_space<vmem>> -> memref<1408xi32, #tpu.memory_space<vmem>>
      %dma_start3A_51 = tpu.memref_slice %arg2[%mul3A_15] : memref<495616xi32, #tpu.memory_space<hbm>> -> memref<1408xi32, #tpu.memory_space<hbm>>
      tpu.enqueue_dma source(%dma_start3A_51 : memref<1408xi32, #tpu.memory_space<hbm>>) target(%dma_start3A_50 : memref<1408xi32, #tpu.memory_space<vmem>>) target_semaphore(%run_scoped3A_45 : memref<!tpu.dma_semaphore, #tpu.memory_space<semaphore_mem>>)
      %dma_wait3A_52 = arith.constant 0 : i32
      %dma_wait3A_53 = tpu.memref_slice %arg8[%dma_wait3A_52] : memref<14080xi32, #tpu.memory_space<vmem>> -> memref<1408xi32, #tpu.memory_space<vmem>>
      %dma_wait3A_54 = tpu.memref_slice %arg2[%mul3A_15] : memref<495616xi32, #tpu.memory_space<hbm>> -> memref<1408xi32, #tpu.memory_space<hbm>>
      %dma_wait3A_55 = arith.constant 0 : i32
      %dma_wait3A_56 = tpu.memref_slice %arg8[%dma_wait3A_55] : memref<14080xi32, #tpu.memory_space<vmem>> -> memref<1408xi32, #tpu.memory_space<vmem>>
      %dma_wait3A_57 = tpu.memref_slice %arg2[%mul3A_15] : memref<495616xi32, #tpu.memory_space<hbm>> -> memref<1408xi32, #tpu.memory_space<hbm>>
      tpu.wait_dma2 semaphore(%run_scoped3A_45 : memref<!tpu.dma_semaphore, #tpu.memory_space<semaphore_mem>>) src(%dma_wait3A_57 : memref<1408xi32, #tpu.memory_space<hbm>>) dst(%dma_wait3A_56 : memref<1408xi32, #tpu.memory_space<vmem>>)
      tpu.yield
    }) : () -> ()
    %scan3A_16 = arith.constant 0 : i32
    %scan3A_17 = arith.constant 0 : i32
    %scan3A_18 = arith.constant 5 : i32
    %scan3A_19 = arith.addi %scan3A_17, %scan3A_18 : i32
    %scan3A_20 = arith.constant 1 : i32
    %scan3A_21 = scf.for %scan3A_45 = %scan3A_17 to %scan3A_19 step %scan3A_20 iter_args(%scan3A_46 = %scan3A_16) -> (i32)  : i32 {
      %mul3A_47 = arith.constant 2 : i32
      %mul3A_48 = arith.muli %scan3A_45, %mul3A_47 : i32
      %add3A_49 = arith.constant 1 : i32
      %add3A_50 = arith.addi %mul3A_48, %add3A_49 : i32
      %mul3A_51 = arith.constant 128 : i32
      %mul3A_52 = arith.muli %mul3A_48, %mul3A_51 : i32
      %dma_start3A_53 = arith.constant 0 : i32
      %dma_start3A_54 = arith.constant 0 : i32
      %dma_start3A_55 = arith.constant 0 : i32
      %dma_start3A_56 = tpu.memref_slice %arg9[%dma_start3A_53, %dma_start3A_54, %dma_start3A_55] : memref<2x128x128xf32, #tpu.memory_space<vmem>> -> memref<1x128x128xf32, #tpu.memory_space<vmem>>
      %dma_start3A_57 = tpu.memref_squeeze %dma_start3A_56 : memref<1x128x128xf32, #tpu.memory_space<vmem>> -> memref<128x128xf32, #tpu.memory_space<vmem>>
      %dma_start3A_58 = tpu.memref_slice %arg8[%mul3A_52] : memref<14080xi32, #tpu.memory_space<vmem>> -> memref<128xi32, #tpu.memory_space<vmem>>
      %dma_start3A_59 = arith.constant 0 : i32
      %dma_start3A_60 = arith.constant 0 : i32
      %dma_start3A_61 = tpu.memref_slice %arg4[%dma_start3A_59, %dma_start3A_60] : memref<100000x128xf32, #tpu.memory_space<hbm>> -> memref<100000x128xf32, #tpu.memory_space<hbm>>
      tpu.enqueue_indirect_dma source(%dma_start3A_61 : memref<100000x128xf32, #tpu.memory_space<hbm>>) target(%dma_start3A_57 : memref<128x128xf32, #tpu.memory_space<vmem>>) offsets(%dma_start3A_58 : memref<128xi32, #tpu.memory_space<vmem>>) semaphore(%arg10 : memref<!tpu.dma_semaphore, #tpu.memory_space<semaphore_mem>>)
      %dma_wait3A_62 = arith.constant 0 : i32
      %dma_wait3A_63 = arith.constant 0 : i32
      %dma_wait3A_64 = arith.constant 0 : i32
      %dma_wait3A_65 = tpu.memref_slice %arg9[%dma_wait3A_62, %dma_wait3A_63, %dma_wait3A_64] : memref<2x128x128xf32, #tpu.memory_space<vmem>> -> memref<1x128x128xf32, #tpu.memory_space<vmem>>
      %dma_wait3A_66 = tpu.memref_squeeze %dma_wait3A_65 : memref<1x128x128xf32, #tpu.memory_space<vmem>> -> memref<128x128xf32, #tpu.memory_space<vmem>>
      %dma_wait3A_67 = tpu.memref_slice %arg8[%mul3A_52] : memref<14080xi32, #tpu.memory_space<vmem>> -> memref<128xi32, #tpu.memory_space<vmem>>
      %dma_wait3A_68 = arith.constant 0 : i32
      %dma_wait3A_69 = arith.constant 0 : i32
      %dma_wait3A_70 = tpu.memref_slice %arg4[%dma_wait3A_68, %dma_wait3A_69] : memref<100000x128xf32, #tpu.memory_space<hbm>> -> memref<100000x128xf32, #tpu.memory_space<hbm>>
      tpu.wait_indirect_dma semaphore(%arg10 : memref<!tpu.dma_semaphore, #tpu.memory_space<semaphore_mem>>) src(%dma_wait3A_70 : memref<100000x128xf32, #tpu.memory_space<hbm>>) dst(%dma_wait3A_66 : memref<128x128xf32, #tpu.memory_space<vmem>>)
      %mul3A_71 = arith.constant 1408 : i32
      %mul3A_72 = arith.muli %add3A, %mul3A_71 : i32
      %mul3A_73 = arith.constant 128 : i32
      %mul3A_74 = arith.muli %mul3A_48, %mul3A_73 : i32
      %add3A_75 = arith.addi %mul3A_72, %mul3A_74 : i32
      %dma_start3A_76 = arith.constant 0 : i32
      %dma_start3A_77 = arith.constant 0 : i32
      %dma_start3A_78 = arith.constant 0 : i32
      %dma_start3A_79 = tpu.memref_slice %arg9[%dma_start3A_76, %dma_start3A_77, %dma_start3A_78] : memref<2x128x128xf32, #tpu.memory_space<vmem>> -> memref<1x128x128xf32, #tpu.memory_space<vmem>>
      %dma_start3A_80 = tpu.memref_squeeze %dma_start3A_79 : memref<1x128x128xf32, #tpu.memory_space<vmem>> -> memref<128x128xf32, #tpu.memory_space<vmem>>
      %dma_start3A_81 = arith.constant 0 : i32
      %dma_start3A_82 = tpu.memref_slice %arg6[%add3A_75, %dma_start3A_81] : memref<45056x128xf32, #tpu.memory_space<hbm>> -> memref<128x128xf32, #tpu.memory_space<hbm>>
      %dma_start3A_83 = arith.constant 0 : i32
      %dma_start3A_84 = tpu.memref_slice %arg6[%add3A_75, %dma_start3A_83] : memref<45056x128xf32, #tpu.memory_space<hbm>> -> memref<128x128xf32, #tpu.memory_space<hbm>>
      %dma_start3A_85 = arith.constant 0 : i32
      %dma_start3A_86 = arith.constant 0 : i32
      %dma_start3A_87 = tpu.memref_slice %arg9[%dma_start3A_76, %dma_start3A_85, %dma_start3A_86] : memref<2x128x128xf32, #tpu.memory_space<vmem>> -> memref<1x128x128xf32, #tpu.memory_space<vmem>>
      %dma_start3A_88 = tpu.memref_squeeze %dma_start3A_87 : memref<1x128x128xf32, #tpu.memory_space<vmem>> -> memref<128x128xf32, #tpu.memory_space<vmem>>
      tpu.enqueue_dma source(%dma_start3A_88 : memref<128x128xf32, #tpu.memory_space<vmem>>) target(%dma_start3A_84 : memref<128x128xf32, #tpu.memory_space<hbm>>) target_semaphore(%arg10 : memref<!tpu.dma_semaphore, #tpu.memory_space<semaphore_mem>>)
      %mul3A_89 = arith.constant 128 : i32
      %mul3A_90 = arith.muli %add3A_50, %mul3A_89 : i32
      %dma_start3A_91 = arith.constant 1 : i32
      %dma_start3A_92 = arith.constant 0 : i32
      %dma_start3A_93 = arith.constant 0 : i32
      %dma_start3A_94 = tpu.memref_slice %arg9[%dma_start3A_91, %dma_start3A_92, %dma_start3A_93] : memref<2x128x128xf32, #tpu.memory_space<vmem>> -> memref<1x128x128xf32, #tpu.memory_space<vmem>>
      %dma_start3A_95 = tpu.memref_squeeze %dma_start3A_94 : memref<1x128x128xf32, #tpu.memory_space<vmem>> -> memref<128x128xf32, #tpu.memory_space<vmem>>
      %dma_start3A_96 = tpu.memref_slice %arg8[%mul3A_90] : memref<14080xi32, #tpu.memory_space<vmem>> -> memref<128xi32, #tpu.memory_space<vmem>>
      %dma_start3A_97 = arith.constant 0 : i32
      %dma_start3A_98 = arith.constant 0 : i32
      %dma_start3A_99 = tpu.memref_slice %arg4[%dma_start3A_97, %dma_start3A_98] : memref<100000x128xf32, #tpu.memory_space<hbm>> -> memref<100000x128xf32, #tpu.memory_space<hbm>>
      tpu.enqueue_indirect_dma source(%dma_start3A_99 : memref<100000x128xf32, #tpu.memory_space<hbm>>) target(%dma_start3A_95 : memref<128x128xf32, #tpu.memory_space<vmem>>) offsets(%dma_start3A_96 : memref<128xi32, #tpu.memory_space<vmem>>) semaphore(%arg10 : memref<!tpu.dma_semaphore, #tpu.memory_space<semaphore_mem>>)
      %dma_wait3A_100 = arith.constant 1 : i32
      %dma_wait3A_101 = arith.constant 0 : i32
      %dma_wait3A_102 = arith.constant 0 : i32
      %dma_wait3A_103 = tpu.memref_slice %arg9[%dma_wait3A_100, %dma_wait3A_101, %dma_wait3A_102] : memref<2x128x128xf32, #tpu.memory_space<vmem>> -> memref<1x128x128xf32, #tpu.memory_space<vmem>>
      %dma_wait3A_104 = tpu.memref_squeeze %dma_wait3A_103 : memref<1x128x128xf32, #tpu.memory_space<vmem>> -> memref<128x128xf32, #tpu.memory_space<vmem>>
      %dma_wait3A_105 = tpu.memref_slice %arg8[%mul3A_90] : memref<14080xi32, #tpu.memory_space<vmem>> -> memref<128xi32, #tpu.memory_space<vmem>>
      %dma_wait3A_106 = arith.constant 0 : i32
      %dma_wait3A_107 = arith.constant 0 : i32
      %dma_wait3A_108 = tpu.memref_slice %arg4[%dma_wait3A_106, %dma_wait3A_107] : memref<100000x128xf32, #tpu.memory_space<hbm>> -> memref<100000x128xf32, #tpu.memory_space<hbm>>
      tpu.wait_indirect_dma semaphore(%arg10 : memref<!tpu.dma_semaphore, #tpu.memory_space<semaphore_mem>>) src(%dma_wait3A_108 : memref<100000x128xf32, #tpu.memory_space<hbm>>) dst(%dma_wait3A_104 : memref<128x128xf32, #tpu.memory_space<vmem>>)
      %mul3A_109 = arith.constant 1408 : i32
      %mul3A_110 = arith.muli %add3A, %mul3A_109 : i32
      %mul3A_111 = arith.constant 128 : i32
      %mul3A_112 = arith.muli %add3A_50, %mul3A_111 : i32
      %add3A_113 = arith.addi %mul3A_110, %mul3A_112 : i32
      %dma_start3A_114 = arith.constant 1 : i32
      %dma_start3A_115 = arith.constant 0 : i32
      %dma_start3A_116 = arith.constant 0 : i32
      %dma_start3A_117 = tpu.memref_slice %arg9[%dma_start3A_114, %dma_start3A_115, %dma_start3A_116] : memref<2x128x128xf32, #tpu.memory_space<vmem>> -> memref<1x128x128xf32, #tpu.memory_space<vmem>>
      %dma_start3A_118 = tpu.memref_squeeze %dma_start3A_117 : memref<1x128x128xf32, #tpu.memory_space<vmem>> -> memref<128x128xf32, #tpu.memory_space<vmem>>
      %dma_start3A_119 = arith.constant 0 : i32
      %dma_start3A_120 = tpu.memref_slice %arg6[%add3A_113, %dma_start3A_119] : memref<45056x128xf32, #tpu.memory_space<hbm>> -> memref<128x128xf32, #tpu.memory_space<hbm>>
      %dma_start3A_121 = arith.constant 0 : i32
      %dma_start3A_122 = tpu.memref_slice %arg6[%add3A_113, %dma_start3A_121] : memref<45056x128xf32, #tpu.memory_space<hbm>> -> memref<128x128xf32, #tpu.memory_space<hbm>>
      %dma_start3A_123 = arith.constant 0 : i32
      %dma_start3A_124 = arith.constant 0 : i32
      %dma_start3A_125 = tpu.memref_slice %arg9[%dma_start3A_114, %dma_start3A_123, %dma_start3A_124] : memref<2x128x128xf32, #tpu.memory_space<vmem>> -> memref<1x128x128xf32, #tpu.memory_space<vmem>>
      %dma_start3A_126 = tpu.memref_squeeze %dma_start3A_125 : memref<1x128x128xf32, #tpu.memory_space<vmem>> -> memref<128x128xf32, #tpu.memory_space<vmem>>
      tpu.enqueue_dma source(%dma_start3A_126 : memref<128x128xf32, #tpu.memory_space<vmem>>) target(%dma_start3A_122 : memref<128x128xf32, #tpu.memory_space<hbm>>) target_semaphore(%arg10 : memref<!tpu.dma_semaphore, #tpu.memory_space<semaphore_mem>>)
      %dma_wait3A_127 = arith.constant 0 : i32
      %dma_wait3A_128 = arith.constant 0 : i32
      %dma_wait3A_129 = arith.constant 0 : i32
      %dma_wait3A_130 = tpu.memref_slice %arg9[%dma_wait3A_127, %dma_wait3A_128, %dma_wait3A_129] : memref<2x128x128xf32, #tpu.memory_space<vmem>> -> memref<1x128x128xf32, #tpu.memory_space<vmem>>
      %dma_wait3A_131 = tpu.memref_squeeze %dma_wait3A_130 : memref<1x128x128xf32, #tpu.memory_space<vmem>> -> memref<128x128xf32, #tpu.memory_space<vmem>>
      %dma_wait3A_132 = arith.constant 0 : i32
      %dma_wait3A_133 = tpu.memref_slice %arg6[%add3A_75, %dma_wait3A_132] : memref<45056x128xf32, #tpu.memory_space<hbm>> -> memref<128x128xf32, #tpu.memory_space<hbm>>
      %dma_wait3A_134 = arith.constant 0 : i32
      %dma_wait3A_135 = tpu.memref_slice %arg6[%add3A_75, %dma_wait3A_134] : memref<45056x128xf32, #tpu.memory_space<hbm>> -> memref<128x128xf32, #tpu.memory_space<hbm>>
      %dma_wait3A_136 = arith.constant 0 : i32
      %dma_wait3A_137 = arith.constant 0 : i32
      %dma_wait3A_138 = tpu.memref_slice %arg9[%dma_wait3A_127, %dma_wait3A_136, %dma_wait3A_137] : memref<2x128x128xf32, #tpu.memory_space<vmem>> -> memref<1x128x128xf32, #tpu.memory_space<vmem>>
      %dma_wait3A_139 = tpu.memref_squeeze %dma_wait3A_138 : memref<1x128x128xf32, #tpu.memory_space<vmem>> -> memref<128x128xf32, #tpu.memory_space<vmem>>
      tpu.wait_dma2 semaphore(%arg10 : memref<!tpu.dma_semaphore, #tpu.memory_space<semaphore_mem>>) src(%dma_wait3A_139 : memref<128x128xf32, #tpu.memory_space<vmem>>) dst(%dma_wait3A_135 : memref<128x128xf32, #tpu.memory_space<hbm>>)
      %dma_wait3A_140 = arith.constant 1 : i32
      %dma_wait3A_141 = arith.constant 0 : i32
      %dma_wait3A_142 = arith.constant 0 : i32
      %dma_wait3A_143 = tpu.memref_slice %arg9[%dma_wait3A_140, %dma_wait3A_141, %dma_wait3A_142] : memref<2x128x128xf32, #tpu.memory_space<vmem>> -> memref<1x128x128xf32, #tpu.memory_space<vmem>>
      %dma_wait3A_144 = tpu.memref_squeeze %dma_wait3A_143 : memref<1x128x128xf32, #tpu.memory_space<vmem>> -> memref<128x128xf32, #tpu.memory_space<vmem>>
      %dma_wait3A_145 = arith.constant 0 : i32
      %dma_wait3A_146 = tpu.memref_slice %arg6[%add3A_113, %dma_wait3A_145] : memref<45056x128xf32, #tpu.memory_space<hbm>> -> memref<128x128xf32, #tpu.memory_space<hbm>>
      %dma_wait3A_147 = arith.constant 0 : i32
      %dma_wait3A_148 = tpu.memref_slice %arg6[%add3A_113, %dma_wait3A_147] : memref<45056x128xf32, #tpu.memory_space<hbm>> -> memref<128x128xf32, #tpu.memory_space<hbm>>
      %dma_wait3A_149 = arith.constant 0 : i32
      %dma_wait3A_150 = arith.constant 0 : i32
      %dma_wait3A_151 = tpu.memref_slice %arg9[%dma_wait3A_140, %dma_wait3A_149, %dma_wait3A_150] : memref<2x128x128xf32, #tpu.memory_space<vmem>> -> memref<1x128x128xf32, #tpu.memory_space<vmem>>
      %dma_wait3A_152 = tpu.memref_squeeze %dma_wait3A_151 : memref<1x128x128xf32, #tpu.memory_space<vmem>> -> memref<128x128xf32, #tpu.memory_space<vmem>>
      tpu.wait_dma2 semaphore(%arg10 : memref<!tpu.dma_semaphore, #tpu.memory_space<semaphore_mem>>) src(%dma_wait3A_152 : memref<128x128xf32, #tpu.memory_space<vmem>>) dst(%dma_wait3A_148 : memref<128x128xf32, #tpu.memory_space<hbm>>)
      %scan3A_153 = arith.constant 0 : i32
      scf.yield %scan3A_153 : i32
    }
    %scan3A_22 = arith.constant 5 : i32
    %dma_start3A = arith.constant 0 : i32
    %dma_start3A_23 = arith.constant 0 : i32
    %dma_start3A_24 = arith.constant 0 : i32
    %dma_start3A_25 = tpu.memref_slice %arg9[%dma_start3A, %dma_start3A_23, %dma_start3A_24] : memref<2x128x128xf32, #tpu.memory_space<vmem>> -> memref<1x128x128xf32, #tpu.memory_space<vmem>>
    %dma_start3A_26 = tpu.memref_squeeze %dma_start3A_25 : memref<1x128x128xf32, #tpu.memory_space<vmem>> -> memref<128x128xf32, #tpu.memory_space<vmem>>
    %dma_start3A_27 = arith.constant 1280 : i32
    %dma_start3A_28 = tpu.memref_slice %arg8[%dma_start3A_27] : memref<14080xi32, #tpu.memory_space<vmem>> -> memref<128xi32, #tpu.memory_space<vmem>>
    %dma_start3A_29 = arith.constant 0 : i32
    %dma_start3A_30 = arith.constant 0 : i32
    %dma_start3A_31 = tpu.memref_slice %arg4[%dma_start3A_29, %dma_start3A_30] : memref<100000x128xf32, #tpu.memory_space<hbm>> -> memref<100000x128xf32, #tpu.memory_space<hbm>>
    tpu.enqueue_indirect_dma source(%dma_start3A_31 : memref<100000x128xf32, #tpu.memory_space<hbm>>) target(%dma_start3A_26 : memref<128x128xf32, #tpu.memory_space<vmem>>) offsets(%dma_start3A_28 : memref<128xi32, #tpu.memory_space<vmem>>) semaphore(%arg10 : memref<!tpu.dma_semaphore, #tpu.memory_space<semaphore_mem>>)
    %dma_wait3A = arith.constant 0 : i32
    %dma_wait3A_32 = arith.constant 0 : i32
    %dma_wait3A_33 = arith.constant 0 : i32
    %dma_wait3A_34 = tpu.memref_slice %arg9[%dma_wait3A, %dma_wait3A_32, %dma_wait3A_33] : memref<2x128x128xf32, #tpu.memory_space<vmem>> -> memref<1x128x128xf32, #tpu.memory_space<vmem>>
    %dma_wait3A_35 = tpu.memref_squeeze %dma_wait3A_34 : memref<1x128x128xf32, #tpu.memory_space<vmem>> -> memref<128x128xf32, #tpu.memory_space<vmem>>
    %dma_wait3A_36 = arith.constant 1280 : i32
    %dma_wait3A_37 = tpu.memref_slice %arg8[%dma_wait3A_36] : memref<14080xi32, #tpu.memory_space<vmem>> -> memref<128xi32, #tpu.memory_space<vmem>>
    %dma_wait3A_38 = arith.constant 0 : i32
    %dma_wait3A_39 = arith.constant 0 : i32
    %dma_wait3A_40 = tpu.memref_slice %arg4[%dma_wait3A_38, %dma_wait3A_39] : memref<100000x128xf32, #tpu.memory_space<hbm>> -> memref<100000x128xf32, #tpu.memory_space<hbm>>
    tpu.wait_indirect_dma semaphore(%arg10 : memref<!tpu.dma_semaphore, #tpu.memory_space<semaphore_mem>>) src(%dma_wait3A_40 : memref<100000x128xf32, #tpu.memory_space<hbm>>) dst(%dma_wait3A_35 : memref<128x128xf32, #tpu.memory_space<vmem>>)
    %mul3A_41 = arith.constant 1408 : i32
    %mul3A_42 = arith.muli %add3A, %mul3A_41 : i32
    %add3A_43 = arith.constant 1280 : i32
    %add3A_44 = arith.addi %mul3A_42, %add3A_43 : i32
    %run_scoped3A = arith.constant 0 : i32
    "tpu.region"() ({
      %run_scoped3A_45 = tpu.sem_alloc : memref<!tpu.dma_semaphore, #tpu.memory_space<semaphore_mem>>
      %dma_start3A_46 = arith.constant 0 : i32
      %dma_start3A_47 = arith.constant 0 : i32
      %dma_start3A_48 = tpu.memref_slice %arg9[%run_scoped3A, %dma_start3A_46, %dma_start3A_47] : memref<2x128x128xf32, #tpu.memory_space<vmem>> -> memref<1x128x128xf32, #tpu.memory_space<vmem>>
      %dma_start3A_49 = tpu.memref_squeeze %dma_start3A_48 : memref<1x128x128xf32, #tpu.memory_space<vmem>> -> memref<128x128xf32, #tpu.memory_space<vmem>>
      %dma_start3A_50 = arith.constant 0 : i32
      %dma_start3A_51 = tpu.memref_slice %arg6[%add3A_44, %dma_start3A_50] : memref<45056x128xf32, #tpu.memory_space<hbm>> -> memref<128x128xf32, #tpu.memory_space<hbm>>
      %dma_start3A_52 = arith.constant 0 : i32
      %dma_start3A_53 = tpu.memref_slice %arg6[%add3A_44, %dma_start3A_52] : memref<45056x128xf32, #tpu.memory_space<hbm>> -> memref<128x128xf32, #tpu.memory_space<hbm>>
      %dma_start3A_54 = arith.constant 0 : i32
      %dma_start3A_55 = arith.constant 0 : i32
      %dma_start3A_56 = tpu.memref_slice %arg9[%run_scoped3A, %dma_start3A_54, %dma_start3A_55] : memref<2x128x128xf32, #tpu.memory_space<vmem>> -> memref<1x128x128xf32, #tpu.memory_space<vmem>>
      %dma_start3A_57 = tpu.memref_squeeze %dma_start3A_56 : memref<1x128x128xf32, #tpu.memory_space<vmem>> -> memref<128x128xf32, #tpu.memory_space<vmem>>
      tpu.enqueue_dma source(%dma_start3A_57 : memref<128x128xf32, #tpu.memory_space<vmem>>) target(%dma_start3A_53 : memref<128x128xf32, #tpu.memory_space<hbm>>) target_semaphore(%run_scoped3A_45 : memref<!tpu.dma_semaphore, #tpu.memory_space<semaphore_mem>>)
      %dma_wait3A_58 = arith.constant 0 : i32
      %dma_wait3A_59 = arith.constant 0 : i32
      %dma_wait3A_60 = tpu.memref_slice %arg9[%run_scoped3A, %dma_wait3A_58, %dma_wait3A_59] : memref<2x128x128xf32, #tpu.memory_space<vmem>> -> memref<1x128x128xf32, #tpu.memory_space<vmem>>
      %dma_wait3A_61 = tpu.memref_squeeze %dma_wait3A_60 : memref<1x128x128xf32, #tpu.memory_space<vmem>> -> memref<128x128xf32, #tpu.memory_space<vmem>>
      %dma_wait3A_62 = arith.constant 0 : i32
      %dma_wait3A_63 = tpu.memref_slice %arg6[%add3A_44, %dma_wait3A_62] : memref<45056x128xf32, #tpu.memory_space<hbm>> -> memref<128x128xf32, #tpu.memory_space<hbm>>
      %dma_wait3A_64 = arith.constant 0 : i32
      %dma_wait3A_65 = tpu.memref_slice %arg6[%add3A_44, %dma_wait3A_64] : memref<45056x128xf32, #tpu.memory_space<hbm>> -> memref<128x128xf32, #tpu.memory_space<hbm>>
      %dma_wait3A_66 = arith.constant 0 : i32
      %dma_wait3A_67 = arith.constant 0 : i32
      %dma_wait3A_68 = tpu.memref_slice %arg9[%run_scoped3A, %dma_wait3A_66, %dma_wait3A_67] : memref<2x128x128xf32, #tpu.memory_space<vmem>> -> memref<1x128x128xf32, #tpu.memory_space<vmem>>
      %dma_wait3A_69 = tpu.memref_squeeze %dma_wait3A_68 : memref<1x128x128xf32, #tpu.memory_space<vmem>> -> memref<128x128xf32, #tpu.memory_space<vmem>>
      tpu.wait_dma2 semaphore(%run_scoped3A_45 : memref<!tpu.dma_semaphore, #tpu.memory_space<semaphore_mem>>) src(%dma_wait3A_69 : memref<128x128xf32, #tpu.memory_space<vmem>>) dst(%dma_wait3A_65 : memref<128x128xf32, #tpu.memory_space<hbm>>)
      tpu.yield
    }) : () -> ()
    return
  }
}

#map = affine_map<(d0, d1) -> (0, 0)>
#map1 = affine_map<(d0, d1) -> (0, 0, 0)>
module attributes {stable_mosaic.version = 14 : i64} {
  func.func @_scgat2_body(%arg0: i32, %arg1: i32, %arg2: memref<45056x256xf32, #tpu.memory_space<hbm>>, %arg3: memref<32x10x128xi32, #tpu.memory_space<hbm>>, %arg4: memref<40960x256xf32, #tpu.memory_space<hbm>>, %arg5: memref<10x128xi32, #tpu.memory_space<vmem>>, %arg6: memref<2x128x256xf32, #tpu.memory_space<vmem>>, %arg7: memref<!tpu.dma_semaphore, #tpu.memory_space<semaphore_mem>>) attributes {dimension_semantics = [#tpu.dimension_semantics<core_parallel>, #tpu.dimension_semantics<subcore_parallel>], iteration_bounds = array<i64: 2, 16>, scalar_prefetch = 0 : i64, scratch_operands = 3 : i64, tpu.core_type = #tpu.core_type<sc_vector_subcore>, window_params = [{transform_indices = #map}, {transform_indices = #map1}, {transform_indices = #map}]} {
    %mul3A = arith.constant 16 : i32
    %mul3A_0 = arith.muli %arg0, %mul3A : i32
    %add3A = arith.addi %mul3A_0, %arg1 : i32
    "tpu.region"() ({
      %run_scoped3A = tpu.sem_alloc : memref<!tpu.dma_semaphore, #tpu.memory_space<semaphore_mem>>
      %dma_start3A = arith.constant 0 : i32
      %dma_start3A_7 = arith.constant 0 : i32
      %dma_start3A_8 = tpu.memref_slice %arg3[%add3A, %dma_start3A, %dma_start3A_7] : memref<32x10x128xi32, #tpu.memory_space<hbm>> -> memref<1x10x128xi32, #tpu.memory_space<hbm>>
      %dma_start3A_9 = tpu.memref_squeeze %dma_start3A_8 : memref<1x10x128xi32, #tpu.memory_space<hbm>> -> memref<10x128xi32, #tpu.memory_space<hbm>>
      %dma_start3A_10 = arith.constant 0 : i32
      %dma_start3A_11 = arith.constant 0 : i32
      %dma_start3A_12 = tpu.memref_slice %arg3[%add3A, %dma_start3A_10, %dma_start3A_11] : memref<32x10x128xi32, #tpu.memory_space<hbm>> -> memref<1x10x128xi32, #tpu.memory_space<hbm>>
      %dma_start3A_13 = tpu.memref_squeeze %dma_start3A_12 : memref<1x10x128xi32, #tpu.memory_space<hbm>> -> memref<10x128xi32, #tpu.memory_space<hbm>>
      tpu.enqueue_dma source(%dma_start3A_13 : memref<10x128xi32, #tpu.memory_space<hbm>>) target(%arg5 : memref<10x128xi32, #tpu.memory_space<vmem>>) target_semaphore(%run_scoped3A : memref<!tpu.dma_semaphore, #tpu.memory_space<semaphore_mem>>)
      %dma_wait3A = arith.constant 0 : i32
      %dma_wait3A_14 = arith.constant 0 : i32
      %dma_wait3A_15 = tpu.memref_slice %arg3[%add3A, %dma_wait3A, %dma_wait3A_14] : memref<32x10x128xi32, #tpu.memory_space<hbm>> -> memref<1x10x128xi32, #tpu.memory_space<hbm>>
      %dma_wait3A_16 = tpu.memref_squeeze %dma_wait3A_15 : memref<1x10x128xi32, #tpu.memory_space<hbm>> -> memref<10x128xi32, #tpu.memory_space<hbm>>
      %dma_wait3A_17 = arith.constant 0 : i32
      %dma_wait3A_18 = arith.constant 0 : i32
      %dma_wait3A_19 = tpu.memref_slice %arg3[%add3A, %dma_wait3A_17, %dma_wait3A_18] : memref<32x10x128xi32, #tpu.memory_space<hbm>> -> memref<1x10x128xi32, #tpu.memory_space<hbm>>
      %dma_wait3A_20 = tpu.memref_squeeze %dma_wait3A_19 : memref<1x10x128xi32, #tpu.memory_space<hbm>> -> memref<10x128xi32, #tpu.memory_space<hbm>>
      tpu.wait_dma2 semaphore(%run_scoped3A : memref<!tpu.dma_semaphore, #tpu.memory_space<semaphore_mem>>) src(%dma_wait3A_20 : memref<10x128xi32, #tpu.memory_space<hbm>>) dst(%arg5 : memref<10x128xi32, #tpu.memory_space<vmem>>)
      tpu.yield
    }) : () -> ()
    %scan3A = arith.constant 0 : i32
    %scan3A_1 = arith.constant 0 : i32
    %scan3A_2 = arith.constant 5 : i32
    %scan3A_3 = arith.addi %scan3A_1, %scan3A_2 : i32
    %scan3A_4 = arith.constant 1 : i32
    %scan3A_5 = scf.for %scan3A_7 = %scan3A_1 to %scan3A_3 step %scan3A_4 iter_args(%scan3A_8 = %scan3A) -> (i32)  : i32 {
      %mul3A_9 = arith.constant 2 : i32
      %mul3A_10 = arith.muli %scan3A_7, %mul3A_9 : i32
      %add3A_11 = arith.constant 1 : i32
      %add3A_12 = arith.addi %mul3A_10, %add3A_11 : i32
      %dma_start3A = arith.constant 0 : i32
      %dma_start3A_13 = arith.constant 0 : i32
      %dma_start3A_14 = arith.constant 0 : i32
      %dma_start3A_15 = tpu.memref_slice %arg6[%dma_start3A, %dma_start3A_13, %dma_start3A_14] : memref<2x128x256xf32, #tpu.memory_space<vmem>> -> memref<1x128x256xf32, #tpu.memory_space<vmem>>
      %dma_start3A_16 = tpu.memref_squeeze %dma_start3A_15 : memref<1x128x256xf32, #tpu.memory_space<vmem>> -> memref<128x256xf32, #tpu.memory_space<vmem>>
      %dma_start3A_17 = arith.constant 0 : i32
      %dma_start3A_18 = tpu.memref_slice %arg5[%mul3A_10, %dma_start3A_17] : memref<10x128xi32, #tpu.memory_space<vmem>> -> memref<1x128xi32, #tpu.memory_space<vmem>>
      %dma_start3A_19 = tpu.memref_squeeze %dma_start3A_18 : memref<1x128xi32, #tpu.memory_space<vmem>> -> memref<128xi32, #tpu.memory_space<vmem>>
      %dma_start3A_20 = arith.constant 0 : i32
      %dma_start3A_21 = arith.constant 0 : i32
      %dma_start3A_22 = tpu.memref_slice %arg2[%dma_start3A_20, %dma_start3A_21] : memref<45056x256xf32, #tpu.memory_space<hbm>> -> memref<45056x256xf32, #tpu.memory_space<hbm>>
      tpu.enqueue_indirect_dma source(%dma_start3A_22 : memref<45056x256xf32, #tpu.memory_space<hbm>>) target(%dma_start3A_16 : memref<128x256xf32, #tpu.memory_space<vmem>>) offsets(%dma_start3A_19 : memref<128xi32, #tpu.memory_space<vmem>>) semaphore(%arg7 : memref<!tpu.dma_semaphore, #tpu.memory_space<semaphore_mem>>)
      %dma_wait3A = arith.constant 0 : i32
      %dma_wait3A_23 = arith.constant 0 : i32
      %dma_wait3A_24 = arith.constant 0 : i32
      %dma_wait3A_25 = tpu.memref_slice %arg6[%dma_wait3A, %dma_wait3A_23, %dma_wait3A_24] : memref<2x128x256xf32, #tpu.memory_space<vmem>> -> memref<1x128x256xf32, #tpu.memory_space<vmem>>
      %dma_wait3A_26 = tpu.memref_squeeze %dma_wait3A_25 : memref<1x128x256xf32, #tpu.memory_space<vmem>> -> memref<128x256xf32, #tpu.memory_space<vmem>>
      %dma_wait3A_27 = arith.constant 0 : i32
      %dma_wait3A_28 = tpu.memref_slice %arg5[%mul3A_10, %dma_wait3A_27] : memref<10x128xi32, #tpu.memory_space<vmem>> -> memref<1x128xi32, #tpu.memory_space<vmem>>
      %dma_wait3A_29 = tpu.memref_squeeze %dma_wait3A_28 : memref<1x128xi32, #tpu.memory_space<vmem>> -> memref<128xi32, #tpu.memory_space<vmem>>
      %dma_wait3A_30 = arith.constant 0 : i32
      %dma_wait3A_31 = arith.constant 0 : i32
      %dma_wait3A_32 = tpu.memref_slice %arg2[%dma_wait3A_30, %dma_wait3A_31] : memref<45056x256xf32, #tpu.memory_space<hbm>> -> memref<45056x256xf32, #tpu.memory_space<hbm>>
      tpu.wait_indirect_dma semaphore(%arg7 : memref<!tpu.dma_semaphore, #tpu.memory_space<semaphore_mem>>) src(%dma_wait3A_32 : memref<45056x256xf32, #tpu.memory_space<hbm>>) dst(%dma_wait3A_26 : memref<128x256xf32, #tpu.memory_space<vmem>>)
      %mul3A_33 = arith.constant 1280 : i32
      %mul3A_34 = arith.muli %add3A, %mul3A_33 : i32
      %mul3A_35 = arith.constant 128 : i32
      %mul3A_36 = arith.muli %mul3A_10, %mul3A_35 : i32
      %add3A_37 = arith.addi %mul3A_34, %mul3A_36 : i32
      %dma_start3A_38 = arith.constant 0 : i32
      %dma_start3A_39 = arith.constant 0 : i32
      %dma_start3A_40 = arith.constant 0 : i32
      %dma_start3A_41 = tpu.memref_slice %arg6[%dma_start3A_38, %dma_start3A_39, %dma_start3A_40] : memref<2x128x256xf32, #tpu.memory_space<vmem>> -> memref<1x128x256xf32, #tpu.memory_space<vmem>>
      %dma_start3A_42 = tpu.memref_squeeze %dma_start3A_41 : memref<1x128x256xf32, #tpu.memory_space<vmem>> -> memref<128x256xf32, #tpu.memory_space<vmem>>
      %dma_start3A_43 = arith.constant 0 : i32
      %dma_start3A_44 = tpu.memref_slice %arg4[%add3A_37, %dma_start3A_43] : memref<40960x256xf32, #tpu.memory_space<hbm>> -> memref<128x256xf32, #tpu.memory_space<hbm>>
      %dma_start3A_45 = arith.constant 0 : i32
      %dma_start3A_46 = tpu.memref_slice %arg4[%add3A_37, %dma_start3A_45] : memref<40960x256xf32, #tpu.memory_space<hbm>> -> memref<128x256xf32, #tpu.memory_space<hbm>>
      %dma_start3A_47 = arith.constant 0 : i32
      %dma_start3A_48 = arith.constant 0 : i32
      %dma_start3A_49 = tpu.memref_slice %arg6[%dma_start3A_38, %dma_start3A_47, %dma_start3A_48] : memref<2x128x256xf32, #tpu.memory_space<vmem>> -> memref<1x128x256xf32, #tpu.memory_space<vmem>>
      %dma_start3A_50 = tpu.memref_squeeze %dma_start3A_49 : memref<1x128x256xf32, #tpu.memory_space<vmem>> -> memref<128x256xf32, #tpu.memory_space<vmem>>
      tpu.enqueue_dma source(%dma_start3A_50 : memref<128x256xf32, #tpu.memory_space<vmem>>) target(%dma_start3A_46 : memref<128x256xf32, #tpu.memory_space<hbm>>) target_semaphore(%arg7 : memref<!tpu.dma_semaphore, #tpu.memory_space<semaphore_mem>>)
      %dma_start3A_51 = arith.constant 1 : i32
      %dma_start3A_52 = arith.constant 0 : i32
      %dma_start3A_53 = arith.constant 0 : i32
      %dma_start3A_54 = tpu.memref_slice %arg6[%dma_start3A_51, %dma_start3A_52, %dma_start3A_53] : memref<2x128x256xf32, #tpu.memory_space<vmem>> -> memref<1x128x256xf32, #tpu.memory_space<vmem>>
      %dma_start3A_55 = tpu.memref_squeeze %dma_start3A_54 : memref<1x128x256xf32, #tpu.memory_space<vmem>> -> memref<128x256xf32, #tpu.memory_space<vmem>>
      %dma_start3A_56 = arith.constant 0 : i32
      %dma_start3A_57 = tpu.memref_slice %arg5[%add3A_12, %dma_start3A_56] : memref<10x128xi32, #tpu.memory_space<vmem>> -> memref<1x128xi32, #tpu.memory_space<vmem>>
      %dma_start3A_58 = tpu.memref_squeeze %dma_start3A_57 : memref<1x128xi32, #tpu.memory_space<vmem>> -> memref<128xi32, #tpu.memory_space<vmem>>
      %dma_start3A_59 = arith.constant 0 : i32
      %dma_start3A_60 = arith.constant 0 : i32
      %dma_start3A_61 = tpu.memref_slice %arg2[%dma_start3A_59, %dma_start3A_60] : memref<45056x256xf32, #tpu.memory_space<hbm>> -> memref<45056x256xf32, #tpu.memory_space<hbm>>
      tpu.enqueue_indirect_dma source(%dma_start3A_61 : memref<45056x256xf32, #tpu.memory_space<hbm>>) target(%dma_start3A_55 : memref<128x256xf32, #tpu.memory_space<vmem>>) offsets(%dma_start3A_58 : memref<128xi32, #tpu.memory_space<vmem>>) semaphore(%arg7 : memref<!tpu.dma_semaphore, #tpu.memory_space<semaphore_mem>>)
      %dma_wait3A_62 = arith.constant 1 : i32
      %dma_wait3A_63 = arith.constant 0 : i32
      %dma_wait3A_64 = arith.constant 0 : i32
      %dma_wait3A_65 = tpu.memref_slice %arg6[%dma_wait3A_62, %dma_wait3A_63, %dma_wait3A_64] : memref<2x128x256xf32, #tpu.memory_space<vmem>> -> memref<1x128x256xf32, #tpu.memory_space<vmem>>
      %dma_wait3A_66 = tpu.memref_squeeze %dma_wait3A_65 : memref<1x128x256xf32, #tpu.memory_space<vmem>> -> memref<128x256xf32, #tpu.memory_space<vmem>>
      %dma_wait3A_67 = arith.constant 0 : i32
      %dma_wait3A_68 = tpu.memref_slice %arg5[%add3A_12, %dma_wait3A_67] : memref<10x128xi32, #tpu.memory_space<vmem>> -> memref<1x128xi32, #tpu.memory_space<vmem>>
      %dma_wait3A_69 = tpu.memref_squeeze %dma_wait3A_68 : memref<1x128xi32, #tpu.memory_space<vmem>> -> memref<128xi32, #tpu.memory_space<vmem>>
      %dma_wait3A_70 = arith.constant 0 : i32
      %dma_wait3A_71 = arith.constant 0 : i32
      %dma_wait3A_72 = tpu.memref_slice %arg2[%dma_wait3A_70, %dma_wait3A_71] : memref<45056x256xf32, #tpu.memory_space<hbm>> -> memref<45056x256xf32, #tpu.memory_space<hbm>>
      tpu.wait_indirect_dma semaphore(%arg7 : memref<!tpu.dma_semaphore, #tpu.memory_space<semaphore_mem>>) src(%dma_wait3A_72 : memref<45056x256xf32, #tpu.memory_space<hbm>>) dst(%dma_wait3A_66 : memref<128x256xf32, #tpu.memory_space<vmem>>)
      %mul3A_73 = arith.constant 1280 : i32
      %mul3A_74 = arith.muli %add3A, %mul3A_73 : i32
      %mul3A_75 = arith.constant 128 : i32
      %mul3A_76 = arith.muli %add3A_12, %mul3A_75 : i32
      %add3A_77 = arith.addi %mul3A_74, %mul3A_76 : i32
      %dma_start3A_78 = arith.constant 1 : i32
      %dma_start3A_79 = arith.constant 0 : i32
      %dma_start3A_80 = arith.constant 0 : i32
      %dma_start3A_81 = tpu.memref_slice %arg6[%dma_start3A_78, %dma_start3A_79, %dma_start3A_80] : memref<2x128x256xf32, #tpu.memory_space<vmem>> -> memref<1x128x256xf32, #tpu.memory_space<vmem>>
      %dma_start3A_82 = tpu.memref_squeeze %dma_start3A_81 : memref<1x128x256xf32, #tpu.memory_space<vmem>> -> memref<128x256xf32, #tpu.memory_space<vmem>>
      %dma_start3A_83 = arith.constant 0 : i32
      %dma_start3A_84 = tpu.memref_slice %arg4[%add3A_77, %dma_start3A_83] : memref<40960x256xf32, #tpu.memory_space<hbm>> -> memref<128x256xf32, #tpu.memory_space<hbm>>
      %dma_start3A_85 = arith.constant 0 : i32
      %dma_start3A_86 = tpu.memref_slice %arg4[%add3A_77, %dma_start3A_85] : memref<40960x256xf32, #tpu.memory_space<hbm>> -> memref<128x256xf32, #tpu.memory_space<hbm>>
      %dma_start3A_87 = arith.constant 0 : i32
      %dma_start3A_88 = arith.constant 0 : i32
      %dma_start3A_89 = tpu.memref_slice %arg6[%dma_start3A_78, %dma_start3A_87, %dma_start3A_88] : memref<2x128x256xf32, #tpu.memory_space<vmem>> -> memref<1x128x256xf32, #tpu.memory_space<vmem>>
      %dma_start3A_90 = tpu.memref_squeeze %dma_start3A_89 : memref<1x128x256xf32, #tpu.memory_space<vmem>> -> memref<128x256xf32, #tpu.memory_space<vmem>>
      tpu.enqueue_dma source(%dma_start3A_90 : memref<128x256xf32, #tpu.memory_space<vmem>>) target(%dma_start3A_86 : memref<128x256xf32, #tpu.memory_space<hbm>>) target_semaphore(%arg7 : memref<!tpu.dma_semaphore, #tpu.memory_space<semaphore_mem>>)
      %dma_wait3A_91 = arith.constant 0 : i32
      %dma_wait3A_92 = arith.constant 0 : i32
      %dma_wait3A_93 = arith.constant 0 : i32
      %dma_wait3A_94 = tpu.memref_slice %arg6[%dma_wait3A_91, %dma_wait3A_92, %dma_wait3A_93] : memref<2x128x256xf32, #tpu.memory_space<vmem>> -> memref<1x128x256xf32, #tpu.memory_space<vmem>>
      %dma_wait3A_95 = tpu.memref_squeeze %dma_wait3A_94 : memref<1x128x256xf32, #tpu.memory_space<vmem>> -> memref<128x256xf32, #tpu.memory_space<vmem>>
      %dma_wait3A_96 = arith.constant 0 : i32
      %dma_wait3A_97 = tpu.memref_slice %arg4[%add3A_37, %dma_wait3A_96] : memref<40960x256xf32, #tpu.memory_space<hbm>> -> memref<128x256xf32, #tpu.memory_space<hbm>>
      %dma_wait3A_98 = arith.constant 0 : i32
      %dma_wait3A_99 = tpu.memref_slice %arg4[%add3A_37, %dma_wait3A_98] : memref<40960x256xf32, #tpu.memory_space<hbm>> -> memref<128x256xf32, #tpu.memory_space<hbm>>
      %dma_wait3A_100 = arith.constant 0 : i32
      %dma_wait3A_101 = arith.constant 0 : i32
      %dma_wait3A_102 = tpu.memref_slice %arg6[%dma_wait3A_91, %dma_wait3A_100, %dma_wait3A_101] : memref<2x128x256xf32, #tpu.memory_space<vmem>> -> memref<1x128x256xf32, #tpu.memory_space<vmem>>
      %dma_wait3A_103 = tpu.memref_squeeze %dma_wait3A_102 : memref<1x128x256xf32, #tpu.memory_space<vmem>> -> memref<128x256xf32, #tpu.memory_space<vmem>>
      tpu.wait_dma2 semaphore(%arg7 : memref<!tpu.dma_semaphore, #tpu.memory_space<semaphore_mem>>) src(%dma_wait3A_103 : memref<128x256xf32, #tpu.memory_space<vmem>>) dst(%dma_wait3A_99 : memref<128x256xf32, #tpu.memory_space<hbm>>)
      %dma_wait3A_104 = arith.constant 1 : i32
      %dma_wait3A_105 = arith.constant 0 : i32
      %dma_wait3A_106 = arith.constant 0 : i32
      %dma_wait3A_107 = tpu.memref_slice %arg6[%dma_wait3A_104, %dma_wait3A_105, %dma_wait3A_106] : memref<2x128x256xf32, #tpu.memory_space<vmem>> -> memref<1x128x256xf32, #tpu.memory_space<vmem>>
      %dma_wait3A_108 = tpu.memref_squeeze %dma_wait3A_107 : memref<1x128x256xf32, #tpu.memory_space<vmem>> -> memref<128x256xf32, #tpu.memory_space<vmem>>
      %dma_wait3A_109 = arith.constant 0 : i32
      %dma_wait3A_110 = tpu.memref_slice %arg4[%add3A_77, %dma_wait3A_109] : memref<40960x256xf32, #tpu.memory_space<hbm>> -> memref<128x256xf32, #tpu.memory_space<hbm>>
      %dma_wait3A_111 = arith.constant 0 : i32
      %dma_wait3A_112 = tpu.memref_slice %arg4[%add3A_77, %dma_wait3A_111] : memref<40960x256xf32, #tpu.memory_space<hbm>> -> memref<128x256xf32, #tpu.memory_space<hbm>>
      %dma_wait3A_113 = arith.constant 0 : i32
      %dma_wait3A_114 = arith.constant 0 : i32
      %dma_wait3A_115 = tpu.memref_slice %arg6[%dma_wait3A_104, %dma_wait3A_113, %dma_wait3A_114] : memref<2x128x256xf32, #tpu.memory_space<vmem>> -> memref<1x128x256xf32, #tpu.memory_space<vmem>>
      %dma_wait3A_116 = tpu.memref_squeeze %dma_wait3A_115 : memref<1x128x256xf32, #tpu.memory_space<vmem>> -> memref<128x256xf32, #tpu.memory_space<vmem>>
      tpu.wait_dma2 semaphore(%arg7 : memref<!tpu.dma_semaphore, #tpu.memory_space<semaphore_mem>>) src(%dma_wait3A_116 : memref<128x256xf32, #tpu.memory_space<vmem>>) dst(%dma_wait3A_112 : memref<128x256xf32, #tpu.memory_space<hbm>>)
      %scan3A_117 = arith.constant 0 : i32
      scf.yield %scan3A_117 : i32
    }
    %scan3A_6 = arith.constant 5 : i32
    return
  }
}

module attributes {stable_mosaic.version = 14 : i64} {
  func.func @_tc1_body(%arg0: i32, %arg1: memref<512x128xf32, #tpu.memory_space<vmem>>, %arg2: memref<512x1xf32, #tpu.memory_space<vmem>>, %arg3: memref<512x128xf32, #tpu.memory_space<vmem>>, %arg4: memref<128x256xf32, #tpu.memory_space<vmem>>, %arg5: memref<128x256xf32, #tpu.memory_space<vmem>>, %arg6: memref<1x256xf32, #tpu.memory_space<vmem>>, %arg7: memref<512x256xf32, #tpu.memory_space<vmem>>) attributes {dimension_semantics = [#tpu.dimension_semantics<arbitrary>], iteration_bounds = array<i64: 88>, scalar_prefetch = 0 : i64, scratch_operands = 0 : i64, tpu.core_type = #tpu.core_type<tc>, window_params = [{transform_indices = @transform_0, window_bounds = array<i64: 512, 128>}, {transform_indices = @transform_1, window_bounds = array<i64: 512, 1>}, {transform_indices = @transform_2, window_bounds = array<i64: 512, 128>}, {pipeline_mode = #tpu.pipeline_mode<synchronous>, transform_indices = @transform_3, window_bounds = array<i64: 128, 256>}, {pipeline_mode = #tpu.pipeline_mode<synchronous>, transform_indices = @transform_4, window_bounds = array<i64: 128, 256>}, {pipeline_mode = #tpu.pipeline_mode<synchronous>, transform_indices = @transform_5, window_bounds = array<i64: 1, 256>}, {transform_indices = @transform_6, window_bounds = array<i64: 512, 256>}]} {
    %get3A = arith.constant 0 : index
    %get3A_0 = arith.constant 0 : index
    %get3A_1 = vector.load %arg2[%get3A, %get3A_0] : memref<512x1xf32, #tpu.memory_space<vmem>>, vector<512x1xf32>
    %max3A = arith.constant 1.000000e+00 : f32
    %max3A_2 = vector.broadcast %max3A : f32 to vector<512x1xf32>
    %max3A_3 = arith.maximumf %get3A_1, %max3A_2 : vector<512x1xf32>
    %div3A = arith.constant 1.000000e+00 : f32
    %div3A_4 = vector.broadcast %div3A : f32 to vector<512x1xf32>
    %div3A_5 = arith.divf %div3A_4, %max3A_3 : vector<512x1xf32>
    %get3A_6 = arith.constant 0 : index
    %get3A_7 = arith.constant 0 : index
    %get3A_8 = vector.load %arg1[%get3A_6, %get3A_7] : memref<512x128xf32, #tpu.memory_space<vmem>>, vector<512x128xf32>
    %mul3A = vector.broadcast %div3A_5 : vector<512x1xf32> to vector<512x128xf32>
    %mul3A_9 = arith.mulf %get3A_8, %mul3A : vector<512x128xf32>
    %get3A_10 = arith.constant 0 : index
    %get3A_11 = arith.constant 0 : index
    %get3A_12 = vector.load %arg4[%get3A_10, %get3A_11] : memref<128x256xf32, #tpu.memory_space<vmem>>, vector<128x256xf32>
    %dot_general3A = arith.constant dense<0.000000e+00> : vector<512x256xf32>
    %dot_general3A_13 = tpu.matmul %mul3A_9, %get3A_12, %dot_general3A {dimension_numbers = #tpu.dot_dimension_numbers<[1], [0], [0], [1], [0, 0, 1, 1], [], []>, transpose_lhs_hint = false} : vector<512x128xf32>, vector<128x256xf32>, vector<512x256xf32> -> vector<512x256xf32>
    %get3A_14 = arith.constant 0 : index
    %get3A_15 = arith.constant 0 : index
    %get3A_16 = vector.load %arg3[%get3A_14, %get3A_15] : memref<512x128xf32, #tpu.memory_space<vmem>>, vector<512x128xf32>
    %get3A_17 = arith.constant 0 : index
    %get3A_18 = arith.constant 0 : index
    %get3A_19 = vector.load %arg5[%get3A_17, %get3A_18] : memref<128x256xf32, #tpu.memory_space<vmem>>, vector<128x256xf32>
    %dot_general3A_20 = arith.constant dense<0.000000e+00> : vector<512x256xf32>
    %dot_general3A_21 = tpu.matmul %get3A_16, %get3A_19, %dot_general3A_20 {dimension_numbers = #tpu.dot_dimension_numbers<[1], [0], [0], [1], [0, 0, 1, 1], [], []>, transpose_lhs_hint = false} : vector<512x128xf32>, vector<128x256xf32>, vector<512x256xf32> -> vector<512x256xf32>
    %add3A = arith.addf %dot_general3A_13, %dot_general3A_21 : vector<512x256xf32>
    %get3A_22 = arith.constant 0 : index
    %get3A_23 = arith.constant 0 : index
    %get3A_24 = vector.load %arg6[%get3A_22, %get3A_23] : memref<1x256xf32, #tpu.memory_space<vmem>>, vector<1x256xf32>
    %add3A_25 = vector.broadcast %get3A_24 : vector<1x256xf32> to vector<512x256xf32>
    %add3A_26 = arith.addf %add3A, %add3A_25 : vector<512x256xf32>
    %max3A_27 = arith.constant 0.000000e+00 : f32
    %max3A_28 = vector.broadcast %max3A_27 : f32 to vector<512x256xf32>
    %max3A_29 = arith.maximumf %add3A_26, %max3A_28 : vector<512x256xf32>
    %swap3A = arith.constant 0 : index
    %swap3A_30 = arith.constant 0 : index
    %swap3A_31 = vector.load %arg7[%swap3A, %swap3A_30] : memref<512x256xf32, #tpu.memory_space<vmem>>, vector<512x256xf32>
    tpu.vector_store %arg7[%swap3A, %swap3A_30], %max3A_29 {strides = array<i32>} : memref<512x256xf32, #tpu.memory_space<vmem>>, vector<512x256xf32>,
    return
  }
  func.func @transform_0(%arg0: i32) -> (i32, i32) {
    %c0_i32 = arith.constant 0 : i32
    %c0_i32_0 = arith.constant 0 : i32
    return %arg0, %c0_i32 : i32, i32
  }
  func.func @transform_1(%arg0: i32) -> (i32, i32) {
    %c0_i32 = arith.constant 0 : i32
    %c0_i32_0 = arith.constant 0 : i32
    return %arg0, %c0_i32 : i32, i32
  }
  func.func @transform_2(%arg0: i32) -> (i32, i32) {
    %c0_i32 = arith.constant 0 : i32
    %c0_i32_0 = arith.constant 0 : i32
    return %arg0, %c0_i32 : i32, i32
  }
  func.func @transform_3(%arg0: i32) -> (i32, i32) {
    %c0_i32 = arith.constant 0 : i32
    %c0_i32_0 = arith.constant 0 : i32
    %c0_i32_1 = arith.constant 0 : i32
    return %c0_i32, %c0_i32_0 : i32, i32
  }
  func.func @transform_4(%arg0: i32) -> (i32, i32) {
    %c0_i32 = arith.constant 0 : i32
    %c0_i32_0 = arith.constant 0 : i32
    %c0_i32_1 = arith.constant 0 : i32
    return %c0_i32, %c0_i32_0 : i32, i32
  }
  func.func @transform_5(%arg0: i32) -> (i32, i32) {
    %c0_i32 = arith.constant 0 : i32
    %c0_i32_0 = arith.constant 0 : i32
    %c0_i32_1 = arith.constant 0 : i32
    return %c0_i32, %c0_i32_0 : i32, i32
  }
  func.func @transform_6(%arg0: i32) -> (i32, i32) {
    %c0_i32 = arith.constant 0 : i32
    %c0_i32_0 = arith.constant 0 : i32
    return %arg0, %c0_i32 : i32, i32
  }
}

module attributes {stable_mosaic.version = 14 : i64} {
  func.func @_tc2_body(%arg0: i32, %arg1: memref<512x256xf32, #tpu.memory_space<vmem>>, %arg2: memref<512x1xf32, #tpu.memory_space<vmem>>, %arg3: memref<512x256xf32, #tpu.memory_space<vmem>>, %arg4: memref<256x128xf32, #tpu.memory_space<vmem>>, %arg5: memref<256x128xf32, #tpu.memory_space<vmem>>, %arg6: memref<1x128xf32, #tpu.memory_space<vmem>>, %arg7: memref<512x128xf32, #tpu.memory_space<vmem>>) attributes {dimension_semantics = [#tpu.dimension_semantics<arbitrary>], iteration_bounds = array<i64: 8>, scalar_prefetch = 0 : i64, scratch_operands = 0 : i64, tpu.core_type = #tpu.core_type<tc>, window_params = [{transform_indices = @transform_0, window_bounds = array<i64: 512, 256>}, {transform_indices = @transform_1, window_bounds = array<i64: 512, 1>}, {transform_indices = @transform_2, window_bounds = array<i64: 512, 256>}, {pipeline_mode = #tpu.pipeline_mode<synchronous>, transform_indices = @transform_3, window_bounds = array<i64: 256, 128>}, {pipeline_mode = #tpu.pipeline_mode<synchronous>, transform_indices = @transform_4, window_bounds = array<i64: 256, 128>}, {pipeline_mode = #tpu.pipeline_mode<synchronous>, transform_indices = @transform_5, window_bounds = array<i64: 1, 128>}, {transform_indices = @transform_6, window_bounds = array<i64: 512, 128>}]} {
    %get3A = arith.constant 0 : index
    %get3A_0 = arith.constant 0 : index
    %get3A_1 = vector.load %arg2[%get3A, %get3A_0] : memref<512x1xf32, #tpu.memory_space<vmem>>, vector<512x1xf32>
    %max3A = arith.constant 1.000000e+00 : f32
    %max3A_2 = vector.broadcast %max3A : f32 to vector<512x1xf32>
    %max3A_3 = arith.maximumf %get3A_1, %max3A_2 : vector<512x1xf32>
    %div3A = arith.constant 1.000000e+00 : f32
    %div3A_4 = vector.broadcast %div3A : f32 to vector<512x1xf32>
    %div3A_5 = arith.divf %div3A_4, %max3A_3 : vector<512x1xf32>
    %get3A_6 = arith.constant 0 : index
    %get3A_7 = arith.constant 0 : index
    %get3A_8 = vector.load %arg1[%get3A_6, %get3A_7] : memref<512x256xf32, #tpu.memory_space<vmem>>, vector<512x256xf32>
    %mul3A = vector.broadcast %div3A_5 : vector<512x1xf32> to vector<512x256xf32>
    %mul3A_9 = arith.mulf %get3A_8, %mul3A : vector<512x256xf32>
    %get3A_10 = arith.constant 0 : index
    %get3A_11 = arith.constant 0 : index
    %get3A_12 = vector.load %arg4[%get3A_10, %get3A_11] : memref<256x128xf32, #tpu.memory_space<vmem>>, vector<256x128xf32>
    %dot_general3A = arith.constant dense<0.000000e+00> : vector<512x128xf32>
    %dot_general3A_13 = tpu.matmul %mul3A_9, %get3A_12, %dot_general3A {dimension_numbers = #tpu.dot_dimension_numbers<[1], [0], [0], [1], [0, 0, 1, 1], [], []>, transpose_lhs_hint = false} : vector<512x256xf32>, vector<256x128xf32>, vector<512x128xf32> -> vector<512x128xf32>
    %get3A_14 = arith.constant 0 : index
    %get3A_15 = arith.constant 0 : index
    %get3A_16 = vector.load %arg3[%get3A_14, %get3A_15] : memref<512x256xf32, #tpu.memory_space<vmem>>, vector<512x256xf32>
    %get3A_17 = arith.constant 0 : index
    %get3A_18 = arith.constant 0 : index
    %get3A_19 = vector.load %arg5[%get3A_17, %get3A_18] : memref<256x128xf32, #tpu.memory_space<vmem>>, vector<256x128xf32>
    %dot_general3A_20 = arith.constant dense<0.000000e+00> : vector<512x128xf32>
    %dot_general3A_21 = tpu.matmul %get3A_16, %get3A_19, %dot_general3A_20 {dimension_numbers = #tpu.dot_dimension_numbers<[1], [0], [0], [1], [0, 0, 1, 1], [], []>, transpose_lhs_hint = false} : vector<512x256xf32>, vector<256x128xf32>, vector<512x128xf32> -> vector<512x128xf32>
    %add3A = arith.addf %dot_general3A_13, %dot_general3A_21 : vector<512x128xf32>
    %get3A_22 = arith.constant 0 : index
    %get3A_23 = arith.constant 0 : index
    %get3A_24 = vector.load %arg6[%get3A_22, %get3A_23] : memref<1x128xf32, #tpu.memory_space<vmem>>, vector<1x128xf32>
    %add3A_25 = vector.broadcast %get3A_24 : vector<1x128xf32> to vector<512x128xf32>
    %add3A_26 = arith.addf %add3A, %add3A_25 : vector<512x128xf32>
    %swap3A = arith.constant 0 : index
    %swap3A_27 = arith.constant 0 : index
    %swap3A_28 = vector.load %arg7[%swap3A, %swap3A_27] : memref<512x128xf32, #tpu.memory_space<vmem>>, vector<512x128xf32>
    tpu.vector_store %arg7[%swap3A, %swap3A_27], %add3A_26 {strides = array<i32>} : memref<512x128xf32, #tpu.memory_space<vmem>>, vector<512x128xf32>,
    return
  }
  func.func @transform_0(%arg0: i32) -> (i32, i32) {
    %c0_i32 = arith.constant 0 : i32
    %c0_i32_0 = arith.constant 0 : i32
    return %arg0, %c0_i32 : i32, i32
  }
  func.func @transform_1(%arg0: i32) -> (i32, i32) {
    %c0_i32 = arith.constant 0 : i32
    %c0_i32_0 = arith.constant 0 : i32
    return %arg0, %c0_i32 : i32, i32
  }
  func.func @transform_2(%arg0: i32) -> (i32, i32) {
    %c0_i32 = arith.constant 0 : i32
    %c0_i32_0 = arith.constant 0 : i32
    return %arg0, %c0_i32 : i32, i32
  }
  func.func @transform_3(%arg0: i32) -> (i32, i32) {
    %c0_i32 = arith.constant 0 : i32
    %c0_i32_0 = arith.constant 0 : i32
    %c0_i32_1 = arith.constant 0 : i32
    return %c0_i32, %c0_i32_0 : i32, i32
  }
  func.func @transform_4(%arg0: i32) -> (i32, i32) {
    %c0_i32 = arith.constant 0 : i32
    %c0_i32_0 = arith.constant 0 : i32
    %c0_i32_1 = arith.constant 0 : i32
    return %c0_i32, %c0_i32_0 : i32, i32
  }
  func.func @transform_5(%arg0: i32) -> (i32, i32) {
    %c0_i32 = arith.constant 0 : i32
    %c0_i32_0 = arith.constant 0 : i32
    %c0_i32_1 = arith.constant 0 : i32
    return %c0_i32, %c0_i32_0 : i32, i32
  }
  func.func @transform_6(%arg0: i32) -> (i32, i32) {
    %c0_i32 = arith.constant 0 : i32
    %c0_i32_0 = arith.constant 0 : i32
    return %arg0, %c0_i32 : i32, i32
  }
}

</mosaic_0001>

<sc_bundles>
// kernel: kernel.6.cloned.1.call-start
scs
__scs_entry_jumppad:
0x0: {  	(pc) =	sbr.rel $0x88, $3  }
0x1: {  	(tag) =	ssettag $0x0;
	lr =	simm.s32 $0x1  }
0x2: {  	[smem:$0x3F95] =	sst lr;
	_ =	strace $0xD0000000  }
0x3: {  	_ = 	snop  }
0x4: {  	_ = 	snop  }
0x5: {  	_ = 	snop  }
0x6: {  	_ = 	snop  }
0x7: {  	_ = 	snop  }
__scs_overlays_trampoline_lowered:
0x8: {  	[smem:$0x3FA4] =	sst s0  }
0x9: {  	[smem:$0x3FA5] =	sst s1  }
0xa: {  	[smem:$0x3FA6] =	sst s2  }
0xb: {  	[smem:$0x3FA7] =	sst s3  }
0xc: {  	[smem:$0x3FA8] =	sst s4  }
0xd: {  	[smem:$0x3FA9] =	sst s5  }
0xe: {  	[smem:$0x3FAA] =	sst s6  }
0xf: {  	[smem:$0x3FAB] =	sst s7  }
0x10: {  	[smem:$0x3FAC] =	sst s8  }
0x11: {  	[smem:$0x3FAD] =	sst s9;
	s0 =	simm.s32 @!p0 $0x0  }
0x12: {  	s1 =	sld [smem:$0x3F93];
	s0 =	simm.s32 @p0 $0x1  }
0x13: {  	[smem:$0x3FAE] =	sst s0;
	s0 =	simm.s32 @!p1 $0x0  }
0x14: {  	s2 =	sld [smem:$0x3F92];
	s0 =	simm.s32 @p1 $0x1  }
0x15: {  	[smem:$0x3FAF] =	sst s0;
	s0 =	simm.s32 @!p2 $0x0  }
0x16: {  	s3 =	sld [smem:$0x3FDB];
	s0 =	simm.s32 @p2 $0x1  }
0x17: {  	s4 =	simm.s32 $0x1BF5;
	[smem:$0x3FB1] =	sst s0  }
0x18: {  	s0 =	sld [smem:$0x3F94];
	_ =	swait.ge [sflag:s4], $0x0  }
0x19: {  	s7 =	sld [smem:$0x3F95]  }
0x1a: {  	s8 =	sadd.s32 $0xFFFFE003, lr  }
0x1b: {  	s9 =	sadd.s32 $0xFFFFFEF7, lr;
	s5 =	simm.s32 $0xFFFFFFFF;
	p2 =	slt.u32 s8, $0xFFFFF086  }
0x1c: {  	p1 =	slt.u32 s9, $0xF7A;
	s5 =	simm.s32 @!p2 $0x0  }
0x1d: {  	s5 =	simm.s32 @p1 $0x1;
	p0 =	seq.s32 s7, s2  }
0x1e: {  	s7 =	smul.u32 @!p0 $0xF7A, s2;
	p2 =	seq.s32 @!p0 s5, $0x0  }
0x1f: {  	s9 =	smul.u32 $0xF7A, s1;
	s8 =	simm.s32 @!p0 $0x1BF5;
	p2 =	por !p2, p0  }
0x20: {  	[sflag:s8] =	ssyncset.s32 @!p0 $0xFFFFF086;
	s6 =	sadd.s32 @!p0 s3, s7;
	s7 =	simm.s32 @!p0 $0x108  }
0x21: {  	s3 =	sadd.s32 s3, s9;
	s6 =	sadd.s32 @!p0 $0x88, s6;
	s7 =	simm.s32 @p2 $0x1082  }
0x22: {  	[simem:s7], [sflag:s8] =	dma.local @!p0 [hbm:s6], $0xF7A  }
0x23: {  	s9 =	sor.u32 $0xD0000000, s2;
	s6 =	simm.s32 $0x108;
	_ =	swait.ge @!p0 [sflag:s8], $0x0  }
0x24: {  	s3 =	sadd.s32 $0x88, s3;
	s6 =	simm.s32 @!p1 $0x1082;
	[sflag:s4] =	ssyncset.s32 $0xFFFFF086  }
0x25: {  	[simem:s6], [sflag:s4] =	dma.local [hbm:s3], $0xF7A  }
0x26: {  	[smem:$0x3F95] =	sst s1;
	(tag) =	ssettag s2;
	_ =	strace s9  }
0x27: {  	s1 =	sld [smem:$0x3FA5]  }
0x28: {  	s2 =	sld [smem:$0x3FA6]  }
0x29: {  	s4 =	sld [smem:$0x3FA8]  }
0x2a: {  	p0 =	seq.s32 s5, $0x0;
	s5 =	sld [smem:$0x3FA9]  }
0x2b: {  	s6 =	sld [smem:$0x3FAA]  }
0x2c: {  	s7 =	sld [smem:$0x3FAB]  }
0x2d: {  	s3 =	simm.s32 $0x108;
	s8 =	sld [smem:$0x3FAC]  }
0x2e: {  	s3 =	simm.s32 @!p0 $0x1082;
	s9 =	sld [smem:$0x3FAD]  }
0x2f: {  	lr =	sadd.s32 s0, s3;
	s0 =	sld [smem:$0x3FA4]  }
0x30: {  	s3 =	sld [smem:$0x3FA7]  }
0x31: {  	[smem:$0x3FB0] =	sst s10  }
0x32: {  	s10 =	sld [smem:$0x3FAE];
	_ =	sdelay $0x3  }
0x33: {  	p0 =	seq.s32 s10, $0x1;
	s10 =	sld [smem:$0x3FB0];
	_ =	sdelay $0x3  }
0x34: {  	[smem:$0x3FB0] =	sst s10  }
0x35: {  	s10 =	sld [smem:$0x3FAF];
	_ =	sdelay $0x3  }
0x36: {  	p1 =	seq.s32 s10, $0x1;
	s10 =	sld [smem:$0x3FB0];
	_ =	sdelay $0x3  }
0x37: {  	[smem:$0x3FB0] =	sst s10  }
0x38: {  	s10 =	sld [smem:$0x3FB1]  }
0x39: {  	_ = 	snop;
	(pc) =	sbr.ind lr, $3  }
0x3a: {  	_ = 	snop  }
0x3b: {  	_ = 	snop  }
0x3c: {  	p2 =	seq.s32 s10, $0x1;
	s10 =	sld [smem:$0x3FB0]  }
0x3d: {  	_ =	shalt  }
0x3e: {  	_ =	shalt  }
0x3f: {  	_ =	shalt  }
0x40: {  	_ =	shalt  }
0x41: {  	_ =	shalt  }
0x42: {  	_ =	shalt  }
0x43: {  	_ =	shalt  }
0x44: {  	_ =	shalt  }
0x45: {  	_ =	shalt  }
0x46: {  	_ =	shalt  }
0x47: {  	_ =	shalt  }
0x48: {  	_ =	shalt  }
0x49: {  	_ =	shalt  }
0x4a: {  	_ =	shalt  }
0x4b: {  	_ =	shalt  }
0x4c: {  	_ =	shalt  }
0x4d: {  	_ =	shalt  }
0x4e: {  	_ =	shalt  }
0x4f: {  	_ =	shalt  }
0x50: {  	_ =	shalt  }
0x51: {  	_ =	shalt  }
0x52: {  	_ =	shalt  }
0x53: {  	_ =	shalt  }
0x54: {  	_ =	shalt  }
0x55: {  	_ =	shalt  }
0x56: {  	_ =	shalt  }
0x57: {  	_ =	shalt  }
0x58: {  	_ =	shalt  }
0x59: {  	_ =	shalt  }
0x5a: {  	_ =	shalt  }
0x5b: {  	_ =	shalt  }
0x5c: {  	_ =	shalt  }
0x5d: {  	_ =	shalt  }
0x5e: {  	_ =	shalt  }
0x5f: {  	_ =	shalt  }
0x60: {  	_ =	shalt  }
0x61: {  	_ =	shalt  }
0x62: {  	_ =	shalt  }
0x63: {  	_ =	shalt  }
0x64: {  	_ =	shalt  }
0x65: {  	_ =	shalt  }
0x66: {  	_ =	shalt  }
0x67: {  	_ =	shalt  }
0x68: {  	_ =	shalt  }
0x69: {  	_ =	shalt  }
0x6a: {  	_ =	shalt  }
0x6b: {  	_ =	shalt  }
0x6c: {  	_ =	shalt  }
0x6d: {  	_ =	shalt  }
0x6e: {  	_ =	shalt  }
0x6f: {  	_ =	shalt  }
0x70: {  	_ =	shalt  }
0x71: {  	_ =	shalt  }
0x72: {  	_ =	shalt  }
0x73: {  	_ =	shalt  }
0x74: {  	_ =	shalt  }
0x75: {  	_ =	shalt  }
0x76: {  	_ =	shalt  }
0x77: {  	_ =	shalt  }
0x78: {  	_ =	shalt  }
0x79: {  	_ =	shalt  }
0x7a: {  	_ =	shalt  }
0x7b: {  	_ =	shalt  }
0x7c: {  	_ =	shalt  }
0x7d: {  	_ =	shalt  }
0x7e: {  	_ =	shalt  }
0x7f: {  	_ =	shalt  }
0x80: {  	_ =	shalt  }
0x81: {  	_ =	shalt  }
0x82: {  	_ =	shalt  }
0x83: {  	_ =	shalt  }
0x84: {  	_ =	shalt  }
0x85: {  	_ =	shalt  }
0x86: {  	_ =	shalt  }
0x87: {  	_ =	shalt  }
.Lfunc_end0:
.L_simem_size_0:
called_computation.4_lowered:
.L_overlay_start_0:
0x88: {  	s2 =	sld [smem:$0x3FD9]  }
0x89: {  	s3 =	sld [smem:$0x3FFE];
	_ =	sdelay $0x1  }
0x8a: {  	s1 =	srdreg.scid  }
0x8b: {  	s0 =	sand.u32 $0x1, s1  }
0x8c: {  	s17 =	sshll.u32 s0, $0xA;
	s2 =	sadd.s32 s3, s2  }
0x8d: {  	s2 =	sadd.s32 s2, s17  }
0x8e: {  	[smem:$0x3FBC] =	sst s2  }
0x8f: {  	_ = 	snop  }
0x90: {  	s2 =	sld [smem:$0x3FC9]  }
0x91: {  	s18 =	sld [smem:$0x3FC4];
	(tm) =	ssettm $0x1  }
0x92: {  	s4 =	sld [smem:$0x3FFB];
	_ =	sdelay $0x3  }
0x93: {  	_ =	strace s4  }
0x94: {  	s4 =	sld [smem:$0x3FFC];
	_ =	sdelay $0x3  }
0x95: {  	_ =	strace s4  }
0x96: {  	s4 =	sld [smem:$0x3FFD];
	_ =	sdelay $0x3  }
0x97: {  	_ =	strace s4  }
0x98: {  	_ =	strace $0x8FFFFFFF  }
0x99: {  	s19 =	sld [smem:$0x3FDB];
	_ =	sdelay $0x1  }
0x9a: {  	s5 =	simm.s32 $_scs_section_size  }
0x9b: {  	s6 =	simm.s32 $_size__tile_overlayer_lowered;
	s7 =	simm.s32 $_tile_overlayer_lowered  }
0x9c: {  	s22 =	simm.s32 $0x1BFF;
	s21 =	sshll.u32 s7, $0x1;
	s4 =	sadd.s32 s5, s19  }
0x9d: {  	s8 =	simm.s32 $0x0;
	s20 =	sshll.u32 s6, $0x1;
	s6 =	sadd.s32 s21, s4  }
0x9e: {  	[timem:s8], [sflag:s22] =	dma.local [hbm:s6], s20  }
0x9f: {  	_ =	swait.ge [sflag:s22], s20  }
0xa0: {  	s5 =	ssub.s32 $0x0, s20;
	[sflag:s22] =	ssyncset.done $0x0  }
0xa1: {  	[sflag:s22] =	ssyncadd.s32 s5;
	_ =	sdelay $0x1  }
0xa2: {  	s23 =	simm.s32 $0x1B8B  }
0xa3: {  	_ =	swait.ge [sflag:s23], $0x1  }
0xa4: {  	[sflag:s23] =	ssyncset.done $0x0  }
0xa5: {  	s25 =	simm.s32 $0x1B8E;
	s24 =	sld [smem:$0x3FFE];
	[sflag:s23] =	ssyncadd.s32 $0xFFFFFFFF  }
0xa6: {  	s26 =	simm.s32 $execute0_lowered;
	[smem:$0x3FD2] =	sst s25  }
0xa7: {  	s6 =	sshll.u32 s26, $0x1;
	_ =	strace $0x80000046;
	[dreg:$0x1] =	wrdreg $0xFFFFFFFF  }
0xa8: {  	s28 =	simm.s32 $_size_execute0_lowered;
	s4 =	sadd.s32 s4, s6;
	[dreg:$0x0] =	wrdreg $0x0  }
0xa9: {  	s6 =	sshll.u32 s28, $0x1;
	[dreg:$0x2] =	wrdreg s4  }
0xaa: {  	[dreg:$0x3] =	wrdreg s6  }
0xab: {  	[dreg:$0x4] =	wrdreg $0xC0  }
0xac: {  	_ =	task [dreg:s8], $0x5FFFF  }
0xad: {  	[dreg:$0x1] =	wrdreg $0xFFFFFFFF  }
0xae: {  	[dreg:$0x0] =	wrdreg $0x60  }
0xaf: {  	[dreg:$0x2] =	wrdreg s2  }
0xb0: {  	[dreg:$0x3] =	wrdreg s24  }
0xb1: {  	[dreg:$0x4] =	wrdreg s18  }
0xb2: {  	[dreg:$0x5] =	wrdreg $0xA  }
0xb3: {  	_ =	task.clear_ibuf [dreg:s8], $0x6FFFF;
	_ =	strace $0x90000046  }
0xb4: {  	s29 =	simm.s32 $0xA;
	_ =	strace $0x80000048  }
0xb5: {  	_ =	swait.ge [sflag:s29], $0x1  }
0xb6: {  	[sflag:s29] =	ssyncadd.s32 $0xFFFFFFFF  }
0xb7: {  	_ =	strace $0x90000048  }
0xb8: {  	_ =	sfence  }
0xb9: {  	s30 =	sld [smem:$0x0];
	_ =	sdelay $0x2  }
0xba: {  	s31 =	sshll.u32 s1, $0xD;
	s1 =	sshrl.u32 s1, $0x2  }
0xbb: {  	s3 =	sand.u32 $0x4000, s31;
	s1 =	sadd.s32 s1, s30  }
0xbc: {  	s0 =	sor.u32 s3, s0;
	s1 =	sshll.u32 s1, $0x11  }
0xbd: {  	s0 =	sor.u32 s1, s0  }
0xbe: {  	s0 =	sadd.s32 $0x8F2B, s0  }
0xbf: {  	[sflag:s0] =	ssyncadd.remote.s32 $0x1  }
0xc0: {  	_ =	sfence.sel $0xFFFF  }
0xc1: {  	[dreg:$0x0] =	wrdreg $0xFFFFFFFF;
	(pc) =	sbr.abs _section_cstart, $3  }
0xc2: {  	[dreg:$0x1] =	wrdreg $0xFFFFFFFF  }
0xc3: {  	_ =	task.clear_ibuf [dreg:s8], $0x2FFFF;
	_ =	strace $0x9FFFFFFF  }
0xc4: {  	(tm) =	ssettm $0x7FFFFFFF  }
0xc5: {  	_ =	shalt  }
tec
execute0_lowered:
.L_overlay_start_1:
0x0: {  	(tag) =	ssettag $0x1  }
0x1: {  	s1 =	rddreg [dreg:$0x0]  }
0x2: {  	s0 =	rddreg [dreg:$0x1];
	s2 =	srdreg.scid  }
0x3: {  	s3 =	rddreg [dreg:$0x2];
	s14 =	stileid.u32  }
0x4: {  	s4 =	simm.s32 $0x0;
	s20 =	simm.s32 $0x2;
	s21 =	simm.s32 $0x80  }
0x5: {  	s22 =	simm.s32 $0x1;
	s23 =	simm.s32 $0x6F00;
	s2 =	sand.u32 $0x1, s2  }
0x6: {  	s24 =	simm.s32 $0xAF00;
	s31 =	smul.u32 $0x37000, s14;
	s5 =	sshll.u32 s2, $0x4  }
0x7: {  	s25 =	simm.s32 $0x3800;
	s6 =	smul.u32 $0x370000, s2;
	s5 =	sor.u32 s14, s5  }
0x8: {  	s30 =	simm.s32 $0x0;
	[smem:$0x7FF] =	sst s4;
	s7 =	smul.u32 $0x700, s5  }
0x9: {  	s8 =	sadd.s32 $0x6EE000, s0;
	s2 =	ssub.s32 $0x2, s2;
	s28 =	smul.u32 $0x2C000, s5  }
0xa: {  	_ =	strace $0x80000047;
	s10 =	sshrl.u32 s2, $0x1;
	s9 =	smul.u32 $0xB0, s5  }
0xb: {  	s19 =	sadd.s32 s6, s0;
	s11 =	smul.u32 $0x5800, s5;
	s2 =	ssub.s32 s2, s10  }
0xc: {  	s6 =	sshrl.u32 s28, $0x3;
	s5 =	sadd.s32 s0, s7;
	s0 =	sadd.s32 s31, s19  }
0xd: {  	s29 =	sadd.s32 s8, s6;
	s6 =	sadd.s32 s1, s9;
	s8 =	sadd.s32 s8, s11  }
0xe: {  	s9 =	smax.u32 s2, $0x1;
	s19 =	sadd.s32 $0xE800, s0;
	s7 =	sadd.s32 $0x5000, s29  }
0xf: {  	s10 =	sadd.s32 $0x800, s8;
	s11 =	sadd.s32 $0x1000, s8;
	s12 =	sadd.s32 $0x1800, s8  }
0x10: {  	s13 =	sadd.s32 $0x2000, s8;
	s14 =	sadd.s32 $0x2800, s8;
	s15 =	sadd.s32 $0x3000, s8  }
0x11: {  	s16 =	sadd.s32 $0x3800, s8;
	s17 =	sadd.s32 $0x4000, s8;
	s18 =	sadd.s32 $0x4800, s8  }
.LBB2_1:
0x12: {  	[tilespmem:s4], [sflag:$0x2] =	stream.linear.gather [hbm4b:s5+s4], $0x3700, $0x38;
	[tilespmem:$0xEF00] =	vst v63  }
0x13: {  	_ =	swait.ge [sflag:s20], $0x3700  }
0x14: {  	[sflag:s20] =	ssyncset.done $0x0  }
0x15: {  	s0 =	simm.s32 $0x0;
	s2 =	simm.s32 $0x3800;
	[sflag:s20] =	ssyncadd.s32 $0xFFFFC900  }
0x16: {  	[tilespmem:s2], [sflag:$0x1] =	stream.indirect.gather [hbm4b:s1+s21], $0x1, s0, s21, $0xb8;
	[tilespmem:$0xEF00] =	vst v63  }
0x17: {  	s28 =	simm.s32 $0x3880;
	s29 =	simm.s32 $0x80  }
0x18: {  	[tilespmem:s28], [sflag:$0x1] =	stream.indirect.gather [hbm4b:s1+s21], $0x1, s29, s21, $0xb8;
	[tilespmem:$0xEF00] =	vst v63  }
0x19: {  	s26 =	simm.s32 $0x100;
	s2 =	simm.s32 $0x3900  }
0x1a: {  	[tilespmem:s2], [sflag:$0x1] =	stream.indirect.gather [hbm4b:s1+s21], $0x1, s26, s21, $0xb8;
	[tilespmem:$0xEF00] =	vst v63  }
0x1b: {  	s28 =	simm.s32 $0x3980;
	s29 =	simm.s32 $0x180  }
0x1c: {  	[tilespmem:s28], [sflag:$0x1] =	stream.indirect.gather [hbm4b:s1+s21], $0x1, s29, s21, $0xb8;
	[tilespmem:$0xEF00] =	vst v63  }
0x1d: {  	s2 =	simm.s32 $0x3A00;
	s26 =	simm.s32 $0x200  }
0x1e: {  	[tilespmem:s2], [sflag:$0x1] =	stream.indirect.gather [hbm4b:s1+s21], $0x1, s26, s21, $0xb8;
	[tilespmem:$0xEF00] =	vst v63  }
0x1f: {  	s28 =	simm.s32 $0x3A80;
	s29 =	simm.s32 $0x280  }
0x20: {  	[tilespmem:s28], [sflag:$0x1] =	stream.indirect.gather [hbm4b:s1+s21], $0x1, s29, s21, $0xb8;
	[tilespmem:$0xEF00] =	vst v63  }
0x21: {  	s2 =	simm.s32 $0x3B00;
	s26 =	simm.s32 $0x300  }
0x22: {  	[tilespmem:s2], [sflag:$0x1] =	stream.indirect.gather [hbm4b:s1+s21], $0x1, s26, s21, $0xb8;
	[tilespmem:$0xEF00] =	vst v63  }
0x23: {  	s28 =	simm.s32 $0x3B80;
	s29 =	simm.s32 $0x380  }
0x24: {  	[tilespmem:s28], [sflag:$0x1] =	stream.indirect.gather [hbm4b:s1+s21], $0x1, s29, s21, $0xb8;
	[tilespmem:$0xEF00] =	vst v63  }
0x25: {  	s2 =	simm.s32 $0x3C00;
	s26 =	simm.s32 $0x400  }
0x26: {  	[tilespmem:s2], [sflag:$0x1] =	stream.indirect.gather [hbm4b:s1+s21], $0x1, s26, s21, $0xb8;
	[tilespmem:$0xEF00] =	vst v63  }
0x27: {  	s28 =	simm.s32 $0x3C80;
	s29 =	simm.s32 $0x480  }
0x28: {  	[tilespmem:s28], [sflag:$0x1] =	stream.indirect.gather [hbm4b:s1+s21], $0x1, s29, s21, $0xb8;
	[tilespmem:$0xEF00] =	vst v63  }
0x29: {  	_ =	swait.ge [sflag:s22], $0x80  }
0x2a: {  	[sflag:s22] =	ssyncset.done $0x0  }
0x2b: {  	[sflag:s22] =	ssyncadd.s32 $0xFFFFFF80  }
0x2c: {  	_ =	swait.ge [sflag:s22], $0x80  }
0x2d: {  	[sflag:s22] =	ssyncset.done $0x0  }
0x2e: {  	[sflag:s22] =	ssyncadd.s32 $0xFFFFFF80  }
0x2f: {  	_ =	swait.ge [sflag:s22], $0x80  }
0x30: {  	[sflag:s22] =	ssyncset.done $0x0  }
0x31: {  	[sflag:s22] =	ssyncadd.s32 $0xFFFFFF80  }
0x32: {  	_ =	swait.ge [sflag:s22], $0x80  }
0x33: {  	[sflag:s22] =	ssyncset.done $0x0  }
0x34: {  	[sflag:s22] =	ssyncadd.s32 $0xFFFFFF80  }
0x35: {  	_ =	swait.ge [sflag:s22], $0x80  }
0x36: {  	[sflag:s22] =	ssyncset.done $0x0  }
0x37: {  	[sflag:s22] =	ssyncadd.s32 $0xFFFFFF80  }
0x38: {  	_ =	swait.ge [sflag:s22], $0x80  }
0x39: {  	[sflag:s22] =	ssyncset.done $0x0  }
0x3a: {  	[sflag:s22] =	ssyncadd.s32 $0xFFFFFF80  }
0x3b: {  	_ =	swait.ge [sflag:s22], $0x80  }
0x3c: {  	[sflag:s22] =	ssyncset.done $0x0  }
0x3d: {  	[sflag:s22] =	ssyncadd.s32 $0xFFFFFF80  }
0x3e: {  	_ =	swait.ge [sflag:s22], $0x80  }
0x3f: {  	[sflag:s22] =	ssyncset.done $0x0  }
0x40: {  	[sflag:s22] =	ssyncadd.s32 $0xFFFFFF80  }
0x41: {  	_ =	swait.ge [sflag:s22], $0x80  }
0x42: {  	[sflag:s22] =	ssyncset.done $0x0  }
0x43: {  	[sflag:s22] =	ssyncadd.s32 $0xFFFFFF80  }
0x44: {  	_ =	swait.ge [sflag:s22], $0x80  }
0x45: {  	s31 =	simm.s32 $0x2800;
	s2 =	simm.s32 $0x500;
	[sflag:s22] =	ssyncset.done $0x0  }
.LBB2_2:
0x46: {  	s28 =	sadd.s32 $0x3800, s2  }
0x47: {  	[sflag:s22] =	ssyncadd.s32 $0xFFFFFF80;
	s0 =	smov.u32 s31;
	s26 =	sadd.s32 $0x1400, s31  }
0x48: {  	[tilespmem:s28], [sflag:$0x1] =	stream.indirect.gather [hbm4b:s1+s21], $0x1, s2, s21, $0xb8;
	[tilespmem:$0xEF00] =	vst v63  }
0x49: {  	p0 =	sne.s32 s31, $0xC800;
	s31 =	sadd.s32 $0x80, s2;
	s28 =	sadd.s32 $0x3880, s2  }
0x4a: {  	[tilespmem:s28], [sflag:$0x1] =	stream.indirect.gather [hbm4b:s1+s21], $0x1, s31, s21, $0xb8;
	[tilespmem:$0xEF00] =	vst v63  }
0x4b: {  	s28 =	sadd.s32 $0x3900, s2;
	s31 =	sadd.s32 $0x100, s2  }
0x4c: {  	[tilespmem:s28], [sflag:$0x1] =	stream.indirect.gather [hbm4b:s1+s21], $0x1, s31, s21, $0xb8;
	[tilespmem:$0xEF00] =	vst v63  }
0x4d: {  	s28 =	sadd.s32 $0x3980, s2;
	s31 =	sadd.s32 $0x180, s2  }
0x4e: {  	[tilespmem:s28], [sflag:$0x1] =	stream.indirect.gather [hbm4b:s1+s21], $0x1, s31, s21, $0xb8;
	[tilespmem:$0xEF00] =	vst v63  }
0x4f: {  	s28 =	sadd.s32 $0x3A00, s2;
	s31 =	sadd.s32 $0x200, s2  }
0x50: {  	[tilespmem:s28], [sflag:$0x1] =	stream.indirect.gather [hbm4b:s1+s21], $0x1, s31, s21, $0xb8;
	[tilespmem:$0xEF00] =	vst v63  }
0x51: {  	s28 =	sadd.s32 $0x3A80, s2;
	s31 =	sadd.s32 $0x280, s2  }
0x52: {  	[tilespmem:s28], [sflag:$0x1] =	stream.indirect.gather [hbm4b:s1+s21], $0x1, s31, s21, $0xb8;
	[tilespmem:$0xEF00] =	vst v63  }
0x53: {  	s28 =	sadd.s32 $0x3B00, s2;
	s31 =	sadd.s32 $0x300, s2  }
0x54: {  	[tilespmem:s28], [sflag:$0x1] =	stream.indirect.gather [hbm4b:s1+s21], $0x1, s31, s21, $0xb8;
	[tilespmem:$0xEF00] =	vst v63  }
0x55: {  	s28 =	sadd.s32 $0x3B80, s2;
	s31 =	sadd.s32 $0x380, s2  }
0x56: {  	[tilespmem:s28], [sflag:$0x1] =	stream.indirect.gather [hbm4b:s1+s21], $0x1, s31, s21, $0xb8;
	[tilespmem:$0xEF00] =	vst v63  }
0x57: {  	s28 =	sadd.s32 $0x3C00, s2;
	s31 =	sadd.s32 $0x400, s2  }
0x58: {  	[tilespmem:s28], [sflag:$0x1] =	stream.indirect.gather [hbm4b:s1+s21], $0x1, s31, s21, $0xb8;
	[tilespmem:$0xEF00] =	vst v63  }
0x59: {  	s28 =	sadd.s32 $0x3C80, s2;
	s2 =	sadd.s32 $0x480, s2  }
0x5a: {  	[tilespmem:s28], [sflag:$0x1] =	stream.indirect.gather [hbm4b:s1+s21], $0x1, s2, s21, $0xb8;
	[tilespmem:$0xEF00] =	vst v63  }
0x5b: {  	_ =	swait.ge [sflag:s22], $0x80  }
0x5c: {  	[sflag:s22] =	ssyncset.done $0x0  }
0x5d: {  	[sflag:s22] =	ssyncadd.s32 $0xFFFFFF80  }
0x5e: {  	_ =	swait.ge [sflag:s22], $0x80  }
0x5f: {  	[sflag:s22] =	ssyncset.done $0x0  }
0x60: {  	[sflag:s22] =	ssyncadd.s32 $0xFFFFFF80  }
0x61: {  	_ =	swait.ge [sflag:s22], $0x80  }
0x62: {  	[sflag:s22] =	ssyncset.done $0x0  }
0x63: {  	[sflag:s22] =	ssyncadd.s32 $0xFFFFFF80  }
0x64: {  	_ =	swait.ge [sflag:s22], $0x80  }
0x65: {  	[sflag:s22] =	ssyncset.done $0x0  }
0x66: {  	[sflag:s22] =	ssyncadd.s32 $0xFFFFFF80  }
0x67: {  	_ =	swait.ge [sflag:s22], $0x80  }
0x68: {  	[sflag:s22] =	ssyncset.done $0x0  }
0x69: {  	[sflag:s22] =	ssyncadd.s32 $0xFFFFFF80  }
0x6a: {  	_ =	swait.ge [sflag:s22], $0x80  }
0x6b: {  	[sflag:s22] =	ssyncset.done $0x0  }
0x6c: {  	[sflag:s22] =	ssyncadd.s32 $0xFFFFFF80  }
0x6d: {  	_ =	swait.ge [sflag:s22], $0x80  }
0x6e: {  	[sflag:s22] =	ssyncset.done $0x0  }
0x6f: {  	[sflag:s22] =	ssyncadd.s32 $0xFFFFFF80  }
0x70: {  	_ =	swait.ge [sflag:s22], $0x80  }
0x71: {  	[sflag:s22] =	ssyncset.done $0x0  }
0x72: {  	[sflag:s22] =	ssyncadd.s32 $0xFFFFFF80  }
.Ltmp0:
0x73: {  	_ =	swait.ge [sflag:s22], $0x80;
	(pc) =	sbr.rel @p0 .LBB2_2-.Ltmp0, $4  }
0x74: {  	[sflag:s22] =	ssyncset.done $0x0  }
0x75: {  	[sflag:s22] =	ssyncadd.s32 $0xFFFFFF80  }
0x76: {  	_ =	swait.ge [sflag:s22], $0x80  }
0x77: {  	s31 =	smov.u32 s26;
	s2 =	sshra.s32 s0, $0x2;
	[sflag:s22] =	ssyncset.done $0x0  }
0x78: {  	s0 =	sadd.s32 $0x3800, s2;
	[sflag:s22] =	ssyncadd.s32 $0xFFFFFF80  }
0x79: {  	[tilespmem:s0], [sflag:$0x1] =	stream.indirect.gather [hbm4b:s1+s21], $0x1, s2, s21, $0xb8;
	[tilespmem:$0xEF00] =	vst v63  }
0x7a: {  	s29 =	sadd.s32 $0x3880, s2;
	s26 =	sadd.s32 $0x80, s2  }
0x7b: {  	[tilespmem:s29], [sflag:$0x1] =	stream.indirect.gather [hbm4b:s1+s21], $0x1, s26, s21, $0xb8;
	[tilespmem:$0xEF00] =	vst v63  }
0x7c: {  	s28 =	sadd.s32 $0x3900, s2;
	s29 =	sadd.s32 $0x100, s2  }
0x7d: {  	[tilespmem:s28], [sflag:$0x1] =	stream.indirect.gather [hbm4b:s1+s21], $0x1, s29, s21, $0xb8;
	[tilespmem:$0xEF00] =	vst v63  }
0x7e: {  	s28 =	sadd.s32 $0x3980, s2;
	s29 =	sadd.s32 $0x180, s2  }
0x7f: {  	[tilespmem:s28], [sflag:$0x1] =	stream.indirect.gather [hbm4b:s1+s21], $0x1, s29, s21, $0xb8;
	[tilespmem:$0xEF00] =	vst v63  }
0x80: {  	s28 =	sadd.s32 $0x3A00, s2;
	s29 =	sadd.s32 $0x200, s2  }
0x81: {  	[tilespmem:s28], [sflag:$0x1] =	stream.indirect.gather [hbm4b:s1+s21], $0x1, s29, s21, $0xb8;
	[tilespmem:$0xEF00] =	vst v63  }
0x82: {  	s28 =	sadd.s32 $0x3A80, s2;
	s29 =	sadd.s32 $0x280, s2  }
0x83: {  	[tilespmem:s28], [sflag:$0x1] =	stream.indirect.gather [hbm4b:s1+s21], $0x1, s29, s21, $0xb8;
	[tilespmem:$0xEF00] =	vst v63  }
0x84: {  	s28 =	sadd.s32 $0x3B00, s2;
	s29 =	sadd.s32 $0x300, s2  }
0x85: {  	[tilespmem:s28], [sflag:$0x1] =	stream.indirect.gather [hbm4b:s1+s21], $0x1, s29, s21, $0xb8;
	[tilespmem:$0xEF00] =	vst v63  }
0x86: {  	s28 =	sadd.s32 $0x3B80, s2;
	s29 =	sadd.s32 $0x380, s2  }
0x87: {  	[tilespmem:s28], [sflag:$0x1] =	stream.indirect.gather [hbm4b:s1+s21], $0x1, s29, s21, $0xb8;
	[tilespmem:$0xEF00] =	vst v63  }
0x88: {  	s28 =	sadd.s32 $0x3C00, s2;
	s29 =	sadd.s32 $0x400, s2  }
0x89: {  	[tilespmem:s28], [sflag:$0x1] =	stream.indirect.gather [hbm4b:s1+s21], $0x1, s29, s21, $0xb8;
	[tilespmem:$0xEF00] =	vst v63  }
0x8a: {  	s28 =	sadd.s32 $0x3C80, s2;
	s29 =	sadd.s32 $0x480, s2  }
0x8b: {  	[tilespmem:s28], [sflag:$0x1] =	stream.indirect.gather [hbm4b:s1+s21], $0x1, s29, s21, $0xb8;
	[tilespmem:$0xEF00] =	vst v63  }
0x8c: {  	_ =	swait.ge [sflag:s22], $0x80  }
0x8d: {  	[sflag:s22] =	ssyncset.done $0x0  }
0x8e: {  	[sflag:s22] =	ssyncadd.s32 $0xFFFFFF80  }
0x8f: {  	_ =	swait.ge [sflag:s22], $0x80  }
0x90: {  	[sflag:s22] =	ssyncset.done $0x0  }
0x91: {  	[sflag:s22] =	ssyncadd.s32 $0xFFFFFF80  }
0x92: {  	_ =	swait.ge [sflag:s22], $0x80  }
0x93: {  	[sflag:s22] =	ssyncset.done $0x0  }
0x94: {  	[sflag:s22] =	ssyncadd.s32 $0xFFFFFF80  }
0x95: {  	_ =	swait.ge [sflag:s22], $0x80  }
0x96: {  	[sflag:s22] =	ssyncset.done $0x0  }
0x97: {  	[sflag:s22] =	ssyncadd.s32 $0xFFFFFF80  }
0x98: {  	_ =	swait.ge [sflag:s22], $0x80  }
0x99: {  	[sflag:s22] =	ssyncset.done $0x0  }
0x9a: {  	[sflag:s22] =	ssyncadd.s32 $0xFFFFFF80  }
0x9b: {  	_ =	swait.ge [sflag:s22], $0x80  }
0x9c: {  	[sflag:s22] =	ssyncset.done $0x0  }
0x9d: {  	[sflag:s22] =	ssyncadd.s32 $0xFFFFFF80  }
0x9e: {  	_ =	swait.ge [sflag:s22], $0x80  }
0x9f: {  	[sflag:s22] =	ssyncset.done $0x0  }
0xa0: {  	[sflag:s22] =	ssyncadd.s32 $0xFFFFFF80  }
0xa1: {  	_ =	swait.ge [sflag:s22], $0x80  }
0xa2: {  	[sflag:s22] =	ssyncset.done $0x0  }
0xa3: {  	[sflag:s22] =	ssyncadd.s32 $0xFFFFFF80  }
0xa4: {  	_ =	swait.ge [sflag:s22], $0x80  }
0xa5: {  	[sflag:s22] =	ssyncset.done $0x0  }
0xa6: {  	[sflag:s22] =	ssyncadd.s32 $0xFFFFFF80  }
0xa7: {  	_ =	swait.ge [sflag:s22], $0x80  }
0xa8: {  	[sflag:s22] =	ssyncset.done $0x0  }
0xa9: {  	s26 =	simm.s32 $0x3800;
	[sflag:s22] =	ssyncadd.s32 $0xFFFFFF80  }
0xaa: {  	[tilespmem:s23], [sflag:$0x1] =	stream.indirect.gather [hbm4b:s3+s21], $0x80, s26, s21, $0xb8;
	[tilespmem:$0xEF00] =	vst v63  }
0xab: {  	_ =	swait.ge [sflag:s22], $0x4000  }
0xac: {  	[sflag:s22] =	ssyncset.done $0x0  }
0xad: {  	s28 =	sadd.s32 $0xFFFFF800, s19;
	[sflag:s22] =	ssyncadd.s32 $0xFFFFC000  }
0xae: {  	[hbm4b:s28+s4] =	stream.linear.scatter [tilespmem:s23], [sflag:$0x1], $0x4000, $0x38;
	[tilespmem:$0xEF00] =	vst v63  }
0xaf: {  	s29 =	simm.s32 $0x3880  }
0xb0: {  	[tilespmem:s24], [sflag:$0x1] =	stream.indirect.gather [hbm4b:s3+s21], $0x80, s29, s21, $0xb8;
	[tilespmem:$0xEF00] =	vst v63  }
0xb1: {  	_ =	swait.ge [sflag:s22], $0x4000  }
0xb2: {  	[sflag:s22] =	ssyncset.done $0x0  }
0xb3: {  	[sflag:s22] =	ssyncadd.s32 $0xFFFFC000  }
0xb4: {  	[hbm4b:s19+s4] =	stream.linear.scatter [tilespmem:s24], [sflag:$0x1], $0x4000, $0x38;
	[tilespmem:$0xEF00] =	vst v63  }
0xb5: {  	_ =	swait.ge [sflag:s22], $0x4000  }
0xb6: {  	[sflag:s22] =	ssyncset.done $0x0  }
0xb7: {  	[sflag:s22] =	ssyncadd.s32 $0xFFFFC000  }
0xb8: {  	s31 =	simm.s32 $0x800;
	_ =	swait.ge [sflag:s22], $0x4000  }
0xb9: {  	s0 =	sadd.s32 $0x1000, s19;
	s2 =	simm.s32 $0x100;
	[sflag:s22] =	ssyncset.done $0x0  }
.LBB2_4:
0xba: {  	s26 =	sadd.s32 $0x3800, s2  }
0xbb: {  	[sflag:s22] =	ssyncadd.s32 $0xFFFFC000;
	s28 =	smov.u32 s31;
	s29 =	sadd.s32 $0x400, s31  }
0xbc: {  	[tilespmem:s23], [sflag:$0x1] =	stream.indirect.gather [hbm4b:s3+s21], $0x80, s26, s21, $0xb8;
	[tilespmem:$0xEF00] =	vst v63  }
0xbd: {  	p0 =	sne.s32 s31, $0xD800;
	_ =	swait.ge [sflag:s22], $0x4000  }
0xbe: {  	[sflag:s22] =	ssyncset.done $0x0  }
0xbf: {  	s26 =	sadd.s32 $0xFFFFF800, s0;
	[sflag:s22] =	ssyncadd.s32 $0xFFFFC000  }
0xc0: {  	[hbm4b:s26+s4] =	stream.linear.scatter [tilespmem:s23], [sflag:$0x1], $0x4000, $0x38;
	[tilespmem:$0xEF00] =	vst v63  }
0xc1: {  	s2 =	sadd.s32 $0x3880, s2  }
0xc2: {  	[tilespmem:s24], [sflag:$0x1] =	stream.indirect.gather [hbm4b:s3+s21], $0x80, s2, s21, $0xb8;
	[tilespmem:$0xEF00] =	vst v63  }
0xc3: {  	_ =	swait.ge [sflag:s22], $0x4000  }
0xc4: {  	[sflag:s22] =	ssyncset.done $0x0  }
0xc5: {  	[sflag:s22] =	ssyncadd.s32 $0xFFFFC000  }
0xc6: {  	[hbm4b:s0+s4] =	stream.linear.scatter [tilespmem:s24], [sflag:$0x1], $0x4000, $0x38;
	[tilespmem:$0xEF00] =	vst v63  }
.Ltmp1:
0xc7: {  	_ =	swait.ge [sflag:s22], $0x4000;
	(pc) =	sbr.rel @p0 .LBB2_4-.Ltmp1, $4  }
0xc8: {  	[sflag:s22] =	ssyncset.done $0x0  }
0xc9: {  	[sflag:s22] =	ssyncadd.s32 $0xFFFFC000  }
0xca: {  	s31 =	smov.u32 s29;
	_ =	swait.ge [sflag:s22], $0x4000  }
0xcb: {  	s2 =	sshra.s32 s28, $0x2;
	s0 =	sadd.s32 $0x1000, s0;
	[sflag:s22] =	ssyncset.done $0x0  }
0xcc: {  	s26 =	sadd.s32 $0x3800, s2;
	[sflag:s22] =	ssyncadd.s32 $0xFFFFC000  }
0xcd: {  	[tilespmem:s23], [sflag:$0x1] =	stream.indirect.gather [hbm4b:s3+s21], $0x80, s26, s21, $0xb8;
	[tilespmem:$0xEF00] =	vst v63  }
0xce: {  	_ =	swait.ge [sflag:s22], $0x4000  }
0xcf: {  	[sflag:s22] =	ssyncset.done $0x0  }
0xd0: {  	s29 =	sadd.s32 $0xFFFFF800, s0;
	[sflag:s22] =	ssyncadd.s32 $0xFFFFC000  }
0xd1: {  	[hbm4b:s29+s4] =	stream.linear.scatter [tilespmem:s23], [sflag:$0x1], $0x4000, $0x38;
	[tilespmem:$0xEF00] =	vst v63  }
0xd2: {  	s31 =	sadd.s32 $0x3880, s2  }
0xd3: {  	[tilespmem:s24], [sflag:$0x1] =	stream.indirect.gather [hbm4b:s3+s21], $0x80, s31, s21, $0xb8;
	[tilespmem:$0xEF00] =	vst v63  }
0xd4: {  	_ =	swait.ge [sflag:s22], $0x4000  }
0xd5: {  	[sflag:s22] =	ssyncset.done $0x0  }
0xd6: {  	[sflag:s22] =	ssyncadd.s32 $0xFFFFC000  }
0xd7: {  	[hbm4b:s0+s4] =	stream.linear.scatter [tilespmem:s24], [sflag:$0x1], $0x4000, $0x38;
	[tilespmem:$0xEF00] =	vst v63  }
0xd8: {  	_ =	swait.ge [sflag:s22], $0x4000  }
0xd9: {  	[sflag:s22] =	ssyncset.done $0x0  }
0xda: {  	[sflag:s22] =	ssyncadd.s32 $0xFFFFC000  }
0xdb: {  	_ =	swait.ge [sflag:s22], $0x4000  }
0xdc: {  	[sflag:s22] =	ssyncset.done $0x0  }
0xdd: {  	[sflag:s22] =	ssyncadd.s32 $0xFFFFC000  }
0xde: {  	[tilespmem:s25], [sflag:$0x2] =	stream.linear.gather [hbm4b:s6+s4], $0x580, $0x38;
	[tilespmem:$0xEF00] =	vst v63  }
0xdf: {  	_ =	swait.ge [sflag:s20], $0x580  }
0xe0: {  	[sflag:s20] =	ssyncset.done $0x0  }
0xe1: {  	[sflag:s20] =	ssyncadd.s32 $0xFFFFFA80  }
0xe2: {  	[tilespmem:s23], [sflag:$0x1] =	stream.indirect.gather [hbm4b:s3+s21], $0x80, s25, s21, $0xb8;
	[tilespmem:$0xEF00] =	vst v63  }
0xe3: {  	_ =	swait.ge [sflag:s22], $0x4000  }
0xe4: {  	[sflag:s22] =	ssyncset.done $0x0  }
0xe5: {  	[sflag:s22] =	ssyncadd.s32 $0xFFFFC000  }
0xe6: {  	[hbm4b:s8+s4] =	stream.linear.scatter [tilespmem:s23], [sflag:$0x1], $0x4000, $0x38;
	[tilespmem:$0xEF00] =	vst v63  }
0xe7: {  	s2 =	simm.s32 $0x3880  }
0xe8: {  	[tilespmem:s24], [sflag:$0x1] =	stream.indirect.gather [hbm4b:s3+s21], $0x80, s2, s21, $0xb8;
	[tilespmem:$0xEF00] =	vst v63  }
0xe9: {  	_ =	swait.ge [sflag:s22], $0x4000  }
0xea: {  	[sflag:s22] =	ssyncset.done $0x0  }
0xeb: {  	[sflag:s22] =	ssyncadd.s32 $0xFFFFC000  }
0xec: {  	[hbm4b:s10+s4] =	stream.linear.scatter [tilespmem:s24], [sflag:$0x1], $0x4000, $0x38;
	[tilespmem:$0xEF00] =	vst v63  }
0xed: {  	_ =	swait.ge [sflag:s22], $0x4000  }
0xee: {  	[sflag:s22] =	ssyncset.done $0x0  }
0xef: {  	[sflag:s22] =	ssyncadd.s32 $0xFFFFC000  }
0xf0: {  	_ =	swait.ge [sflag:s22], $0x4000  }
0xf1: {  	[sflag:s22] =	ssyncset.done $0x0  }
0xf2: {  	s26 =	simm.s32 $0x3900;
	[sflag:s22] =	ssyncadd.s32 $0xFFFFC000  }
0xf3: {  	[tilespmem:s23], [sflag:$0x1] =	stream.indirect.gather [hbm4b:s3+s21], $0x80, s26, s21, $0xb8;
	[tilespmem:$0xEF00] =	vst v63  }
0xf4: {  	_ =	swait.ge [sflag:s22], $0x4000  }
0xf5: {  	[sflag:s22] =	ssyncset.done $0x0  }
0xf6: {  	[sflag:s22] =	ssyncadd.s32 $0xFFFFC000  }
0xf7: {  	[hbm4b:s11+s4] =	stream.linear.scatter [tilespmem:s23], [sflag:$0x1], $0x4000, $0x38;
	[tilespmem:$0xEF00] =	vst v63  }
0xf8: {  	s28 =	simm.s32 $0x3980  }
0xf9: {  	[tilespmem:s24], [sflag:$0x1] =	stream.indirect.gather [hbm4b:s3+s21], $0x80, s28, s21, $0xb8;
	[tilespmem:$0xEF00] =	vst v63  }
0xfa: {  	_ =	swait.ge [sflag:s22], $0x4000  }
0xfb: {  	[sflag:s22] =	ssyncset.done $0x0  }
0xfc: {  	[sflag:s22] =	ssyncadd.s32 $0xFFFFC000  }
0xfd: {  	[hbm4b:s12+s4] =	stream.linear.scatter [tilespmem:s24], [sflag:$0x1], $0x4000, $0x38;
	[tilespmem:$0xEF00] =	vst v63  }
0xfe: {  	_ =	swait.ge [sflag:s22], $0x4000  }
0xff: {  	[sflag:s22] =	ssyncset.done $0x0  }
0x100: {  	[sflag:s22] =	ssyncadd.s32 $0xFFFFC000  }
0x101: {  	_ =	swait.ge [sflag:s22], $0x4000  }
0x102: {  	[sflag:s22] =	ssyncset.done $0x0  }
0x103: {  	s29 =	simm.s32 $0x3A00;
	[sflag:s22] =	ssyncadd.s32 $0xFFFFC000  }
0x104: {  	[tilespmem:s23], [sflag:$0x1] =	stream.indirect.gather [hbm4b:s3+s21], $0x80, s29, s21, $0xb8;
	[tilespmem:$0xEF00] =	vst v63  }
0x105: {  	_ =	swait.ge [sflag:s22], $0x4000  }
0x106: {  	[sflag:s22] =	ssyncset.done $0x0  }
0x107: {  	[sflag:s22] =	ssyncadd.s32 $0xFFFFC000  }
0x108: {  	[hbm4b:s13+s4] =	stream.linear.scatter [tilespmem:s23], [sflag:$0x1], $0x4000, $0x38;
	[tilespmem:$0xEF00] =	vst v63  }
0x109: {  	s31 =	simm.s32 $0x3A80  }
0x10a: {  	[tilespmem:s24], [sflag:$0x1] =	stream.indirect.gather [hbm4b:s3+s21], $0x80, s31, s21, $0xb8;
	[tilespmem:$0xEF00] =	vst v63  }
0x10b: {  	_ =	swait.ge [sflag:s22], $0x4000  }
0x10c: {  	[sflag:s22] =	ssyncset.done $0x0  }
0x10d: {  	[sflag:s22] =	ssyncadd.s32 $0xFFFFC000  }
0x10e: {  	[hbm4b:s14+s4] =	stream.linear.scatter [tilespmem:s24], [sflag:$0x1], $0x4000, $0x38;
	[tilespmem:$0xEF00] =	vst v63  }
0x10f: {  	_ =	swait.ge [sflag:s22], $0x4000  }
0x110: {  	[sflag:s22] =	ssyncset.done $0x0  }
0x111: {  	[sflag:s22] =	ssyncadd.s32 $0xFFFFC000  }
0x112: {  	_ =	swait.ge [sflag:s22], $0x4000  }
0x113: {  	[sflag:s22] =	ssyncset.done $0x0  }
0x114: {  	s2 =	simm.s32 $0x3B00;
	[sflag:s22] =	ssyncadd.s32 $0xFFFFC000  }
0x115: {  	[tilespmem:s23], [sflag:$0x1] =	stream.indirect.gather [hbm4b:s3+s21], $0x80, s2, s21, $0xb8;
	[tilespmem:$0xEF00] =	vst v63  }
0x116: {  	_ =	swait.ge [sflag:s22], $0x4000  }
0x117: {  	[sflag:s22] =	ssyncset.done $0x0  }
0x118: {  	[sflag:s22] =	ssyncadd.s32 $0xFFFFC000  }
0x119: {  	[hbm4b:s15+s4] =	stream.linear.scatter [tilespmem:s23], [sflag:$0x1], $0x4000, $0x38;
	[tilespmem:$0xEF00] =	vst v63  }
0x11a: {  	s26 =	simm.s32 $0x3B80  }
0x11b: {  	[tilespmem:s24], [sflag:$0x1] =	stream.indirect.gather [hbm4b:s3+s21], $0x80, s26, s21, $0xb8;
	[tilespmem:$0xEF00] =	vst v63  }
0x11c: {  	_ =	swait.ge [sflag:s22], $0x4000  }
0x11d: {  	[sflag:s22] =	ssyncset.done $0x0  }
0x11e: {  	[sflag:s22] =	ssyncadd.s32 $0xFFFFC000  }
0x11f: {  	[hbm4b:s16+s4] =	stream.linear.scatter [tilespmem:s24], [sflag:$0x1], $0x4000, $0x38;
	[tilespmem:$0xEF00] =	vst v63  }
0x120: {  	_ =	swait.ge [sflag:s22], $0x4000  }
0x121: {  	[sflag:s22] =	ssyncset.done $0x0  }
0x122: {  	[sflag:s22] =	ssyncadd.s32 $0xFFFFC000  }
0x123: {  	_ =	swait.ge [sflag:s22], $0x4000  }
0x124: {  	[sflag:s22] =	ssyncset.done $0x0  }
0x125: {  	s28 =	simm.s32 $0x3C00;
	[sflag:s22] =	ssyncadd.s32 $0xFFFFC000  }
0x126: {  	[tilespmem:s23], [sflag:$0x1] =	stream.indirect.gather [hbm4b:s3+s21], $0x80, s28, s21, $0xb8;
	[tilespmem:$0xEF00] =	vst v63  }
0x127: {  	_ =	swait.ge [sflag:s22], $0x4000  }
0x128: {  	[sflag:s22] =	ssyncset.done $0x0  }
0x129: {  	[sflag:s22] =	ssyncadd.s32 $0xFFFFC000  }
0x12a: {  	[hbm4b:s17+s4] =	stream.linear.scatter [tilespmem:s23], [sflag:$0x1], $0x4000, $0x38;
	[tilespmem:$0xEF00] =	vst v63  }
0x12b: {  	s29 =	simm.s32 $0x3C80  }
0x12c: {  	[tilespmem:s24], [sflag:$0x1] =	stream.indirect.gather [hbm4b:s3+s21], $0x80, s29, s21, $0xb8;
	[tilespmem:$0xEF00] =	vst v63  }
0x12d: {  	_ =	swait.ge [sflag:s22], $0x4000  }
0x12e: {  	[sflag:s22] =	ssyncset.done $0x0  }
0x12f: {  	[sflag:s22] =	ssyncadd.s32 $0xFFFFC000  }
0x130: {  	[hbm4b:s18+s4] =	stream.linear.scatter [tilespmem:s24], [sflag:$0x1], $0x4000, $0x38;
	[tilespmem:$0xEF00] =	vst v63  }
0x131: {  	_ =	swait.ge [sflag:s22], $0x4000  }
0x132: {  	[sflag:s22] =	ssyncset.done $0x0  }
0x133: {  	[sflag:s22] =	ssyncadd.s32 $0xFFFFC000  }
0x134: {  	_ =	swait.ge [sflag:s22], $0x4000  }
0x135: {  	[sflag:s22] =	ssyncset.done $0x0  }
0x136: {  	s31 =	simm.s32 $0x3D00;
	[sflag:s22] =	ssyncadd.s32 $0xFFFFC000  }
0x137: {  	[tilespmem:s23], [sflag:$0x1] =	stream.indirect.gather [hbm4b:s3+s21], $0x80, s31, s21, $0xb8;
	[tilespmem:$0xEF00] =	vst v63  }
0x138: {  	s30 =	sadd.s32 $0x1, s30;
	_ =	swait.ge [sflag:s22], $0x4000  }
0x139: {  	p0 =	sne.s32 s30, s9;
	[sflag:s22] =	ssyncset.done $0x0  }
.Ltmp2:
0x13a: {  	[sflag:s22] =	ssyncadd.s32 $0xFFFFC000;
	(pc) =	sbr.rel @p0 .LBB2_1-.Ltmp2, $4  }
0x13b: {  	[hbm4b:s7+s4] =	stream.linear.scatter [tilespmem:s23], [sflag:$0x2], $0x4000, $0x38;
	[tilespmem:$0xEF00] =	vst v63  }
0x13c: {  	_ =	swait.ge [sflag:s20], $0x4000  }
0x13d: {  	[sflag:s20] =	ssyncset.done $0x0  }
0x13e: {  	[sflag:s20] =	ssyncadd.s32 $0xFFFFC000  }
0x13f: {  	_ =	sfence.sel $0x180000  }
0x140: {  	[bflag:$0x0] =	sbarrier.arrive $0xFFFF  }
0x141: {  	_ =	strace $0x90000047  }
0x142: {  	s0 =	stileid.u32;
	[bflag:$0x2] =	sbarrier.arrive $0xFFFF  }
0x143: {  	p0 =	sne.s32 s0, $0x0;
	s0 =	rddreg [dreg:$0x3]  }
0x144: {  	s0 =	sadd.s32 @!p0 $0x100000, s0  }
0x145: {  	[sflag:s0] =	ssyncadd.tile.s32 @!p0 $0x1;
	_ =	shalt  }
.Lfunc_end2:
_tile_overlayer_lowered:
.L_overlay_start_2:
0x146: {  	(tag) =	ssettag $0x2  }
0x147: {  	s0 =	rddreg [dreg:$0x0];
	s2 =	stileid.u32  }
0x148: {  	s1 =	rddreg [dreg:$0x1];
	p0 =	sne.s32 s2, $0x0  }
0x149: {  	s3 =	rddreg [dreg:$0x2];
	[bflag:$0x3] =	sbarrier.arrive $0xFFFF;
	s2 =	simm.s32 @!p0 $0x1C02  }
0x14a: {  	[timem:s3], [sflag:s2] =	dma.local @!p0 [hbm:s0], s1  }
0x14b: {  	s0 =	simm.s32 @!p0 $0x2  }
0x14c: {  	_ =	swait.ge @!p0 [sflag:s0], s1  }
0x14d: {  	s1 =	ssub.s32 @!p0 $0x0, s1;
	[sflag:s0] =	ssyncset.done @!p0 $0x0  }
0x14e: {  	[sflag:s0] =	ssyncadd.s32 @!p0 s1  }
0x14f: {  	[bflag:$0x3] =	sbarrier.arrive $0xFFFF  }
0x150: {  	_ =	shalt  }

// kernel: kernel.9.cloned.1.call-start
scs
__scs_entry_jumppad:
0x0: {  	(pc) =	sbr.rel $0x88, $3  }
0x1: {  	(tag) =	ssettag $0x0;
	lr =	simm.s32 $0x1  }
0x2: {  	[smem:$0x3F95] =	sst lr;
	_ =	strace $0xD0000000  }
0x3: {  	_ = 	snop  }
0x4: {  	_ = 	snop  }
0x5: {  	_ = 	snop  }
0x6: {  	_ = 	snop  }
0x7: {  	_ = 	snop  }
__scs_overlays_trampoline_lowered:
0x8: {  	[smem:$0x3FA4] =	sst s0  }
0x9: {  	[smem:$0x3FA5] =	sst s1  }
0xa: {  	[smem:$0x3FA6] =	sst s2  }
0xb: {  	[smem:$0x3FA7] =	sst s3  }
0xc: {  	[smem:$0x3FA8] =	sst s4  }
0xd: {  	[smem:$0x3FA9] =	sst s5  }
0xe: {  	[smem:$0x3FAA] =	sst s6  }
0xf: {  	[smem:$0x3FAB] =	sst s7  }
0x10: {  	[smem:$0x3FAC] =	sst s8  }
0x11: {  	[smem:$0x3FAD] =	sst s9;
	s0 =	simm.s32 @!p0 $0x0  }
0x12: {  	s1 =	sld [smem:$0x3F93];
	s0 =	simm.s32 @p0 $0x1  }
0x13: {  	[smem:$0x3FAE] =	sst s0;
	s0 =	simm.s32 @!p1 $0x0  }
0x14: {  	s2 =	sld [smem:$0x3F92];
	s0 =	simm.s32 @p1 $0x1  }
0x15: {  	[smem:$0x3FAF] =	sst s0;
	s0 =	simm.s32 @!p2 $0x0  }
0x16: {  	s3 =	sld [smem:$0x3FDB];
	s0 =	simm.s32 @p2 $0x1  }
0x17: {  	s4 =	simm.s32 $0x1BF5;
	[smem:$0x3FB1] =	sst s0  }
0x18: {  	s0 =	sld [smem:$0x3F94];
	_ =	swait.ge [sflag:s4], $0x0  }
0x19: {  	s7 =	sld [smem:$0x3F95]  }
0x1a: {  	s8 =	sadd.s32 $0xFFFFE003, lr  }
0x1b: {  	s9 =	sadd.s32 $0xFFFFFEF7, lr;
	s5 =	simm.s32 $0xFFFFFFFF;
	p2 =	slt.u32 s8, $0xFFFFF086  }
0x1c: {  	p1 =	slt.u32 s9, $0xF7A;
	s5 =	simm.s32 @!p2 $0x0  }
0x1d: {  	s5 =	simm.s32 @p1 $0x1;
	p0 =	seq.s32 s7, s2  }
0x1e: {  	s7 =	smul.u32 @!p0 $0xF7A, s2;
	p2 =	seq.s32 @!p0 s5, $0x0  }
0x1f: {  	s9 =	smul.u32 $0xF7A, s1;
	s8 =	simm.s32 @!p0 $0x1BF5;
	p2 =	por !p2, p0  }
0x20: {  	[sflag:s8] =	ssyncset.s32 @!p0 $0xFFFFF086;
	s6 =	sadd.s32 @!p0 s3, s7;
	s7 =	simm.s32 @!p0 $0x108  }
0x21: {  	s3 =	sadd.s32 s3, s9;
	s6 =	sadd.s32 @!p0 $0x88, s6;
	s7 =	simm.s32 @p2 $0x1082  }
0x22: {  	[simem:s7], [sflag:s8] =	dma.local @!p0 [hbm:s6], $0xF7A  }
0x23: {  	s9 =	sor.u32 $0xD0000000, s2;
	s6 =	simm.s32 $0x108;
	_ =	swait.ge @!p0 [sflag:s8], $0x0  }
0x24: {  	s3 =	sadd.s32 $0x88, s3;
	s6 =	simm.s32 @!p1 $0x1082;
	[sflag:s4] =	ssyncset.s32 $0xFFFFF086  }
0x25: {  	[simem:s6], [sflag:s4] =	dma.local [hbm:s3], $0xF7A  }
0x26: {  	[smem:$0x3F95] =	sst s1;
	(tag) =	ssettag s2;
	_ =	strace s9  }
0x27: {  	s1 =	sld [smem:$0x3FA5]  }
0x28: {  	s2 =	sld [smem:$0x3FA6]  }
0x29: {  	s4 =	sld [smem:$0x3FA8]  }
0x2a: {  	p0 =	seq.s32 s5, $0x0;
	s5 =	sld [smem:$0x3FA9]  }
0x2b: {  	s6 =	sld [smem:$0x3FAA]  }
0x2c: {  	s7 =	sld [smem:$0x3FAB]  }
0x2d: {  	s3 =	simm.s32 $0x108;
	s8 =	sld [smem:$0x3FAC]  }
0x2e: {  	s3 =	simm.s32 @!p0 $0x1082;
	s9 =	sld [smem:$0x3FAD]  }
0x2f: {  	lr =	sadd.s32 s0, s3;
	s0 =	sld [smem:$0x3FA4]  }
0x30: {  	s3 =	sld [smem:$0x3FA7]  }
0x31: {  	[smem:$0x3FB0] =	sst s10  }
0x32: {  	s10 =	sld [smem:$0x3FAE];
	_ =	sdelay $0x3  }
0x33: {  	p0 =	seq.s32 s10, $0x1;
	s10 =	sld [smem:$0x3FB0];
	_ =	sdelay $0x3  }
0x34: {  	[smem:$0x3FB0] =	sst s10  }
0x35: {  	s10 =	sld [smem:$0x3FAF];
	_ =	sdelay $0x3  }
0x36: {  	p1 =	seq.s32 s10, $0x1;
	s10 =	sld [smem:$0x3FB0];
	_ =	sdelay $0x3  }
0x37: {  	[smem:$0x3FB0] =	sst s10  }
0x38: {  	s10 =	sld [smem:$0x3FB1]  }
0x39: {  	_ = 	snop;
	(pc) =	sbr.ind lr, $3  }
0x3a: {  	_ = 	snop  }
0x3b: {  	_ = 	snop  }
0x3c: {  	p2 =	seq.s32 s10, $0x1;
	s10 =	sld [smem:$0x3FB0]  }
0x3d: {  	_ =	shalt  }
0x3e: {  	_ =	shalt  }
0x3f: {  	_ =	shalt  }
0x40: {  	_ =	shalt  }
0x41: {  	_ =	shalt  }
0x42: {  	_ =	shalt  }
0x43: {  	_ =	shalt  }
0x44: {  	_ =	shalt  }
0x45: {  	_ =	shalt  }
0x46: {  	_ =	shalt  }
0x47: {  	_ =	shalt  }
0x48: {  	_ =	shalt  }
0x49: {  	_ =	shalt  }
0x4a: {  	_ =	shalt  }
0x4b: {  	_ =	shalt  }
0x4c: {  	_ =	shalt  }
0x4d: {  	_ =	shalt  }
0x4e: {  	_ =	shalt  }
0x4f: {  	_ =	shalt  }
0x50: {  	_ =	shalt  }
0x51: {  	_ =	shalt  }
0x52: {  	_ =	shalt  }
0x53: {  	_ =	shalt  }
0x54: {  	_ =	shalt  }
0x55: {  	_ =	shalt  }
0x56: {  	_ =	shalt  }
0x57: {  	_ =	shalt  }
0x58: {  	_ =	shalt  }
0x59: {  	_ =	shalt  }
0x5a: {  	_ =	shalt  }
0x5b: {  	_ =	shalt  }
0x5c: {  	_ =	shalt  }
0x5d: {  	_ =	shalt  }
0x5e: {  	_ =	shalt  }
0x5f: {  	_ =	shalt  }
0x60: {  	_ =	shalt  }
0x61: {  	_ =	shalt  }
0x62: {  	_ =	shalt  }
0x63: {  	_ =	shalt  }
0x64: {  	_ =	shalt  }
0x65: {  	_ =	shalt  }
0x66: {  	_ =	shalt  }
0x67: {  	_ =	shalt  }
0x68: {  	_ =	shalt  }
0x69: {  	_ =	shalt  }
0x6a: {  	_ =	shalt  }
0x6b: {  	_ =	shalt  }
0x6c: {  	_ =	shalt  }
0x6d: {  	_ =	shalt  }
0x6e: {  	_ =	shalt  }
0x6f: {  	_ =	shalt  }
0x70: {  	_ =	shalt  }
0x71: {  	_ =	shalt  }
0x72: {  	_ =	shalt  }
0x73: {  	_ =	shalt  }
0x74: {  	_ =	shalt  }
0x75: {  	_ =	shalt  }
0x76: {  	_ =	shalt  }
0x77: {  	_ =	shalt  }
0x78: {  	_ =	shalt  }
0x79: {  	_ =	shalt  }
0x7a: {  	_ =	shalt  }
0x7b: {  	_ =	shalt  }
0x7c: {  	_ =	shalt  }
0x7d: {  	_ =	shalt  }
0x7e: {  	_ =	shalt  }
0x7f: {  	_ =	shalt  }
0x80: {  	_ =	shalt  }
0x81: {  	_ =	shalt  }
0x82: {  	_ =	shalt  }
0x83: {  	_ =	shalt  }
0x84: {  	_ =	shalt  }
0x85: {  	_ =	shalt  }
0x86: {  	_ =	shalt  }
0x87: {  	_ =	shalt  }
.Lfunc_end0:
.L_simem_size_0:
called_computation.5_lowered:
.L_overlay_start_0:
0x88: {  	s2 =	sld [smem:$0x3FD9]  }
0x89: {  	s3 =	sld [smem:$0x3FFE];
	_ =	sdelay $0x1  }
0x8a: {  	s1 =	srdreg.scid  }
0x8b: {  	s0 =	sand.u32 $0x1, s1  }
0x8c: {  	s17 =	sshll.u32 s0, $0xA;
	s2 =	sadd.s32 s3, s2  }
0x8d: {  	s2 =	sadd.s32 s2, s17  }
0x8e: {  	[smem:$0x3FBC] =	sst s2  }
0x8f: {  	_ = 	snop  }
0x90: {  	s2 =	sld [smem:$0x3FD0];
	(tm) =	ssettm $0x1  }
0x91: {  	s18 =	sld [smem:$0x3FFB];
	_ =	sdelay $0x3  }
0x92: {  	_ =	strace s18  }
0x93: {  	s3 =	sld [smem:$0x3FFC];
	_ =	sdelay $0x3  }
0x94: {  	_ =	strace s3  }
0x95: {  	s3 =	sld [smem:$0x3FFD];
	_ =	sdelay $0x3  }
0x96: {  	_ =	strace s3  }
0x97: {  	_ =	strace $0x8FFFFFFF  }
0x98: {  	s19 =	sld [smem:$0x3FDB];
	_ =	sdelay $0x1  }
0x99: {  	s4 =	simm.s32 $_scs_section_size  }
0x9a: {  	s5 =	simm.s32 $_size__tile_overlayer_lowered;
	s6 =	simm.s32 $_tile_overlayer_lowered  }
0x9b: {  	s22 =	simm.s32 $0x1BFF;
	s21 =	sshll.u32 s6, $0x1;
	s3 =	sadd.s32 s4, s19  }
0x9c: {  	s7 =	simm.s32 $0x0;
	s20 =	sshll.u32 s5, $0x1;
	s5 =	sadd.s32 s21, s3  }
0x9d: {  	[timem:s7], [sflag:s22] =	dma.local [hbm:s5], s20  }
0x9e: {  	_ =	swait.ge [sflag:s22], s20  }
0x9f: {  	s4 =	ssub.s32 $0x0, s20;
	[sflag:s22] =	ssyncset.done $0x0  }
0xa0: {  	[sflag:s22] =	ssyncadd.s32 s4;
	_ =	sdelay $0x1  }
0xa1: {  	s23 =	simm.s32 $0x1B8B  }
0xa2: {  	_ =	swait.ge [sflag:s23], $0x1  }
0xa3: {  	[sflag:s23] =	ssyncset.done $0x0  }
0xa4: {  	s25 =	simm.s32 $0x1B8E;
	s24 =	sld [smem:$0x3FFE];
	[sflag:s23] =	ssyncadd.s32 $0xFFFFFFFF  }
0xa5: {  	s26 =	simm.s32 $execute0_lowered;
	[smem:$0x3FD2] =	sst s25  }
0xa6: {  	s5 =	sshll.u32 s26, $0x1;
	_ =	strace $0x8000004F;
	[dreg:$0x1] =	wrdreg $0xFFFFFFFF  }
0xa7: {  	s28 =	simm.s32 $_size_execute0_lowered;
	s3 =	sadd.s32 s3, s5;
	[dreg:$0x0] =	wrdreg $0x0  }
0xa8: {  	s5 =	sshll.u32 s28, $0x1;
	[dreg:$0x2] =	wrdreg s3  }
0xa9: {  	[dreg:$0x3] =	wrdreg s5  }
0xaa: {  	[dreg:$0x4] =	wrdreg $0xC0  }
0xab: {  	_ =	task [dreg:s7], $0x5FFFF  }
0xac: {  	[dreg:$0x1] =	wrdreg $0xFFFFFFFF  }
0xad: {  	[dreg:$0x0] =	wrdreg $0x60  }
0xae: {  	[dreg:$0x2] =	wrdreg s24  }
0xaf: {  	[dreg:$0x3] =	wrdreg s2  }
0xb0: {  	[dreg:$0x4] =	wrdreg $0xA  }
0xb1: {  	_ =	task.clear_ibuf [dreg:s7], $0x5FFFF;
	_ =	strace $0x9000004F  }
0xb2: {  	s29 =	simm.s32 $0xA;
	_ =	strace $0x80000051  }
0xb3: {  	_ =	swait.ge [sflag:s29], $0x1  }
0xb4: {  	[sflag:s29] =	ssyncadd.s32 $0xFFFFFFFF  }
0xb5: {  	_ =	strace $0x90000051  }
0xb6: {  	_ =	sfence  }
0xb7: {  	s30 =	sld [smem:$0x0];
	_ =	sdelay $0x2  }
0xb8: {  	s31 =	sshll.u32 s1, $0xD;
	s1 =	sshrl.u32 s1, $0x2  }
0xb9: {  	s3 =	sand.u32 $0x4000, s31;
	s1 =	sadd.s32 s1, s30  }
0xba: {  	s0 =	sor.u32 s3, s0;
	s1 =	sshll.u32 s1, $0x11  }
0xbb: {  	s0 =	sor.u32 s1, s0  }
0xbc: {  	s0 =	sadd.s32 $0x8F2B, s0  }
0xbd: {  	[sflag:s0] =	ssyncadd.remote.s32 $0x1  }
0xbe: {  	_ =	sfence.sel $0xFFFF  }
0xbf: {  	[dreg:$0x0] =	wrdreg $0xFFFFFFFF;
	(pc) =	sbr.abs _section_cstart, $3  }
0xc0: {  	[dreg:$0x1] =	wrdreg $0xFFFFFFFF  }
0xc1: {  	_ =	task.clear_ibuf [dreg:s7], $0x2FFFF;
	_ =	strace $0x9FFFFFFF  }
0xc2: {  	(tm) =	ssettm $0x7FFFFFFF  }
0xc3: {  	_ =	shalt  }
tec
execute0_lowered:
.L_overlay_start_1:
0x0: {  	(tag) =	ssettag $0x1  }
0x1: {  	s0 =	srdreg.scid;
	s2 =	rddreg [dreg:$0x0]  }
0x2: {  	s8 =	stileid.u32;
	s4 =	rddreg [dreg:$0x1]  }
0x3: {  	s3 =	simm.s32 $0x0;
	s14 =	simm.s32 $0x1000;
	s16 =	simm.s32 $0x1800  }
0x4: {  	s17 =	simm.s32 $0x2000;
	s19 =	simm.s32 $0x2800;
	s20 =	simm.s32 $0x3000  }
0x5: {  	s21 =	simm.s32 $0x3800;
	s22 =	simm.s32 $0x4000;
	[smem:$0x7FF] =	sst s3  }
0x6: {  	s24 =	simm.s32 $0x4800;
	_ =	strace $0x80000050;
	[dreg:$0x5] =	wrdreg s14  }
0x7: {  	s25 =	simm.s32 $0x5000;
	s26 =	simm.s32 $0x5800;
	[dreg:$0x6] =	wrdreg s16  }
0x8: {  	s9 =	simm.s32 $0x6800;
	s10 =	simm.s32 $0x7000;
	[dreg:$0x7] =	wrdreg s17  }
0x9: {  	s28 =	simm.s32 $0xF000;
	s29 =	simm.s32 $0xF800;
	[dreg:$0x8] =	wrdreg s19  }
0xa: {  	s30 =	simm.s32 $0x10000;
	s31 =	simm.s32 $0x0;
	[dreg:$0x9] =	wrdreg s20  }
0xb: {  	s0 =	sand.u32 $0x1, s0;
	s5 =	smul.u32 $0x50000, s8;
	[dreg:$0xa] =	wrdreg s21  }
0xc: {  	s7 =	sadd.s32 $0x160000, s2;
	s11 =	smul.u32 $0xA000, s8;
	[dreg:$0xb] =	wrdreg s22  }
0xd: {  	s18 =	sshll.u32 s8, $0x8;
	s1 =	smul.u32 $0x500000, s0;
	[dreg:$0xc] =	wrdreg s24  }
0xe: {  	s8 =	simm.s32 $0x6000;
	s6 =	smul.u32 $0xA0000, s0;
	[dreg:$0xd] =	wrdreg s25  }
0xf: {  	s13 =	ssub.s32 $0x2, s0;
	s0 =	sshll.u32 s0, $0xC;
	[dreg:$0xe] =	wrdreg s26  }
0x10: {  	s14 =	simm.s32 $0x8800;
	s16 =	simm.s32 $0x9800;
	s17 =	simm.s32 $0xA000  }
0x11: {  	s19 =	simm.s32 $0xB000;
	s20 =	simm.s32 $0xB800;
	s21 =	simm.s32 $0xC000  }
0x12: {  	s22 =	simm.s32 $0xC800;
	s24 =	simm.s32 $0xD800;
	s25 =	simm.s32 $0xE000  }
0x13: {  	s26 =	simm.s32 $0xE800;
	s15 =	sshrl.u32 s13, $0x1;
	s0 =	sor.u32 s18, s0  }
0x14: {  	s18 =	simm.s32 $0xA800;
	s1 =	sadd.s32 s5, s1;
	s6 =	sadd.s32 s6, s7  }
0x15: {  	s0 =	sadd.s32 s4, s0;
	s1 =	sshrl.u32 s1, $0x3;
	s5 =	sadd.s32 s11, s6  }
0x16: {  	[dreg:$0xf] =	wrdreg s0;
	s6 =	simm.s32 $0x2;
	s11 =	simm.s32 $0x7800  }
0x17: {  	s1 =	sadd.s32 s1, s7;
	s12 =	sadd.s32 $0x1000, s5;
	s5 =	ssub.s32 s13, s15  }
0x18: {  	v2 =	vlaneseq.u32;
	s7 =	simm.s32 $0x800;
	s13 =	simm.s32 $0x1;
	[dreg:$0x3] =	wrdreg s1  }
0x19: {  	vm0 =	vmmov $0xffff;
	v1 =	vshrl.u32 v2, $0x3;
	s15 =	simm.s32 $0x9000;
	[dreg:$0x4] =	wrdreg s12;
	s23 =	smax.u32 s5, $0x1  }
0x1a: {  	v0 =	vand.u32 $0x7, v2;
	v2 =	vor.u32 $0x8, v2;
	v1 =	vmul.u32 $0x8, v1;
	s12 =	simm.s32 $0x8000;
	[dreg:$0x10] =	wrdreg s23;
	s23 =	simm.s32 $0xD000  }
.LBB2_1:
0x1b: {  	s0 =	rddreg [dreg:$0xf]  }
0x1c: {  	[tilespmem:s3], [sflag:$0x2] =	stream.linear.gather [hbm4b:s0+s3], $0x500, $0x38;
	[tilespmem:$0x10800] =	vst v63  }
0x1d: {  	_ =	swait.ge [sflag:s6], $0x500  }
0x1e: {  	[sflag:s6] =	ssyncset.done $0x0  }
0x1f: {  	s1 =	simm.s32 $0x80;
	s0 =	simm.s32 $0x0;
	[sflag:s6] =	ssyncadd.s32 $0xFFFFFB00  }
.LBB2_2:
0x20: {  	v3 =	vld [tilespmem:s1+$0xFFFFFF80];
	_ =	sdelay $0x4  }
0x21: {  	v4 =	vshll.u32 v3, $0x1  }
0x22: {  	v3 =	vand.u32 $0x7, v3;
	v4 =	vand.u32 $0xFFFFFFF0, v4  }
0x23: {  	v3 =	vor.u32 v3, v4  }
0x24: {  	v4 =	vperm.xlane v3, v0;
	_ =	sdelay $0x1  }
0x25: {  	v3 =	vperm.xlane v3, v2;
	v4 =	vadd.s32 v1, v4;
	_ =	sdelay $0x1  }
0x26: {  	v3 =	vadd.s32 v1, v3;
	_ =	sdelay $0x2  }
0x27: {  	[tilespmem:s7], [sflag:$0x1] =	stream.indirect_vreg.gather [hbm4b:s2+s3], $0x80, v4, vm0, $0xb8;
	[tilespmem:$0x10800] =	vst v63  }
0x28: {  	s4 =	rddreg [dreg:$0x5]  }
0x29: {  	[tilespmem:s4], [sflag:$0x1] =	stream.indirect_vreg.gather [hbm4b:s2+s3], $0x80, v3, vm0, $0xb8;
	[tilespmem:$0x10800] =	vst v63  }
0x2a: {  	v3 =	vld [tilespmem:s1+$0xFFFFFF90];
	_ =	sdelay $0x4  }
0x2b: {  	v49 =	vshll.u32 v3, $0x1  }
0x2c: {  	v3 =	vand.u32 $0x7, v3;
	v4 =	vand.u32 $0xFFFFFFF0, v49  }
0x2d: {  	v3 =	vor.u32 v3, v4  }
0x2e: {  	v4 =	vperm.xlane v3, v0;
	_ =	sdelay $0x1  }
0x2f: {  	v3 =	vperm.xlane v3, v2;
	v4 =	vadd.s32 v1, v4;
	_ =	sdelay $0x1  }
0x30: {  	v3 =	vadd.s32 v1, v3;
	_ =	sdelay $0x1  }
0x31: {  	s4 =	rddreg [dreg:$0x6]  }
0x32: {  	[tilespmem:s4], [sflag:$0x1] =	stream.indirect_vreg.gather [hbm4b:s2+s3], $0x80, v4, vm0, $0xb8;
	[tilespmem:$0x10800] =	vst v63  }
0x33: {  	s5 =	rddreg [dreg:$0x7]  }
0x34: {  	[tilespmem:s5], [sflag:$0x1] =	stream.indirect_vreg.gather [hbm4b:s2+s3], $0x80, v3, vm0, $0xb8;
	[tilespmem:$0x10800] =	vst v63  }
0x35: {  	v3 =	vld [tilespmem:s1+$0xFFFFFFA0];
	_ =	sdelay $0x4  }
0x36: {  	v50 =	vshll.u32 v3, $0x1  }
0x37: {  	v3 =	vand.u32 $0x7, v3;
	v4 =	vand.u32 $0xFFFFFFF0, v50  }
0x38: {  	v3 =	vor.u32 v3, v4  }
0x39: {  	v4 =	vperm.xlane v3, v0;
	_ =	sdelay $0x1  }
0x3a: {  	v3 =	vperm.xlane v3, v2;
	v4 =	vadd.s32 v1, v4;
	_ =	sdelay $0x1  }
0x3b: {  	v3 =	vadd.s32 v1, v3;
	_ =	sdelay $0x1  }
0x3c: {  	s4 =	rddreg [dreg:$0x8]  }
0x3d: {  	[tilespmem:s4], [sflag:$0x1] =	stream.indirect_vreg.gather [hbm4b:s2+s3], $0x80, v4, vm0, $0xb8;
	[tilespmem:$0x10800] =	vst v63  }
0x3e: {  	s5 =	rddreg [dreg:$0x9]  }
0x3f: {  	[tilespmem:s5], [sflag:$0x1] =	stream.indirect_vreg.gather [hbm4b:s2+s3], $0x80, v3, vm0, $0xb8;
	[tilespmem:$0x10800] =	vst v63  }
0x40: {  	v3 =	vld [tilespmem:s1+$0xFFFFFFB0];
	_ =	sdelay $0x4  }
0x41: {  	v51 =	vshll.u32 v3, $0x1  }
0x42: {  	v3 =	vand.u32 $0x7, v3;
	v4 =	vand.u32 $0xFFFFFFF0, v51  }
0x43: {  	v3 =	vor.u32 v3, v4  }
0x44: {  	v4 =	vperm.xlane v3, v0;
	_ =	sdelay $0x1  }
0x45: {  	v3 =	vperm.xlane v3, v2;
	v4 =	vadd.s32 v1, v4;
	_ =	sdelay $0x1  }
0x46: {  	v3 =	vadd.s32 v1, v3;
	_ =	sdelay $0x1  }
0x47: {  	s4 =	rddreg [dreg:$0xa]  }
0x48: {  	[tilespmem:s4], [sflag:$0x1] =	stream.indirect_vreg.gather [hbm4b:s2+s3], $0x80, v4, vm0, $0xb8;
	[tilespmem:$0x10800] =	vst v63  }
0x49: {  	s5 =	rddreg [dreg:$0xb]  }
0x4a: {  	[tilespmem:s5], [sflag:$0x1] =	stream.indirect_vreg.gather [hbm4b:s2+s3], $0x80, v3, vm0, $0xb8;
	[tilespmem:$0x10800] =	vst v63  }
0x4b: {  	v3 =	vld [tilespmem:s1+$0xFFFFFFC0];
	_ =	sdelay $0x4  }
0x4c: {  	v52 =	vshll.u32 v3, $0x1  }
0x4d: {  	v3 =	vand.u32 $0x7, v3;
	v4 =	vand.u32 $0xFFFFFFF0, v52  }
0x4e: {  	v3 =	vor.u32 v3, v4  }
0x4f: {  	v4 =	vperm.xlane v3, v0;
	_ =	sdelay $0x1  }
0x50: {  	v3 =	vperm.xlane v3, v2;
	v4 =	vadd.s32 v1, v4;
	_ =	sdelay $0x1  }
0x51: {  	v3 =	vadd.s32 v1, v3;
	_ =	sdelay $0x1  }
0x52: {  	s4 =	rddreg [dreg:$0xc]  }
0x53: {  	[tilespmem:s4], [sflag:$0x1] =	stream.indirect_vreg.gather [hbm4b:s2+s3], $0x80, v4, vm0, $0xb8;
	[tilespmem:$0x10800] =	vst v63  }
0x54: {  	s5 =	rddreg [dreg:$0xd]  }
0x55: {  	[tilespmem:s5], [sflag:$0x1] =	stream.indirect_vreg.gather [hbm4b:s2+s3], $0x80, v3, vm0, $0xb8;
	[tilespmem:$0x10800] =	vst v63  }
0x56: {  	v3 =	vld [tilespmem:s1+$0xFFFFFFD0];
	_ =	sdelay $0x4  }
0x57: {  	v53 =	vshll.u32 v3, $0x1  }
0x58: {  	v3 =	vand.u32 $0x7, v3;
	v4 =	vand.u32 $0xFFFFFFF0, v53  }
0x59: {  	v3 =	vor.u32 v3, v4  }
0x5a: {  	v4 =	vperm.xlane v3, v0;
	_ =	sdelay $0x1  }
0x5b: {  	v3 =	vperm.xlane v3, v2;
	v4 =	vadd.s32 v1, v4;
	_ =	sdelay $0x1  }
0x5c: {  	v3 =	vadd.s32 v1, v3;
	_ =	sdelay $0x1  }
0x5d: {  	s5 =	rddreg [dreg:$0xe]  }
0x5e: {  	[tilespmem:s5], [sflag:$0x1] =	stream.indirect_vreg.gather [hbm4b:s2+s3], $0x80, v4, vm0, $0xb8;
	[tilespmem:$0x10800] =	vst v63  }
0x5f: {  	_ = 	snop  }
0x60: {  	[tilespmem:s8], [sflag:$0x1] =	stream.indirect_vreg.gather [hbm4b:s2+s3], $0x80, v3, vm0, $0xb8;
	[tilespmem:$0x10800] =	vst v63  }
0x61: {  	v3 =	vld [tilespmem:s1+$0xFFFFFFE0];
	_ =	sdelay $0x4  }
0x62: {  	v54 =	vshll.u32 v3, $0x1  }
0x63: {  	v3 =	vand.u32 $0x7, v3;
	v4 =	vand.u32 $0xFFFFFFF0, v54  }
0x64: {  	v3 =	vor.u32 v3, v4  }
0x65: {  	v4 =	vperm.xlane v3, v0;
	_ =	sdelay $0x1  }
0x66: {  	v3 =	vperm.xlane v3, v2;
	v4 =	vadd.s32 v1, v4;
	_ =	sdelay $0x1  }
0x67: {  	v3 =	vadd.s32 v1, v3;
	_ =	sdelay $0x2  }
0x68: {  	[tilespmem:s9], [sflag:$0x1] =	stream.indirect_vreg.gather [hbm4b:s2+s3], $0x80, v4, vm0, $0xb8;
	[tilespmem:$0x10800] =	vst v63  }
0x69: {  	_ = 	snop  }
0x6a: {  	[tilespmem:s10], [sflag:$0x1] =	stream.indirect_vreg.gather [hbm4b:s2+s3], $0x80, v3, vm0, $0xb8;
	[tilespmem:$0x10800] =	vst v63  }
0x6b: {  	v3 =	vld [tilespmem:s1+$0xFFFFFFF0];
	_ =	sdelay $0x4  }
0x6c: {  	v55 =	vshll.u32 v3, $0x1  }
0x6d: {  	v3 =	vand.u32 $0x7, v3;
	v4 =	vand.u32 $0xFFFFFFF0, v55  }
0x6e: {  	v3 =	vor.u32 v3, v4  }
0x6f: {  	v4 =	vperm.xlane v3, v0;
	_ =	sdelay $0x1  }
0x70: {  	v3 =	vperm.xlane v3, v2;
	v4 =	vadd.s32 v1, v4;
	_ =	sdelay $0x1  }
0x71: {  	v3 =	vadd.s32 v1, v3;
	_ =	sdelay $0x2  }
0x72: {  	[tilespmem:s11], [sflag:$0x1] =	stream.indirect_vreg.gather [hbm4b:s2+s3], $0x80, v4, vm0, $0xb8;
	[tilespmem:$0x10800] =	vst v63  }
0x73: {  	_ = 	snop  }
0x74: {  	[tilespmem:s12], [sflag:$0x1] =	stream.indirect_vreg.gather [hbm4b:s2+s3], $0x80, v3, vm0, $0xb8;
	[tilespmem:$0x10800] =	vst v63  }
0x75: {  	_ =	swait.ge [sflag:s13], $0x8000  }
0x76: {  	s5 =	rddreg [dreg:$0x3];
	[sflag:s13] =	ssyncset.done $0x0  }
0x77: {  	[sflag:s13] =	ssyncadd.s32 $0xFFFF8000;
	s4 =	sadd.s32 s0, s5  }
0x78: {  	[hbm4b:s4+s3] =	stream.linear.scatter [tilespmem:s7], [sflag:$0x1], $0x8000, $0x38;
	[tilespmem:$0x10800] =	vst v63  }
0x79: {  	v3 =	vld [tilespmem:s1+$0x0];
	_ =	sdelay $0x4  }
0x7a: {  	v56 =	vshll.u32 v3, $0x1  }
0x7b: {  	v3 =	vand.u32 $0x7, v3;
	v4 =	vand.u32 $0xFFFFFFF0, v56  }
0x7c: {  	v3 =	vor.u32 v3, v4  }
0x7d: {  	v4 =	vperm.xlane v3, v0;
	_ =	sdelay $0x1  }
0x7e: {  	v3 =	vperm.xlane v3, v2;
	v4 =	vadd.s32 v1, v4;
	_ =	sdelay $0x1  }
0x7f: {  	v3 =	vadd.s32 v1, v3;
	_ =	sdelay $0x2  }
0x80: {  	[tilespmem:s14], [sflag:$0x1] =	stream.indirect_vreg.gather [hbm4b:s2+s3], $0x80, v4, vm0, $0xb8;
	[tilespmem:$0x10800] =	vst v63  }
0x81: {  	_ = 	snop  }
0x82: {  	[tilespmem:s15], [sflag:$0x1] =	stream.indirect_vreg.gather [hbm4b:s2+s3], $0x80, v3, vm0, $0xb8;
	[tilespmem:$0x10800] =	vst v63  }
0x83: {  	v3 =	vld [tilespmem:s1+$0x10];
	_ =	sdelay $0x4  }
0x84: {  	v57 =	vshll.u32 v3, $0x1  }
0x85: {  	v3 =	vand.u32 $0x7, v3;
	v4 =	vand.u32 $0xFFFFFFF0, v57  }
0x86: {  	v3 =	vor.u32 v3, v4  }
0x87: {  	v4 =	vperm.xlane v3, v0;
	_ =	sdelay $0x1  }
0x88: {  	v3 =	vperm.xlane v3, v2;
	v4 =	vadd.s32 v1, v4;
	_ =	sdelay $0x1  }
0x89: {  	v3 =	vadd.s32 v1, v3;
	_ =	sdelay $0x2  }
0x8a: {  	[tilespmem:s16], [sflag:$0x1] =	stream.indirect_vreg.gather [hbm4b:s2+s3], $0x80, v4, vm0, $0xb8;
	[tilespmem:$0x10800] =	vst v63  }
0x8b: {  	_ = 	snop  }
0x8c: {  	[tilespmem:s17], [sflag:$0x1] =	stream.indirect_vreg.gather [hbm4b:s2+s3], $0x80, v3, vm0, $0xb8;
	[tilespmem:$0x10800] =	vst v63  }
0x8d: {  	v3 =	vld [tilespmem:s1+$0x20];
	_ =	sdelay $0x4  }
0x8e: {  	v58 =	vshll.u32 v3, $0x1  }
0x8f: {  	v3 =	vand.u32 $0x7, v3;
	v4 =	vand.u32 $0xFFFFFFF0, v58  }
0x90: {  	v3 =	vor.u32 v3, v4  }
0x91: {  	v4 =	vperm.xlane v3, v0;
	_ =	sdelay $0x1  }
0x92: {  	v3 =	vperm.xlane v3, v2;
	v4 =	vadd.s32 v1, v4;
	_ =	sdelay $0x1  }
0x93: {  	v3 =	vadd.s32 v1, v3;
	_ =	sdelay $0x2  }
0x94: {  	[tilespmem:s18], [sflag:$0x1] =	stream.indirect_vreg.gather [hbm4b:s2+s3], $0x80, v4, vm0, $0xb8;
	[tilespmem:$0x10800] =	vst v63  }
0x95: {  	_ = 	snop  }
0x96: {  	[tilespmem:s19], [sflag:$0x1] =	stream.indirect_vreg.gather [hbm4b:s2+s3], $0x80, v3, vm0, $0xb8;
	[tilespmem:$0x10800] =	vst v63  }
0x97: {  	v3 =	vld [tilespmem:s1+$0x30];
	_ =	sdelay $0x4  }
0x98: {  	v59 =	vshll.u32 v3, $0x1  }
0x99: {  	v3 =	vand.u32 $0x7, v3;
	v4 =	vand.u32 $0xFFFFFFF0, v59  }
0x9a: {  	v3 =	vor.u32 v3, v4  }
0x9b: {  	v4 =	vperm.xlane v3, v0;
	_ =	sdelay $0x1  }
0x9c: {  	v3 =	vperm.xlane v3, v2;
	v4 =	vadd.s32 v1, v4;
	_ =	sdelay $0x1  }
0x9d: {  	v3 =	vadd.s32 v1, v3;
	_ =	sdelay $0x2  }
0x9e: {  	[tilespmem:s20], [sflag:$0x1] =	stream.indirect_vreg.gather [hbm4b:s2+s3], $0x80, v4, vm0, $0xb8;
	[tilespmem:$0x10800] =	vst v63  }
0x9f: {  	_ = 	snop  }
0xa0: {  	[tilespmem:s21], [sflag:$0x1] =	stream.indirect_vreg.gather [hbm4b:s2+s3], $0x80, v3, vm0, $0xb8;
	[tilespmem:$0x10800] =	vst v63  }
0xa1: {  	v3 =	vld [tilespmem:s1+$0x40];
	_ =	sdelay $0x4  }
0xa2: {  	v60 =	vshll.u32 v3, $0x1  }
0xa3: {  	v3 =	vand.u32 $0x7, v3;
	v4 =	vand.u32 $0xFFFFFFF0, v60  }
0xa4: {  	v3 =	vor.u32 v3, v4  }
0xa5: {  	v4 =	vperm.xlane v3, v0;
	_ =	sdelay $0x1  }
0xa6: {  	v3 =	vperm.xlane v3, v2;
	v4 =	vadd.s32 v1, v4;
	_ =	sdelay $0x1  }
0xa7: {  	v3 =	vadd.s32 v1, v3;
	_ =	sdelay $0x2  }
0xa8: {  	[tilespmem:s22], [sflag:$0x1] =	stream.indirect_vreg.gather [hbm4b:s2+s3], $0x80, v4, vm0, $0xb8;
	[tilespmem:$0x10800] =	vst v63  }
0xa9: {  	_ = 	snop  }
0xaa: {  	[tilespmem:s23], [sflag:$0x1] =	stream.indirect_vreg.gather [hbm4b:s2+s3], $0x80, v3, vm0, $0xb8;
	[tilespmem:$0x10800] =	vst v63  }
0xab: {  	v3 =	vld [tilespmem:s1+$0x50];
	_ =	sdelay $0x4  }
0xac: {  	v61 =	vshll.u32 v3, $0x1  }
0xad: {  	v3 =	vand.u32 $0x7, v3;
	v4 =	vand.u32 $0xFFFFFFF0, v61  }
0xae: {  	v3 =	vor.u32 v3, v4  }
0xaf: {  	v4 =	vperm.xlane v3, v0;
	_ =	sdelay $0x1  }
0xb0: {  	v3 =	vperm.xlane v3, v2;
	v4 =	vadd.s32 v1, v4;
	_ =	sdelay $0x1  }
0xb1: {  	v3 =	vadd.s32 v1, v3;
	_ =	sdelay $0x2  }
0xb2: {  	[tilespmem:s24], [sflag:$0x1] =	stream.indirect_vreg.gather [hbm4b:s2+s3], $0x80, v4, vm0, $0xb8;
	[tilespmem:$0x10800] =	vst v63  }
0xb3: {  	_ = 	snop  }
0xb4: {  	[tilespmem:s25], [sflag:$0x1] =	stream.indirect_vreg.gather [hbm4b:s2+s3], $0x80, v3, vm0, $0xb8;
	[tilespmem:$0x10800] =	vst v63  }
0xb5: {  	v3 =	vld [tilespmem:s1+$0x60];
	_ =	sdelay $0x4  }
0xb6: {  	v62 =	vshll.u32 v3, $0x1  }
0xb7: {  	v3 =	vand.u32 $0x7, v3;
	v4 =	vand.u32 $0xFFFFFFF0, v62  }
0xb8: {  	v3 =	vor.u32 v3, v4  }
0xb9: {  	v4 =	vperm.xlane v3, v0;
	_ =	sdelay $0x1  }
0xba: {  	v3 =	vperm.xlane v3, v2;
	v4 =	vadd.s32 v1, v4;
	_ =	sdelay $0x1  }
0xbb: {  	v3 =	vadd.s32 v1, v3;
	_ =	sdelay $0x2  }
0xbc: {  	[tilespmem:s26], [sflag:$0x1] =	stream.indirect_vreg.gather [hbm4b:s2+s3], $0x80, v4, vm0, $0xb8;
	[tilespmem:$0x10800] =	vst v63  }
0xbd: {  	_ = 	snop  }
0xbe: {  	[tilespmem:s28], [sflag:$0x1] =	stream.indirect_vreg.gather [hbm4b:s2+s3], $0x80, v3, vm0, $0xb8;
	[tilespmem:$0x10800] =	vst v63  }
0xbf: {  	v3 =	vld [tilespmem:s1+$0x70];
	_ =	sdelay $0x4  }
0xc0: {  	v63 =	vshll.u32 v3, $0x1  }
0xc1: {  	v3 =	vand.u32 $0x7, v3;
	v4 =	vand.u32 $0xFFFFFFF0, v63  }
0xc2: {  	v3 =	vor.u32 v3, v4  }
0xc3: {  	v4 =	vperm.xlane v3, v0;
	_ =	sdelay $0x1  }
0xc4: {  	v3 =	vperm.xlane v3, v2;
	v4 =	vadd.s32 v1, v4;
	_ =	sdelay $0x1  }
0xc5: {  	v3 =	vadd.s32 v1, v3;
	_ =	sdelay $0x2  }
0xc6: {  	[tilespmem:s29], [sflag:$0x1] =	stream.indirect_vreg.gather [hbm4b:s2+s3], $0x80, v4, vm0, $0xb8;
	[tilespmem:$0x10800] =	vst v63  }
0xc7: {  	_ = 	snop  }
0xc8: {  	[tilespmem:s30], [sflag:$0x1] =	stream.indirect_vreg.gather [hbm4b:s2+s3], $0x80, v3, vm0, $0xb8;
	[tilespmem:$0x10800] =	vst v63  }
0xc9: {  	_ =	swait.ge [sflag:s13], $0x8000  }
0xca: {  	s5 =	rddreg [dreg:$0x4];
	[sflag:s13] =	ssyncset.done $0x0  }
0xcb: {  	[sflag:s13] =	ssyncadd.s32 $0xFFFF8000;
	s4 =	sadd.s32 s0, s5  }
0xcc: {  	[hbm4b:s4+s3] =	stream.linear.scatter [tilespmem:s14], [sflag:$0x1], $0x8000, $0x38;
	[tilespmem:$0x10800] =	vst v63  }
0xcd: {  	p0 =	sne.s32 s0, $0x8000;
	_ =	swait.ge [sflag:s13], $0x8000  }
.Ltmp0:
0xce: {  	[sflag:s13] =	ssyncset.done $0x0;
	(pc) =	sbr.rel @p0 .LBB2_2-.Ltmp0, $4  }
0xcf: {  	[sflag:s13] =	ssyncadd.s32 $0xFFFF8000  }
0xd0: {  	_ =	swait.ge [sflag:s13], $0x8000  }
0xd1: {  	[sflag:s13] =	ssyncset.done $0x0  }
0xd2: {  	s1 =	sadd.s32 $0x100, s1;
	s0 =	sadd.s32 $0x2000, s0;
	[sflag:s13] =	ssyncadd.s32 $0xFFFF8000  }
0xd3: {  	s31 =	sadd.s32 $0x1, s31;
	s0 =	rddreg [dreg:$0x10]  }
0xd4: {  	p0 =	sne.s32 s31, s0  }
.Ltmp1:
0xd5: {  	_ = 	snop;
	(pc) =	sbr.rel @p0 .LBB2_1-.Ltmp1, $1  }
0xd6: {  	_ =	sdelay $0x3  }
0xd7: {  	_ =	sfence.sel $0x180000  }
0xd8: {  	[bflag:$0x0] =	sbarrier.arrive $0xFFFF  }
0xd9: {  	_ =	strace $0x90000050  }
0xda: {  	s0 =	stileid.u32;
	[bflag:$0x2] =	sbarrier.arrive $0xFFFF  }
0xdb: {  	p0 =	sne.s32 s0, $0x0;
	s0 =	rddreg [dreg:$0x2]  }
0xdc: {  	s0 =	sadd.s32 @!p0 $0x100000, s0  }
0xdd: {  	[sflag:s0] =	ssyncadd.tile.s32 @!p0 $0x1;
	_ =	shalt  }
.Lfunc_end2:
_tile_overlayer_lowered:
.L_overlay_start_2:
0xde: {  	(tag) =	ssettag $0x2  }
0xdf: {  	s0 =	rddreg [dreg:$0x0];
	s2 =	stileid.u32  }
0xe0: {  	s1 =	rddreg [dreg:$0x1];
	p0 =	sne.s32 s2, $0x0  }
0xe1: {  	s3 =	rddreg [dreg:$0x2];
	[bflag:$0x3] =	sbarrier.arrive $0xFFFF;
	s2 =	simm.s32 @!p0 $0x1C02  }
0xe2: {  	[timem:s3], [sflag:s2] =	dma.local @!p0 [hbm:s0], s1  }
0xe3: {  	s0 =	simm.s32 @!p0 $0x2  }
0xe4: {  	_ =	swait.ge @!p0 [sflag:s0], s1  }
0xe5: {  	s1 =	ssub.s32 @!p0 $0x0, s1;
	[sflag:s0] =	ssyncset.done @!p0 $0x0  }
0xe6: {  	[sflag:s0] =	ssyncadd.s32 @!p0 s1  }
0xe7: {  	[bflag:$0x3] =	sbarrier.arrive $0xFFFF  }
0xe8: {  	_ =	shalt  }

// kernel: scatter_offload_async_start.1
scs
__scs_entry_jumppad:
0x0: {  	(pc) =	sbr.rel $0x88, $3  }
0x1: {  	(tag) =	ssettag $0x0;
	lr =	simm.s32 $0x1  }
0x2: {  	[smem:$0x3F95] =	sst lr;
	_ =	strace $0xD0000000  }
0x3: {  	_ = 	snop  }
0x4: {  	_ = 	snop  }
0x5: {  	_ = 	snop  }
0x6: {  	_ = 	snop  }
0x7: {  	_ = 	snop  }
__scs_overlays_trampoline_lowered:
0x8: {  	[smem:$0x3FA4] =	sst s0  }
0x9: {  	[smem:$0x3FA5] =	sst s1  }
0xa: {  	[smem:$0x3FA6] =	sst s2  }
0xb: {  	[smem:$0x3FA7] =	sst s3  }
0xc: {  	[smem:$0x3FA8] =	sst s4  }
0xd: {  	[smem:$0x3FA9] =	sst s5  }
0xe: {  	[smem:$0x3FAA] =	sst s6  }
0xf: {  	[smem:$0x3FAB] =	sst s7  }
0x10: {  	[smem:$0x3FAC] =	sst s8  }
0x11: {  	[smem:$0x3FAD] =	sst s9;
	s0 =	simm.s32 @!p0 $0x0  }
0x12: {  	s1 =	sld [smem:$0x3F93];
	s0 =	simm.s32 @p0 $0x1  }
0x13: {  	[smem:$0x3FAE] =	sst s0;
	s0 =	simm.s32 @!p1 $0x0  }
0x14: {  	s2 =	sld [smem:$0x3F92];
	s0 =	simm.s32 @p1 $0x1  }
0x15: {  	[smem:$0x3FAF] =	sst s0;
	s0 =	simm.s32 @!p2 $0x0  }
0x16: {  	s3 =	sld [smem:$0x3FDB];
	s0 =	simm.s32 @p2 $0x1  }
0x17: {  	s4 =	simm.s32 $0x1BF5;
	[smem:$0x3FB1] =	sst s0  }
0x18: {  	s0 =	sld [smem:$0x3F94];
	_ =	swait.ge [sflag:s4], $0x0  }
0x19: {  	s7 =	sld [smem:$0x3F95]  }
0x1a: {  	s8 =	sadd.s32 $0xFFFFE003, lr  }
0x1b: {  	s9 =	sadd.s32 $0xFFFFFEF7, lr;
	s5 =	simm.s32 $0xFFFFFFFF;
	p2 =	slt.u32 s8, $0xFFFFF086  }
0x1c: {  	p1 =	slt.u32 s9, $0xF7A;
	s5 =	simm.s32 @!p2 $0x0  }
0x1d: {  	s5 =	simm.s32 @p1 $0x1;
	p0 =	seq.s32 s7, s2  }
0x1e: {  	s7 =	smul.u32 @!p0 $0xF7A, s2;
	p2 =	seq.s32 @!p0 s5, $0x0  }
0x1f: {  	s9 =	smul.u32 $0xF7A, s1;
	s8 =	simm.s32 @!p0 $0x1BF5;
	p2 =	por !p2, p0  }
0x20: {  	[sflag:s8] =	ssyncset.s32 @!p0 $0xFFFFF086;
	s6 =	sadd.s32 @!p0 s3, s7;
	s7 =	simm.s32 @!p0 $0x108  }
0x21: {  	s3 =	sadd.s32 s3, s9;
	s6 =	sadd.s32 @!p0 $0x88, s6;
	s7 =	simm.s32 @p2 $0x1082  }
0x22: {  	[simem:s7], [sflag:s8] =	dma.local @!p0 [hbm:s6], $0xF7A  }
0x23: {  	s9 =	sor.u32 $0xD0000000, s2;
	s6 =	simm.s32 $0x108;
	_ =	swait.ge @!p0 [sflag:s8], $0x0  }
0x24: {  	s3 =	sadd.s32 $0x88, s3;
	s6 =	simm.s32 @!p1 $0x1082;
	[sflag:s4] =	ssyncset.s32 $0xFFFFF086  }
0x25: {  	[simem:s6], [sflag:s4] =	dma.local [hbm:s3], $0xF7A  }
0x26: {  	[smem:$0x3F95] =	sst s1;
	(tag) =	ssettag s2;
	_ =	strace s9  }
0x27: {  	s1 =	sld [smem:$0x3FA5]  }
0x28: {  	s2 =	sld [smem:$0x3FA6]  }
0x29: {  	s4 =	sld [smem:$0x3FA8]  }
0x2a: {  	p0 =	seq.s32 s5, $0x0;
	s5 =	sld [smem:$0x3FA9]  }
0x2b: {  	s6 =	sld [smem:$0x3FAA]  }
0x2c: {  	s7 =	sld [smem:$0x3FAB]  }
0x2d: {  	s3 =	simm.s32 $0x108;
	s8 =	sld [smem:$0x3FAC]  }
0x2e: {  	s3 =	simm.s32 @!p0 $0x1082;
	s9 =	sld [smem:$0x3FAD]  }
0x2f: {  	lr =	sadd.s32 s0, s3;
	s0 =	sld [smem:$0x3FA4]  }
0x30: {  	s3 =	sld [smem:$0x3FA7]  }
0x31: {  	[smem:$0x3FB0] =	sst s10  }
0x32: {  	s10 =	sld [smem:$0x3FAE];
	_ =	sdelay $0x3  }
0x33: {  	p0 =	seq.s32 s10, $0x1;
	s10 =	sld [smem:$0x3FB0];
	_ =	sdelay $0x3  }
0x34: {  	[smem:$0x3FB0] =	sst s10  }
0x35: {  	s10 =	sld [smem:$0x3FAF];
	_ =	sdelay $0x3  }
0x36: {  	p1 =	seq.s32 s10, $0x1;
	s10 =	sld [smem:$0x3FB0];
	_ =	sdelay $0x3  }
0x37: {  	[smem:$0x3FB0] =	sst s10  }
0x38: {  	s10 =	sld [smem:$0x3FB1]  }
0x39: {  	_ = 	snop;
	(pc) =	sbr.ind lr, $3  }
0x3a: {  	_ = 	snop  }
0x3b: {  	_ = 	snop  }
0x3c: {  	p2 =	seq.s32 s10, $0x1;
	s10 =	sld [smem:$0x3FB0]  }
0x3d: {  	_ =	shalt  }
0x3e: {  	_ =	shalt  }
0x3f: {  	_ =	shalt  }
0x40: {  	_ =	shalt  }
0x41: {  	_ =	shalt  }
0x42: {  	_ =	shalt  }
0x43: {  	_ =	shalt  }
0x44: {  	_ =	shalt  }
0x45: {  	_ =	shalt  }
0x46: {  	_ =	shalt  }
0x47: {  	_ =	shalt  }
0x48: {  	_ =	shalt  }
0x49: {  	_ =	shalt  }
0x4a: {  	_ =	shalt  }
0x4b: {  	_ =	shalt  }
0x4c: {  	_ =	shalt  }
0x4d: {  	_ =	shalt  }
0x4e: {  	_ =	shalt  }
0x4f: {  	_ =	shalt  }
0x50: {  	_ =	shalt  }
0x51: {  	_ =	shalt  }
0x52: {  	_ =	shalt  }
0x53: {  	_ =	shalt  }
0x54: {  	_ =	shalt  }
0x55: {  	_ =	shalt  }
0x56: {  	_ =	shalt  }
0x57: {  	_ =	shalt  }
0x58: {  	_ =	shalt  }
0x59: {  	_ =	shalt  }
0x5a: {  	_ =	shalt  }
0x5b: {  	_ =	shalt  }
0x5c: {  	_ =	shalt  }
0x5d: {  	_ =	shalt  }
0x5e: {  	_ =	shalt  }
0x5f: {  	_ =	shalt  }
0x60: {  	_ =	shalt  }
0x61: {  	_ =	shalt  }
0x62: {  	_ =	shalt  }
0x63: {  	_ =	shalt  }
0x64: {  	_ =	shalt  }
0x65: {  	_ =	shalt  }
0x66: {  	_ =	shalt  }
0x67: {  	_ =	shalt  }
0x68: {  	_ =	shalt  }
0x69: {  	_ =	shalt  }
0x6a: {  	_ =	shalt  }
0x6b: {  	_ =	shalt  }
0x6c: {  	_ =	shalt  }
0x6d: {  	_ =	shalt  }
0x6e: {  	_ =	shalt  }
0x6f: {  	_ =	shalt  }
0x70: {  	_ =	shalt  }
0x71: {  	_ =	shalt  }
0x72: {  	_ =	shalt  }
0x73: {  	_ =	shalt  }
0x74: {  	_ =	shalt  }
0x75: {  	_ =	shalt  }
0x76: {  	_ =	shalt  }
0x77: {  	_ =	shalt  }
0x78: {  	_ =	shalt  }
0x79: {  	_ =	shalt  }
0x7a: {  	_ =	shalt  }
0x7b: {  	_ =	shalt  }
0x7c: {  	_ =	shalt  }
0x7d: {  	_ =	shalt  }
0x7e: {  	_ =	shalt  }
0x7f: {  	_ =	shalt  }
0x80: {  	_ =	shalt  }
0x81: {  	_ =	shalt  }
0x82: {  	_ =	shalt  }
0x83: {  	_ =	shalt  }
0x84: {  	_ =	shalt  }
0x85: {  	_ =	shalt  }
0x86: {  	_ =	shalt  }
0x87: {  	_ =	shalt  }
.Lfunc_end0:
.L_simem_size_0:
called_computation.1_lowered:
.L_overlay_start_0:
0x88: {  	s0 =	sld [smem:$0x3FD9]  }
0x89: {  	s1 =	sld [smem:$0x3FFE];
	_ =	sdelay $0x3  }
0x8a: {  	s0 =	sadd.s32 s1, s0  }
0x8b: {  	[smem:$0x3FBC] =	sst s0  }
0x8c: {  	_ = 	snop  }
0x8d: {  	(tm) =	ssettm $0x1  }
0x8e: {  	s15 =	sld [smem:$0x3FFB];
	_ =	sdelay $0x3  }
0x8f: {  	_ =	strace s15  }
0x90: {  	s0 =	sld [smem:$0x3FFC];
	_ =	sdelay $0x3  }
0x91: {  	_ =	strace s0  }
0x92: {  	s0 =	sld [smem:$0x3FFD];
	_ =	sdelay $0x3  }
0x93: {  	_ =	strace s0  }
0x94: {  	_ =	strace $0x8FFFFFFF  }
0x95: {  	s16 =	sld [smem:$0x3FDB];
	_ =	sdelay $0x1  }
0x96: {  	s17 =	simm.s32 $_scs_section_size  }
0x97: {  	s2 =	simm.s32 $_size__tile_overlayer_lowered;
	s3 =	simm.s32 $_tile_overlayer_lowered  }
0x98: {  	s20 =	simm.s32 $0x1BFF;
	s19 =	sshll.u32 s3, $0x1;
	s0 =	sadd.s32 s17, s16  }
0x99: {  	s4 =	simm.s32 $0x0;
	s18 =	sshll.u32 s2, $0x1;
	s2 =	sadd.s32 s19, s0  }
0x9a: {  	[timem:s4], [sflag:s20] =	dma.local [hbm:s2], s18  }
0x9b: {  	_ =	swait.ge [sflag:s20], s18  }
0x9c: {  	s1 =	ssub.s32 $0x0, s18;
	[sflag:s20] =	ssyncset.done $0x0  }
0x9d: {  	[sflag:s20] =	ssyncadd.s32 s1;
	_ =	sdelay $0x1  }
0x9e: {  	s21 =	simm.s32 $0x1B8B  }
0x9f: {  	_ =	swait.ge [sflag:s21], $0x1  }
0xa0: {  	[sflag:s21] =	ssyncset.done $0x0  }
0xa1: {  	s23 =	simm.s32 $0x1B8E;
	s22 =	sld [smem:$0x3FFE];
	[sflag:s21] =	ssyncadd.s32 $0xFFFFFFFF  }
0xa2: {  	s24 =	simm.s32 $execute0_lowered;
	[smem:$0x3FD2] =	sst s23  }
0xa3: {  	s2 =	sshll.u32 s24, $0x1;
	_ =	strace $0x80000049;
	[dreg:$0x1] =	wrdreg $0xFFFFFFFF  }
0xa4: {  	s25 =	simm.s32 $_size_execute0_lowered;
	s0 =	sadd.s32 s0, s2;
	[dreg:$0x0] =	wrdreg $0x0  }
0xa5: {  	s2 =	sshll.u32 s25, $0x1;
	[dreg:$0x2] =	wrdreg s0  }
0xa6: {  	[dreg:$0x3] =	wrdreg s2  }
0xa7: {  	[dreg:$0x4] =	wrdreg $0xC0  }
0xa8: {  	_ =	task [dreg:s4], $0x5FFFF  }
0xa9: {  	[dreg:$0x1] =	wrdreg $0xFFFFFFFF  }
0xaa: {  	[dreg:$0x0] =	wrdreg $0x60  }
0xab: {  	[dreg:$0x2] =	wrdreg s22  }
0xac: {  	[dreg:$0x3] =	wrdreg $0x9  }
0xad: {  	_ =	task.clear_ibuf [dreg:s4], $0x4FFFF;
	_ =	strace $0x90000049  }
0xae: {  	s26 =	simm.s32 $0x9;
	_ =	strace $0x8000004B  }
0xaf: {  	_ =	swait.ge [sflag:s26], $0x1  }
0xb0: {  	[sflag:s26] =	ssyncadd.s32 $0xFFFFFFFF  }
0xb1: {  	_ =	strace $0x9000004B  }
0xb2: {  	_ =	sfence  }
0xb3: {  	s28 =	sld [smem:$0x0];
	_ =	sdelay $0x1  }
0xb4: {  	s29 =	srdreg.scid  }
0xb5: {  	s30 =	sshll.u32 s29, $0xD;
	s31 =	sshrl.u32 s29, $0x2  }
0xb6: {  	s1 =	sand.u32 $0x1, s29;
	s2 =	sand.u32 $0x4000, s30;
	s0 =	sadd.s32 s31, s28  }
0xb7: {  	s1 =	sor.u32 s2, s1;
	s0 =	sshll.u32 s0, $0x11  }
0xb8: {  	s0 =	sor.u32 s0, s1  }
0xb9: {  	s0 =	sadd.s32 $0x8F2B, s0  }
0xba: {  	[sflag:s0] =	ssyncadd.remote.s32 $0x1  }
0xbb: {  	_ =	sfence.sel $0xFFFF  }
0xbc: {  	[dreg:$0x0] =	wrdreg $0xFFFFFFFF;
	(pc) =	sbr.abs _section_cstart, $3  }
0xbd: {  	[dreg:$0x1] =	wrdreg $0xFFFFFFFF  }
0xbe: {  	_ =	task.clear_ibuf [dreg:s4], $0x2FFFF;
	_ =	strace $0x9FFFFFFF  }
0xbf: {  	(tm) =	ssettm $0x7FFFFFFF  }
tec
execute0_lowered:
.L_overlay_start_1:
0x0: {  	(tag) =	ssettag $0x1  }
0x1: {  	s0 =	rddreg [dreg:$0x0];
	_ =	strace $0x8000004A;
	s1 =	simm.s32 $0x1  }
0x2: {  	v1 =	vimm.s32 $0xFFFFFFFF;
	[sflag:s1] =	ssyncpa.u1 $0x0  }
0x3: {  	[tilespmem:$0x10] =	vst v1  }
0x4: {  	v0 =	vimm.f32 $0.0e+00;
	s6 =	stileid.u32;
	s29 =	simm.s32 $0x2;
	s7 =	simm.s32 $0x7;
	[tilespmem:$0x20] =	vst v1  }
0x5: {  	s8 =	simm.s32 $0x8;
	s30 =	simm.s32 $0x9;
	s16 =	simm.s32 $0x0;
	[tilespmem:$0x30] =	vst v0  }
0x6: {  	s17 =	simm.s32 $0xFFFFE000;
	s18 =	simm.s32 $0xF0;
	s19 =	simm.s32 $0xFFFFFFFF;
	[tilespmem:$0x40] =	vst v0  }
0x7: {  	s20 =	simm.s32 $0xFFFFC100;
	s21 =	simm.s32 $0xFFFFFFFE;
	s28 =	smul.u32 $0x3, s6;
	[tilespmem:$0x50] =	vst v0  }
0x8: {  	s22 =	simm.s32 $0xF;
	s26 =	simm.s32 $0x0;
	s2 =	smin.u32 s6, $0x7;
	[tilespmem:$0x60] =	vst v1  }
0x9: {  	p0 =	slt.u32 s6, $0x7;
	[tilespmem:$0x70] =	vst v1;
	s1 =	sadd.s32 s2, s28;
	s2 =	simm.s32 $0x8000  }
0xa: {  	s25 =	simm.s32 $0x0;
	[tilespmem:$0x80] =	vst v1;
	s3 =	sshll.u32 s1, $0xD;
	s2 =	simm.s32 @!p0 $0x6000  }
0xb: {  	s4 =	sadd.s32 $0x7B9800, s0;
	s11 =	sshll.u32 s6, $0x1;
	v1 =	vimm.s32 $0x0;
	[tilespmem:$0xB0] =	vst v0;
	s2 =	sadd.s32 s2, s3  }
0xc: {  	s14 =	sshllo.u32 s6, $0x1;
	s13 =	sor.u32 $0x81, s11;
	[tilespmem:$0x90] =	vst v1;
	s5 =	smin.u32 s2, $0x6E000  }
0xd: {  	s15 =	sor.u32 $0x80, s11;
	[tilespmem:$0xA0] =	vst v1;
	[sflag:s29] =	ssyncpa.u1 $0x0;
	s2 =	ssub.s32 s5, s3  }
.Ltmp0:
0xe: {  	s1 =	sadd.s32 $0x7D5000, s0;
	p0 =	sgt.s32 s2, $0x0;
	(pc) =	sbr.rel .LBB2_1-.Ltmp0, $4  }
0xf: {  	s0 =	sadd.s32 $0x7C7400, s0;
	[sflag:s7] =	ssyncpa.u1 $0x0;
	s2 =	simm.s32 @!p0 $0x0  }
0x10: {  	[dreg:$0x2] =	wrdreg s0;
	[sflag:s8] =	ssyncpa.u1 $0x0;
	s9 =	sshrl.u32 s2, $0xD  }
0x11: {  	vm0 =	vmmov $0xffff;
	v2 =	vlaneseq.u32;
	s24 =	smov.u32 s3;
	[sflag:s30] =	ssyncpa.u1 $0x0;
	s31 =	sadd.s32 $0x1, s9  }
0x12: {  	vm1 =	vmxor vm1, vm1;
	vm2 =	vmmov $0x1;
	vm3 =	vcmask $0x3F3C;
	p0 =	por $0x0, $0x0;
	s12 =	sadd.s32 $0x2, s9;
	[dreg:$0x3] =	wrdreg s31  }
.LBB2_9:
0x13: {  	p1 =	slt.u32 s25, $0x3  }
0x14: {  	s0 =	simm.s32 @!p1 $0x2  }
0x15: {  	_ =	swait.ge @!p1 [sflag:s0], $0x2000  }
0x16: {  	[sflag:s0] =	ssyncset.done @!p1 $0x0  }
0x17: {  	[sflag:s0] =	ssyncadd.s32 @!p1 $0xFFFFE000;
	s0 =	simm.s32 @!p1 $0x9  }
0x18: {  	_ =	swait.ge @!p1 [sflag:s0], $0x10  }
0x19: {  	s2 =	sadd.s32 $0x2000, s24;
	[sflag:s0] =	ssyncset.done @!p1 $0x0  }
0x1a: {  	[sflag:s0] =	ssyncadd.s32 @!p1 $0xFFFFFFF0;
	p1 =	slt.s32 s2, s5;
	s0 =	smov.u32 s3  }
0x1b: {  	s0 =	smov.u32 @p1 s2;
	p1 =	sne.s32 s25, s12  }
.Ltmp1:
0x1c: {  	_ = 	snop;
	(pc) =	sbr.rel @!p1 .LBB2_10-.Ltmp1, $4  }
0x1d: {  	s31 =	sadd.s32 $0x1, s25  }
0x1e: {  	s17 =	sadd.s32 $0x2000, s17;
	s18 =	sadd.s32 $0x2000, s18;
	s19 =	sadd.s32 $0x1, s19  }
0x1f: {  	s26 =	smov.u32 s24;
	p0 =	por !p0, !p0;
	s20 =	sadd.s32 $0x2000, s20  }
0x20: {  	s21 =	sadd.s32 $0x1, s21;
	s25 =	smov.u32 s31;
	s24 =	smov.u32 s0  }
.LBB2_1:
0x21: {  	p1 =	sge.u32 s25, s9  }
0x22: {  	s0 =	smulhi.u32 @!p1 $0xAAAAAAAB, s25;
	_ =	sdelay $0x1  }
0x23: {  	s0 =	sshrl.u32 @!p1 s0, $0x1  }
0x24: {  	s0 =	smul.u32 @!p1 $0x3, s0;
	_ =	sdelay $0x1  }
0x25: {  	s0 =	ssub.s32 @!p1 s25, s0  }
0x26: {  	s2 =	sshrl.u32 @!p1 s24, $0x3;
	s0 =	sshll.u32 @!p1 s0, $0xD  }
0x27: {  	s6 =	sand.u32 @!p1 $0x7, s24;
	s2 =	sadd.s32 @!p1 s4, s2;
	s0 =	sor.u32 @!p1 $0x100, s0  }
0x28: {  	[tilespmem:s0], [sflag:$0x7] =	stream.linear.gather @!p1 [hbm4b:s2+s6], $0x2000, $0x38;
	[tilespmem:$0x12120] =	vst v63  }
0x29: {  	s2 =	sadd.s32 $0xFFFFFFFF, s25  }
0x2a: {  	p1 =	sge.u32 s2, s9  }
.Ltmp2:
0x2b: {  	_ = 	snop;
	(pc) =	sbr.rel @p1 .LBB2_5-.Ltmp2, $1  }
0x2c: {  	_ =	sdelay $0x3  }
0x2d: {  	s0 =	smulhi.u32 $0xAAAAAAAB, s2;
	_ =	sdelay $0x1  }
0x2e: {  	s0 =	sshrl.u32 s0, $0x1  }
0x2f: {  	s0 =	smul.u32 $0x3, s0;
	_ =	sdelay $0x1  }
0x30: {  	s0 =	ssub.s32 s2, s0  }
0x31: {  	_ =	swait.ge [sflag:s7], $0x2000;
	s0 =	sshll.u32 s0, $0xD  }
0x32: {  	[sflag:s7] =	ssyncset.done $0x0;
	s0 =	sor.u32 $0x100, s0  }
0x33: {  	[sflag:s7] =	ssyncadd.s32 $0xFFFFE000;
	(ifvalue) =	ssetifvalue $0xFFFFFFFF;
	v3 =	vld.msk [tilespmem:s0+$0x0 ss:$0x1], $0xffff;
	_ =	sdelay $0x2  }
0x34: {  	s29 =	smulhi.u32 $0xAAAAAAAB, s19;
	p1 =	sne.s32 s25, $0x1  }
0x35: {  	v4 =	vimm.s32 @!p1 $0x0  }
0x36: {  	s0 =	sshrl.u32 s29, $0x1;
	v4 =	vperm.xlane @!p1 v3, v4  }
0x37: {  	s6 =	sshll.u32 s25, $0x4;
	s0 =	smul.u32 $0xFFFE8000, s0;
	vm4 =	vlt.u32 v3, $0xB000  }
0x38: {  	s6 =	sand.u32 $0x10, s6;
	v3 =	vnsel vm4, $0xFFFFFFFE, v3;
	vm4 =	vlt.u32 @!p1 v4, $0xB000  }
0x39: {  	s0 =	sshra.s32 s0, $0x2;
	[tilespmem:s6+$0x60] =	vst v3;
	v3 =	vnsel @!p1 vm4, $0xFFFFFFFE, v4  }
0x3a: {  	s28 =	sadd.s32 s0, s18;
	[tilespmem:$0x80] =	vst @!p1 v3  }
0x3b: {  	v3 =	vld.msk [tilespmem:s28+$0x0 ss:$0x1], $0xffff;
	_ =	sdelay $0x4  }
0x3c: {  	(xrf1) =	vunique.msk.u32 $0xffff, v3;
	_ =	sdelay $0xd  }
0x3d: {  	v4 =	vimm.s32 $0xFFFFFFFF;
	v5, _, _ =	vpop (xrf1)  }
0x3e: {  	vm5 =	vne.s32 v3, v4;
	vm4 =	veq.s32 v5, v2  }
0x3f: {  	vm6 =	vlt.u32 v3, $0xB000;
	vm4 =	vmand vm5, vm4  }
0x40: {  	vm4 =	vmand vm6, vm4  }
0x41: {  	v4 =	vnsel vm4, $0xFFFFFFFF, v3;
	_ =	sdelay $0x2  }
0x42: {  	s30 =	sand.u32 $0x2000, s17  }
0x43: {  	s31 =	sshll.u32 s2, $0xD;
	s0 =	sor.u32 $0x80F0, s30;
	(ifvalue) =	ssetifvalue $0xFFFFFFFF  }
0x44: {  	v3 =	vperm.xlane v3, v1;
	[tilespmem:s0], [sflag:$0x8] =	stream.indirect_vreg.gather [hbm4b:s1+s16], $0x1, v4, vm0, $0x4038;
	v4 =	vnsel vm6, $0xFFFFFFFE, v4;
	[tilespmem:$0x12120] =	vst v63  }
0x45: {  	s23 =	simm.s32 $0x0;
	s2 =	sand.u32 $0x2000, s31;
	s6 =	sadd.s32 $0xFFFFFFF0, s28;
	[tilespmem:s28+$0x0] =	vst v4  }
.LBB2_3:
0x46: {  	v4 =	vld.msk [tilespmem:s6+$0x0 ss:$0x1], $0xffff;
	s23 =	sadd.s32 $0x10, s23;
	v5 =	vmov v3;
	s28 =	smov.u32 s6  }
0x47: {  	p1 =	slt.u32 s23, $0x1FF0;
	_ =	sdelay $0x4  }
0x48: {  	v3 =	vperm.xlane v4, v1;
	(xrf1) =	vunique.msk.u32 $0xffff, v4;
	_ =	sdelay $0xd  }
0x49: {  	v6, _, _ =	vpop (xrf1)  }
0x4a: {  	vm5 =	vne.s32 v4, v5;
	vm4 =	veq.s32 v6, v2  }
0x4b: {  	vm6 =	vlt.u32 v4, $0xB000;
	vm4 =	vmand vm5, vm4  }
0x4c: {  	vm4 =	vmand vm6, vm4  }
0x4d: {  	v4 =	vnsel vm4, $0xFFFFFFFF, v4  }
.Ltmp3:
0x4e: {  	v5 =	vnsel vm6, $0xFFFFFFFE, v4;
	(pc) =	sbr.rel @p1 .LBB2_3-.Ltmp3, $3  }
0x4f: {  	_ =	sdelay $0x1  }
0x50: {  	s6 =	sadd.s32 $0xFFFFFFF0, s6;
	s0 =	sadd.s32 $0xFFFFFFF0, s0;
	(ifvalue) =	ssetifvalue $0xFFFFFFFF  }
0x51: {  	[tilespmem:s0], [sflag:$0x8] =	stream.indirect_vreg.gather [hbm4b:s1+s16], $0x1, v4, vm0, $0x4038;
	[tilespmem:s28+$0x0] =	vst v5  }
0x52: {  	s0 =	sshrl.u32 s26, $0x3;
	s6 =	rddreg [dreg:$0x2]  }
0x53: {  	s2 =	sadd.s32 $0xA100, s2;
	s0 =	sadd.s32 s6, s0  }
0x54: {  	[tilespmem:s2], [sflag:$0x8] =	stream.linear.gather [hbm:s0], $0x2000, $0x38;
	[tilespmem:$0x12120] =	vst v63  }
.LBB2_5:
0x55: {  	p1 =	slt.u32 s25, $0x2  }
0x56: {  	p2 =	sge.u32 @!p1 s25, s12  }
0x57: {  	p1 =	por p1, p2  }
.Ltmp4:
0x58: {  	_ = 	snop;
	(pc) =	sbr.rel @p1 .LBB2_9-.Ltmp4, $1  }
0x59: {  	_ =	sdelay $0x3  }
0x5a: {  	s0 =	sadd.s32 $0xFFFFFFFE, s25  }
0x5b: {  	s2 =	smulhi.u32 $0xAAAAAAAB, s0;
	_ =	sdelay $0x1  }
0x5c: {  	s2 =	sshrl.u32 s2, $0x1  }
0x5d: {  	s2 =	smul.u32 $0x3, s2  }
0x5e: {  	_ =	swait.ge [sflag:s8], $0x4000  }
0x5f: {  	s6 =	rddreg [dreg:$0x3];
	s0 =	ssub.s32 s0, s2  }
0x60: {  	[sflag:s8] =	ssyncset.done $0x0;
	p1 =	sne.s32 s25, s6;
	s0 =	sshll.u32 s0, $0xD  }
0x61: {  	[sflag:s8] =	ssyncadd.s32 $0xFFFFC000;
	s2 =	sadd.s32 @!p1 $0x20FF, s0  }
0x62: {  	[spmem:s13] =	stream.linear.scatter @!p1 [tilespmem:s2], [sflag:$0x1], $0x1, $0x38;
	[tilespmem:$0x12120] =	vst v63  }
0x63: {  	s2 =	simm.s32 @!p1 $0x1  }
0x64: {  	_ =	swait.ge @!p1 [sflag:s2], $0x1  }
0x65: {  	s6 =	sshll.u32 s25, $0x4;
	[sflag:s2] =	ssyncset.done @!p1 $0x0  }
0x66: {  	s26 =	sand.u32 $0x10, s6;
	[sflag:s2] =	ssyncadd.s32 @!p1 $0xFFFFFFFF  }
0x67: {  	s2 =	sxor.u32 $0x10, s26;
	v4 =	vld [tilespmem:s26+$0x10]  }
0x68: {  	v5 =	vld [tilespmem:s2+$0x60]  }
0x69: {  	v3 =	vld [tilespmem:$0x80];
	_ =	sdelay $0x2  }
0x6a: {  	(v2sf) =	vpush v4, $0x0  }
0x6b: {  	(v2sf) =	vpush v5, $0x0  }
0x6c: {  	(v2sf) =	vpush v3, $0x0;
	_ =	sdelay $0xc  }
0x6d: {  	s10 =	spop (v2sf)  }
0x6e: {  	s23 =	spop (v2sf)  }
0x6f: {  	s29 =	spop (v2sf)  }
0x70: {  	p2 =	seq.s32 s10, s23;
	p3 =	seq.s32 s29, s10  }
0x71: {  	p3 =	por p2, p3  }
0x72: {  	v4 =	vpsel p3, $0xFFFFFFFF, v4  }
0x73: {  	s23 =	sand.u32 $0x1, s25;
	[tilespmem:s26+$0x10] =	vst.msk $0x1, v4  }
0x74: {  	s30 =	sshll.u32 s23, $0xD;
	v4 =	vld [tilespmem:$0x30]  }
0x75: {  	v5 =	vld [tilespmem:s30+$0xA100]  }
0x76: {  	v6 =	vld [tilespmem:s26+$0x40];
	_ =	sdelay $0x3  }
0x77: {  	vm4 =	vmmov vm1;
	v5 =	vadd.f32 v5, v4  }
0x78: {  	vm5 =	vmmov vm2;
	vm4 =	vmmov @p2 vm2;
	s6 =	sshll.u32 s23, $0x4;
	v4 =	vadd.f32 v6, v4  }
0x79: {  	s28 =	sor.u32 $0x12100, s6;
	vm5 =	vmmov @p3 vm1;
	[tilespmem:s30+$0xA100] =	vst.msk vm4, v5  }
0x7a: {  	[tilespmem:s28+$0x0] =	vst.msk vm5, v4  }
0x7b: {  	v4 =	vld [tilespmem:s30+$0x80F0];
	_ =	sdelay $0x3  }
0x7c: {  	v5 =	vimm.f32 $0.0e+00  }
0x7d: {  	v4 =	vshift.insert v4, v5, s22  }
0x7e: {  	s10 =	sor.u32 $0x40, s2  }
0x7f: {  	[tilespmem:s10+$0x0] =	vst.msk $0x1, v4  }
0x80: {  	[tilespmem:s30+$0x80FF] =	vst.msk $0x1, v5  }
0x81: {  	v4 =	vld [tilespmem:s0+$0x20F0];
	_ =	sdelay $0x1  }
0x82: {  	s23 =	smulhi.u32 $0xAAAAAAAB, s21;
	_ =	sdelay $0x1  }
0x83: {  	s6 =	simm.s32 $0x1;
	s0 =	sshrl.u32 s23, $0x1  }
0x84: {  	s6 =	simm.s32 @!p0 $0x0;
	s0 =	smul.u32 $0xFFFE8000, s0;
	v4 =	vshift.insert v4, v1, s22  }
0x85: {  	s6 =	sshll.u32 s6, $0xD  }
0x86: {  	s31 =	sadd.s32 $0xA100, s6;
	s0 =	sshra.s32 s0, $0x2;
	[tilespmem:s2+$0x10] =	vst.msk $0x1, v4  }
0x87: {  	s10 =	sadd.s32 s0, s20;
	v6 =	vld [tilespmem:s31+$0x0]  }
0x88: {  	v7 =	vld [tilespmem:s10+$0x0];
	_ =	sdelay $0x3  }
0x89: {  	v5 =	vadd.f32 v6, v5  }
0x8a: {  	vm4 =	vne.s32 v7, $0xFFFFFFFF  }
0x8b: {  	(xrf2) =	vadd.seg.scan.f32 vm4, v5;
	_ =	sdelay $0x3  }
0x8c: {  	s0 =	sadd.s32 $0x6100, s6;
	v5 =	vperm.xlane v4, v1  }
0x8d: {  	v6 =	vld [tilespmem:s0+$0x0]  }
0x8e: {  	vm5 =	veq.s32 v7, v3;
	vm6 =	veq.s32 v7, v5  }
0x8f: {  	vm7 =	vgt.u32 v7, $0xFFFFFFFD;
	vm6 =	vmor vm6, vm5  }
0x90: {  	vm6 =	vmor vm6, vm7  }
0x91: {  	v9 =	vld [tilespmem:$0xA0];
	v7 =	vsel vm6, $0xFFFFFFFF, v7  }
0x92: {  	v10 =	vld [tilespmem:$0x90];
	v6 =	vsel vm5, $0x0, v6;
	v8, _, _ =	vpop (xrf2)  }
0x93: {  	v6 =	vadd.f32 v8, v6  }
0x94: {  	s2 =	sadd.s32 $0xE100, s6  }
0x95: {  	vm4 =	vmand vm4, vm3;
	[tilespmem:s2+$0x0] =	vst v6;
	(ifvalue) =	ssetifvalue $0xFFFFFFFF  }
0x96: {  	vm6 =	veq.s32 v9, $0x1;
	[hbm4b:s1+s16] =	stream.indirect_vreg.scatter [tilespmem:s2], [sflag:$0x2], $0x1, v7, vm0, $0x4038;
	v7 =	vsel vm4, $0x0, v8;
	[tilespmem:$0x12120] =	vst v63  }
0x97: {  	s23 =	simm.s32 $0x0;
	s6 =	sadd.s32 $0x10, s10;
	vm4 =	vmor vm6, vm5;
	v6 =	vsel vm5, v8, v10;
	v7 =	vshift.insert v7, v0, s22  }
.LBB2_7:
0x98: {  	v8 =	vld [tilespmem:s6+$0x0];
	s31 =	sadd.s32 $0x10, s31  }
0x99: {  	s0 =	sadd.s32 $0x10, s0;
	v9 =	vld [tilespmem:s31+$0x0]  }
0x9a: {  	s23 =	sadd.s32 $0x10, s23;
	v10 =	vld [tilespmem:s0+$0x0]  }
0x9b: {  	p2 =	slt.u32 s23, $0x1FF0;
	_ =	sdelay $0x2  }
0x9c: {  	v7 =	vadd.f32 v9, v7  }
0x9d: {  	vm5 =	vne.s32 v8, $0xFFFFFFFF  }
0x9e: {  	vm6 =	vmand vm5, vm3;
	(xrf2) =	vadd.seg.scan.f32 vm5, v7;
	_ =	sdelay $0x5  }
0x9f: {  	vm7 =	veq.s32 v8, v5;
	vm5 =	veq.s32 v8, v3  }
0xa0: {  	vm8 =	vgt.u32 v8, $0xFFFFFFFD;
	vm4 =	vmor vm4, vm5;
	vm7 =	vmor vm7, vm5  }
0xa1: {  	vm7 =	vmor vm7, vm8  }
0xa2: {  	v8 =	vsel vm7, $0xFFFFFFFF, v8  }
.Ltmp5:
0xa3: {  	v7 =	vsel vm5, $0x0, v10;
	v9, _, _ =	vpop (xrf2);
	(pc) =	sbr.rel @p2 .LBB2_7-.Ltmp5, $4  }
0xa4: {  	v6 =	vsel vm5, v9, v6;
	v10 =	vadd.f32 v9, v7;
	v7 =	vsel vm6, $0x0, v9  }
0xa5: {  	s2 =	sadd.s32 $0x10, s2;
	v7 =	vshift.insert v7, v0, s22  }
0xa6: {  	s6 =	sadd.s32 $0x10, s6;
	[tilespmem:s2+$0x0] =	vst v10;
	(ifvalue) =	ssetifvalue $0xFFFFFFFF  }
0xa7: {  	[hbm4b:s1+s16] =	stream.indirect_vreg.scatter [tilespmem:s2], [sflag:$0x2], $0x1, v8, vm0, $0x4038;
	[tilespmem:$0x12120] =	vst v63  }
0xa8: {  	v3 =	vld [tilespmem:s30+$0x100F0];
	_ =	sdelay $0x4  }
0xa9: {  	v3 =	vshift.insert v3, v0, s22  }
0xaa: {  	s0 =	simm.s32 $0x30  }
0xab: {  	[tilespmem:s0+$0x0] =	vst.msk $0x1, v3  }
0xac: {  	v3 =	vsel vm4, $0x1, v1;
	[tilespmem:$0x90] =	vst v6  }
0xad: {  	s0 =	sadd.s32 @!p1 $0x100FF, s30;
	[tilespmem:$0xA0] =	vst v3  }
0xae: {  	[spmem:s14] =	stream.linear.scatter @!p1 [tilespmem:s0], [sflag:$0x1], $0x1, $0x38;
	[tilespmem:$0x12120] =	vst v63  }
0xaf: {  	s0 =	simm.s32 @!p1 $0x1  }
0xb0: {  	v3 =	vmctz.xlane @!p1 vm4;
	_ =	swait.ge @!p1 [sflag:s0], $0x1  }
0xb1: {  	(v2sf) =	vpush @!p1 v4, $0x0  }
0xb2: {  	(v2sf) =	vpush @!p1 v3, $0x0;
	_ =	sdelay $0xd  }
0xb3: {  	s2 =	spop @!p1 (v2sf)  }
0xb4: {  	s6 =	spop @!p1 (v2sf)  }
0xb5: {  	p2 =	sne.s32 @!p1 s29, s2;
	p3 =	slt.s32 @!p1 s6, $0xF  }
0xb6: {  	[sflag:s0] =	ssyncset.done @!p1 $0x0;
	p2 =	por p2, p1;
	p3 =	por !p3, p1  }
0xb7: {  	[sflag:s0] =	ssyncadd.s32 @!p1 $0xFFFFFFFF;
	v3 =	vimm.s32 @!p2 $0xFFFFFFFF;
	s6 =	simm.s32 @p3 $0xF  }
0xb8: {  	[tilespmem:$0x80] =	vst @!p2 v3;
	s2 =	sadd.s32 @!p1 $0x90, s6  }
0xb9: {  	[spmem:s11] =	stream.linear.scatter @!p1 [tilespmem:s2], [sflag:$0x1], $0x1, $0x38;
	[tilespmem:$0x12120] =	vst v63  }
0xba: {  	_ =	swait.ge @!p1 [sflag:s0], $0x1  }
0xbb: {  	[sflag:s0] =	ssyncset.done @!p1 $0x0  }
0xbc: {  	s2 =	simm.s32 @!p1 $0x80;
	[sflag:s0] =	ssyncadd.s32 @!p1 $0xFFFFFFFF  }
0xbd: {  	[spmem:s15] =	stream.linear.scatter @!p1 [tilespmem:s2], [sflag:$0x1], $0x1, $0x38;
	[tilespmem:$0x12120] =	vst v63  }
0xbe: {  	_ =	swait.ge @!p1 [sflag:s0], $0x1  }
0xbf: {  	[sflag:s0] =	ssyncset.done @!p1 $0x0  }
0xc0: {  	[sflag:s0] =	ssyncadd.s32 @!p1 $0xFFFFFFFF;
	(ifvalue) =	ssetifvalue $0xFFFFFFFF;
	v3 =	vld [tilespmem:s26+$0x10];
	_ =	sdelay $0x3  }
.Ltmp6:
0xc1: {  	_ = 	snop;
	(pc) =	sbr.rel .LBB2_9-.Ltmp6, $3  }
0xc2: {  	_ =	sdelay $0x1  }
0xc3: {  	(ifvalue) =	ssetifvalue $0xFFFFFFFF  }
0xc4: {  	[hbm4b:s1+s16] =	stream.indirect_vreg.scatter [tilespmem:s28], [sflag:$0x9], $0x1, v3, vm0, $0x4038;
	[tilespmem:$0x12120] =	vst v63  }
.LBB2_10:
0xc5: {  	_ =	sfence.sel $0x180000  }
0xc6: {  	s0 =	simm.s32 $0x7;
	[bflag:$0x0] =	sbarrier.arrive $0xFFFF  }
0xc7: {  	s26 =	simm.s32 $0x8;
	[sflag:s0] =	ssyncpa.u1 $0x1  }
0xc8: {  	s28 =	simm.s32 $0x9;
	[sflag:s26] =	ssyncpa.u1 $0x1  }
0xc9: {  	[sflag:s28] =	ssyncpa.u1 $0x1  }
0xca: {  	_ =	sfence.stream.spmem  }
0xcb: {  	s29 =	simm.s32 $0x3;
	[bflag:$0x0] =	sbarrier.arrive $0xFFFF  }
0xcc: {  	s30 =	simm.s32 $0x4;
	[sflag:s29] =	ssyncpa.u1 $0x1  }
0xcd: {  	s31 =	simm.s32 $0x3C;
	s2 =	stileid.u32;
	[sflag:s30] =	ssyncpa.u1 $0x1  }
0xce: {  	p0 =	sne.s32 s2, $0x0;
	[sflag:s31] =	ssyncpa.u1 $0x1  }
0xcf: {  	s0 =	simm.s32 @p0 $0x1;
	_ =	sfence @p0  }
0xd0: {  	[sflag:s0] =	ssyncpa.u1 @p0 $0x1;
	s0 =	simm.s32 @p0 $0x2  }
0xd1: {  	[sflag:s0] =	ssyncpa.u1 @p0 $0x1  }
0xd2: {  	_ =	strace @p0 $0x9000004A  }
0xd3: {  	[bflag:$0x2] =	sbarrier.arrive @p0 $0xFFFF  }
0xd4: {  	_ =	shalt @p0  }
.LBB2_11:
0xd5: {  	_ =	sfence.stream.spmem;
	s0 =	simm.s32 $0x5  }
0xd6: {  	s2 =	simm.s32 $0x80;
	s3 =	simm.s32 $0xC0;
	[sflag:s0] =	ssyncpa.u1 $0x0  }
0xd7: {  	[tilespmem:s3], [sflag:$0x5] =	stream.linear.gather [spmem:s2], $0x20, $0x38;
	[tilespmem:$0x12120] =	vst v63  }
0xd8: {  	s2 =	simm.s32 $0x0;
	s3 =	simm.s32 $0xE0  }
0xd9: {  	[tilespmem:s3], [sflag:$0x5] =	stream.linear.gather [spmem:s2], $0x20, $0x38;
	[tilespmem:$0x12120] =	vst v63  }
.Ltmp7:
0xda: {  	_ = 	snop;
	(pc) =	sbr.rel .LBB2_12-.Ltmp7, $4  }
0xdb: {  	_ =	swait.ge [sflag:s0], $0x40  }
0xdc: {  	[sflag:s0] =	ssyncset.done $0x0  }
0xdd: {  	s31 =	simm.s32 $0x6;
	[sflag:s0] =	ssyncadd.s32 $0xFFFFFFC0  }
0xde: {  	s4 =	simm.s32 $0x0;
	[sflag:s31] =	ssyncpa.u1 $0x0  }
.LBB2_17:
0xdf: {  	p0 =	sgt.u32 s0, $0xAFFF  }
0xe0: {  	s5 =	sshrl.u32 @!p0 s0, $0x3  }
0xe1: {  	s0 =	sand.u32 @!p0 $0x7, s0;
	s6 =	simm.s32 @!p0 $0xB0;
	s5 =	sadd.s32 @!p0 s1, s5  }
0xe2: {  	[tilespmem:s6], [sflag:$0x6] =	stream.linear.gather @!p0 [hbm4b:s5+s0], $0x1, $0x38;
	[tilespmem:$0x12120] =	vst v63  }
0xe3: {  	s0 =	simm.s32 @!p0 $0x6  }
0xe4: {  	_ =	swait.ge @!p0 [sflag:s0], $0x1  }
0xe5: {  	[sflag:s0] =	ssyncset.done @!p0 $0x0  }
0xe6: {  	[sflag:s0] =	ssyncadd.s32 @!p0 $0xFFFFFFFF  }
0xe7: {  	v2 =	vmov @!p0 s4;
	v1 =	vld.msk @!p0 [tilespmem:$0xB0], $0x1;
	_ =	sdelay $0x3  }
0xe8: {  	s0 =	simm.s32 @!p0 $0xE0  }
0xe9: {  	[tilespmem:v2+s0+$0x0], v1 =	vst.idx.ret.add.f32.msk @!p0 $0x1, v1  }
0xea: {  	[tilespmem:s2+$0xC0] =	vst.msk $0x1, v0  }
0xeb: {  	v0 =	vld.msk [tilespmem:s4+$0xE0], $0x1;
	_ =	sdelay $0x4  }
0xec: {  	[tilespmem:s2+$0xE0] =	vst.msk $0x1, v0;
	s2 =	sadd.s32 $0x1, s2  }
.LBB2_19:
0xed: {  	s4 =	sadd.s32 $0x1, s4  }
0xee: {  	p0 =	sne.s32 s4, $0x20  }
.Ltmp8:
0xef: {  	_ = 	snop;
	(pc) =	sbr.rel @!p0 .LBB2_20-.Ltmp8, $1  }
0xf0: {  	_ =	sdelay $0x3  }
.LBB2_12:
0xf1: {  	v0 =	vld.msk [tilespmem:s4+$0xC0], $0x1;
	_ =	sdelay $0x4  }
0xf2: {  	(v2sf) =	vpush v0, $0x0;
	_ =	sdelay $0xe  }
0xf3: {  	s0 =	spop (v2sf)  }
0xf4: {  	p0 =	seq.s32 s0, $0xFFFFFFFF  }
.Ltmp9:
0xf5: {  	_ = 	snop;
	(pc) =	sbr.rel @p0 .LBB2_19-.Ltmp9, $1  }
0xf6: {  	_ =	sdelay $0x3  }
0xf7: {  	p0 =	slt.s32 s2, $0x1  }
.Ltmp10:
0xf8: {  	_ = 	snop;
	(pc) =	sbr.rel @p0 .LBB2_17-.Ltmp10, $1  }
0xf9: {  	_ =	sdelay $0x3  }
0xfa: {  	s5 =	simm.s32 $0xC0;
	p0 =	por $0x0, $0x0  }
0xfb: {  	v1 =	vld.msk @!p0 [tilespmem:s5+$0x0], $0x1;
	_ =	sdelay $0x4  }
0xfc: {  	(v2sf) =	vpush @!p0 v1, $0x0;
	_ =	sdelay $0xd  }
0xfd: {  	p2 =	sne.s32 s2, $0x1  }
.Ltmp11:
0xfe: {  	s6 =	spop @!p0 (v2sf);
	(pc) =	sbr.rel @!p2 .LBB2_16-.Ltmp11, $4  }
0xff: {  	p1 =	seq.s32 @!p0 s0, s6  }
0x100: {  	s6 =	simm.s32 $0x0;
	p1 =	por !p1, p0  }
0x101: {  	s8 =	simm.s32 $0xFFFFFFFF;
	s6 =	simm.s32 @p1 $0xFFFFFFFF  }
0x102: {  	s7 =	simm.s32 $0x1;
	s6 =	smov.u32 @p0 s8  }
.LBB2_15:
0x103: {  	s8 =	smov.u32 s6;
	p0 =	sne.s32 s6, $0xFFFFFFFF  }
0x104: {  	s5 =	sadd.s32 $0x1, s5;
	s6 =	smov.u32 s7;
	s7 =	sadd.s32 $0x1, s7  }
0x105: {  	p1 =	sne.s32 s2, s7;
	v1 =	vld.msk @!p0 [tilespmem:s5+$0x0], $0x1;
	_ =	sdelay $0x4  }
0x106: {  	(v2sf) =	vpush @!p0 v1, $0x0;
	_ =	sdelay $0xe  }
.Ltmp12:
0x107: {  	s9 =	spop @!p0 (v2sf);
	(pc) =	sbr.rel @p1 .LBB2_15-.Ltmp12, $4  }
0x108: {  	p2 =	seq.s32 @!p0 s0, s9  }
0x109: {  	p2 =	por !p2, p0  }
0x10a: {  	s6 =	simm.s32 @p2 $0xFFFFFFFF  }
0x10b: {  	s6 =	smov.u32 @p0 s8  }
.LBB2_16:
0x10c: {  	p0 =	sne.s32 s6, $0xFFFFFFFF  }
.Ltmp13:
0x10d: {  	_ = 	snop;
	(pc) =	sbr.rel @!p0 .LBB2_17-.Ltmp13, $1  }
0x10e: {  	_ =	sdelay $0x3  }
0x10f: {  	v0 =	vld.msk [tilespmem:s4+$0xE0], $0x1;
	v1 =	vmov s6  }
.Ltmp14:
0x110: {  	_ = 	snop;
	(pc) =	sbr.rel .LBB2_19-.Ltmp14, $2  }
0x111: {  	_ =	sdelay $0x2  }
0x112: {  	[tilespmem:v1+s3+$0x0], v0 =	vst.idx.ret.add.f32.msk $0x1, v0  }
.LBB2_20:
0x113: {  	p0 =	slt.s32 s2, $0x1  }
.Ltmp15:
0x114: {  	_ = 	snop;
	(pc) =	sbr.rel @p0 .LBB2_24-.Ltmp15, $3  }
0x115: {  	_ =	sdelay $0x1  }
0x116: {  	s0 =	simm.s32 $0x6  }
0x117: {  	[sflag:s0] =	ssyncpa.u1 $0x1;
	s0 =	simm.s32 $0x0  }
0x118: {  	s3 =	simm.s32 $0xC0  }
0x119: {  	v0 =	vld.msk [tilespmem:s3+$0x0], $0x1;
	_ =	sdelay $0x4  }
0x11a: {  	(v2sf) =	vpush v0, $0x0;
	_ =	sdelay $0xe  }
0x11b: {  	s2 =	sadd.s32 $0xFFFFFFFF, s2;
	s4 =	spop (v2sf)  }
0x11c: {  	p1 =	sne.s32 s2, $0x0;
	p0 =	sgt.u32 s4, $0xAFFF  }
.Ltmp16:
0x11d: {  	s5 =	sshrl.u32 @!p0 s4, $0x3;
	(pc) =	sbr.rel @!p1 .LBB2_23-.Ltmp16, $4  }
0x11e: {  	s3 =	simm.s32 $0xE0;
	s4 =	sand.u32 @!p0 $0x7, s4;
	s5 =	sadd.s32 @!p0 s1, s5  }
0x11f: {  	[hbm4b:s5+s4] =	stream.linear.scatter @!p0 [tilespmem:s3], [sflag:$0x5], $0x1, $0x38;
	[tilespmem:$0x12120] =	vst v63  }
0x120: {  	s5 =	simm.s32 $0x0  }
0x121: {  	s4 =	simm.s32 $0xC1;
	s5 =	simm.s32 @!p0 $0x4  }
.LBB2_22:
0x122: {  	v0 =	vld.msk [tilespmem:s4+$0x0], $0x1;
	s2 =	sadd.s32 $0xFFFFFFFF, s2;
	s0 =	sadd.s32 s0, s5  }
0x123: {  	p0 =	sne.s32 s2, $0x0;
	_ =	sdelay $0x3  }
0x124: {  	(v2sf) =	vpush v0, $0x0;
	_ =	sdelay $0xe  }
.Ltmp17:
0x125: {  	s6 =	spop (v2sf);
	(pc) =	sbr.rel @p0 .LBB2_22-.Ltmp17, $4  }
0x126: {  	s5 =	simm.s32 $0x0;
	p1 =	sgt.u32 s6, $0xAFFF  }
0x127: {  	s3 =	sadd.s32 $0x1, s3;
	s5 =	simm.s32 @!p1 $0x4;
	s7 =	sshrl.u32 @!p1 s6, $0x3  }
0x128: {  	s4 =	sadd.s32 $0x1, s4;
	s6 =	sand.u32 @!p1 $0x7, s6;
	s7 =	sadd.s32 @!p1 s1, s7  }
0x129: {  	[hbm4b:s7+s6] =	stream.linear.scatter @!p1 [tilespmem:s3], [sflag:$0x5], $0x1, $0x38;
	[tilespmem:$0x12120] =	vst v63  }
.LBB2_23:
0x12a: {  	s0 =	sadd.s32 s0, s5  }
0x12b: {  	s0 =	sshrl.u32 s0, $0x2  }
.LBB2_24:
0x12c: {  	s1 =	simm.s32 $0x5  }
0x12d: {  	_ =	swait.ge [sflag:s1], s0  }
0x12e: {  	s28 =	ssub.s32 $0x0, s0;
	[sflag:s1] =	ssyncset.done $0x0  }
0x12f: {  	[sflag:s1] =	ssyncadd.s32 s28  }
0x130: {  	[sflag:s1] =	ssyncpa.u1 $0x1  }
0x131: {  	s29 =	simm.s32 $0x1;
	_ =	sfence  }
0x132: {  	s30 =	simm.s32 $0x2;
	[sflag:s29] =	ssyncpa.u1 $0x1  }
0x133: {  	[sflag:s30] =	ssyncpa.u1 $0x1  }
0x134: {  	_ =	strace $0x9000004A  }
0x135: {  	[bflag:$0x2] =	sbarrier.arrive $0xFFFF  }
0x136: {  	s31 =	rddreg [dreg:$0x1]  }
0x137: {  	s0 =	sadd.s32 $0x100000, s31  }
0x138: {  	[sflag:s0] =	ssyncadd.tile.s32 $0x1;
	_ =	shalt  }
.Lfunc_end2:
_tile_overlayer_lowered:
.L_overlay_start_2:
0x139: {  	(tag) =	ssettag $0x2  }
0x13a: {  	s0 =	rddreg [dreg:$0x0];
	s2 =	stileid.u32  }
0x13b: {  	s1 =	rddreg [dreg:$0x1];
	p0 =	sne.s32 s2, $0x0  }
0x13c: {  	s3 =	rddreg [dreg:$0x2];
	[bflag:$0x3] =	sbarrier.arrive $0xFFFF;
	s2 =	simm.s32 @!p0 $0x1C01  }
0x13d: {  	[timem:s3], [sflag:s2] =	dma.local @!p0 [hbm:s0], s1  }
0x13e: {  	s0 =	simm.s32 @!p0 $0x1  }
0x13f: {  	_ =	swait.ge @!p0 [sflag:s0], s1  }
0x140: {  	s1 =	ssub.s32 @!p0 $0x0, s1;
	[sflag:s0] =	ssyncset.done @!p0 $0x0  }
0x141: {  	[sflag:s0] =	ssyncadd.s32 @!p0 s1  }
0x142: {  	[bflag:$0x3] =	sbarrier.arrive $0xFFFF  }
0x143: {  	_ =	shalt  }

// kernel: scatter_offload_async_start.2
scs
__scs_entry_jumppad:
0x0: {  	(pc) =	sbr.rel $0x88, $3  }
0x1: {  	(tag) =	ssettag $0x0;
	lr =	simm.s32 $0x1  }
0x2: {  	[smem:$0x3F95] =	sst lr;
	_ =	strace $0xD0000000  }
0x3: {  	_ = 	snop  }
0x4: {  	_ = 	snop  }
0x5: {  	_ = 	snop  }
0x6: {  	_ = 	snop  }
0x7: {  	_ = 	snop  }
__scs_overlays_trampoline_lowered:
0x8: {  	[smem:$0x3FA4] =	sst s0  }
0x9: {  	[smem:$0x3FA5] =	sst s1  }
0xa: {  	[smem:$0x3FA6] =	sst s2  }
0xb: {  	[smem:$0x3FA7] =	sst s3  }
0xc: {  	[smem:$0x3FA8] =	sst s4  }
0xd: {  	[smem:$0x3FA9] =	sst s5  }
0xe: {  	[smem:$0x3FAA] =	sst s6  }
0xf: {  	[smem:$0x3FAB] =	sst s7  }
0x10: {  	[smem:$0x3FAC] =	sst s8  }
0x11: {  	[smem:$0x3FAD] =	sst s9;
	s0 =	simm.s32 @!p0 $0x0  }
0x12: {  	s1 =	sld [smem:$0x3F93];
	s0 =	simm.s32 @p0 $0x1  }
0x13: {  	[smem:$0x3FAE] =	sst s0;
	s0 =	simm.s32 @!p1 $0x0  }
0x14: {  	s2 =	sld [smem:$0x3F92];
	s0 =	simm.s32 @p1 $0x1  }
0x15: {  	[smem:$0x3FAF] =	sst s0;
	s0 =	simm.s32 @!p2 $0x0  }
0x16: {  	s3 =	sld [smem:$0x3FDB];
	s0 =	simm.s32 @p2 $0x1  }
0x17: {  	s4 =	simm.s32 $0x1BF5;
	[smem:$0x3FB1] =	sst s0  }
0x18: {  	s0 =	sld [smem:$0x3F94];
	_ =	swait.ge [sflag:s4], $0x0  }
0x19: {  	s7 =	sld [smem:$0x3F95]  }
0x1a: {  	s8 =	sadd.s32 $0xFFFFE003, lr  }
0x1b: {  	s9 =	sadd.s32 $0xFFFFFEF7, lr;
	s5 =	simm.s32 $0xFFFFFFFF;
	p2 =	slt.u32 s8, $0xFFFFF086  }
0x1c: {  	p1 =	slt.u32 s9, $0xF7A;
	s5 =	simm.s32 @!p2 $0x0  }
0x1d: {  	s5 =	simm.s32 @p1 $0x1;
	p0 =	seq.s32 s7, s2  }
0x1e: {  	s7 =	smul.u32 @!p0 $0xF7A, s2;
	p2 =	seq.s32 @!p0 s5, $0x0  }
0x1f: {  	s9 =	smul.u32 $0xF7A, s1;
	s8 =	simm.s32 @!p0 $0x1BF5;
	p2 =	por !p2, p0  }
0x20: {  	[sflag:s8] =	ssyncset.s32 @!p0 $0xFFFFF086;
	s6 =	sadd.s32 @!p0 s3, s7;
	s7 =	simm.s32 @!p0 $0x108  }
0x21: {  	s3 =	sadd.s32 s3, s9;
	s6 =	sadd.s32 @!p0 $0x88, s6;
	s7 =	simm.s32 @p2 $0x1082  }
0x22: {  	[simem:s7], [sflag:s8] =	dma.local @!p0 [hbm:s6], $0xF7A  }
0x23: {  	s9 =	sor.u32 $0xD0000000, s2;
	s6 =	simm.s32 $0x108;
	_ =	swait.ge @!p0 [sflag:s8], $0x0  }
0x24: {  	s3 =	sadd.s32 $0x88, s3;
	s6 =	simm.s32 @!p1 $0x1082;
	[sflag:s4] =	ssyncset.s32 $0xFFFFF086  }
0x25: {  	[simem:s6], [sflag:s4] =	dma.local [hbm:s3], $0xF7A  }
0x26: {  	[smem:$0x3F95] =	sst s1;
	(tag) =	ssettag s2;
	_ =	strace s9  }
0x27: {  	s1 =	sld [smem:$0x3FA5]  }
0x28: {  	s2 =	sld [smem:$0x3FA6]  }
0x29: {  	s4 =	sld [smem:$0x3FA8]  }
0x2a: {  	p0 =	seq.s32 s5, $0x0;
	s5 =	sld [smem:$0x3FA9]  }
0x2b: {  	s6 =	sld [smem:$0x3FAA]  }
0x2c: {  	s7 =	sld [smem:$0x3FAB]  }
0x2d: {  	s3 =	simm.s32 $0x108;
	s8 =	sld [smem:$0x3FAC]  }
0x2e: {  	s3 =	simm.s32 @!p0 $0x1082;
	s9 =	sld [smem:$0x3FAD]  }
0x2f: {  	lr =	sadd.s32 s0, s3;
	s0 =	sld [smem:$0x3FA4]  }
0x30: {  	s3 =	sld [smem:$0x3FA7]  }
0x31: {  	[smem:$0x3FB0] =	sst s10  }
0x32: {  	s10 =	sld [smem:$0x3FAE];
	_ =	sdelay $0x3  }
0x33: {  	p0 =	seq.s32 s10, $0x1;
	s10 =	sld [smem:$0x3FB0];
	_ =	sdelay $0x3  }
0x34: {  	[smem:$0x3FB0] =	sst s10  }
0x35: {  	s10 =	sld [smem:$0x3FAF];
	_ =	sdelay $0x3  }
0x36: {  	p1 =	seq.s32 s10, $0x1;
	s10 =	sld [smem:$0x3FB0];
	_ =	sdelay $0x3  }
0x37: {  	[smem:$0x3FB0] =	sst s10  }
0x38: {  	s10 =	sld [smem:$0x3FB1]  }
0x39: {  	_ = 	snop;
	(pc) =	sbr.ind lr, $3  }
0x3a: {  	_ = 	snop  }
0x3b: {  	_ = 	snop  }
0x3c: {  	p2 =	seq.s32 s10, $0x1;
	s10 =	sld [smem:$0x3FB0]  }
0x3d: {  	_ =	shalt  }
0x3e: {  	_ =	shalt  }
0x3f: {  	_ =	shalt  }
0x40: {  	_ =	shalt  }
0x41: {  	_ =	shalt  }
0x42: {  	_ =	shalt  }
0x43: {  	_ =	shalt  }
0x44: {  	_ =	shalt  }
0x45: {  	_ =	shalt  }
0x46: {  	_ =	shalt  }
0x47: {  	_ =	shalt  }
0x48: {  	_ =	shalt  }
0x49: {  	_ =	shalt  }
0x4a: {  	_ =	shalt  }
0x4b: {  	_ =	shalt  }
0x4c: {  	_ =	shalt  }
0x4d: {  	_ =	shalt  }
0x4e: {  	_ =	shalt  }
0x4f: {  	_ =	shalt  }
0x50: {  	_ =	shalt  }
0x51: {  	_ =	shalt  }
0x52: {  	_ =	shalt  }
0x53: {  	_ =	shalt  }
0x54: {  	_ =	shalt  }
0x55: {  	_ =	shalt  }
0x56: {  	_ =	shalt  }
0x57: {  	_ =	shalt  }
0x58: {  	_ =	shalt  }
0x59: {  	_ =	shalt  }
0x5a: {  	_ =	shalt  }
0x5b: {  	_ =	shalt  }
0x5c: {  	_ =	shalt  }
0x5d: {  	_ =	shalt  }
0x5e: {  	_ =	shalt  }
0x5f: {  	_ =	shalt  }
0x60: {  	_ =	shalt  }
0x61: {  	_ =	shalt  }
0x62: {  	_ =	shalt  }
0x63: {  	_ =	shalt  }
0x64: {  	_ =	shalt  }
0x65: {  	_ =	shalt  }
0x66: {  	_ =	shalt  }
0x67: {  	_ =	shalt  }
0x68: {  	_ =	shalt  }
0x69: {  	_ =	shalt  }
0x6a: {  	_ =	shalt  }
0x6b: {  	_ =	shalt  }
0x6c: {  	_ =	shalt  }
0x6d: {  	_ =	shalt  }
0x6e: {  	_ =	shalt  }
0x6f: {  	_ =	shalt  }
0x70: {  	_ =	shalt  }
0x71: {  	_ =	shalt  }
0x72: {  	_ =	shalt  }
0x73: {  	_ =	shalt  }
0x74: {  	_ =	shalt  }
0x75: {  	_ =	shalt  }
0x76: {  	_ =	shalt  }
0x77: {  	_ =	shalt  }
0x78: {  	_ =	shalt  }
0x79: {  	_ =	shalt  }
0x7a: {  	_ =	shalt  }
0x7b: {  	_ =	shalt  }
0x7c: {  	_ =	shalt  }
0x7d: {  	_ =	shalt  }
0x7e: {  	_ =	shalt  }
0x7f: {  	_ =	shalt  }
0x80: {  	_ =	shalt  }
0x81: {  	_ =	shalt  }
0x82: {  	_ =	shalt  }
0x83: {  	_ =	shalt  }
0x84: {  	_ =	shalt  }
0x85: {  	_ =	shalt  }
0x86: {  	_ =	shalt  }
0x87: {  	_ =	shalt  }
.Lfunc_end0:
.L_simem_size_0:
called_computation.2_lowered:
.L_overlay_start_0:
0x88: {  	s2 =	sld [smem:$0x3FD9]  }
0x89: {  	s3 =	sld [smem:$0x3FFE];
	_ =	sdelay $0x1  }
0x8a: {  	s1 =	srdreg.scid  }
0x8b: {  	s0 =	sand.u32 $0x1, s1  }
0x8c: {  	s17 =	sshll.u32 s0, $0xA;
	s2 =	sadd.s32 s3, s2  }
0x8d: {  	s2 =	sadd.s32 s2, s17  }
0x8e: {  	[smem:$0x3FBC] =	sst s2  }
0x8f: {  	_ = 	snop  }
0x90: {  	(tm) =	ssettm $0x1  }
0x91: {  	s18 =	sld [smem:$0x3FFB];
	_ =	sdelay $0x3  }
0x92: {  	_ =	strace s18  }
0x93: {  	s2 =	sld [smem:$0x3FFC];
	_ =	sdelay $0x3  }
0x94: {  	_ =	strace s2  }
0x95: {  	s2 =	sld [smem:$0x3FFD];
	_ =	sdelay $0x3  }
0x96: {  	_ =	strace s2  }
0x97: {  	_ =	strace $0x8FFFFFFF  }
0x98: {  	s19 =	sld [smem:$0x3FDB];
	_ =	sdelay $0x1  }
0x99: {  	s20 =	simm.s32 $_scs_section_size  }
0x9a: {  	s4 =	simm.s32 $_size__tile_overlayer_lowered;
	s5 =	simm.s32 $_tile_overlayer_lowered  }
0x9b: {  	s6 =	simm.s32 $0x1BFF;
	s21 =	sshll.u32 s5, $0x1;
	s3 =	sadd.s32 s20, s19  }
0x9c: {  	s22 =	simm.s32 $0x0;
	s4 =	sshll.u32 s4, $0x1;
	s5 =	sadd.s32 s21, s3  }
0x9d: {  	[timem:s22], [sflag:s6] =	dma.local [hbm:s5], s4  }
0x9e: {  	_ =	swait.ge [sflag:s6], s4  }
0x9f: {  	s4 =	ssub.s32 $0x0, s4;
	[sflag:s6] =	ssyncset.done $0x0  }
0xa0: {  	[sflag:s6] =	ssyncadd.s32 s4;
	_ =	sdelay $0x1  }
0xa1: {  	s23 =	simm.s32 $0x1B8B  }
0xa2: {  	_ =	swait.ge [sflag:s23], $0x1  }
0xa3: {  	[sflag:s23] =	ssyncset.done $0x0  }
0xa4: {  	[sflag:s23] =	ssyncadd.s32 $0xFFFFFFFF  }
0xa5: {  	s4 =	sld [smem:$0x0]  }
0xa6: {  	s5 =	sand.u32 $0xFFFFFFFE, s1  }
0xa7: {  	p0 =	sne.s32 s1, s5  }
0xa8: {  	s5 =	sshll.u32 @p0 s5, $0xE  }
0xa9: {  	s5 =	sadd.s32 @p0 $0x11B8D, s5;
	s6 =	sshll.u32 @p0 s4, $0x11  }
0xaa: {  	s5 =	sor.u32 @p0 s6, s5  }
0xab: {  	[sflag:s5] =	ssyncadd.remote.s32 @p0 $0x1;
	_ =	sdelay $0x1  }
0xac: {  	s5 =	simm.s32 @p0 $0x1B8D  }
0xad: {  	_ =	swait.eq @p0 [sflag:s5], $0x1  }
0xae: {  	[sflag:s5] =	ssyncadd.s32 @p0 $0xFFFFFFFF  }
0xaf: {  	s6 =	sshll.u32 @!p0 s1, $0xE  }
0xb0: {  	s6 =	sor.u32 @!p0 $0x4000, s6;
	s5 =	simm.s32 @!p0 $0x1B8D  }
0xb1: {  	s7 =	sshll.u32 @!p0 s4, $0x11;
	s6 =	sadd.s32 @!p0 $0x11B8D, s6;
	_ =	swait.eq @!p0 [sflag:s5], $0x1  }
0xb2: {  	[sflag:s5] =	ssyncadd.s32 @!p0 $0xFFFFFFFF;
	s5 =	sor.u32 @!p0 s7, s6  }
0xb3: {  	s25 =	simm.s32 $0x1B8E;
	s24 =	sld [smem:$0x3FFE];
	[sflag:s5] =	ssyncadd.remote.s32 @!p0 $0x1  }
0xb4: {  	s26 =	simm.s32 $execute0_lowered;
	[smem:$0x3FD2] =	sst s25  }
0xb5: {  	s6 =	sshll.u32 s26, $0x1;
	_ =	strace $0x80000055;
	[dreg:$0x1] =	wrdreg $0xFFFFFFFF  }
0xb6: {  	s28 =	simm.s32 $_size_execute0_lowered;
	s3 =	sadd.s32 s3, s6;
	[dreg:$0x0] =	wrdreg $0x0  }
0xb7: {  	s6 =	sshll.u32 s28, $0x1;
	[dreg:$0x2] =	wrdreg s3  }
0xb8: {  	[dreg:$0x3] =	wrdreg s6  }
0xb9: {  	[dreg:$0x4] =	wrdreg $0xC0  }
0xba: {  	_ =	task [dreg:s22], $0x5FFFF  }
0xbb: {  	[dreg:$0x1] =	wrdreg $0xFFFFFFFF  }
0xbc: {  	[dreg:$0x0] =	wrdreg $0x60  }
0xbd: {  	[dreg:$0x2] =	wrdreg s24  }
0xbe: {  	[dreg:$0x3] =	wrdreg s1  }
0xbf: {  	[dreg:$0x4] =	wrdreg s4  }
0xc0: {  	[dreg:$0x5] =	wrdreg $0xA  }
0xc1: {  	_ =	task.clear_ibuf [dreg:s22], $0x6FFFF;
	_ =	strace $0x90000055  }
0xc2: {  	s29 =	simm.s32 $0xA;
	_ =	strace $0x80000057  }
0xc3: {  	_ =	swait.ge [sflag:s29], $0x1  }
0xc4: {  	[sflag:s29] =	ssyncadd.s32 $0xFFFFFFFF  }
0xc5: {  	_ =	strace $0x90000057  }
0xc6: {  	_ =	sfence  }
0xc7: {  	s30 =	sld [smem:$0x0];
	_ =	sdelay $0x2  }
0xc8: {  	s31 =	sshll.u32 s1, $0xD;
	s1 =	sshrl.u32 s1, $0x2  }
0xc9: {  	s4 =	sand.u32 $0x4000, s31;
	s1 =	sadd.s32 s1, s30  }
0xca: {  	s0 =	sor.u32 s4, s0;
	s1 =	sshll.u32 s1, $0x11  }
0xcb: {  	s0 =	sor.u32 s1, s0  }
0xcc: {  	s0 =	sadd.s32 $0x8F2B, s0  }
0xcd: {  	[sflag:s0] =	ssyncadd.remote.s32 $0x1  }
0xce: {  	_ =	sfence.sel $0xFFFF  }
0xcf: {  	[dreg:$0x0] =	wrdreg $0xFFFFFFFF;
	(pc) =	sbr.abs _section_cstart, $3  }
0xd0: {  	[dreg:$0x1] =	wrdreg $0xFFFFFFFF  }
0xd1: {  	_ =	task.clear_ibuf [dreg:s22], $0x2FFFF;
	_ =	strace $0x9FFFFFFF  }
0xd2: {  	(tm) =	ssettm $0x7FFFFFFF  }
0xd3: {  	_ =	shalt  }
tec
execute0_lowered:
.L_overlay_start_1:
0x0: {  	(tag) =	ssettag $0x1  }
0x1: {  	s2 =	rddreg [dreg:$0x0]  }
0x2: {  	s3 =	rddreg [dreg:$0x1];
	_ =	strace $0x80000056;
	s0 =	simm.s32 $0x1  }
0x3: {  	s5 =	simm.s32 $0x208;
	v0 =	vimm.s32 $0x0;
	[sflag:s0] =	ssyncpa.u1 $0x0  }
0x4: {  	[tilespmem:s5+$0x70] =	vst v0  }
0x5: {  	[tilespmem:s5+$0x60] =	vst v0  }
0x6: {  	[tilespmem:s5+$0x50] =	vst v0  }
0x7: {  	[tilespmem:s5+$0x40] =	vst v0  }
0x8: {  	[tilespmem:s5+$0x30] =	vst v0  }
0x9: {  	s1 =	sadd.s32 $0x2A5200, s2;
	s0 =	sadd.s32 $0x2A0000, s2;
	s6 =	sadd.s32 $0x160000, s2;
	[tilespmem:s5+$0x20] =	vst v0  }
0xa: {  	s4 =	sadd.s32 $0x2A1400, s2;
	s10 =	sand.u32 $0x1, s3;
	s2 =	simm.s32 $0x40;
	[tilespmem:s5+$0x10] =	vst v0  }
.LBB2_1:
0xb: {  	s2 =	sadd.s32 $0x40, s2;
	[tilespmem:s5+$0x0] =	vst v0;
	s5 =	sadd.s32 $0x80, s5  }
0xc: {  	p0 =	slt.u32 s2, $0x3880;
	[tilespmem:s5+$0x70] =	vst v0  }
0xd: {  	[tilespmem:s5+$0x60] =	vst v0  }
.Ltmp0:
0xe: {  	[tilespmem:s5+$0x50] =	vst v0;
	(pc) =	sbr.rel @p0 .LBB2_1-.Ltmp0, $4  }
0xf: {  	[tilespmem:s5+$0x40] =	vst v0  }
0x10: {  	[tilespmem:s5+$0x30] =	vst v0  }
0x11: {  	[tilespmem:s5+$0x20] =	vst v0  }
0x12: {  	[tilespmem:s5+$0x10] =	vst v0  }
0x13: {  	s11 =	stileid.u32  }
0x14: {  	s2 =	smul.u32 $0xB, s11  }
0x15: {  	s3 =	smin.u32 s11, $0x7  }
0x16: {  	s2 =	sadd.s32 s3, s2  }
0x17: {  	p0 =	slt.u32 s11, $0x7;
	s20 =	smul.u32 $0x70, s2;
	s2 =	simm.s32 $0x540  }
0x18: {  	s2 =	simm.s32 @!p0 $0x4D0  }
0x19: {  	s2 =	sadd.s32 s2, s20  }
0x1a: {  	s8 =	smin.u32 s2, $0x5000  }
0x1b: {  	s2 =	ssub.s32 s8, s20  }
0x1c: {  	p0 =	sgt.s32 s2, $0x0  }
0x1d: {  	s26 =	simm.s32 $0x2;
	s2 =	simm.s32 @!p0 $0x0  }
0x1e: {  	s9 =	simm.s32 $0x9;
	s29 =	simm.s32 $0xA;
	s25 =	sand.u32 $0xFFF0, s2  }
0x1f: {  	s30 =	simm.s32 $0xB;
	s31 =	smul.u32 $0xA00, s10;
	s3 =	sshrl.u32 s25, $0x4  }
0x20: {  	[dreg:$0x4] =	wrdreg s10;
	s12 =	simm.s32 $0x1;
	s3 =	smul.u32 $0x2493, s3  }
0x21: {  	s24 =	simm.s32 $0x0;
	p1 =	por $0x0, $0x0;
	s18 =	simm.s32 $0x80  }
0x22: {  	s19 =	simm.s32 $0x400;
	s17 =	simm.s32 $0xC;
	s3 =	sshrl.u32 s3, $0x10  }
0x23: {  	s21 =	simm.s32 $0x0;
	s23 =	simm.s32 $0x0;
	s28 =	smul.u32 $0x70, s3  }
.Ltmp1:
0x24: {  	[tilespmem:s5+$0x0] =	vst v0;
	v0 =	vimm.s32 $0xFFFFFFFF;
	[sflag:s26] =	ssyncpa.u1 $0x0;
	s16 =	sshll.u32 s11, $0x9;
	(pc) =	sbr.rel .LBB2_3-.Ltmp1, $4  }
0x25: {  	[tilespmem:$0xE408] =	vst v0;
	[sflag:s9] =	ssyncpa.u1 $0x0;
	p0 =	sne.s32 s2, s28;
	s2 =	simm.s32 $0x1  }
0x26: {  	s14 =	sadd.s32 s31, s4;
	[sflag:s29] =	ssyncpa.u1 $0x0;
	s2 =	simm.s32 @!p0 $0x0  }
0x27: {  	s15 =	sadd.s32 s31, s0;
	[sflag:s30] =	ssyncpa.u1 $0x0;
	s13 =	sadd.s32 s3, s2  }
0x28: {  	v0 =	vlaneseq.u32;
	s22 =	smov.u32 s20;
	p0 =	por $0x1, $0x1;
	s11 =	sadd.s32 $0x1, s13  }
.LBB2_24:
0x29: {  	s2 =	sshrl.u32 s4, $0x2  }
.LBB2_26:
0x2a: {  	_ =	swait.ge [sflag:s17], s2  }
0x2b: {  	s31 =	ssub.s32 $0x0, s2;
	v1 =	vmov s26;
	vm0 =	veq.s32 v0, $0x0;
	[sflag:s17] =	ssyncset.done $0x0  }
0x2c: {  	vm15 =	veq.s32 v0, $0x2;
	v1 =	vsel vm0, s0, v1;
	[sflag:s17] =	ssyncadd.s32 s31  }
0x2d: {  	v1 =	vsel vm15, s24, v1;
	[sflag:s17] =	ssyncpa.u1 $0x1  }
0x2e: {  	[tilespmem:$0xE408] =	vst v1  }
.LBB2_27:
0x2f: {  	s0 =	sadd.s32 $0x70, s22  }
0x30: {  	s2 =	smov.u32 s20;
	p2 =	slt.s32 s0, s8  }
0x31: {  	s2 =	smov.u32 @p2 s0;
	p2 =	sne.s32 s23, s11  }
.Ltmp2:
0x32: {  	_ = 	snop;
	(pc) =	sbr.rel @!p2 .LBB2_28-.Ltmp2, $4  }
0x33: {  	_ = 	snop  }
0x34: {  	s24 =	smov.u32 s21  }
0x35: {  	s31 =	sadd.s32 $0x1, s23;
	s21 =	smov.u32 s22;
	p0 =	por !p0, !p0  }
0x36: {  	p1 =	por !p1, !p1;
	s23 =	smov.u32 s31;
	s22 =	smov.u32 s2  }
.LBB2_3:
0x37: {  	p2 =	sge.u32 s23, s13  }
0x38: {  	s0 =	smulhi.u32 @!p2 $0xAAAAAAAB, s23  }
0x39: {  	s2 =	smov.u32 s22;
	p3 =	sgt.s32 @!p2 s22, $0x4F90  }
0x3a: {  	s3 =	sshra.s32 @!p2 s22, $0x1F;
	p3 =	por !p3, p2;
	s0 =	sshrl.u32 @!p2 s0, $0x1  }
0x3b: {  	s3 =	sand.u32 @!p2 s3, s22;
	s2 =	simm.s32 @p3 $0x4F90;
	s0 =	smul.u32 @!p2 $0x3, s0  }
0x3c: {  	s2 =	ssub.s32 @!p2 s2, s3  }
0x3d: {  	s2 =	sadd.s32 @!p2 $0xFFFFB070, s2;
	s0 =	ssub.s32 @!p2 s23, s0  }
0x3e: {  	s3 =	sshll.u32 @!p2 s2, $0x2;
	p3 =	sgt.s32 @!p2 s2, $0x6F;
	s0 =	smul.u32 @!p2 $0x1C0, s0  }
0x3f: {  	s4 =	sand.u32 @!p2 $0x7, s22;
	s2 =	ssub.s32 @!p2 $0x1C0, s3;
	p3 =	por !p3, p2  }
0x40: {  	s3 =	sshrl.u32 @!p2 s22, $0x3;
	s2 =	sshrl.u32 @!p2 s2, $0x2;
	s0 =	sshrl.u32 @!p2 s0, $0x2  }
0x41: {  	s3 =	sadd.s32 @!p2 s3, s14;
	s2 =	simm.s32 @!p3 $0x0;
	s0 =	sadd.s32 @!p2 $0x10448, s0  }
0x42: {  	[tilespmem:s0], [sflag:$0xA] =	stream.linear.gather @!p2 [hbm4b:s3+s4], s2, $0x38;
	[tilespmem:$0x1E678] =	vst v63  }
0x43: {  	s2 =	sadd.s32 $0xFFFFFFFF, s23  }
0x44: {  	p2 =	sge.u32 s2, s13  }
0x45: {  	p3 =	sgt.s32 @!p2 s21, $0x4F90  }
0x46: {  	s0 =	smov.u32 s21;
	s3 =	sshra.s32 @!p2 s21, $0x1F;
	p3 =	por !p3, p2  }
0x47: {  	s3 =	sand.u32 @!p2 s3, s21;
	s0 =	simm.s32 @p3 $0x4F90  }
0x48: {  	s0 =	ssub.s32 @!p2 s0, s3  }
0x49: {  	s0 =	sadd.s32 @!p2 $0xFFFFB070, s0  }
0x4a: {  	s3 =	sshll.u32 @!p2 s0, $0x2  }
0x4b: {  	p3 =	sgt.s32 @!p2 s0, $0x6F;
	s0 =	ssub.s32 @!p2 $0x1C0, s3  }
0x4c: {  	p3 =	por !p3, p2;
	s0 =	sshrl.u32 @!p2 s0, $0x2  }
0x4d: {  	s4 =	simm.s32 @!p2 $0xA;
	s3 =	sand.u32 @!p2 $0x1, s2;
	s0 =	simm.s32 @!p3 $0x0  }
0x4e: {  	s3 =	smul.u32 @!p2 $0x1C0, s3;
	_ =	swait.ge @!p2 [sflag:s4], s0  }
0x4f: {  	s5 =	ssub.s32 @!p2 $0x0, s0;
	[sflag:s4] =	ssyncset.done @!p2 $0x0  }
0x50: {  	s3 =	sshrl.u32 @!p2 s3, $0x2;
	[sflag:s4] =	ssyncadd.s32 @!p2 s5;
	s4 =	sshrl.u32 @!p2 s21, $0x3  }
0x51: {  	s3 =	sadd.s32 @!p2 $0x10598, s3;
	s5 =	sand.u32 @!p2 $0x7, s21;
	s4 =	sadd.s32 @!p2 s4, s15  }
0x52: {  	[tilespmem:s3], [sflag:$0xB] =	stream.linear.gather @!p2 [hbm4b:s4+s5], s0, $0x38;
	[tilespmem:$0x1E678] =	vst v63  }
0x53: {  	s0 =	ssub.s32 @!p2 $0x5000, s21  }
0x54: {  	p3 =	slt.s32 @!p2 s0, $0x1  }
0x55: {  	p3 =	por p2, p3  }
.Ltmp3:
0x56: {  	_ = 	snop;
	(pc) =	sbr.rel @p3 .LBB2_9-.Ltmp3, $1  }
0x57: {  	_ =	sdelay $0x3  }
0x58: {  	s3 =	smulhi.u32 $0xAAAAAAAB, s2;
	_ =	sdelay $0x1  }
0x59: {  	s3 =	sshrl.u32 s3, $0x1  }
0x5a: {  	s3 =	smul.u32 $0x3, s3;
	_ =	sdelay $0x1  }
0x5b: {  	s30 =	ssub.s32 s2, s3  }
0x5c: {  	s4 =	simm.s32 $0x1;
	s2 =	smul.u32 $0x1C0, s30  }
.Ltmp4:
0x5d: {  	s4 =	simm.s32 @!p0 $0x0;
	(pc) =	sbr.rel .LBB2_6-.Ltmp4, $4  }
0x5e: {  	s31 =	smul.u32 $0x1C000, s4  }
0x5f: {  	p3 =	slt.s32 @!p2 s0, $0x70;
	s2 =	sshrl.u32 s2, $0x2  }
0x60: {  	p2 =	por !p3, p2;
	s3 =	sshrl.u32 s31, $0x2;
	s5 =	sadd.s32 $0x10448, s2  }
0x61: {  	s0 =	simm.s32 @p2 $0x70;
	s4 =	sor.u32 $0x10678, s3;
	s2 =	simm.s32 $0x0;
	v1 =	vmov s5  }
.LBB2_5:
0x62: {  	p2 =	sge.s32 s2, s0  }
.Ltmp5:
0x63: {  	_ = 	snop;
	(pc) =	sbr.rel @p2 .LBB2_9-.Ltmp5, $2  }
0x64: {  	_ =	sdelay $0x2  }
0x65: {  	s4 =	sadd.s32 $0x1000, s4  }
.LBB2_6:
0x66: {  	p2 =	sle.s32 s0, s2  }
.Ltmp6:
0x67: {  	_ = 	snop;
	(pc) =	sbr.rel @p2 .LBB2_5-.Ltmp6, $2  }
0x68: {  	_ =	sdelay $0x2  }
0x69: {  	s5 =	smov.u32 s2;
	s2 =	sadd.s32 $0x10, s2  }
0x6a: {  	s3 =	ssub.s32 s0, s5  }
0x6b: {  	p2 =	slt.s32 s3, $0x10  }
0x6c: {  	s3 =	simm.s32 @!p2 $0x10  }
0x6d: {  	v2 =	vmov s3  }
0x6e: {  	vm0 =	vgt.s32 v2, v0;
	_ =	sdelay $0x5  }
0x6f: {  	v2 =	vld.idx.msk [tilespmem:v1+s5+$0x0 ss:$0x1], vm0;
	_ =	sdelay $0x2  }
0x70: {  	p2 =	slt.s32 s2, s0;
	s3 =	smov.u32 s0  }
0x71: {  	s9 =	smov.u32 s4;
	s25 =	simm.s32 $0x0;
	s3 =	smov.u32 @p2 s2  }
.LBB2_8:
0x72: {  	(v2sf) =	vpush v2, s25;
	_ =	sdelay $0xe  }
0x73: {  	s25 =	sadd.s32 $0x1, s25;
	s10 =	spop (v2sf)  }
0x74: {  	s31 =	sadd.s32 s25, s5;
	s26 =	sshll.u32 s10, $0x8;
	s10 =	sshll.u32 s10, $0x7  }
0x75: {  	p2 =	slt.s32 s31, s3;
	s26 =	sand.u32 $0xFFFFF800, s26;
	s10 =	sand.u32 $0x380, s10  }
.Ltmp7:
0x76: {  	s10 =	sor.u32 s10, s26;
	(pc) =	sbr.rel @p2 .LBB2_8-.Ltmp7, $4  }
0x77: {  	s10 =	sshrl.u32 s10, $0x3  }
0x78: {  	s10 =	sadd.s32 s6, s10  }
0x79: {  	[tilespmem:s9], [sflag:$0x9] =	stream.strided.gather [hbm4b:s10+s18], $0x100, s19, s18, $0x38;
	[tilespmem:$0x1E678] =	vst v63  }
0x7a: {  	s9 =	sadd.s32 $0x100, s9  }
.Ltmp8:
0x7b: {  	_ = 	snop;
	(pc) =	sbr.rel .LBB2_5-.Ltmp8, $1  }
0x7c: {  	_ =	sdelay $0x3  }
.LBB2_9:
0x7d: {  	p2 =	slt.u32 s23, $0x2  }
.Ltmp9:
0x7e: {  	_ = 	snop;
	(pc) =	sbr.rel @p2 .LBB2_27-.Ltmp9, $1  }
0x7f: {  	_ =	sdelay $0x3  }
0x80: {  	p2 =	sgt.s32 s24, $0x4F90  }
0x81: {  	s0 =	smov.u32 s24;
	s2 =	sshra.s32 s24, $0x1F;
	s3 =	ssub.s32 $0x5000, s24  }
0x82: {  	s0 =	simm.s32 @!p2 $0x4F90;
	s2 =	sand.u32 s2, s24;
	p2 =	slt.s32 s3, $0x70  }
0x83: {  	s0 =	ssub.s32 s0, s2;
	s3 =	simm.s32 @!p2 $0x70  }
0x84: {  	s0 =	sadd.s32 $0xFFFFB070, s0;
	s9 =	sshll.u32 s3, $0x8  }
0x85: {  	s26 =	simm.s32 $0x9;
	s10 =	sshll.u32 s0, $0x2;
	s2 =	sand.u32 $0x3FFFFF00, s9  }
0x86: {  	p2 =	sgt.s32 s0, $0x6F;
	s25 =	ssub.s32 $0x1C0, s10;
	_ =	swait.ge [sflag:s26], s2  }
0x87: {  	s2 =	ssub.s32 $0x0, s2;
	[sflag:s26] =	ssyncset.done $0x0;
	s0 =	sshrl.u32 s25, $0x2  }
0x88: {  	s29 =	simm.s32 $0xB;
	[sflag:s26] =	ssyncadd.s32 s2;
	s0 =	simm.s32 @p2 $0x0  }
0x89: {  	_ =	swait.ge [sflag:s29], s0  }
0x8a: {  	s0 =	ssub.s32 $0x0, s0;
	[sflag:s29] =	ssyncset.done $0x0  }
0x8b: {  	[sflag:s29] =	ssyncadd.s32 s0  }
0x8c: {  	v1 =	vld [tilespmem:$0xE408];
	_ =	sdelay $0x4  }
0x8d: {  	(v2sf) =	vpush v1, $0x0  }
0x8e: {  	(v2sf) =	vpush v1, $0x1  }
0x8f: {  	(v2sf) =	vpush v1, $0x2;
	_ =	sdelay $0x3  }
0x90: {  	s0 =	sadd.s32 $0x70, s24  }
0x91: {  	s2 =	ssub.s32 $0xA000, s24;
	p2 =	slt.s32 s8, s0  }
0x92: {  	s0 =	smov.u32 @p2 s8;
	p2 =	sgt.s32 s2, $0x0  }
0x93: {  	s0 =	ssub.s32 s0, s24;
	s2 =	simm.s32 @!p2 $0x0  }
0x94: {  	p2 =	slt.s32 s2, s0  }
0x95: {  	s0 =	smov.u32 @p2 s2  }
0x96: {  	s4 =	simm.s32 $0x1;
	p2 =	slt.s32 s0, $0x1  }
.Ltmp10:
0x97: {  	s4 =	simm.s32 @!p1 $0x0;
	(pc) =	sbr.rel @p2 .LBB2_14-.Ltmp10, $4  }
0x98: {  	s30 =	smul.u32 $0x1C0, s4  }
0x99: {  	s5 =	spop (v2sf)  }
0x9a: {  	s31 =	sshrl.u32 s30, $0x2;
	s28 =	spop (v2sf)  }
0x9b: {  	s25 =	sadd.s32 $0x10598, s31;
	s24 =	spop (v2sf)  }
0x9c: {  	s2 =	smin.u32 s0, $0x10  }
0x9d: {  	v1 =	vmov s2  }
0x9e: {  	vm1 =	vgt.u32 v1, v0  }
0x9f: {  	p3 =	sgt.s32 s0, $0x10  }
.Ltmp11:
0xa0: {  	_ = 	snop;
	(pc) =	sbr.rel @!p3 .LBB2_13-.Ltmp11, $2  }
0xa1: {  	_ =	sdelay $0x2  }
0xa2: {  	s26 =	simm.s32 $0x10;
	s29 =	sadd.s32 $0xFFFFFFF0, s0;
	s2 =	smov.u32 s25;
	vm0 =	vmmov vm1;
	v1 =	vld.msk [tilespmem:s25+$0x0 ss:$0x1], vm1  }
.LBB2_12:
0xa3: {  	s3 =	smin.u32 s29, $0x10;
	s26 =	sadd.s32 $0x10, s26  }
0xa4: {  	v2 =	vmov s3;
	p3 =	slt.s32 s26, s0  }
0xa5: {  	vm1 =	vgt.u32 v2, v0;
	_ =	sdelay $0x1  }
0xa6: {  	v2 =	vshll.u32 v1, $0x5;
	v1 =	vshll.u32 v1, $0x4  }
.Ltmp12:
0xa7: {  	v2 =	vand.u32 $0xFFFFFF00, v2;
	v1 =	vand.u32 $0x70, v1;
	(pc) =	sbr.rel @p3 .LBB2_12-.Ltmp12, $4  }
0xa8: {  	v1 =	vor.u32 v1, v2  }
0xa9: {  	[tilespmem:s2+$0x0] =	vst.msk vm0, v1;
	s2 =	sadd.s32 $0x10, s2;
	vm0 =	vmmov vm1  }
0xaa: {  	v1 =	vld.msk [tilespmem:s2+$0x0 ss:$0x1], vm1  }
0xab: {  	s29 =	sadd.s32 $0xFFFFFFF0, s29  }
.LBB2_13:
0xac: {  	_ =	sdelay $0x3  }
0xad: {  	v2 =	vshll.u32 v1, $0x5;
	v1 =	vshll.u32 v1, $0x4  }
0xae: {  	v2 =	vand.u32 $0xFFFFFF00, v2;
	v1 =	vand.u32 $0x70, v1  }
0xaf: {  	v1 =	vor.u32 v1, v2  }
0xb0: {  	[tilespmem:s2+$0x0] =	vst.msk vm0, v1  }
.LBB2_14:
0xb1: {  	s2 =	sand.u32 $0x1, s23  }
0xb2: {  	s2 =	smul.u32 $0x70, s2  }
0xb3: {  	p3 =	sne.s32 s28, $0xFFFFFFFF  }
0xb4: {  	v1 =	vld.msk @!p3 [tilespmem:s2+$0x10598], $0x1;
	_ =	sdelay $0x4  }
0xb5: {  	(v2sf) =	vpush @!p3 v1, $0x0;
	_ =	sdelay $0xc  }
.Ltmp13:
0xb6: {  	_ = 	snop;
	(pc) =	sbr.rel @p2 .LBB2_25-.Ltmp13, $4  }
0xb7: {  	_ = 	snop  }
0xb8: {  	s31 =	spop @!p3 (v2sf)  }
0xb9: {  	s24 =	simm.s32 @!p3 $0x0;
	s26 =	smov.u32 s31  }
0xba: {  	[sflag:s17] =	ssyncpa.u1 $0x0;
	s31 =	smov.u32 @p3 s5;
	s26 =	smov.u32 @p3 s28  }
0xbb: {  	v1 =	vld.msk [tilespmem:s25+$0x0], $0x1;
	_ =	sdelay $0x4  }
0xbc: {  	(v2sf) =	vpush v1, $0x0;
	_ =	sdelay $0xe  }
0xbd: {  	s7 =	smov.u32 s11;
	s5 =	spop (v2sf)  }
0xbe: {  	s17 =	smov.u32 s15;
	s2 =	smul.u32 $0x1C000, s4;
	p2 =	seq.s32 s31, s5  }
0xbf: {  	s3 =	smov.u32 s31;
	s29 =	ssub.s32 $0x0, s0;
	p3 =	sgt.s32 @!p2 s31, $0x0  }
0xc0: {  	s30 =	simm.s32 $0x0;
	s2 =	sshrl.u32 s2, $0x2;
	p3 =	por !p3, p2  }
0xc1: {  	s0 =	sadd.s32 $0x1, s29;
	s28 =	sor.u32 $0x106F8, s2;
	s3 =	simm.s32 @p3 $0x0  }
0xc2: {  	s2 =	simm.s32 @!p2 $0x1;
	p3 =	seq.s32 s0, $0x0;
	s3 =	smin.u32 @!p2 s3, $0x1FF70  }
.Ltmp14:
0xc3: {  	s4 =	simm.s32 @!p2 $0x7308;
	s9 =	sand.u32 @!p2 $0x1FFF8, s3;
	(pc) =	sbr.rel @p3 .LBB2_17-.Ltmp14, $4  }
0xc4: {  	s10 =	sadd.s32 @!p2 $0x80, s3;
	s11 =	sadd.s32 @!p2 s1, s9;
	s9 =	sand.u32 @!p2 $0x7, s3  }
0xc5: {  	[tilespmem:s4], [sflag:$0x2] =	stream.linear.gather @!p2 [hbm4b:s11+s9], $0x80, $0x38;
	[tilespmem:$0x1E678] =	vst v63  }
0xc6: {  	s15 =	smov.u32 s14;
	s2 =	smov.u32 @p2 s30;
	s4 =	sand.u32 @!p2 $0x3FFF8, s10  }
0xc7: {  	s3 =	simm.s32 @!p2 $0x7388;
	s10 =	sadd.s32 @!p2 s1, s4;
	s4 =	sadd.s32 $0x1, s25  }
.LBB2_16:
0xc8: {  	s11 =	smov.u32 s2  }
0xc9: {  	[tilespmem:s3], [sflag:$0x2] =	stream.linear.gather @!p2 [hbm4b:s10+s9], $0x80, $0x38;
	[tilespmem:$0x1E678] =	vst v63  }
0xca: {  	s0 =	sadd.s32 $0x1, s0;
	s9 =	smov.u32 s5;
	v1 =	vld.msk [tilespmem:s4+$0x0], $0x1  }
0xcb: {  	p3 =	seq.s32 s0, $0x0;
	_ =	sdelay $0x3  }
0xcc: {  	(v2sf) =	vpush v1, $0x0;
	_ =	sdelay $0xe  }
0xcd: {  	s5 =	spop (v2sf)  }
0xce: {  	p2 =	seq.s32 s9, s5  }
0xcf: {  	p4 =	sgt.s32 @!p2 s9, $0x0;
	s3 =	sshll.u32 @!p2 s2, $0xA;
	s2 =	sadd.s32 @!p2 $0x1, s2  }
0xd0: {  	p4 =	por !p4, p2;
	s3 =	sshra.s32 @!p2 s3, $0x2;
	s2 =	smov.u32 @p2 s11  }
0xd1: {  	s9 =	simm.s32 @p4 $0x0;
	s10 =	sadd.s32 @!p2 $0x7308, s3;
	s3 =	sadd.s32 @!p2 $0x7388, s3  }
.Ltmp15:
0xd2: {  	s9 =	smin.u32 @!p2 s9, $0x1FF70;
	(pc) =	sbr.rel @!p3 .LBB2_16-.Ltmp15, $4  }
0xd3: {  	s11 =	sand.u32 @!p2 $0x1FFF8, s9;
	s14 =	sadd.s32 @!p2 $0x80, s9  }
0xd4: {  	s9 =	sand.u32 @!p2 $0x7, s9;
	s11 =	sadd.s32 @!p2 s1, s11;
	s14 =	sand.u32 @!p2 $0x3FFF8, s14  }
0xd5: {  	[tilespmem:s10], [sflag:$0x2] =	stream.linear.gather @!p2 [hbm4b:s11+s9], $0x80, $0x38;
	[tilespmem:$0x1E678] =	vst v63  }
0xd6: {  	s4 =	sadd.s32 $0x1, s4;
	s10 =	sadd.s32 @!p2 s1, s14  }
.LBB2_17:
0xd7: {  	[tilespmem:s3], [sflag:$0x2] =	stream.linear.gather @!p2 [hbm4b:s10+s9], $0x80, $0x38;
	[tilespmem:$0x1E678] =	vst v63  }
0xd8: {  	s0 =	sshll.u32 s2, $0x8  }
.Ltmp16:
0xd9: {  	s14 =	simm.s32 $0x2;
	s0 =	sand.u32 $0x3FFFFF00, s0;
	(pc) =	sbr.rel .LBB2_18-.Ltmp16, $4  }
0xda: {  	_ =	swait.ge [sflag:s14], s0  }
0xdb: {  	s0 =	ssub.s32 $0x0, s0;
	[sflag:s14] =	ssyncset.done $0x0  }
0xdc: {  	s4 =	simm.s32 $0x0;
	s11 =	smov.u32 s7;
	[sflag:s14] =	ssyncadd.s32 s0  }
0xdd: {  	s14 =	smov.u32 s15;
	s15 =	smov.u32 s17;
	s17 =	simm.s32 $0xC  }
.LBB2_19:
0xde: {  	v1 =	vld [tilespmem:s28+$0xFFFFFF80];
	_ =	sdelay $0x4  }
0xdf: {  	[tilespmem:s5+$0x208] =	vst.add.f32.msk $0xffff, v1  }
0xe0: {  	v1 =	vld [tilespmem:s28+$0xFFFFFF90];
	_ =	sdelay $0x4  }
0xe1: {  	[tilespmem:s5+$0x218] =	vst.add.f32.msk $0xffff, v1  }
0xe2: {  	v1 =	vld [tilespmem:s28+$0xFFFFFFA0];
	_ =	sdelay $0x4  }
0xe3: {  	[tilespmem:s5+$0x228] =	vst.add.f32.msk $0xffff, v1  }
0xe4: {  	v1 =	vld [tilespmem:s28+$0xFFFFFFB0];
	_ =	sdelay $0x4  }
0xe5: {  	[tilespmem:s5+$0x238] =	vst.add.f32.msk $0xffff, v1  }
0xe6: {  	v1 =	vld [tilespmem:s28+$0xFFFFFFC0];
	_ =	sdelay $0x4  }
0xe7: {  	[tilespmem:s5+$0x248] =	vst.add.f32.msk $0xffff, v1  }
0xe8: {  	v1 =	vld [tilespmem:s28+$0xFFFFFFD0];
	_ =	sdelay $0x4  }
0xe9: {  	[tilespmem:s5+$0x258] =	vst.add.f32.msk $0xffff, v1  }
0xea: {  	v1 =	vld [tilespmem:s28+$0xFFFFFFE0];
	_ =	sdelay $0x4  }
0xeb: {  	[tilespmem:s5+$0x268] =	vst.add.f32.msk $0xffff, v1  }
0xec: {  	v1 =	vld [tilespmem:s28+$0xFFFFFFF0];
	_ =	sdelay $0x4  }
0xed: {  	[tilespmem:s5+$0x278] =	vst.add.f32.msk $0xffff, v1  }
0xee: {  	v1 =	vld [tilespmem:s28+$0x0];
	_ =	sdelay $0x4  }
0xef: {  	[tilespmem:s5+$0x288] =	vst.add.f32.msk $0xffff, v1  }
0xf0: {  	v1 =	vld [tilespmem:s28+$0x10];
	_ =	sdelay $0x4  }
0xf1: {  	[tilespmem:s5+$0x298] =	vst.add.f32.msk $0xffff, v1  }
0xf2: {  	v1 =	vld [tilespmem:s28+$0x20];
	_ =	sdelay $0x4  }
0xf3: {  	[tilespmem:s5+$0x2A8] =	vst.add.f32.msk $0xffff, v1  }
0xf4: {  	v1 =	vld [tilespmem:s28+$0x30];
	_ =	sdelay $0x4  }
0xf5: {  	[tilespmem:s5+$0x2B8] =	vst.add.f32.msk $0xffff, v1  }
0xf6: {  	v1 =	vld [tilespmem:s28+$0x40];
	_ =	sdelay $0x4  }
0xf7: {  	[tilespmem:s5+$0x2C8] =	vst.add.f32.msk $0xffff, v1  }
0xf8: {  	v1 =	vld [tilespmem:s28+$0x50];
	_ =	sdelay $0x4  }
0xf9: {  	[tilespmem:s5+$0x2D8] =	vst.add.f32.msk $0xffff, v1  }
0xfa: {  	v1 =	vld [tilespmem:s28+$0x60];
	_ =	sdelay $0x4  }
0xfb: {  	[tilespmem:s5+$0x2E8] =	vst.add.f32.msk $0xffff, v1  }
0xfc: {  	v1 =	vld [tilespmem:s28+$0x70];
	_ =	sdelay $0x4  }
0xfd: {  	[tilespmem:s5+$0x2F8] =	vst.add.f32.msk $0xffff, v1  }
.LBB2_23:
0xfe: {  	s29 =	sadd.s32 $0x1, s29  }
0xff: {  	p2 =	seq.s32 s29, $0x0  }
.Ltmp17:
0x100: {  	_ = 	snop;
	(pc) =	sbr.rel @p2 .LBB2_24-.Ltmp17, $2  }
0x101: {  	_ =	sdelay $0x2  }
0x102: {  	s25 =	sadd.s32 $0x1, s25;
	s28 =	sadd.s32 $0x100, s28;
	s31 =	smov.u32 s0  }
.LBB2_18:
0x103: {  	v1 =	vld.msk [tilespmem:s25+$0x0], $0x1;
	_ =	sdelay $0x4  }
0x104: {  	(v2sf) =	vpush v1, $0x0;
	_ =	sdelay $0xe  }
0x105: {  	s0 =	spop (v2sf)  }
0x106: {  	p2 =	sne.s32 s31, s0  }
.Ltmp18:
0x107: {  	_ = 	snop;
	(pc) =	sbr.rel @!p2 .LBB2_19-.Ltmp18, $3  }
0x108: {  	_ =	sdelay $0x1  }
0x109: {  	s2 =	sshll.u32 s24, $0xA  }
0x10a: {  	s5 =	sshra.s32 s2, $0x2  }
0x10b: {  	p2 =	seq.s32 s31, s26  }
.Ltmp19:
0x10c: {  	_ = 	snop;
	(pc) =	sbr.rel @!p2 .LBB2_21-.Ltmp19, $1  }
0x10d: {  	_ =	sdelay $0x3  }
.Ltmp20:
0x10e: {  	s2 =	sadd.s32 $0x208, s5;
	(pc) =	sbr.rel .LBB2_22-.Ltmp20, $4  }
0x10f: {  	[spmem:s16] =	stream.linear.scatter [tilespmem:s2], [sflag:$0x1], $0x100, $0x38;
	[tilespmem:$0x1E678] =	vst v63  }
0x110: {  	_ =	swait.ge [sflag:s12], $0x100  }
0x111: {  	[sflag:s12] =	ssyncset.done $0x0  }
0x112: {  	[sflag:s12] =	ssyncadd.s32 $0xFFFFFF00  }
.LBB2_21:
0x113: {  	s2 =	sshll.u32 s30, $0xA  }
0x114: {  	s2 =	sshra.s32 s2, $0x2  }
0x115: {  	v1 =	vld [tilespmem:s2+$0x7308];
	_ =	sdelay $0x4  }
0x116: {  	[tilespmem:s5+$0x208] =	vst.add.f32.msk $0xffff, v1  }
0x117: {  	v1 =	vld [tilespmem:s2+$0x7318];
	_ =	sdelay $0x4  }
0x118: {  	[tilespmem:s5+$0x218] =	vst.add.f32.msk $0xffff, v1  }
0x119: {  	v1 =	vld [tilespmem:s2+$0x7328];
	_ =	sdelay $0x4  }
0x11a: {  	[tilespmem:s5+$0x228] =	vst.add.f32.msk $0xffff, v1  }
0x11b: {  	v1 =	vld [tilespmem:s2+$0x7338];
	_ =	sdelay $0x4  }
0x11c: {  	[tilespmem:s5+$0x238] =	vst.add.f32.msk $0xffff, v1  }
0x11d: {  	v1 =	vld [tilespmem:s2+$0x7348];
	_ =	sdelay $0x4  }
0x11e: {  	[tilespmem:s5+$0x248] =	vst.add.f32.msk $0xffff, v1  }
0x11f: {  	v1 =	vld [tilespmem:s2+$0x7358];
	_ =	sdelay $0x4  }
0x120: {  	[tilespmem:s5+$0x258] =	vst.add.f32.msk $0xffff, v1  }
0x121: {  	v1 =	vld [tilespmem:s2+$0x7368];
	_ =	sdelay $0x4  }
0x122: {  	[tilespmem:s5+$0x268] =	vst.add.f32.msk $0xffff, v1  }
0x123: {  	v1 =	vld [tilespmem:s2+$0x7378];
	_ =	sdelay $0x4  }
0x124: {  	[tilespmem:s5+$0x278] =	vst.add.f32.msk $0xffff, v1  }
0x125: {  	v1 =	vld [tilespmem:s2+$0x7388];
	_ =	sdelay $0x4  }
0x126: {  	[tilespmem:s5+$0x288] =	vst.add.f32.msk $0xffff, v1  }
0x127: {  	v1 =	vld [tilespmem:s2+$0x7398];
	_ =	sdelay $0x4  }
0x128: {  	[tilespmem:s5+$0x298] =	vst.add.f32.msk $0xffff, v1  }
0x129: {  	v1 =	vld [tilespmem:s2+$0x73A8];
	_ =	sdelay $0x4  }
0x12a: {  	[tilespmem:s5+$0x2A8] =	vst.add.f32.msk $0xffff, v1  }
0x12b: {  	v1 =	vld [tilespmem:s2+$0x73B8];
	_ =	sdelay $0x4  }
0x12c: {  	[tilespmem:s5+$0x2B8] =	vst.add.f32.msk $0xffff, v1  }
0x12d: {  	v1 =	vld [tilespmem:s2+$0x73C8];
	_ =	sdelay $0x4  }
0x12e: {  	[tilespmem:s5+$0x2C8] =	vst.add.f32.msk $0xffff, v1  }
0x12f: {  	v1 =	vld [tilespmem:s2+$0x73D8];
	_ =	sdelay $0x4  }
0x130: {  	[tilespmem:s5+$0x2D8] =	vst.add.f32.msk $0xffff, v1  }
0x131: {  	v1 =	vld [tilespmem:s2+$0x73E8];
	_ =	sdelay $0x4  }
0x132: {  	[tilespmem:s5+$0x2E8] =	vst.add.f32.msk $0xffff, v1  }
0x133: {  	v1 =	vld [tilespmem:s2+$0x73F8];
	_ =	sdelay $0x2  }
0x134: {  	p2 =	sgt.u32 s31, $0x1FF70  }
0x135: {  	s2 =	sand.u32 @!p2 $0x1FFF8, s31  }
0x136: {  	s3 =	sadd.s32 $0x208, s5;
	s9 =	sand.u32 @!p2 $0x7, s31;
	s2 =	sadd.s32 @!p2 s1, s2;
	[tilespmem:s5+$0x2F8] =	vst.add.f32.msk $0xffff, v1  }
0x137: {  	[hbm4b:s2+s9] =	stream.linear.scatter @!p2 [tilespmem:s3], [sflag:$0xC], $0x80, $0x38;
	[tilespmem:$0x1E678] =	vst v63  }
0x138: {  	s2 =	sadd.s32 @!p2 $0x80, s31  }
0x139: {  	s2 =	sand.u32 @!p2 $0x3FFF8, s2  }
0x13a: {  	s3 =	sadd.s32 $0x288, s5;
	s2 =	sadd.s32 @!p2 s1, s2  }
0x13b: {  	[hbm4b:s2+s9] =	stream.linear.scatter @!p2 [tilespmem:s3], [sflag:$0xC], $0x80, $0x38;
	[tilespmem:$0x1E678] =	vst v63  }
0x13c: {  	s2 =	simm.s32 $0x0  }
0x13d: {  	s2 =	simm.s32 @!p2 $0x400  }
0x13e: {  	s4 =	sadd.s32 s2, s4  }
.LBB2_22:
0x13f: {  	s2 =	sadd.s32 $0x1, s24  }
0x140: {  	s3 =	sshrl.u32 s2, $0x4  }
0x141: {  	s3 =	smulhi.u32 $0x24924925, s3  }
0x142: {  	v1 =	vld [tilespmem:s28+$0xFFFFFF80]  }
0x143: {  	s3 =	smul.u32 $0x70, s3;
	_ =	sdelay $0x1  }
0x144: {  	s24 =	ssub.s32 s2, s3  }
0x145: {  	s2 =	sshll.u32 s24, $0x8  }
0x146: {  	[tilespmem:s2+$0x208] =	vst v1  }
0x147: {  	v1 =	vld [tilespmem:s28+$0xFFFFFF90];
	_ =	sdelay $0x4  }
0x148: {  	[tilespmem:s2+$0x218] =	vst v1  }
0x149: {  	v1 =	vld [tilespmem:s28+$0xFFFFFFA0];
	_ =	sdelay $0x4  }
0x14a: {  	[tilespmem:s2+$0x228] =	vst v1  }
0x14b: {  	v1 =	vld [tilespmem:s28+$0xFFFFFFB0];
	_ =	sdelay $0x4  }
0x14c: {  	[tilespmem:s2+$0x238] =	vst v1  }
0x14d: {  	v1 =	vld [tilespmem:s28+$0xFFFFFFC0];
	_ =	sdelay $0x4  }
0x14e: {  	[tilespmem:s2+$0x248] =	vst v1  }
0x14f: {  	v1 =	vld [tilespmem:s28+$0xFFFFFFD0];
	_ =	sdelay $0x4  }
0x150: {  	[tilespmem:s2+$0x258] =	vst v1  }
0x151: {  	v1 =	vld [tilespmem:s28+$0xFFFFFFE0];
	_ =	sdelay $0x4  }
0x152: {  	[tilespmem:s2+$0x268] =	vst v1  }
0x153: {  	v1 =	vld [tilespmem:s28+$0xFFFFFFF0];
	_ =	sdelay $0x4  }
0x154: {  	[tilespmem:s2+$0x278] =	vst v1  }
0x155: {  	v1 =	vld [tilespmem:s28+$0x0];
	_ =	sdelay $0x4  }
0x156: {  	[tilespmem:s2+$0x288] =	vst v1  }
0x157: {  	v1 =	vld [tilespmem:s28+$0x10];
	_ =	sdelay $0x4  }
0x158: {  	[tilespmem:s2+$0x298] =	vst v1  }
0x159: {  	v1 =	vld [tilespmem:s28+$0x20];
	_ =	sdelay $0x4  }
0x15a: {  	[tilespmem:s2+$0x2A8] =	vst v1  }
0x15b: {  	v1 =	vld [tilespmem:s28+$0x30];
	_ =	sdelay $0x4  }
0x15c: {  	[tilespmem:s2+$0x2B8] =	vst v1  }
0x15d: {  	v1 =	vld [tilespmem:s28+$0x40];
	_ =	sdelay $0x4  }
0x15e: {  	[tilespmem:s2+$0x2C8] =	vst v1  }
0x15f: {  	v1 =	vld [tilespmem:s28+$0x50];
	_ =	sdelay $0x4  }
0x160: {  	[tilespmem:s2+$0x2D8] =	vst v1  }
0x161: {  	v1 =	vld [tilespmem:s28+$0x60];
	_ =	sdelay $0x4  }
0x162: {  	[tilespmem:s2+$0x2E8] =	vst v1  }
0x163: {  	v1 =	vld [tilespmem:s28+$0x70]  }
.Ltmp21:
0x164: {  	_ = 	snop;
	(pc) =	sbr.rel .LBB2_23-.Ltmp21, $2  }
0x165: {  	_ =	sdelay $0x2  }
0x166: {  	s30 =	sadd.s32 $0x1, s30;
	[tilespmem:s2+$0x2F8] =	vst v1  }
.LBB2_25:
.Ltmp22:
0x167: {  	(pc) =	sbr.rel .LBB2_26-.Ltmp22, $4  }
0x168: {  	_ = 	snop  }
0x169: {  	s0 =	simm.s32 $0x2  }
0x16a: {  	_ =	swait.ge [sflag:s0], $0x0  }
0x16b: {  	s2 =	simm.s32 $0x0;
	[sflag:s0] =	ssyncset.done $0x0;
	s0 =	smov.u32 s31  }
.LBB2_28:
0x16c: {  	_ =	sfence.sel $0x180000  }
0x16d: {  	s0 =	simm.s32 $0x9;
	[bflag:$0x0] =	sbarrier.arrive $0xFFFF  }
0x16e: {  	s24 =	simm.s32 $0xA;
	[sflag:s0] =	ssyncpa.u1 $0x1  }
0x16f: {  	s25 =	simm.s32 $0xB;
	[sflag:s24] =	ssyncpa.u1 $0x1  }
0x170: {  	s26 =	simm.s32 $0x2;
	[sflag:s25] =	ssyncpa.u1 $0x1  }
0x171: {  	[sflag:s26] =	ssyncpa.u1 $0x1  }
0x172: {  	v0 =	vld [tilespmem:$0xE408];
	_ =	sdelay $0x4  }
0x173: {  	(v2sf) =	vpush v0, $0x0  }
0x174: {  	(v2sf) =	vpush v0, $0x1;
	_ =	sdelay $0x1  }
0x175: {  	(v2sf) =	vpush v0, $0x2;
	_ =	sdelay $0xb  }
0x176: {  	s0 =	spop (v2sf)  }
0x177: {  	s2 =	spop (v2sf)  }
0x178: {  	s3 =	smov.u32 s0;
	p0 =	sne.s32 s0, s2  }
0x179: {  	s4 =	spop (v2sf);
	s3 =	simm.s32 @!p0 $0xFFFFFFFF  }
0x17a: {  	v2 =	vimm.s32 $0x1;
	v3 =	vlaneseq.u32;
	p0 =	seq.s32 s4, $0xFFFFFFFF;
	v1 =	vmov s3  }
0x17b: {  	s15 =	stileid.u32;
	v0 =	vperm.xlane v0, v2;
	p1 =	sne.s32 @!p0 s0, s2;
	v1 =	vperm.xlane v1, v3  }
0x17c: {  	vm0 =	vcmask $0x3F04;
	s6 =	simm.s32 $0xE408;
	s0 =	simm.s32 @!p0 $0x1;
	p1 =	por !p1, p0  }
0x17d: {  	s3 =	sshll.u32 s15, $0x1;
	s2 =	sshll.u32 @!p0 s4, $0xA;
	s0 =	simm.s32 @p1 $0x0;
	v0 =	vsel vm0, v1, v0  }
0x17e: {  	s5 =	sor.u32 $0x2000, s3;
	s2 =	sshra.s32 @!p0 s2, $0x2;
	s0 =	sor.u32 @!p0 s0, s3;
	[tilespmem:$0xE408] =	vst v0  }
0x17f: {  	[spmem:s5] =	stream.linear.scatter [tilespmem:s6], [sflag:$0x1], $0x2, $0x38;
	[tilespmem:$0x1E678] =	vst v63  }
0x180: {  	s2 =	sadd.s32 @!p0 $0x208, s2;
	s0 =	sshll.u32 @!p0 s0, $0x8  }
0x181: {  	[spmem:s0] =	stream.linear.scatter @!p0 [tilespmem:s2], [sflag:$0x1], $0x100, $0x38;
	[tilespmem:$0x1E678] =	vst v63  }
0x182: {  	s0 =	simm.s32 @!p0 $0x102  }
0x183: {  	s28 =	simm.s32 $0x1;
	s0 =	simm.s32 @p0 $0x2  }
0x184: {  	_ =	swait.ge [sflag:s28], s0  }
0x185: {  	s0 =	ssub.s32 $0x0, s0;
	[sflag:s28] =	ssyncset.done $0x0  }
0x186: {  	p0 =	sne.s32 s15, $0x0;
	[sflag:s28] =	ssyncadd.s32 s0  }
.Ltmp23:
0x187: {  	_ =	sfence.stream.spmem;
	(pc) =	sbr.rel @p0 .LBB2_45-.Ltmp23, $4  }
0x188: {  	s29 =	simm.s32 $0x3;
	[bflag:$0x0] =	sbarrier.arrive $0xFFFF  }
0x189: {  	s30 =	simm.s32 $0x4;
	[sflag:s29] =	ssyncpa.u1 $0x1  }
0x18a: {  	s31 =	simm.s32 $0x3C;
	[sflag:s30] =	ssyncpa.u1 $0x1  }
0x18b: {  	s14 =	rddreg [dreg:$0x4];
	[sflag:s31] =	ssyncpa.u1 $0x1  }
0x18c: {  	_ =	sfence.stream.spmem;
	s0 =	simm.s32 $0x5  }
0x18d: {  	s2 =	simm.s32 $0x2000;
	s3 =	simm.s32 $0xE418;
	[sflag:s0] =	ssyncpa.u1 $0x0  }
0x18e: {  	[tilespmem:s3], [sflag:$0x5] =	stream.linear.gather [spmem:s2], $0x20, $0x38;
	[tilespmem:$0x1E678] =	vst v63  }
0x18f: {  	s26 =	simm.s32 $0x0;
	s28 =	simm.s32 $0xE438  }
0x190: {  	[tilespmem:s28], [sflag:$0x5] =	stream.linear.gather [spmem:s26], $0x2000, $0x38;
	[tilespmem:$0x1E678] =	vst v63  }
0x191: {  	_ =	swait.ge [sflag:s0], $0x2020  }
0x192: {  	[sflag:s0] =	ssyncset.done $0x0  }
0x193: {  	s29 =	simm.s32 $0x0;
	[sflag:s0] =	ssyncadd.s32 $0xFFFFDFE0  }
0x194: {  	v0 =	vld.msk [tilespmem:s29+$0xE418], $0x1;
	_ =	sdelay $0x1  }
0x195: {  	s30 =	simm.s32 $0x1  }
0x196: {  	v1 =	vld.msk [tilespmem:s30+$0xE418], $0x1;
	_ =	sdelay $0x1  }
0x197: {  	(v2sf) =	vpush v0, $0x0;
	_ =	sdelay $0x2  }
0x198: {  	(v2sf) =	vpush v1, $0x0;
	_ =	sdelay $0x2  }
0x199: {  	s31 =	simm.s32 $0x2  }
0x19a: {  	v0 =	vld.msk [tilespmem:s31+$0xE418], $0x1;
	_ =	sdelay $0x2  }
0x19b: {  	s2 =	simm.s32 $0xFFFFFFFF;
	s3 =	simm.s32 $0xFFFFFFFF;
	s0 =	simm.s32 $0xC  }
.LBB2_30:
0x19c: {  	s4 =	smov.u32 s3;
	s5 =	smov.u32 s2  }
0x19d: {  	s2 =	sshra.s32 s0, $0x2;
	p1 =	sne.s32 s0, $0x7C;
	s0 =	sadd.s32 $0x4, s0;
	(v2sf) =	vpush v0, $0x0  }
0x19e: {  	v0 =	vld.msk [tilespmem:s2+$0xE418], $0x1  }
.Ltmp24:
0x19f: {  	(pc) =	sbr.rel @p1 .LBB2_30-.Ltmp24, $4  }
0x1a0: {  	s3 =	spop (v2sf)  }
0x1a1: {  	p2 =	sne.s32 s5, $0xFFFFFFFF;
	s2 =	smov.u32 s3  }
0x1a2: {  	p3 =	seq.s32 s3, $0xFFFFFFFF;
	s2 =	smov.u32 @p2 s5  }
0x1a3: {  	s3 =	smov.u32 @p3 s4;
	s2 =	smov.u32 @p3 s5  }
0x1a4: {  	(v2sf) =	vpush v0, $0x0;
	_ =	sdelay $0x8  }
0x1a5: {  	s0 =	spop (v2sf)  }
0x1a6: {  	p1 =	sne.s32 s2, $0xFFFFFFFF;
	s9 =	simm.s32 $0x6;
	s4 =	smov.u32 s0  }
0x1a7: {  	s6 =	simm.s32 $0x0;
	p2 =	seq.s32 s0, $0xFFFFFFFF;
	s4 =	smov.u32 @p1 s2  }
0x1a8: {  	s10 =	simm.s32 $0xE308;
	s4 =	smov.u32 @p2 s2;
	s2 =	spop (v2sf)  }
0x1a9: {  	s0 =	smov.u32 @p2 s3;
	p1 =	sne.s32 s4, $0xFFFFFFFF;
	s5 =	smov.u32 s2  }
.Ltmp25:
0x1aa: {  	p2 =	seq.s32 s2, $0xFFFFFFFF;
	s5 =	smov.u32 @p1 s4;
	(pc) =	sbr.rel .LBB2_32-.Ltmp25, $4  }
0x1ab: {  	s11 =	simm.s32 $0xE388;
	s5 =	smov.u32 @p2 s4;
	s7 =	spop (v2sf)  }
0x1ac: {  	s12 =	simm.s32 $0x0;
	p1 =	sne.s32 s5, $0xFFFFFFFF;
	s8 =	smov.u32 s7  }
0x1ad: {  	s2 =	smov.u32 @p2 s0;
	p2 =	seq.s32 s7, $0xFFFFFFFF;
	s8 =	smov.u32 @p1 s5  }
0x1ae: {  	[sflag:s9] =	ssyncpa.u1 $0x0;
	s7 =	smov.u32 @p2 s2;
	s8 =	smov.u32 @p2 s5  }
.LBB2_38:
0x1af: {  	p1 =	sgt.u32 s0, $0x1FF70  }
0x1b0: {  	p2 =	seq.s32 @!p1 s0, s8  }
0x1b1: {  	p1 =	por p1, p2  }
0x1b2: {  	p2 =	sne.s32 @!p1 s0, s7  }
0x1b3: {  	p1 =	por p1, !p2  }
0x1b4: {  	s0 =	sshll.u32 @p1 s12, $0xA  }
0x1b5: {  	s2 =	sand.u32 @!p1 $0x1FFF8, s0;
	s3 =	sand.u32 @!p1 $0x7, s0;
	s0 =	sadd.s32 @!p1 $0x80, s0  }
0x1b6: {  	s2 =	sadd.s32 @!p1 s1, s2;
	s0 =	sand.u32 @!p1 $0x3FFF8, s0  }
0x1b7: {  	[tilespmem:s10], [sflag:$0x6] =	stream.linear.gather @!p1 [hbm4b:s2+s3], $0x80, $0x38;
	[tilespmem:$0x1E678] =	vst v63  }
0x1b8: {  	s0 =	sadd.s32 @!p1 s1, s0  }
0x1b9: {  	[tilespmem:s11], [sflag:$0x6] =	stream.linear.gather @!p1 [hbm4b:s0+s3], $0x80, $0x38;
	[tilespmem:$0x1E678] =	vst v63  }
0x1ba: {  	_ =	swait.ge @!p1 [sflag:s9], $0x100  }
0x1bb: {  	[sflag:s9] =	ssyncset.done @!p1 $0x0  }
0x1bc: {  	[sflag:s9] =	ssyncadd.s32 @!p1 $0xFFFFFF00  }
0x1bd: {  	v1 =	vld @!p1 [tilespmem:$0xE308];
	_ =	sdelay $0x2  }
0x1be: {  	s0 =	sshll.u32 @!p1 s12, $0xA  }
0x1bf: {  	s2 =	sshrl.u32 @!p1 s0, $0x2  }
0x1c0: {  	[tilespmem:s2+$0xE438] =	vst.add.f32.msk @!p1 $0xffff, v1  }
0x1c1: {  	v1 =	vld @!p1 [tilespmem:$0xE318];
	_ =	sdelay $0x4  }
0x1c2: {  	[tilespmem:s2+$0xE448] =	vst.add.f32.msk @!p1 $0xffff, v1  }
0x1c3: {  	v1 =	vld @!p1 [tilespmem:$0xE328];
	_ =	sdelay $0x4  }
0x1c4: {  	[tilespmem:s2+$0xE458] =	vst.add.f32.msk @!p1 $0xffff, v1  }
0x1c5: {  	v1 =	vld @!p1 [tilespmem:$0xE338];
	_ =	sdelay $0x4  }
0x1c6: {  	[tilespmem:s2+$0xE468] =	vst.add.f32.msk @!p1 $0xffff, v1  }
0x1c7: {  	v1 =	vld @!p1 [tilespmem:$0xE348];
	_ =	sdelay $0x4  }
0x1c8: {  	[tilespmem:s2+$0xE478] =	vst.add.f32.msk @!p1 $0xffff, v1  }
0x1c9: {  	v1 =	vld @!p1 [tilespmem:$0xE358];
	_ =	sdelay $0x4  }
0x1ca: {  	[tilespmem:s2+$0xE488] =	vst.add.f32.msk @!p1 $0xffff, v1  }
0x1cb: {  	v1 =	vld @!p1 [tilespmem:$0xE368];
	_ =	sdelay $0x4  }
0x1cc: {  	[tilespmem:s2+$0xE498] =	vst.add.f32.msk @!p1 $0xffff, v1  }
0x1cd: {  	v1 =	vld @!p1 [tilespmem:$0xE378];
	_ =	sdelay $0x4  }
0x1ce: {  	[tilespmem:s2+$0xE4A8] =	vst.add.f32.msk @!p1 $0xffff, v1  }
0x1cf: {  	v1 =	vld @!p1 [tilespmem:$0xE388];
	_ =	sdelay $0x4  }
0x1d0: {  	[tilespmem:s2+$0xE4B8] =	vst.add.f32.msk @!p1 $0xffff, v1  }
0x1d1: {  	v1 =	vld @!p1 [tilespmem:$0xE398];
	_ =	sdelay $0x4  }
0x1d2: {  	[tilespmem:s2+$0xE4C8] =	vst.add.f32.msk @!p1 $0xffff, v1  }
0x1d3: {  	v1 =	vld @!p1 [tilespmem:$0xE3A8];
	_ =	sdelay $0x4  }
0x1d4: {  	[tilespmem:s2+$0xE4D8] =	vst.add.f32.msk @!p1 $0xffff, v1  }
0x1d5: {  	v1 =	vld @!p1 [tilespmem:$0xE3B8];
	_ =	sdelay $0x4  }
0x1d6: {  	[tilespmem:s2+$0xE4E8] =	vst.add.f32.msk @!p1 $0xffff, v1  }
0x1d7: {  	v1 =	vld @!p1 [tilespmem:$0xE3C8];
	_ =	sdelay $0x4  }
0x1d8: {  	[tilespmem:s2+$0xE4F8] =	vst.add.f32.msk @!p1 $0xffff, v1  }
0x1d9: {  	v1 =	vld @!p1 [tilespmem:$0xE3D8];
	_ =	sdelay $0x4  }
0x1da: {  	[tilespmem:s2+$0xE508] =	vst.add.f32.msk @!p1 $0xffff, v1  }
0x1db: {  	v1 =	vld @!p1 [tilespmem:$0xE3E8];
	_ =	sdelay $0x4  }
0x1dc: {  	[tilespmem:s2+$0xE518] =	vst.add.f32.msk @!p1 $0xffff, v1  }
0x1dd: {  	v1 =	vld @!p1 [tilespmem:$0xE3F8];
	_ =	sdelay $0x4  }
0x1de: {  	[tilespmem:s2+$0xE528] =	vst.add.f32.msk @!p1 $0xffff, v1  }
0x1df: {  	s0 =	sshrl.u32 s0, $0x2;
	[tilespmem:s6+$0xE418] =	vst.msk $0x1, v0  }
0x1e0: {  	v0 =	vld [tilespmem:s0+$0xE438];
	_ =	sdelay $0x2  }
0x1e1: {  	s31 =	sshll.u32 s6, $0xA  }
0x1e2: {  	s2 =	sshra.s32 s31, $0x2  }
0x1e3: {  	[tilespmem:s2+$0xE438] =	vst v0  }
0x1e4: {  	v0 =	vld [tilespmem:s0+$0xE448];
	_ =	sdelay $0x4  }
0x1e5: {  	[tilespmem:s2+$0xE448] =	vst v0  }
0x1e6: {  	v0 =	vld [tilespmem:s0+$0xE458];
	_ =	sdelay $0x4  }
0x1e7: {  	[tilespmem:s2+$0xE458] =	vst v0  }
0x1e8: {  	v0 =	vld [tilespmem:s0+$0xE468];
	_ =	sdelay $0x4  }
0x1e9: {  	[tilespmem:s2+$0xE468] =	vst v0  }
0x1ea: {  	v0 =	vld [tilespmem:s0+$0xE478];
	_ =	sdelay $0x4  }
0x1eb: {  	[tilespmem:s2+$0xE478] =	vst v0  }
0x1ec: {  	v0 =	vld [tilespmem:s0+$0xE488];
	_ =	sdelay $0x4  }
0x1ed: {  	[tilespmem:s2+$0xE488] =	vst v0  }
0x1ee: {  	v0 =	vld [tilespmem:s0+$0xE498];
	_ =	sdelay $0x4  }
0x1ef: {  	[tilespmem:s2+$0xE498] =	vst v0  }
0x1f0: {  	v0 =	vld [tilespmem:s0+$0xE4A8];
	_ =	sdelay $0x4  }
0x1f1: {  	[tilespmem:s2+$0xE4A8] =	vst v0  }
0x1f2: {  	v0 =	vld [tilespmem:s0+$0xE4B8];
	_ =	sdelay $0x4  }
0x1f3: {  	[tilespmem:s2+$0xE4B8] =	vst v0  }
0x1f4: {  	v0 =	vld [tilespmem:s0+$0xE4C8];
	_ =	sdelay $0x4  }
0x1f5: {  	[tilespmem:s2+$0xE4C8] =	vst v0  }
0x1f6: {  	v0 =	vld [tilespmem:s0+$0xE4D8];
	_ =	sdelay $0x4  }
0x1f7: {  	[tilespmem:s2+$0xE4D8] =	vst v0  }
0x1f8: {  	v0 =	vld [tilespmem:s0+$0xE4E8];
	_ =	sdelay $0x4  }
0x1f9: {  	[tilespmem:s2+$0xE4E8] =	vst v0  }
0x1fa: {  	v0 =	vld [tilespmem:s0+$0xE4F8];
	_ =	sdelay $0x4  }
0x1fb: {  	[tilespmem:s2+$0xE4F8] =	vst v0  }
0x1fc: {  	v0 =	vld [tilespmem:s0+$0xE508];
	_ =	sdelay $0x4  }
0x1fd: {  	[tilespmem:s2+$0xE508] =	vst v0  }
0x1fe: {  	v0 =	vld [tilespmem:s0+$0xE518];
	_ =	sdelay $0x4  }
0x1ff: {  	[tilespmem:s2+$0xE518] =	vst v0  }
0x200: {  	v0 =	vld [tilespmem:s0+$0xE528];
	_ =	sdelay $0x4  }
0x201: {  	s6 =	sadd.s32 $0x1, s6;
	[tilespmem:s2+$0xE528] =	vst v0  }
.LBB2_39:
0x202: {  	s12 =	sadd.s32 $0x1, s12  }
0x203: {  	p1 =	sne.s32 s12, $0x20  }
.Ltmp26:
0x204: {  	_ = 	snop;
	(pc) =	sbr.rel @!p1 .LBB2_40-.Ltmp26, $1  }
0x205: {  	_ =	sdelay $0x3  }
.LBB2_32:
0x206: {  	v0 =	vld.msk [tilespmem:s12+$0xE418], $0x1;
	_ =	sdelay $0x4  }
0x207: {  	(v2sf) =	vpush v0, $0x0;
	_ =	sdelay $0xe  }
0x208: {  	s0 =	spop (v2sf)  }
0x209: {  	p1 =	seq.s32 s0, $0xFFFFFFFF  }
.Ltmp27:
0x20a: {  	_ = 	snop;
	(pc) =	sbr.rel @p1 .LBB2_39-.Ltmp27, $1  }
0x20b: {  	_ =	sdelay $0x3  }
0x20c: {  	p1 =	slt.s32 s6, $0x1  }
.Ltmp28:
0x20d: {  	_ = 	snop;
	(pc) =	sbr.rel @p1 .LBB2_38-.Ltmp28, $1  }
0x20e: {  	_ =	sdelay $0x3  }
0x20f: {  	s4 =	simm.s32 $0xE418;
	p1 =	por $0x0, $0x0  }
0x210: {  	v1 =	vld.msk @!p1 [tilespmem:s4+$0x0], $0x1;
	_ =	sdelay $0x4  }
0x211: {  	(v2sf) =	vpush @!p1 v1, $0x0;
	_ =	sdelay $0xd  }
0x212: {  	p3 =	sne.s32 s6, $0x1  }
.Ltmp29:
0x213: {  	s2 =	spop @!p1 (v2sf);
	(pc) =	sbr.rel @!p3 .LBB2_36-.Ltmp29, $4  }
0x214: {  	p2 =	seq.s32 @!p1 s0, s2  }
0x215: {  	s5 =	simm.s32 $0x0;
	p2 =	por !p2, p1  }
0x216: {  	s2 =	simm.s32 $0xFFFFFFFF;
	s5 =	simm.s32 @p2 $0xFFFFFFFF  }
0x217: {  	s13 =	simm.s32 $0x1;
	s5 =	smov.u32 @p1 s2  }
.LBB2_35:
0x218: {  	s2 =	smov.u32 s5;
	p1 =	sne.s32 s5, $0xFFFFFFFF  }
0x219: {  	s4 =	sadd.s32 $0x1, s4;
	s5 =	smov.u32 s13;
	s13 =	sadd.s32 $0x1, s13  }
0x21a: {  	p2 =	sne.s32 s6, s13;
	v1 =	vld.msk @!p1 [tilespmem:s4+$0x0], $0x1;
	_ =	sdelay $0x4  }
0x21b: {  	(v2sf) =	vpush @!p1 v1, $0x0;
	_ =	sdelay $0xe  }
.Ltmp30:
0x21c: {  	s3 =	spop @!p1 (v2sf);
	(pc) =	sbr.rel @p2 .LBB2_35-.Ltmp30, $4  }
0x21d: {  	p3 =	seq.s32 @!p1 s0, s3  }
0x21e: {  	p3 =	por !p3, p1  }
0x21f: {  	s5 =	simm.s32 @p3 $0xFFFFFFFF  }
0x220: {  	s5 =	smov.u32 @p1 s2  }
.LBB2_36:
0x221: {  	p1 =	seq.s32 s5, $0xFFFFFFFF  }
.Ltmp31:
0x222: {  	_ = 	snop;
	(pc) =	sbr.rel @p1 .LBB2_38-.Ltmp31, $1  }
0x223: {  	_ =	sdelay $0x3  }
0x224: {  	s0 =	sshll.u32 s12, $0x8  }
0x225: {  	s0 =	sand.u32 $0x3FFFFF00, s0  }
0x226: {  	v0 =	vld [tilespmem:s0+$0xE438];
	_ =	sdelay $0x2  }
0x227: {  	s2 =	sshll.u32 s5, $0xA  }
0x228: {  	s2 =	sshra.s32 s2, $0x2  }
0x229: {  	[tilespmem:s2+$0xE438] =	vst.add.f32.msk $0xffff, v0  }
0x22a: {  	v0 =	vld [tilespmem:s0+$0xE448];
	_ =	sdelay $0x4  }
0x22b: {  	[tilespmem:s2+$0xE448] =	vst.add.f32.msk $0xffff, v0  }
0x22c: {  	v0 =	vld [tilespmem:s0+$0xE458];
	_ =	sdelay $0x4  }
0x22d: {  	[tilespmem:s2+$0xE458] =	vst.add.f32.msk $0xffff, v0  }
0x22e: {  	v0 =	vld [tilespmem:s0+$0xE468];
	_ =	sdelay $0x4  }
0x22f: {  	[tilespmem:s2+$0xE468] =	vst.add.f32.msk $0xffff, v0  }
0x230: {  	v0 =	vld [tilespmem:s0+$0xE478];
	_ =	sdelay $0x4  }
0x231: {  	[tilespmem:s2+$0xE478] =	vst.add.f32.msk $0xffff, v0  }
0x232: {  	v0 =	vld [tilespmem:s0+$0xE488];
	_ =	sdelay $0x4  }
0x233: {  	[tilespmem:s2+$0xE488] =	vst.add.f32.msk $0xffff, v0  }
0x234: {  	v0 =	vld [tilespmem:s0+$0xE498];
	_ =	sdelay $0x4  }
0x235: {  	[tilespmem:s2+$0xE498] =	vst.add.f32.msk $0xffff, v0  }
0x236: {  	v0 =	vld [tilespmem:s0+$0xE4A8];
	_ =	sdelay $0x4  }
0x237: {  	[tilespmem:s2+$0xE4A8] =	vst.add.f32.msk $0xffff, v0  }
0x238: {  	v0 =	vld [tilespmem:s0+$0xE4B8];
	_ =	sdelay $0x4  }
0x239: {  	[tilespmem:s2+$0xE4B8] =	vst.add.f32.msk $0xffff, v0  }
0x23a: {  	v0 =	vld [tilespmem:s0+$0xE4C8];
	_ =	sdelay $0x4  }
0x23b: {  	[tilespmem:s2+$0xE4C8] =	vst.add.f32.msk $0xffff, v0  }
0x23c: {  	v0 =	vld [tilespmem:s0+$0xE4D8];
	_ =	sdelay $0x4  }
0x23d: {  	[tilespmem:s2+$0xE4D8] =	vst.add.f32.msk $0xffff, v0  }
0x23e: {  	v0 =	vld [tilespmem:s0+$0xE4E8];
	_ =	sdelay $0x4  }
0x23f: {  	[tilespmem:s2+$0xE4E8] =	vst.add.f32.msk $0xffff, v0  }
0x240: {  	v0 =	vld [tilespmem:s0+$0xE4F8];
	_ =	sdelay $0x4  }
0x241: {  	[tilespmem:s2+$0xE4F8] =	vst.add.f32.msk $0xffff, v0  }
0x242: {  	v0 =	vld [tilespmem:s0+$0xE508];
	_ =	sdelay $0x4  }
0x243: {  	[tilespmem:s2+$0xE508] =	vst.add.f32.msk $0xffff, v0  }
0x244: {  	v0 =	vld [tilespmem:s0+$0xE518];
	_ =	sdelay $0x4  }
0x245: {  	[tilespmem:s2+$0xE518] =	vst.add.f32.msk $0xffff, v0  }
0x246: {  	v0 =	vld [tilespmem:s0+$0xE528]  }
.Ltmp32:
0x247: {  	_ = 	snop;
	(pc) =	sbr.rel .LBB2_39-.Ltmp32, $2  }
0x248: {  	_ =	sdelay $0x2  }
0x249: {  	[tilespmem:s2+$0xE528] =	vst.add.f32.msk $0xffff, v0  }
.LBB2_40:
0x24a: {  	s0 =	simm.s32 $0x6;
	p1 =	seq.s32 s6, $0x0  }
0x24b: {  	[sflag:s0] =	ssyncpa.u1 $0x1;
	v0 =	vimm.s32 @p1 $0xFFFFFFFF  }
0x24c: {  	s0 =	sadd.s32 $0xFFFFFFFF, s6;
	[tilespmem:$0x10438] =	vst @p1 v0  }
0x24d: {  	v0 =	vld.msk @!p1 [tilespmem:s0+$0xE418], $0x1;
	_ =	sdelay $0x1  }
0x24e: {  	v1 =	vld.msk @!p1 [tilespmem:$0xE418], $0x1;
	_ =	sdelay $0x2  }
0x24f: {  	p2 =	seq.s32 @!p1 s0, $0x0;
	v0 =	vbroadcast @!p1 v0, $0x0  }
0x250: {  	vm0 =	vmmov @!p1 $0x1;
	p2 =	por !p2, p1  }
0x251: {  	v1 =	vnsel @!p1 vm0, $0xFFFFFFFF, v1;
	vm0 =	vcmask @!p1 $0x308;
	v0 =	vpsel !p2, $0xFFFFFFFF, v0  }
0x252: {  	p2 =	sne.s32 @!p1 s8, s7;
	v0 =	vsel @!p1 vm0, v1, v0  }
0x253: {  	s2 =	simm.s32 @!p1 $0xE438;
	s3 =	simm.s32 @!p1 $0x0;
	p3 =	por !p2, p1;
	[tilespmem:$0x10438] =	vst @!p1 v0  }
0x254: {  	[spmem:s3] =	stream.linear.scatter @!p1 [tilespmem:s2], [sflag:$0x1], $0x100, $0x38;
	[tilespmem:$0x1E678] =	vst v63  }
0x255: {  	s2 =	sshll.u32 @!p3 s0, $0xA  }
0x256: {  	s2 =	sshra.s32 @!p3 s2, $0x2  }
0x257: {  	s3 =	simm.s32 @!p3 $0x100;
	s2 =	sadd.s32 @!p3 $0xE438, s2  }
0x258: {  	[spmem:s3] =	stream.linear.scatter @!p3 [tilespmem:s2], [sflag:$0x1], $0x100, $0x38;
	[tilespmem:$0x1E678] =	vst v63  }
0x259: {  	s2 =	simm.s32 @!p3 $0x1  }
0x25a: {  	_ =	swait.ge @!p3 [sflag:s2], $0x200  }
0x25b: {  	p1 =	por p2, p1;
	[sflag:s2] =	ssyncset.done @!p3 $0x0  }
0x25c: {  	[sflag:s2] =	ssyncadd.s32 @!p3 $0xFFFFFE00;
	s2 =	simm.s32 @!p1 $0x1  }
0x25d: {  	_ =	swait.ge @!p1 [sflag:s2], $0x100  }
0x25e: {  	s29 =	simm.s32 $0x10438;
	[sflag:s2] =	ssyncset.done @!p1 $0x0  }
0x25f: {  	s30 =	simm.s32 $0x2000;
	s31 =	simm.s32 $0x1;
	[sflag:s2] =	ssyncadd.s32 @!p1 $0xFFFFFF00  }
0x260: {  	[spmem:s30] =	stream.linear.scatter [tilespmem:s29], [sflag:$0x1], $0x10, $0x38;
	[tilespmem:$0x1E678] =	vst v63  }
0x261: {  	_ =	swait.ge [sflag:s31], $0x10  }
0x262: {  	[sflag:s31] =	ssyncset.done $0x0  }
0x263: {  	p1 =	seq.s32 s14, $0x0;
	s9 =	rddreg [dreg:$0x1];
	[sflag:s31] =	ssyncadd.s32 $0xFFFFFFF0  }
0x264: {  	s3 =	sshll.u32 @p1 s9, $0xE;
	s8 =	rddreg [dreg:$0x2]  }
0x265: {  	s2 =	sadd.s32 @p1 $0x15C3C, s3;
	s3 =	sshll.u32 @p1 s8, $0x11  }
0x266: {  	_ =	sfence.stream.spmem;
	s2 =	sor.u32 @p1 s3, s2  }
0x267: {  	[sflag:s2] =	ssyncadd.remote.s32 @p1 $0x1;
	s2 =	simm.s32 @p1 $0x4  }
0x268: {  	s4 =	simm.s32 @!p1 $0x3C;
	s3 =	sand.u32 $0xFFFFFFFE, s9;
	_ =	swait.ge @p1 [sflag:s2], $0x42  }
0x269: {  	s5 =	simm.s32 @!p1 $0x0;
	s3 =	sadd.s32 @!p1 $0x4, s3;
	[sflag:s2] =	ssyncset.done @p1 $0x0  }
0x26a: {  	s7 =	simm.s32 @!p1 $0x200;
	[sflag:s2] =	ssyncadd.s32 @p1 $0xFFFFFFBE;
	s2 =	sshll.u32 @!p1 s3, $0x1A  }
0x26b: {  	s3 =	sshll.u32 @!p1 s3, $0xD;
	s2 =	sor.u32 @!p1 s2, s8;
	_ =	swait.eq @!p1 [sflag:s4], $0x1  }
0x26c: {  	s3 =	sor.u32 @!p1 $0x1C04, s3;
	s4 =	simm.s32 @!p1 $0x1C03;
	s2 =	sor.u32 @!p1 $0x80004000, s2  }
0x26d: {  	[spmem:s7], [sflag:s3] =	dma.general @!p1 [spmem:s5], [sflag:s4], length:$0x40, [dreg:$0x0], stride_count:$0x0, ici_dest:s2, dma_misc:DstOpCode:WRITE  }
0x26e: {  	p2 =	slt.s32 s0, $0x2;
	s5 =	simm.s32 @!p1 $0x400;
	s7 =	simm.s32 @!p1 $0x402  }
0x26f: {  	[spmem:s7], [sflag:s3] =	dma.general @!p1 [spmem:s5], [sflag:s4], length:$0x2, [dreg:$0x0], stride_count:$0x0, ici_dest:s2, dma_misc:DstOpCode:WRITE  }
.Ltmp33:
0x270: {  	s2 =	simm.s32 @!p1 $0x3;
	(pc) =	sbr.rel @p2 .LBB2_44-.Ltmp33, $4  }
0x271: {  	s3 =	sshll.u32 @!p1 s9, $0xE;
	_ =	swait.ge @!p1 [sflag:s2], $0x42  }
0x272: {  	s4 =	sshll.u32 @!p1 s8, $0x11;
	s3 =	sadd.s32 @!p1 $0x11C3C, s3;
	[sflag:s2] =	ssyncset.done @!p1 $0x0  }
0x273: {  	[sflag:s2] =	ssyncadd.s32 @!p1 $0xFFFFFFBE;
	s2 =	sor.u32 @!p1 s4, s3  }
0x274: {  	s0 =	simm.s32 $0x0;
	[sflag:s2] =	ssyncadd.remote.s32 @!p1 $0xFFFFFFFF  }
0x275: {  	s0 =	simm.s32 $0xE419  }
0x276: {  	v0 =	vld.msk [tilespmem:s0+$0x0], $0x1;
	_ =	sdelay $0x4  }
0x277: {  	(v2sf) =	vpush v0, $0x0;
	_ =	sdelay $0xd  }
0x278: {  	s31 =	sadd.s32 $0xFFFFFFFE, s6  }
0x279: {  	s6 =	simm.s32 $0x0;
	s0 =	sadd.s32 $0xFFFFFFFF, s31;
	s2 =	spop (v2sf)  }
0x27a: {  	s3 =	simm.s32 $0xE538;
	p1 =	sne.s32 s0, $0x0;
	p2 =	sgt.u32 s2, $0x1FF70  }
.Ltmp34:
0x27b: {  	s4 =	simm.s32 $0xE638;
	s5 =	sand.u32 @!p2 $0x1FFF8, s2;
	(pc) =	sbr.rel @!p1 .LBB2_43-.Ltmp34, $4  }
0x27c: {  	s7 =	sadd.s32 @!p2 $0x80, s2;
	s2 =	sand.u32 @!p2 $0x7, s2;
	s6 =	simm.s32 @!p2 $0x400  }
0x27d: {  	s5 =	sadd.s32 @!p2 s1, s5;
	s7 =	sand.u32 @!p2 $0x3FFF8, s7;
	s6 =	sadd.s32 $0x0, s6  }
0x27e: {  	[hbm4b:s5+s2] =	stream.linear.scatter @!p2 [tilespmem:s3], [sflag:$0x5], $0x80, $0x38;
	[tilespmem:$0x1E678] =	vst v63  }
0x27f: {  	s5 =	simm.s32 $0xE41A;
	s3 =	simm.s32 @!p2 $0xE5B8;
	s7 =	sadd.s32 @!p2 s1, s7  }
.LBB2_42:
0x280: {  	[hbm4b:s7+s2] =	stream.linear.scatter @!p2 [tilespmem:s3], [sflag:$0x5], $0x80, $0x38;
	[tilespmem:$0x1E678] =	vst v63  }
0x281: {  	s0 =	sadd.s32 $0xFFFFFFFF, s0;
	s3 =	smov.u32 s4;
	v0 =	vld.msk [tilespmem:s5+$0x0], $0x1  }
0x282: {  	p1 =	sne.s32 s0, $0x0;
	_ =	sdelay $0x3  }
0x283: {  	(v2sf) =	vpush v0, $0x0;
	_ =	sdelay $0xe  }
0x284: {  	s4 =	sadd.s32 $0x100, s4;
	s8 =	simm.s32 $0x0;
	s2 =	spop (v2sf)  }
.Ltmp35:
0x285: {  	s5 =	sadd.s32 $0x1, s5;
	p2 =	sgt.u32 s2, $0x1FF70;
	(pc) =	sbr.rel @p1 .LBB2_42-.Ltmp35, $4  }
0x286: {  	s8 =	simm.s32 @!p2 $0x400;
	s7 =	sand.u32 @!p2 $0x1FFF8, s2;
	s9 =	sadd.s32 @!p2 $0x80, s2  }
0x287: {  	s2 =	sand.u32 @!p2 $0x7, s2;
	s7 =	sadd.s32 @!p2 s1, s7;
	s9 =	sand.u32 @!p2 $0x3FFF8, s9  }
0x288: {  	[hbm4b:s7+s2] =	stream.linear.scatter @!p2 [tilespmem:s3], [sflag:$0x5], $0x80, $0x38;
	[tilespmem:$0x1E678] =	vst v63  }
0x289: {  	s6 =	sadd.s32 s6, s8;
	s3 =	sadd.s32 @!p2 $0x80, s3;
	s7 =	sadd.s32 @!p2 s1, s9  }
.LBB2_43:
0x28a: {  	[hbm4b:s7+s2] =	stream.linear.scatter @!p2 [tilespmem:s3], [sflag:$0x5], $0x80, $0x38;
	[tilespmem:$0x1E678] =	vst v63  }
0x28b: {  	s0 =	sshrl.u32 s6, $0x2  }
.LBB2_44:
0x28c: {  	s2 =	simm.s32 $0x5  }
0x28d: {  	_ =	swait.ge [sflag:s2], s0  }
0x28e: {  	s31 =	ssub.s32 $0x0, s0;
	[sflag:s2] =	ssyncset.done $0x0  }
0x28f: {  	[sflag:s2] =	ssyncadd.s32 s31  }
0x290: {  	[sflag:s2] =	ssyncpa.u1 $0x1  }
.LBB2_45:
0x291: {  	s0 =	sor.u32 s14, s15  }
0x292: {  	p1 =	sne.s32 s0, $0x0  }
.Ltmp36:
0x293: {  	_ = 	snop;
	(pc) =	sbr.rel @p1 .LBB2_60-.Ltmp36, $3  }
0x294: {  	_ =	sdelay $0x1  }
0x295: {  	[bflag:$0x0] =	sbarrier.arrive $0xFFFF  }
0x296: {  	_ =	sfence  }
0x297: {  	s0 =	simm.s32 $0x7  }
0x298: {  	s2 =	simm.s32 $0x2000;
	s3 =	simm.s32 $0xE418;
	[sflag:s0] =	ssyncpa.u1 $0x0  }
0x299: {  	[tilespmem:s3], [sflag:$0x7] =	stream.linear.gather [spmem:s2], $0x20, $0x38;
	[tilespmem:$0x1E678] =	vst v63  }
0x29a: {  	s30 =	simm.s32 $0xE438;
	s2 =	simm.s32 $0x0  }
0x29b: {  	[tilespmem:s30], [sflag:$0x7] =	stream.linear.gather [spmem:s2], $0x2000, $0x38;
	[tilespmem:$0x1E678] =	vst v63  }
.Ltmp37:
0x29c: {  	_ = 	snop;
	(pc) =	sbr.rel .LBB2_47-.Ltmp37, $4  }
0x29d: {  	_ =	swait.ge [sflag:s0], $0x2020  }
0x29e: {  	[sflag:s0] =	ssyncset.done $0x0  }
0x29f: {  	s31 =	simm.s32 $0x8;
	[sflag:s0] =	ssyncadd.s32 $0xFFFFDFE0  }
0x2a0: {  	s3 =	simm.s32 $0x0;
	[sflag:s31] =	ssyncpa.u1 $0x0  }
.LBB2_53:
0x2a1: {  	p1 =	slt.u32 s0, $0x1FF71  }
0x2a2: {  	s4 =	sand.u32 @p1 $0x1FFF8, s0;
	s5 =	sand.u32 @p1 $0x7, s0;
	s0 =	sadd.s32 @p1 $0x80, s0  }
0x2a3: {  	s6 =	simm.s32 @p1 $0xE308;
	s4 =	sadd.s32 @p1 s1, s4;
	s0 =	sand.u32 @p1 $0x3FFF8, s0  }
0x2a4: {  	[tilespmem:s6], [sflag:$0x8] =	stream.linear.gather @p1 [hbm4b:s4+s5], $0x80, $0x38;
	[tilespmem:$0x1E678] =	vst v63  }
0x2a5: {  	s0 =	sadd.s32 @p1 s1, s0;
	s4 =	simm.s32 @p1 $0xE388  }
0x2a6: {  	[tilespmem:s4], [sflag:$0x8] =	stream.linear.gather @p1 [hbm4b:s0+s5], $0x80, $0x38;
	[tilespmem:$0x1E678] =	vst v63  }
0x2a7: {  	s0 =	simm.s32 @p1 $0x8  }
0x2a8: {  	_ =	swait.ge @p1 [sflag:s0], $0x100  }
0x2a9: {  	[sflag:s0] =	ssyncset.done @p1 $0x0  }
0x2aa: {  	[sflag:s0] =	ssyncadd.s32 @p1 $0xFFFFFF00  }
0x2ab: {  	v1 =	vld @p1 [tilespmem:$0xE308];
	_ =	sdelay $0x2  }
0x2ac: {  	s0 =	sshll.u32 @p1 s3, $0xA  }
0x2ad: {  	s4 =	sshrl.u32 @p1 s0, $0x2  }
0x2ae: {  	[tilespmem:s4+$0xE438] =	vst.add.f32.msk @p1 $0xffff, v1  }
0x2af: {  	v1 =	vld @p1 [tilespmem:$0xE318];
	_ =	sdelay $0x4  }
0x2b0: {  	[tilespmem:s4+$0xE448] =	vst.add.f32.msk @p1 $0xffff, v1  }
0x2b1: {  	v1 =	vld @p1 [tilespmem:$0xE328];
	_ =	sdelay $0x4  }
0x2b2: {  	[tilespmem:s4+$0xE458] =	vst.add.f32.msk @p1 $0xffff, v1  }
0x2b3: {  	v1 =	vld @p1 [tilespmem:$0xE338];
	_ =	sdelay $0x4  }
0x2b4: {  	[tilespmem:s4+$0xE468] =	vst.add.f32.msk @p1 $0xffff, v1  }
0x2b5: {  	v1 =	vld @p1 [tilespmem:$0xE348];
	_ =	sdelay $0x4  }
0x2b6: {  	[tilespmem:s4+$0xE478] =	vst.add.f32.msk @p1 $0xffff, v1  }
0x2b7: {  	v1 =	vld @p1 [tilespmem:$0xE358];
	_ =	sdelay $0x4  }
0x2b8: {  	[tilespmem:s4+$0xE488] =	vst.add.f32.msk @p1 $0xffff, v1  }
0x2b9: {  	v1 =	vld @p1 [tilespmem:$0xE368];
	_ =	sdelay $0x4  }
0x2ba: {  	[tilespmem:s4+$0xE498] =	vst.add.f32.msk @p1 $0xffff, v1  }
0x2bb: {  	v1 =	vld @p1 [tilespmem:$0xE378];
	_ =	sdelay $0x4  }
0x2bc: {  	[tilespmem:s4+$0xE4A8] =	vst.add.f32.msk @p1 $0xffff, v1  }
0x2bd: {  	v1 =	vld @p1 [tilespmem:$0xE388];
	_ =	sdelay $0x4  }
0x2be: {  	[tilespmem:s4+$0xE4B8] =	vst.add.f32.msk @p1 $0xffff, v1  }
0x2bf: {  	v1 =	vld @p1 [tilespmem:$0xE398];
	_ =	sdelay $0x4  }
0x2c0: {  	[tilespmem:s4+$0xE4C8] =	vst.add.f32.msk @p1 $0xffff, v1  }
0x2c1: {  	v1 =	vld @p1 [tilespmem:$0xE3A8];
	_ =	sdelay $0x4  }
0x2c2: {  	[tilespmem:s4+$0xE4D8] =	vst.add.f32.msk @p1 $0xffff, v1  }
0x2c3: {  	v1 =	vld @p1 [tilespmem:$0xE3B8];
	_ =	sdelay $0x4  }
0x2c4: {  	[tilespmem:s4+$0xE4E8] =	vst.add.f32.msk @p1 $0xffff, v1  }
0x2c5: {  	v1 =	vld @p1 [tilespmem:$0xE3C8];
	_ =	sdelay $0x4  }
0x2c6: {  	[tilespmem:s4+$0xE4F8] =	vst.add.f32.msk @p1 $0xffff, v1  }
0x2c7: {  	v1 =	vld @p1 [tilespmem:$0xE3D8];
	_ =	sdelay $0x4  }
0x2c8: {  	[tilespmem:s4+$0xE508] =	vst.add.f32.msk @p1 $0xffff, v1  }
0x2c9: {  	v1 =	vld @p1 [tilespmem:$0xE3E8];
	_ =	sdelay $0x4  }
0x2ca: {  	[tilespmem:s4+$0xE518] =	vst.add.f32.msk @p1 $0xffff, v1  }
0x2cb: {  	v1 =	vld @p1 [tilespmem:$0xE3F8];
	_ =	sdelay $0x3  }
0x2cc: {  	s5 =	sshll.u32 @!p1 s3, $0xA  }
0x2cd: {  	s5 =	smov.u32 @p1 s0;
	[tilespmem:s4+$0xE528] =	vst.add.f32.msk @p1 $0xffff, v1  }
0x2ce: {  	s0 =	sshrl.u32 s5, $0x2;
	[tilespmem:s2+$0xE418] =	vst.msk $0x1, v0  }
0x2cf: {  	v0 =	vld [tilespmem:s0+$0xE438];
	_ =	sdelay $0x2  }
0x2d0: {  	s31 =	sshll.u32 s2, $0xA  }
0x2d1: {  	s4 =	sshra.s32 s31, $0x2  }
0x2d2: {  	[tilespmem:s4+$0xE438] =	vst v0  }
0x2d3: {  	v0 =	vld [tilespmem:s0+$0xE448];
	_ =	sdelay $0x4  }
0x2d4: {  	[tilespmem:s4+$0xE448] =	vst v0  }
0x2d5: {  	v0 =	vld [tilespmem:s0+$0xE458];
	_ =	sdelay $0x4  }
0x2d6: {  	[tilespmem:s4+$0xE458] =	vst v0  }
0x2d7: {  	v0 =	vld [tilespmem:s0+$0xE468];
	_ =	sdelay $0x4  }
0x2d8: {  	[tilespmem:s4+$0xE468] =	vst v0  }
0x2d9: {  	v0 =	vld [tilespmem:s0+$0xE478];
	_ =	sdelay $0x4  }
0x2da: {  	[tilespmem:s4+$0xE478] =	vst v0  }
0x2db: {  	v0 =	vld [tilespmem:s0+$0xE488];
	_ =	sdelay $0x4  }
0x2dc: {  	[tilespmem:s4+$0xE488] =	vst v0  }
0x2dd: {  	v0 =	vld [tilespmem:s0+$0xE498];
	_ =	sdelay $0x4  }
0x2de: {  	[tilespmem:s4+$0xE498] =	vst v0  }
0x2df: {  	v0 =	vld [tilespmem:s0+$0xE4A8];
	_ =	sdelay $0x4  }
0x2e0: {  	[tilespmem:s4+$0xE4A8] =	vst v0  }
0x2e1: {  	v0 =	vld [tilespmem:s0+$0xE4B8];
	_ =	sdelay $0x4  }
0x2e2: {  	[tilespmem:s4+$0xE4B8] =	vst v0  }
0x2e3: {  	v0 =	vld [tilespmem:s0+$0xE4C8];
	_ =	sdelay $0x4  }
0x2e4: {  	[tilespmem:s4+$0xE4C8] =	vst v0  }
0x2e5: {  	v0 =	vld [tilespmem:s0+$0xE4D8];
	_ =	sdelay $0x4  }
0x2e6: {  	[tilespmem:s4+$0xE4D8] =	vst v0  }
0x2e7: {  	v0 =	vld [tilespmem:s0+$0xE4E8];
	_ =	sdelay $0x4  }
0x2e8: {  	[tilespmem:s4+$0xE4E8] =	vst v0  }
0x2e9: {  	v0 =	vld [tilespmem:s0+$0xE4F8];
	_ =	sdelay $0x4  }
0x2ea: {  	[tilespmem:s4+$0xE4F8] =	vst v0  }
0x2eb: {  	v0 =	vld [tilespmem:s0+$0xE508];
	_ =	sdelay $0x4  }
0x2ec: {  	[tilespmem:s4+$0xE508] =	vst v0  }
0x2ed: {  	v0 =	vld [tilespmem:s0+$0xE518];
	_ =	sdelay $0x4  }
0x2ee: {  	[tilespmem:s4+$0xE518] =	vst v0  }
0x2ef: {  	v0 =	vld [tilespmem:s0+$0xE528];
	_ =	sdelay $0x4  }
0x2f0: {  	s2 =	sadd.s32 $0x1, s2;
	[tilespmem:s4+$0xE528] =	vst v0  }
.LBB2_54:
0x2f1: {  	s3 =	sadd.s32 $0x1, s3  }
0x2f2: {  	p1 =	sne.s32 s3, $0x20  }
.Ltmp38:
0x2f3: {  	_ = 	snop;
	(pc) =	sbr.rel @!p1 .LBB2_55-.Ltmp38, $1  }
0x2f4: {  	_ =	sdelay $0x3  }
.LBB2_47:
0x2f5: {  	v0 =	vld.msk [tilespmem:s3+$0xE418], $0x1;
	_ =	sdelay $0x4  }
0x2f6: {  	(v2sf) =	vpush v0, $0x0;
	_ =	sdelay $0xe  }
0x2f7: {  	s0 =	spop (v2sf)  }
0x2f8: {  	p1 =	seq.s32 s0, $0xFFFFFFFF  }
.Ltmp39:
0x2f9: {  	_ = 	snop;
	(pc) =	sbr.rel @p1 .LBB2_54-.Ltmp39, $1  }
0x2fa: {  	_ =	sdelay $0x3  }
0x2fb: {  	p1 =	slt.s32 s2, $0x1  }
.Ltmp40:
0x2fc: {  	_ = 	snop;
	(pc) =	sbr.rel @p1 .LBB2_53-.Ltmp40, $1  }
0x2fd: {  	_ =	sdelay $0x3  }
0x2fe: {  	s4 =	simm.s32 $0xE418;
	p1 =	por $0x0, $0x0  }
0x2ff: {  	v1 =	vld.msk @!p1 [tilespmem:s4+$0x0], $0x1;
	_ =	sdelay $0x4  }
0x300: {  	(v2sf) =	vpush @!p1 v1, $0x0;
	_ =	sdelay $0xd  }
0x301: {  	p3 =	sne.s32 s2, $0x1  }
.Ltmp41:
0x302: {  	s5 =	spop @!p1 (v2sf);
	(pc) =	sbr.rel @!p3 .LBB2_51-.Ltmp41, $4  }
0x303: {  	p2 =	seq.s32 @!p1 s0, s5  }
0x304: {  	s5 =	simm.s32 $0x0;
	p2 =	por !p2, p1  }
0x305: {  	s7 =	simm.s32 $0xFFFFFFFF;
	s5 =	simm.s32 @p2 $0xFFFFFFFF  }
0x306: {  	s6 =	simm.s32 $0x1;
	s5 =	smov.u32 @p1 s7  }
.LBB2_50:
0x307: {  	s7 =	smov.u32 s5;
	p1 =	sne.s32 s5, $0xFFFFFFFF  }
0x308: {  	s4 =	sadd.s32 $0x1, s4;
	s5 =	smov.u32 s6;
	s6 =	sadd.s32 $0x1, s6  }
0x309: {  	p2 =	sne.s32 s2, s6;
	v1 =	vld.msk @!p1 [tilespmem:s4+$0x0], $0x1;
	_ =	sdelay $0x4  }
0x30a: {  	(v2sf) =	vpush @!p1 v1, $0x0;
	_ =	sdelay $0xe  }
.Ltmp42:
0x30b: {  	s8 =	spop @!p1 (v2sf);
	(pc) =	sbr.rel @p2 .LBB2_50-.Ltmp42, $4  }
0x30c: {  	p3 =	seq.s32 @!p1 s0, s8  }
0x30d: {  	p3 =	por !p3, p1  }
0x30e: {  	s5 =	simm.s32 @p3 $0xFFFFFFFF  }
0x30f: {  	s5 =	smov.u32 @p1 s7  }
.LBB2_51:
0x310: {  	p1 =	seq.s32 s5, $0xFFFFFFFF  }
.Ltmp43:
0x311: {  	_ = 	snop;
	(pc) =	sbr.rel @p1 .LBB2_53-.Ltmp43, $1  }
0x312: {  	_ =	sdelay $0x3  }
0x313: {  	s0 =	sshll.u32 s3, $0x8  }
0x314: {  	s0 =	sand.u32 $0x3FFFFF00, s0  }
0x315: {  	v0 =	vld [tilespmem:s0+$0xE438];
	_ =	sdelay $0x2  }
0x316: {  	s4 =	sshll.u32 s5, $0xA  }
0x317: {  	s4 =	sshra.s32 s4, $0x2  }
0x318: {  	[tilespmem:s4+$0xE438] =	vst.add.f32.msk $0xffff, v0  }
0x319: {  	v0 =	vld [tilespmem:s0+$0xE448];
	_ =	sdelay $0x4  }
0x31a: {  	[tilespmem:s4+$0xE448] =	vst.add.f32.msk $0xffff, v0  }
0x31b: {  	v0 =	vld [tilespmem:s0+$0xE458];
	_ =	sdelay $0x4  }
0x31c: {  	[tilespmem:s4+$0xE458] =	vst.add.f32.msk $0xffff, v0  }
0x31d: {  	v0 =	vld [tilespmem:s0+$0xE468];
	_ =	sdelay $0x4  }
0x31e: {  	[tilespmem:s4+$0xE468] =	vst.add.f32.msk $0xffff, v0  }
0x31f: {  	v0 =	vld [tilespmem:s0+$0xE478];
	_ =	sdelay $0x4  }
0x320: {  	[tilespmem:s4+$0xE478] =	vst.add.f32.msk $0xffff, v0  }
0x321: {  	v0 =	vld [tilespmem:s0+$0xE488];
	_ =	sdelay $0x4  }
0x322: {  	[tilespmem:s4+$0xE488] =	vst.add.f32.msk $0xffff, v0  }
0x323: {  	v0 =	vld [tilespmem:s0+$0xE498];
	_ =	sdelay $0x4  }
0x324: {  	[tilespmem:s4+$0xE498] =	vst.add.f32.msk $0xffff, v0  }
0x325: {  	v0 =	vld [tilespmem:s0+$0xE4A8];
	_ =	sdelay $0x4  }
0x326: {  	[tilespmem:s4+$0xE4A8] =	vst.add.f32.msk $0xffff, v0  }
0x327: {  	v0 =	vld [tilespmem:s0+$0xE4B8];
	_ =	sdelay $0x4  }
0x328: {  	[tilespmem:s4+$0xE4B8] =	vst.add.f32.msk $0xffff, v0  }
0x329: {  	v0 =	vld [tilespmem:s0+$0xE4C8];
	_ =	sdelay $0x4  }
0x32a: {  	[tilespmem:s4+$0xE4C8] =	vst.add.f32.msk $0xffff, v0  }
0x32b: {  	v0 =	vld [tilespmem:s0+$0xE4D8];
	_ =	sdelay $0x4  }
0x32c: {  	[tilespmem:s4+$0xE4D8] =	vst.add.f32.msk $0xffff, v0  }
0x32d: {  	v0 =	vld [tilespmem:s0+$0xE4E8];
	_ =	sdelay $0x4  }
0x32e: {  	[tilespmem:s4+$0xE4E8] =	vst.add.f32.msk $0xffff, v0  }
0x32f: {  	v0 =	vld [tilespmem:s0+$0xE4F8];
	_ =	sdelay $0x4  }
0x330: {  	[tilespmem:s4+$0xE4F8] =	vst.add.f32.msk $0xffff, v0  }
0x331: {  	v0 =	vld [tilespmem:s0+$0xE508];
	_ =	sdelay $0x4  }
0x332: {  	[tilespmem:s4+$0xE508] =	vst.add.f32.msk $0xffff, v0  }
0x333: {  	v0 =	vld [tilespmem:s0+$0xE518];
	_ =	sdelay $0x4  }
0x334: {  	[tilespmem:s4+$0xE518] =	vst.add.f32.msk $0xffff, v0  }
0x335: {  	v0 =	vld [tilespmem:s0+$0xE528]  }
.Ltmp44:
0x336: {  	_ = 	snop;
	(pc) =	sbr.rel .LBB2_54-.Ltmp44, $2  }
0x337: {  	_ =	sdelay $0x2  }
0x338: {  	[tilespmem:s4+$0xE528] =	vst.add.f32.msk $0xffff, v0  }
.LBB2_55:
0x339: {  	p1 =	slt.s32 s2, $0x1  }
.Ltmp45:
0x33a: {  	_ = 	snop;
	(pc) =	sbr.rel @p1 .LBB2_59-.Ltmp45, $3  }
0x33b: {  	_ =	sdelay $0x1  }
0x33c: {  	s0 =	simm.s32 $0x8  }
0x33d: {  	s4 =	simm.s32 $0x0;
	[sflag:s0] =	ssyncpa.u1 $0x1  }
0x33e: {  	s0 =	simm.s32 $0xE418  }
0x33f: {  	v0 =	vld.msk [tilespmem:s0+$0x0], $0x1;
	_ =	sdelay $0x4  }
0x340: {  	(v2sf) =	vpush v0, $0x0;
	_ =	sdelay $0xe  }
0x341: {  	s0 =	sadd.s32 $0xFFFFFFFF, s2;
	s3 =	spop (v2sf)  }
0x342: {  	s6 =	simm.s32 $0xE438;
	p1 =	sne.s32 s0, $0x0;
	p2 =	sgt.u32 s3, $0x1FF70  }
.Ltmp46:
0x343: {  	s2 =	simm.s32 $0xE538;
	s5 =	sand.u32 @!p2 $0x1FFF8, s3;
	(pc) =	sbr.rel @!p1 .LBB2_58-.Ltmp46, $4  }
0x344: {  	s7 =	sadd.s32 @!p2 $0x80, s3;
	s4 =	simm.s32 @!p2 $0x400;
	s8 =	sadd.s32 @!p2 s1, s5  }
0x345: {  	s5 =	sand.u32 @!p2 $0x7, s3;
	s3 =	simm.s32 $0xE419;
	s7 =	sand.u32 @!p2 $0x3FFF8, s7  }
0x346: {  	[hbm4b:s8+s5] =	stream.linear.scatter @!p2 [tilespmem:s6], [sflag:$0x7], $0x80, $0x38;
	[tilespmem:$0x1E678] =	vst v63  }
0x347: {  	s4 =	sadd.s32 $0x0, s4;
	s6 =	simm.s32 @!p2 $0xE4B8;
	s7 =	sadd.s32 @!p2 s1, s7  }
.LBB2_57:
0x348: {  	[hbm4b:s7+s5] =	stream.linear.scatter @!p2 [tilespmem:s6], [sflag:$0x7], $0x80, $0x38;
	[tilespmem:$0x1E678] =	vst v63  }
0x349: {  	s0 =	sadd.s32 $0xFFFFFFFF, s0;
	s6 =	smov.u32 s2;
	v0 =	vld.msk [tilespmem:s3+$0x0], $0x1  }
0x34a: {  	p1 =	sne.s32 s0, $0x0;
	_ =	sdelay $0x3  }
0x34b: {  	(v2sf) =	vpush v0, $0x0;
	_ =	sdelay $0xe  }
0x34c: {  	s2 =	sadd.s32 $0x100, s2;
	s8 =	simm.s32 $0x0;
	s5 =	spop (v2sf)  }
.Ltmp47:
0x34d: {  	s3 =	sadd.s32 $0x1, s3;
	p2 =	sgt.u32 s5, $0x1FF70;
	(pc) =	sbr.rel @p1 .LBB2_57-.Ltmp47, $4  }
0x34e: {  	s8 =	simm.s32 @!p2 $0x400;
	s7 =	sand.u32 @!p2 $0x1FFF8, s5;
	s9 =	sadd.s32 @!p2 $0x80, s5  }
0x34f: {  	s5 =	sand.u32 @!p2 $0x7, s5;
	s7 =	sadd.s32 @!p2 s1, s7;
	s9 =	sand.u32 @!p2 $0x3FFF8, s9  }
0x350: {  	[hbm4b:s7+s5] =	stream.linear.scatter @!p2 [tilespmem:s6], [sflag:$0x7], $0x80, $0x38;
	[tilespmem:$0x1E678] =	vst v63  }
0x351: {  	s4 =	sadd.s32 s4, s8;
	s6 =	sadd.s32 @!p2 $0x80, s6;
	s7 =	sadd.s32 @!p2 s1, s9  }
.LBB2_58:
0x352: {  	[hbm4b:s7+s5] =	stream.linear.scatter @!p2 [tilespmem:s6], [sflag:$0x7], $0x80, $0x38;
	[tilespmem:$0x1E678] =	vst v63  }
0x353: {  	s4 =	sshrl.u32 s4, $0x2  }
.LBB2_59:
0x354: {  	s0 =	simm.s32 $0x7  }
0x355: {  	_ =	swait.ge [sflag:s0], s4  }
0x356: {  	s1 =	ssub.s32 $0x0, s4;
	[sflag:s0] =	ssyncset.done $0x0  }
0x357: {  	[sflag:s0] =	ssyncadd.s32 s1  }
0x358: {  	[sflag:s0] =	ssyncpa.u1 $0x1  }
.LBB2_60:
0x359: {  	_ =	sfence;
	s0 =	simm.s32 $0x1  }
0x35a: {  	[sflag:s0] =	ssyncpa.u1 $0x1  }
0x35b: {  	_ =	strace $0x90000056  }
0x35c: {  	[bflag:$0x2] =	sbarrier.arrive $0xFFFF  }
0x35d: {  	s0 =	rddreg [dreg:$0x3]  }
0x35e: {  	s0 =	sadd.s32 @!p0 $0x100000, s0  }
0x35f: {  	[sflag:s0] =	ssyncadd.tile.s32 @!p0 $0x1;
	_ =	shalt  }
.Lfunc_end2:
_tile_overlayer_lowered:
.L_overlay_start_2:
0x360: {  	(tag) =	ssettag $0x2  }
0x361: {  	s0 =	rddreg [dreg:$0x0];
	s2 =	stileid.u32  }
0x362: {  	s1 =	rddreg [dreg:$0x1];
	p0 =	sne.s32 s2, $0x0  }
0x363: {  	s3 =	rddreg [dreg:$0x2];
	[bflag:$0x3] =	sbarrier.arrive $0xFFFF;
	s2 =	simm.s32 @!p0 $0x1C01  }
0x364: {  	[timem:s3], [sflag:s2] =	dma.local @!p0 [hbm:s0], s1  }
0x365: {  	s0 =	simm.s32 @!p0 $0x1  }
0x366: {  	_ =	swait.ge @!p0 [sflag:s0], s1  }
0x367: {  	s1 =	ssub.s32 @!p0 $0x0, s1;
	[sflag:s0] =	ssyncset.done @!p0 $0x0  }
0x368: {  	[sflag:s0] =	ssyncadd.s32 @!p0 s1  }
0x369: {  	[bflag:$0x3] =	sbarrier.arrive $0xFFFF  }
0x36a: {  	_ =	shalt  }

// kernel: scatter_offload_async_start.3
scs
__scs_entry_jumppad:
0x0: {  	(pc) =	sbr.rel $0x88, $3  }
0x1: {  	(tag) =	ssettag $0x0;
	lr =	simm.s32 $0x1  }
0x2: {  	[smem:$0x3F95] =	sst lr;
	_ =	strace $0xD0000000  }
0x3: {  	_ = 	snop  }
0x4: {  	_ = 	snop  }
0x5: {  	_ = 	snop  }
0x6: {  	_ = 	snop  }
0x7: {  	_ = 	snop  }
__scs_overlays_trampoline_lowered:
0x8: {  	[smem:$0x3FA4] =	sst s0  }
0x9: {  	[smem:$0x3FA5] =	sst s1  }
0xa: {  	[smem:$0x3FA6] =	sst s2  }
0xb: {  	[smem:$0x3FA7] =	sst s3  }
0xc: {  	[smem:$0x3FA8] =	sst s4  }
0xd: {  	[smem:$0x3FA9] =	sst s5  }
0xe: {  	[smem:$0x3FAA] =	sst s6  }
0xf: {  	[smem:$0x3FAB] =	sst s7  }
0x10: {  	[smem:$0x3FAC] =	sst s8  }
0x11: {  	[smem:$0x3FAD] =	sst s9;
	s0 =	simm.s32 @!p0 $0x0  }
0x12: {  	s1 =	sld [smem:$0x3F93];
	s0 =	simm.s32 @p0 $0x1  }
0x13: {  	[smem:$0x3FAE] =	sst s0;
	s0 =	simm.s32 @!p1 $0x0  }
0x14: {  	s2 =	sld [smem:$0x3F92];
	s0 =	simm.s32 @p1 $0x1  }
0x15: {  	[smem:$0x3FAF] =	sst s0;
	s0 =	simm.s32 @!p2 $0x0  }
0x16: {  	s3 =	sld [smem:$0x3FDB];
	s0 =	simm.s32 @p2 $0x1  }
0x17: {  	s4 =	simm.s32 $0x1BF5;
	[smem:$0x3FB1] =	sst s0  }
0x18: {  	s0 =	sld [smem:$0x3F94];
	_ =	swait.ge [sflag:s4], $0x0  }
0x19: {  	s7 =	sld [smem:$0x3F95]  }
0x1a: {  	s8 =	sadd.s32 $0xFFFFE003, lr  }
0x1b: {  	s9 =	sadd.s32 $0xFFFFFEF7, lr;
	s5 =	simm.s32 $0xFFFFFFFF;
	p2 =	slt.u32 s8, $0xFFFFF086  }
0x1c: {  	p1 =	slt.u32 s9, $0xF7A;
	s5 =	simm.s32 @!p2 $0x0  }
0x1d: {  	s5 =	simm.s32 @p1 $0x1;
	p0 =	seq.s32 s7, s2  }
0x1e: {  	s7 =	smul.u32 @!p0 $0xF7A, s2;
	p2 =	seq.s32 @!p0 s5, $0x0  }
0x1f: {  	s9 =	smul.u32 $0xF7A, s1;
	s8 =	simm.s32 @!p0 $0x1BF5;
	p2 =	por !p2, p0  }
0x20: {  	[sflag:s8] =	ssyncset.s32 @!p0 $0xFFFFF086;
	s6 =	sadd.s32 @!p0 s3, s7;
	s7 =	simm.s32 @!p0 $0x108  }
0x21: {  	s3 =	sadd.s32 s3, s9;
	s6 =	sadd.s32 @!p0 $0x88, s6;
	s7 =	simm.s32 @p2 $0x1082  }
0x22: {  	[simem:s7], [sflag:s8] =	dma.local @!p0 [hbm:s6], $0xF7A  }
0x23: {  	s9 =	sor.u32 $0xD0000000, s2;
	s6 =	simm.s32 $0x108;
	_ =	swait.ge @!p0 [sflag:s8], $0x0  }
0x24: {  	s3 =	sadd.s32 $0x88, s3;
	s6 =	simm.s32 @!p1 $0x1082;
	[sflag:s4] =	ssyncset.s32 $0xFFFFF086  }
0x25: {  	[simem:s6], [sflag:s4] =	dma.local [hbm:s3], $0xF7A  }
0x26: {  	[smem:$0x3F95] =	sst s1;
	(tag) =	ssettag s2;
	_ =	strace s9  }
0x27: {  	s1 =	sld [smem:$0x3FA5]  }
0x28: {  	s2 =	sld [smem:$0x3FA6]  }
0x29: {  	s4 =	sld [smem:$0x3FA8]  }
0x2a: {  	p0 =	seq.s32 s5, $0x0;
	s5 =	sld [smem:$0x3FA9]  }
0x2b: {  	s6 =	sld [smem:$0x3FAA]  }
0x2c: {  	s7 =	sld [smem:$0x3FAB]  }
0x2d: {  	s3 =	simm.s32 $0x108;
	s8 =	sld [smem:$0x3FAC]  }
0x2e: {  	s3 =	simm.s32 @!p0 $0x1082;
	s9 =	sld [smem:$0x3FAD]  }
0x2f: {  	lr =	sadd.s32 s0, s3;
	s0 =	sld [smem:$0x3FA4]  }
0x30: {  	s3 =	sld [smem:$0x3FA7]  }
0x31: {  	[smem:$0x3FB0] =	sst s10  }
0x32: {  	s10 =	sld [smem:$0x3FAE];
	_ =	sdelay $0x3  }
0x33: {  	p0 =	seq.s32 s10, $0x1;
	s10 =	sld [smem:$0x3FB0];
	_ =	sdelay $0x3  }
0x34: {  	[smem:$0x3FB0] =	sst s10  }
0x35: {  	s10 =	sld [smem:$0x3FAF];
	_ =	sdelay $0x3  }
0x36: {  	p1 =	seq.s32 s10, $0x1;
	s10 =	sld [smem:$0x3FB0];
	_ =	sdelay $0x3  }
0x37: {  	[smem:$0x3FB0] =	sst s10  }
0x38: {  	s10 =	sld [smem:$0x3FB1]  }
0x39: {  	_ = 	snop;
	(pc) =	sbr.ind lr, $3  }
0x3a: {  	_ = 	snop  }
0x3b: {  	_ = 	snop  }
0x3c: {  	p2 =	seq.s32 s10, $0x1;
	s10 =	sld [smem:$0x3FB0]  }
0x3d: {  	_ =	shalt  }
0x3e: {  	_ =	shalt  }
0x3f: {  	_ =	shalt  }
0x40: {  	_ =	shalt  }
0x41: {  	_ =	shalt  }
0x42: {  	_ =	shalt  }
0x43: {  	_ =	shalt  }
0x44: {  	_ =	shalt  }
0x45: {  	_ =	shalt  }
0x46: {  	_ =	shalt  }
0x47: {  	_ =	shalt  }
0x48: {  	_ =	shalt  }
0x49: {  	_ =	shalt  }
0x4a: {  	_ =	shalt  }
0x4b: {  	_ =	shalt  }
0x4c: {  	_ =	shalt  }
0x4d: {  	_ =	shalt  }
0x4e: {  	_ =	shalt  }
0x4f: {  	_ =	shalt  }
0x50: {  	_ =	shalt  }
0x51: {  	_ =	shalt  }
0x52: {  	_ =	shalt  }
0x53: {  	_ =	shalt  }
0x54: {  	_ =	shalt  }
0x55: {  	_ =	shalt  }
0x56: {  	_ =	shalt  }
0x57: {  	_ =	shalt  }
0x58: {  	_ =	shalt  }
0x59: {  	_ =	shalt  }
0x5a: {  	_ =	shalt  }
0x5b: {  	_ =	shalt  }
0x5c: {  	_ =	shalt  }
0x5d: {  	_ =	shalt  }
0x5e: {  	_ =	shalt  }
0x5f: {  	_ =	shalt  }
0x60: {  	_ =	shalt  }
0x61: {  	_ =	shalt  }
0x62: {  	_ =	shalt  }
0x63: {  	_ =	shalt  }
0x64: {  	_ =	shalt  }
0x65: {  	_ =	shalt  }
0x66: {  	_ =	shalt  }
0x67: {  	_ =	shalt  }
0x68: {  	_ =	shalt  }
0x69: {  	_ =	shalt  }
0x6a: {  	_ =	shalt  }
0x6b: {  	_ =	shalt  }
0x6c: {  	_ =	shalt  }
0x6d: {  	_ =	shalt  }
0x6e: {  	_ =	shalt  }
0x6f: {  	_ =	shalt  }
0x70: {  	_ =	shalt  }
0x71: {  	_ =	shalt  }
0x72: {  	_ =	shalt  }
0x73: {  	_ =	shalt  }
0x74: {  	_ =	shalt  }
0x75: {  	_ =	shalt  }
0x76: {  	_ =	shalt  }
0x77: {  	_ =	shalt  }
0x78: {  	_ =	shalt  }
0x79: {  	_ =	shalt  }
0x7a: {  	_ =	shalt  }
0x7b: {  	_ =	shalt  }
0x7c: {  	_ =	shalt  }
0x7d: {  	_ =	shalt  }
0x7e: {  	_ =	shalt  }
0x7f: {  	_ =	shalt  }
0x80: {  	_ =	shalt  }
0x81: {  	_ =	shalt  }
0x82: {  	_ =	shalt  }
0x83: {  	_ =	shalt  }
0x84: {  	_ =	shalt  }
0x85: {  	_ =	shalt  }
0x86: {  	_ =	shalt  }
0x87: {  	_ =	shalt  }
.Lfunc_end0:
.L_simem_size_0:
called_computation.3_lowered:
.L_overlay_start_0:
0x88: {  	s0 =	sld [smem:$0x3FD9]  }
0x89: {  	s1 =	sld [smem:$0x3FFE];
	_ =	sdelay $0x3  }
0x8a: {  	s0 =	sadd.s32 s1, s0  }
0x8b: {  	[smem:$0x3FBC] =	sst s0  }
0x8c: {  	_ = 	snop  }
0x8d: {  	(tm) =	ssettm $0x1  }
0x8e: {  	s15 =	sld [smem:$0x3FFB];
	_ =	sdelay $0x3  }
0x8f: {  	_ =	strace s15  }
0x90: {  	s0 =	sld [smem:$0x3FFC];
	_ =	sdelay $0x3  }
0x91: {  	_ =	strace s0  }
0x92: {  	s0 =	sld [smem:$0x3FFD];
	_ =	sdelay $0x3  }
0x93: {  	_ =	strace s0  }
0x94: {  	_ =	strace $0x8FFFFFFF  }
0x95: {  	s16 =	sld [smem:$0x3FDB];
	_ =	sdelay $0x1  }
0x96: {  	s17 =	simm.s32 $_scs_section_size  }
0x97: {  	s2 =	simm.s32 $_size__tile_overlayer_lowered;
	s3 =	simm.s32 $_tile_overlayer_lowered  }
0x98: {  	s20 =	simm.s32 $0x1BFF;
	s19 =	sshll.u32 s3, $0x1;
	s0 =	sadd.s32 s17, s16  }
0x99: {  	s4 =	simm.s32 $0x0;
	s18 =	sshll.u32 s2, $0x1;
	s2 =	sadd.s32 s19, s0  }
0x9a: {  	[timem:s4], [sflag:s20] =	dma.local [hbm:s2], s18  }
0x9b: {  	_ =	swait.ge [sflag:s20], s18  }
0x9c: {  	s1 =	ssub.s32 $0x0, s18;
	[sflag:s20] =	ssyncset.done $0x0  }
0x9d: {  	[sflag:s20] =	ssyncadd.s32 s1;
	_ =	sdelay $0x1  }
0x9e: {  	s21 =	simm.s32 $0x1B8B  }
0x9f: {  	_ =	swait.ge [sflag:s21], $0x1  }
0xa0: {  	[sflag:s21] =	ssyncset.done $0x0  }
0xa1: {  	s23 =	simm.s32 $0x1B8E;
	s22 =	sld [smem:$0x3FFE];
	[sflag:s21] =	ssyncadd.s32 $0xFFFFFFFF  }
0xa2: {  	s24 =	simm.s32 $execute0_lowered;
	[smem:$0x3FD2] =	sst s23  }
0xa3: {  	s2 =	sshll.u32 s24, $0x1;
	_ =	strace $0x80000052;
	[dreg:$0x1] =	wrdreg $0xFFFFFFFF  }
0xa4: {  	s25 =	simm.s32 $_size_execute0_lowered;
	s0 =	sadd.s32 s0, s2;
	[dreg:$0x0] =	wrdreg $0x0  }
0xa5: {  	s2 =	sshll.u32 s25, $0x1;
	[dreg:$0x2] =	wrdreg s0  }
0xa6: {  	[dreg:$0x3] =	wrdreg s2  }
0xa7: {  	[dreg:$0x4] =	wrdreg $0xC0  }
0xa8: {  	_ =	task [dreg:s4], $0x5FFFF  }
0xa9: {  	[dreg:$0x1] =	wrdreg $0xFFFFFFFF  }
0xaa: {  	[dreg:$0x0] =	wrdreg $0x60  }
0xab: {  	[dreg:$0x2] =	wrdreg s22  }
0xac: {  	[dreg:$0x3] =	wrdreg $0x9  }
0xad: {  	_ =	task.clear_ibuf [dreg:s4], $0x4FFFF;
	_ =	strace $0x90000052  }
0xae: {  	s26 =	simm.s32 $0x9;
	_ =	strace $0x80000054  }
0xaf: {  	_ =	swait.ge [sflag:s26], $0x1  }
0xb0: {  	[sflag:s26] =	ssyncadd.s32 $0xFFFFFFFF  }
0xb1: {  	_ =	strace $0x90000054  }
0xb2: {  	_ =	sfence  }
0xb3: {  	s28 =	sld [smem:$0x0];
	_ =	sdelay $0x1  }
0xb4: {  	s29 =	srdreg.scid  }
0xb5: {  	s30 =	sshll.u32 s29, $0xD;
	s31 =	sshrl.u32 s29, $0x2  }
0xb6: {  	s1 =	sand.u32 $0x1, s29;
	s2 =	sand.u32 $0x4000, s30;
	s0 =	sadd.s32 s31, s28  }
0xb7: {  	s1 =	sor.u32 s2, s1;
	s0 =	sshll.u32 s0, $0x11  }
0xb8: {  	s0 =	sor.u32 s0, s1  }
0xb9: {  	s0 =	sadd.s32 $0x8F2B, s0  }
0xba: {  	[sflag:s0] =	ssyncadd.remote.s32 $0x1  }
0xbb: {  	_ =	sfence.sel $0xFFFF  }
0xbc: {  	[dreg:$0x0] =	wrdreg $0xFFFFFFFF;
	(pc) =	sbr.abs _section_cstart, $3  }
0xbd: {  	[dreg:$0x1] =	wrdreg $0xFFFFFFFF  }
0xbe: {  	_ =	task.clear_ibuf [dreg:s4], $0x2FFFF;
	_ =	strace $0x9FFFFFFF  }
0xbf: {  	(tm) =	ssettm $0x7FFFFFFF  }
tec
execute0_lowered:
.L_overlay_start_1:
0x0: {  	(tag) =	ssettag $0x1  }
0x1: {  	s0 =	rddreg [dreg:$0x0];
	_ =	strace $0x80000053;
	s3 =	simm.s32 $0x1  }
0x2: {  	v1 =	vimm.s32 $0xFFFFFFFF;
	[sflag:s3] =	ssyncpa.u1 $0x0  }
0x3: {  	[tilespmem:$0x10] =	vst v1  }
0x4: {  	v0 =	vimm.f32 $0.0e+00;
	[tilespmem:$0x20] =	vst v1  }
0x5: {  	[tilespmem:$0x30] =	vst v0  }
0x6: {  	s2 =	simm.s32 $0x2;
	s26 =	stileid.u32;
	s5 =	simm.s32 $0x7;
	[tilespmem:$0x40] =	vst v0  }
0x7: {  	s7 =	simm.s32 $0x8;
	s31 =	simm.s32 $0x9;
	s14 =	simm.s32 $0x0;
	[tilespmem:$0x50] =	vst v0  }
0x8: {  	s15 =	simm.s32 $0x100;
	s18 =	simm.s32 $0x10;
	s19 =	simm.s32 $0x5B00;
	[tilespmem:$0x60] =	vst v1  }
0x9: {  	s20 =	simm.s32 $0xF;
	s21 =	simm.s32 $0x50;
	s22 =	simm.s32 $0x28FF;
	[tilespmem:$0x70] =	vst v1  }
0xa: {  	s23 =	simm.s32 $0x20;
	s24 =	simm.s32 $0x30;
	s25 =	simm.s32 $0x50FF;
	[tilespmem:$0x80] =	vst v1  }
0xb: {  	s30 =	simm.s32 $0x0;
	s29 =	simm.s32 $0x0;
	s6 =	smul.u32 $0xA00, s26;
	v1 =	vimm.s32 $0x0;
	[tilespmem:$0xB0] =	vst v0  }
.Ltmp0:
0xc: {  	s1 =	sadd.s32 $0x2A5000, s0;
	s4 =	sadd.s32 $0x2A2800, s0;
	[tilespmem:$0x90] =	vst v1;
	(pc) =	sbr.rel .LBB2_1-.Ltmp0, $4  }
0xd: {  	s8 =	sadd.s32 $0x2A3C00, s0;
	s10 =	sshll.u32 s26, $0x1;
	[tilespmem:$0xA0] =	vst v1;
	[sflag:s2] =	ssyncpa.u1 $0x0  }
0xe: {  	s12 =	sshllo.u32 s26, $0x1;
	s26 =	simm.s32 $0x80;
	[sflag:s5] =	ssyncpa.u1 $0x0  }
0xf: {  	vm0 =	vmmov $0xffff;
	v2 =	vlaneseq.u32;
	s11 =	sor.u32 $0x81, s10;
	s13 =	sor.u32 $0x80, s10;
	[sflag:s7] =	ssyncpa.u1 $0x0  }
0x10: {  	vm1 =	vmxor vm1, vm1;
	vm2 =	vmmov $0x1;
	vm3 =	vcmask $0x3F3C;
	s9 =	sadd.s32 $0xA00, s6;
	s28 =	smov.u32 s6;
	[sflag:s31] =	ssyncpa.u1 $0x0  }
.LBB2_3:
0x11: {  	s0 =	sshrl.u32 s28, $0x3  }
0x12: {  	s2 =	sand.u32 $0x7, s28;
	s0 =	sadd.s32 s4, s0  }
0x13: {  	[tilespmem:s15], [sflag:$0x7] =	stream.linear.gather [hbm4b:s0+s2], $0xA00, $0x38;
	[tilespmem:$0x5B20] =	vst v63  }
.LBB2_4:
0x14: {  	s0 =	sadd.s32 $0xA00, s28  }
0x15: {  	s2 =	smov.u32 s6;
	s29 =	sadd.s32 $0x1, s29;
	p0 =	slt.s32 s0, s9  }
0x16: {  	s2 =	smov.u32 @p0 s0;
	p0 =	sne.s32 s29, $0x4  }
.Ltmp1:
0x17: {  	_ = 	snop;
	(pc) =	sbr.rel @!p0 .LBB2_13-.Ltmp1, $2  }
0x18: {  	_ =	sdelay $0x2  }
0x19: {  	s30 =	smov.u32 s28;
	s28 =	smov.u32 s2  }
.LBB2_1:
0x1a: {  	p0 =	sgt.s32 s29, $0x1  }
.Ltmp2:
0x1b: {  	_ = 	snop;
	(pc) =	sbr.rel @p0 .LBB2_11-.Ltmp2, $1  }
0x1c: {  	_ =	sdelay $0x3  }
0x1d: {  	p0 =	seq.s32 s29, $0x0  }
.Ltmp3:
0x1e: {  	_ = 	snop;
	(pc) =	sbr.rel @p0 .LBB2_3-.Ltmp3, $1  }
0x1f: {  	_ =	sdelay $0x3  }
0x20: {  	_ =	swait.ge [sflag:s5], $0xA00  }
0x21: {  	[sflag:s5] =	ssyncset.done $0x0  }
0x22: {  	[sflag:s5] =	ssyncadd.s32 $0xFFFFF600;
	(ifvalue) =	ssetifvalue $0xFFFFFFFF;
	v3 =	vld.msk [tilespmem:s15+$0x0 ss:$0x1], $0xffff;
	_ =	sdelay $0x4  }
0x23: {  	v4 =	vperm.xlane v3, v1  }
0x24: {  	vm4 =	vlt.u32 v3, $0x1000  }
0x25: {  	v3 =	vnsel vm4, $0xFFFFFFFE, v3;
	vm4 =	vlt.u32 v4, $0x1000  }
0x26: {  	[tilespmem:$0x70] =	vst v3;
	v3 =	vnsel vm4, $0xFFFFFFFE, v4  }
0x27: {  	s17 =	simm.s32 $0xAF0;
	[tilespmem:$0x80] =	vst v3  }
0x28: {  	v3 =	vld.msk [tilespmem:s17+$0x0 ss:$0x1], $0xffff;
	_ =	sdelay $0x4  }
0x29: {  	(xrf1) =	vunique.msk.u32 $0xffff, v3;
	_ =	sdelay $0xd  }
0x2a: {  	v4 =	vimm.s32 $0xFFFFFFFF;
	v5, _, _ =	vpop (xrf1)  }
0x2b: {  	vm5 =	vne.s32 v3, v4;
	vm4 =	veq.s32 v5, v2  }
0x2c: {  	vm6 =	vlt.u32 v3, $0x1000;
	vm4 =	vmand vm5, vm4  }
0x2d: {  	vm4 =	vmand vm6, vm4  }
0x2e: {  	v4 =	vnsel vm4, $0xFFFFFFFF, v3;
	_ =	sdelay $0x3  }
0x2f: {  	s0 =	simm.s32 $0x28F0;
	(ifvalue) =	ssetifvalue $0xFFFFFFFF  }
0x30: {  	v3 =	vperm.xlane v3, v1;
	[tilespmem:s0], [sflag:$0x8] =	stream.indirect_vreg.gather [hbm4b:s1+s14], $0x1, v4, vm0, $0x4038;
	v4 =	vnsel vm6, $0xFFFFFFFE, v4;
	[tilespmem:$0x5B20] =	vst v63  }
0x31: {  	s2 =	simm.s32 $0x0;
	s16 =	simm.s32 $0xAE0;
	[tilespmem:s17+$0x0] =	vst v4  }
.LBB2_6:
0x32: {  	v4 =	vld.msk [tilespmem:s16+$0x0 ss:$0x1], $0xffff;
	s2 =	sadd.s32 $0x10, s2;
	v5 =	vmov v3;
	s17 =	smov.u32 s16  }
0x33: {  	p0 =	slt.u32 s2, $0x9F0;
	_ =	sdelay $0x4  }
0x34: {  	v3 =	vperm.xlane v4, v1;
	(xrf1) =	vunique.msk.u32 $0xffff, v4;
	_ =	sdelay $0xd  }
0x35: {  	v6, _, _ =	vpop (xrf1)  }
0x36: {  	vm5 =	vne.s32 v4, v5;
	vm4 =	veq.s32 v6, v2  }
0x37: {  	vm6 =	vlt.u32 v4, $0x1000;
	vm4 =	vmand vm5, vm4  }
0x38: {  	vm4 =	vmand vm6, vm4  }
0x39: {  	v4 =	vnsel vm4, $0xFFFFFFFF, v4  }
.Ltmp4:
0x3a: {  	v5 =	vnsel vm6, $0xFFFFFFFE, v4;
	(pc) =	sbr.rel @p0 .LBB2_6-.Ltmp4, $3  }
0x3b: {  	_ =	sdelay $0x1  }
0x3c: {  	s16 =	sadd.s32 $0xFFFFFFF0, s16;
	s0 =	sadd.s32 $0xFFFFFFF0, s0;
	(ifvalue) =	ssetifvalue $0xFFFFFFFF  }
0x3d: {  	[tilespmem:s0], [sflag:$0x8] =	stream.indirect_vreg.gather [hbm4b:s1+s14], $0x1, v4, vm0, $0x4038;
	[tilespmem:s17+$0x0] =	vst v5  }
.Ltmp5:
0x3e: {  	(pc) =	sbr.rel .LBB2_4-.Ltmp5, $4  }
0x3f: {  	_ = 	snop  }
0x40: {  	s0 =	sshrl.u32 s30, $0x3  }
0x41: {  	s2 =	simm.s32 $0x3300;
	s0 =	sadd.s32 s8, s0  }
0x42: {  	[tilespmem:s2], [sflag:$0x8] =	stream.linear.gather [hbm:s0], $0xA00, $0x38;
	[tilespmem:$0x5B20] =	vst v63  }
.LBB2_11:
0x43: {  	p0 =	seq.s32 s29, $0x2  }
.Ltmp6:
0x44: {  	_ = 	snop;
	(pc) =	sbr.rel @!p0 .LBB2_12-.Ltmp6, $1  }
0x45: {  	_ =	sdelay $0x3  }
0x46: {  	_ =	swait.ge [sflag:s7], $0x1400  }
0x47: {  	[sflag:s7] =	ssyncset.done $0x0  }
0x48: {  	s0 =	simm.s32 $0xAFF;
	[sflag:s7] =	ssyncadd.s32 $0xFFFFEC00  }
0x49: {  	[spmem:s11] =	stream.linear.scatter [tilespmem:s0], [sflag:$0x1], $0x1, $0x38;
	[tilespmem:$0x5B20] =	vst v63  }
0x4a: {  	_ =	swait.ge [sflag:s3], $0x1  }
0x4b: {  	[sflag:s3] =	ssyncset.done $0x0  }
0x4c: {  	[sflag:s3] =	ssyncadd.s32 $0xFFFFFFFF  }
0x4d: {  	v4 =	vld [tilespmem:$0x10]  }
0x4e: {  	v5 =	vld [tilespmem:$0x70]  }
0x4f: {  	v3 =	vld [tilespmem:$0x80];
	_ =	sdelay $0x2  }
0x50: {  	(v2sf) =	vpush v4, $0x0  }
0x51: {  	(v2sf) =	vpush v5, $0x0  }
0x52: {  	(v2sf) =	vpush v3, $0x0;
	_ =	sdelay $0xc  }
0x53: {  	s16 =	spop (v2sf)  }
0x54: {  	s2 =	spop (v2sf)  }
0x55: {  	s30 =	spop (v2sf)  }
0x56: {  	p0 =	seq.s32 s16, s2;
	p1 =	seq.s32 s30, s16  }
0x57: {  	p1 =	por p0, p1  }
0x58: {  	v4 =	vpsel p1, $0xFFFFFFFF, v4  }
0x59: {  	[tilespmem:s18+$0x0] =	vst.msk $0x1, v4  }
0x5a: {  	v4 =	vld [tilespmem:$0x30]  }
0x5b: {  	v5 =	vld [tilespmem:$0x3300]  }
0x5c: {  	v6 =	vld [tilespmem:$0x40];
	_ =	sdelay $0x3  }
0x5d: {  	vm4 =	vmmov vm1;
	v5 =	vadd.f32 v5, v4  }
0x5e: {  	vm5 =	vmmov vm2;
	s31 =	simm.s32 $0x3300;
	vm4 =	vmmov @p0 vm2;
	v4 =	vadd.f32 v6, v4  }
0x5f: {  	vm5 =	vmmov @p1 vm1;
	[tilespmem:s31+$0x0] =	vst.msk vm4, v5  }
0x60: {  	[tilespmem:s19+$0x0] =	vst.msk vm5, v4  }
0x61: {  	v4 =	vld [tilespmem:$0x28F0];
	_ =	sdelay $0x3  }
0x62: {  	v5 =	vimm.f32 $0.0e+00  }
0x63: {  	v4 =	vshift.insert v4, v5, s20;
	_ =	sdelay $0x1  }
0x64: {  	[tilespmem:s21+$0x0] =	vst.msk $0x1, v4  }
0x65: {  	[tilespmem:s22+$0x0] =	vst.msk $0x1, v5  }
0x66: {  	v4 =	vld [tilespmem:$0xAF0];
	_ =	sdelay $0x4  }
0x67: {  	v4 =	vshift.insert v4, v1, s20;
	_ =	sdelay $0x1  }
0x68: {  	[tilespmem:s23+$0x0] =	vst.msk $0x1, v4  }
0x69: {  	s17 =	simm.s32 $0x100;
	v6 =	vld [tilespmem:s31+$0x0]  }
0x6a: {  	v7 =	vld [tilespmem:s17+$0x0];
	_ =	sdelay $0x3  }
0x6b: {  	v5 =	vadd.f32 v6, v5  }
0x6c: {  	vm4 =	vne.s32 v7, $0xFFFFFFFF  }
0x6d: {  	(xrf2) =	vadd.seg.scan.f32 vm4, v5;
	_ =	sdelay $0x3  }
0x6e: {  	s0 =	simm.s32 $0x1F00;
	v5 =	vperm.xlane v4, v1  }
0x6f: {  	v6 =	vld [tilespmem:s0+$0x0]  }
0x70: {  	vm5 =	veq.s32 v7, v3;
	vm6 =	veq.s32 v7, v5  }
0x71: {  	vm7 =	vgt.u32 v7, $0xFFFFFFFD;
	vm6 =	vmor vm6, vm5  }
0x72: {  	vm6 =	vmor vm6, vm7  }
0x73: {  	v9 =	vld [tilespmem:$0xA0];
	v7 =	vsel vm6, $0xFFFFFFFF, v7  }
0x74: {  	v10 =	vld [tilespmem:$0x90];
	v6 =	vsel vm5, $0x0, v6;
	v8, _, _ =	vpop (xrf2)  }
0x75: {  	v6 =	vadd.f32 v8, v6  }
0x76: {  	s2 =	simm.s32 $0x4700  }
0x77: {  	vm4 =	vmand vm4, vm3;
	[tilespmem:s2+$0x0] =	vst v6;
	(ifvalue) =	ssetifvalue $0xFFFFFFFF  }
0x78: {  	vm6 =	veq.s32 v9, $0x1;
	[hbm4b:s1+s14] =	stream.indirect_vreg.scatter [tilespmem:s2], [sflag:$0x2], $0x1, v7, vm0, $0x4038;
	v7 =	vsel vm4, $0x0, v8;
	[tilespmem:$0x5B20] =	vst v63  }
0x79: {  	s16 =	simm.s32 $0x0;
	s17 =	simm.s32 $0x110;
	vm4 =	vmor vm6, vm5;
	v6 =	vsel vm5, v8, v10;
	v7 =	vshift.insert v7, v0, s20  }
.LBB2_9:
0x7a: {  	v8 =	vld [tilespmem:s17+$0x0];
	s31 =	sadd.s32 $0x10, s31  }
0x7b: {  	s0 =	sadd.s32 $0x10, s0;
	v9 =	vld [tilespmem:s31+$0x0]  }
0x7c: {  	s16 =	sadd.s32 $0x10, s16;
	v10 =	vld [tilespmem:s0+$0x0]  }
0x7d: {  	p0 =	slt.u32 s16, $0x9F0;
	_ =	sdelay $0x2  }
0x7e: {  	v7 =	vadd.f32 v9, v7  }
0x7f: {  	vm5 =	vne.s32 v8, $0xFFFFFFFF  }
0x80: {  	vm6 =	vmand vm5, vm3;
	(xrf2) =	vadd.seg.scan.f32 vm5, v7;
	_ =	sdelay $0x5  }
0x81: {  	vm7 =	veq.s32 v8, v5;
	vm5 =	veq.s32 v8, v3  }
0x82: {  	vm8 =	vgt.u32 v8, $0xFFFFFFFD;
	vm4 =	vmor vm4, vm5;
	vm7 =	vmor vm7, vm5  }
0x83: {  	vm7 =	vmor vm7, vm8  }
0x84: {  	v8 =	vsel vm7, $0xFFFFFFFF, v8  }
.Ltmp7:
0x85: {  	v7 =	vsel vm5, $0x0, v10;
	v9, _, _ =	vpop (xrf2);
	(pc) =	sbr.rel @p0 .LBB2_9-.Ltmp7, $4  }
0x86: {  	v6 =	vsel vm5, v9, v6;
	v10 =	vadd.f32 v9, v7;
	v7 =	vsel vm6, $0x0, v9  }
0x87: {  	s2 =	sadd.s32 $0x10, s2;
	v7 =	vshift.insert v7, v0, s20  }
0x88: {  	s17 =	sadd.s32 $0x10, s17;
	[tilespmem:s2+$0x0] =	vst v10;
	(ifvalue) =	ssetifvalue $0xFFFFFFFF  }
0x89: {  	[hbm4b:s1+s14] =	stream.indirect_vreg.scatter [tilespmem:s2], [sflag:$0x2], $0x1, v8, vm0, $0x4038;
	[tilespmem:$0x5B20] =	vst v63  }
0x8a: {  	v3 =	vld [tilespmem:$0x50F0];
	_ =	sdelay $0x4  }
0x8b: {  	v3 =	vshift.insert v3, v0, s20;
	_ =	sdelay $0x1  }
0x8c: {  	[tilespmem:s24+$0x0] =	vst.msk $0x1, v3  }
0x8d: {  	v3 =	vsel vm4, $0x1, v1;
	[tilespmem:$0x90] =	vst v6  }
0x8e: {  	[tilespmem:$0xA0] =	vst v3  }
0x8f: {  	[spmem:s12] =	stream.linear.scatter [tilespmem:s25], [sflag:$0x1], $0x1, $0x38;
	[tilespmem:$0x5B20] =	vst v63  }
0x90: {  	v3 =	vmctz.xlane vm4;
	_ =	swait.ge [sflag:s3], $0x1  }
0x91: {  	(v2sf) =	vpush v4, $0x0  }
0x92: {  	(v2sf) =	vpush v3, $0x0;
	_ =	sdelay $0xd  }
0x93: {  	s0 =	spop (v2sf)  }
0x94: {  	s2 =	spop (v2sf)  }
0x95: {  	[sflag:s3] =	ssyncset.done $0x0;
	p0 =	sne.s32 s30, s0;
	p1 =	slt.s32 s2, $0xF  }
0x96: {  	[sflag:s3] =	ssyncadd.s32 $0xFFFFFFFF;
	v3 =	vimm.s32 @!p0 $0xFFFFFFFF;
	s2 =	simm.s32 @!p1 $0xF  }
0x97: {  	[tilespmem:$0x80] =	vst @!p0 v3;
	s31 =	sadd.s32 $0x90, s2  }
0x98: {  	[spmem:s10] =	stream.linear.scatter [tilespmem:s31], [sflag:$0x1], $0x1, $0x38;
	[tilespmem:$0x5B20] =	vst v63  }
0x99: {  	_ =	swait.ge [sflag:s3], $0x1  }
0x9a: {  	[sflag:s3] =	ssyncset.done $0x0  }
0x9b: {  	[sflag:s3] =	ssyncadd.s32 $0xFFFFFFFF  }
0x9c: {  	[spmem:s13] =	stream.linear.scatter [tilespmem:s26], [sflag:$0x1], $0x1, $0x38;
	[tilespmem:$0x5B20] =	vst v63  }
0x9d: {  	_ =	swait.ge [sflag:s3], $0x1  }
0x9e: {  	[sflag:s3] =	ssyncset.done $0x0  }
0x9f: {  	[sflag:s3] =	ssyncadd.s32 $0xFFFFFFFF;
	(ifvalue) =	ssetifvalue $0xFFFFFFFF;
	v3 =	vld [tilespmem:$0x10];
	_ =	sdelay $0x3  }
.Ltmp8:
0xa0: {  	_ = 	snop;
	(pc) =	sbr.rel .LBB2_4-.Ltmp8, $3  }
0xa1: {  	_ =	sdelay $0x1  }
0xa2: {  	(ifvalue) =	ssetifvalue $0xFFFFFFFF  }
0xa3: {  	[hbm4b:s1+s14] =	stream.indirect_vreg.scatter [tilespmem:s19], [sflag:$0x9], $0x1, v3, vm0, $0x4038;
	[tilespmem:$0x5B20] =	vst v63  }
.LBB2_12:
0xa4: {  	s0 =	simm.s32 $0x2  }
0xa5: {  	_ =	swait.ge [sflag:s0], $0xA00  }
0xa6: {  	[sflag:s0] =	ssyncset.done $0x0  }
0xa7: {  	s31 =	simm.s32 $0x9;
	[sflag:s0] =	ssyncadd.s32 $0xFFFFF600  }
0xa8: {  	_ =	swait.ge [sflag:s31], $0x10  }
0xa9: {  	[sflag:s31] =	ssyncset.done $0x0  }
0xaa: {  	[sflag:s31] =	ssyncadd.s32 $0xFFFFFFF0  }
.LBB2_13:
0xab: {  	_ =	sfence.sel $0x180000  }
0xac: {  	s0 =	simm.s32 $0x7;
	[bflag:$0x0] =	sbarrier.arrive $0xFFFF  }
0xad: {  	s26 =	simm.s32 $0x8;
	[sflag:s0] =	ssyncpa.u1 $0x1  }
0xae: {  	s28 =	simm.s32 $0x9;
	[sflag:s26] =	ssyncpa.u1 $0x1  }
0xaf: {  	[sflag:s28] =	ssyncpa.u1 $0x1  }
0xb0: {  	_ =	sfence.stream.spmem  }
0xb1: {  	s29 =	simm.s32 $0x3;
	[bflag:$0x0] =	sbarrier.arrive $0xFFFF  }
0xb2: {  	s30 =	simm.s32 $0x4;
	[sflag:s29] =	ssyncpa.u1 $0x1  }
0xb3: {  	s31 =	simm.s32 $0x3C;
	s2 =	stileid.u32;
	[sflag:s30] =	ssyncpa.u1 $0x1  }
0xb4: {  	p0 =	sne.s32 s2, $0x0;
	[sflag:s31] =	ssyncpa.u1 $0x1  }
0xb5: {  	s0 =	simm.s32 @p0 $0x1;
	_ =	sfence @p0  }
0xb6: {  	[sflag:s0] =	ssyncpa.u1 @p0 $0x1;
	s0 =	simm.s32 @p0 $0x2  }
0xb7: {  	[sflag:s0] =	ssyncpa.u1 @p0 $0x1  }
0xb8: {  	_ =	strace @p0 $0x90000053  }
0xb9: {  	[bflag:$0x2] =	sbarrier.arrive @p0 $0xFFFF  }
0xba: {  	_ =	shalt @p0  }
.LBB2_14:
0xbb: {  	_ =	sfence.stream.spmem;
	s0 =	simm.s32 $0x5  }
0xbc: {  	s2 =	simm.s32 $0x80;
	s3 =	simm.s32 $0xC0;
	[sflag:s0] =	ssyncpa.u1 $0x0  }
0xbd: {  	[tilespmem:s3], [sflag:$0x5] =	stream.linear.gather [spmem:s2], $0x20, $0x38;
	[tilespmem:$0x5B20] =	vst v63  }
0xbe: {  	s2 =	simm.s32 $0x0;
	s3 =	simm.s32 $0xE0  }
0xbf: {  	[tilespmem:s3], [sflag:$0x5] =	stream.linear.gather [spmem:s2], $0x20, $0x38;
	[tilespmem:$0x5B20] =	vst v63  }
.Ltmp9:
0xc0: {  	_ = 	snop;
	(pc) =	sbr.rel .LBB2_15-.Ltmp9, $4  }
0xc1: {  	_ =	swait.ge [sflag:s0], $0x40  }
0xc2: {  	[sflag:s0] =	ssyncset.done $0x0  }
0xc3: {  	s31 =	simm.s32 $0x6;
	[sflag:s0] =	ssyncadd.s32 $0xFFFFFFC0  }
0xc4: {  	s4 =	simm.s32 $0x0;
	[sflag:s31] =	ssyncpa.u1 $0x0  }
.LBB2_20:
0xc5: {  	p0 =	sgt.u32 s0, $0xFFF  }
0xc6: {  	s5 =	sshrl.u32 @!p0 s0, $0x3  }
0xc7: {  	s0 =	sand.u32 @!p0 $0x7, s0;
	s6 =	simm.s32 @!p0 $0xB0;
	s5 =	sadd.s32 @!p0 s1, s5  }
0xc8: {  	[tilespmem:s6], [sflag:$0x6] =	stream.linear.gather @!p0 [hbm4b:s5+s0], $0x1, $0x38;
	[tilespmem:$0x5B20] =	vst v63  }
0xc9: {  	s0 =	simm.s32 @!p0 $0x6  }
0xca: {  	_ =	swait.ge @!p0 [sflag:s0], $0x1  }
0xcb: {  	[sflag:s0] =	ssyncset.done @!p0 $0x0  }
0xcc: {  	[sflag:s0] =	ssyncadd.s32 @!p0 $0xFFFFFFFF  }
0xcd: {  	v2 =	vmov @!p0 s4;
	v1 =	vld.msk @!p0 [tilespmem:$0xB0], $0x1;
	_ =	sdelay $0x3  }
0xce: {  	s0 =	simm.s32 @!p0 $0xE0  }
0xcf: {  	[tilespmem:v2+s0+$0x0], v1 =	vst.idx.ret.add.f32.msk @!p0 $0x1, v1  }
0xd0: {  	[tilespmem:s2+$0xC0] =	vst.msk $0x1, v0  }
0xd1: {  	v0 =	vld.msk [tilespmem:s4+$0xE0], $0x1;
	_ =	sdelay $0x4  }
0xd2: {  	[tilespmem:s2+$0xE0] =	vst.msk $0x1, v0;
	s2 =	sadd.s32 $0x1, s2  }
.LBB2_22:
0xd3: {  	s4 =	sadd.s32 $0x1, s4  }
0xd4: {  	p0 =	sne.s32 s4, $0x20  }
.Ltmp10:
0xd5: {  	_ = 	snop;
	(pc) =	sbr.rel @!p0 .LBB2_23-.Ltmp10, $1  }
0xd6: {  	_ =	sdelay $0x3  }
.LBB2_15:
0xd7: {  	v0 =	vld.msk [tilespmem:s4+$0xC0], $0x1;
	_ =	sdelay $0x4  }
0xd8: {  	(v2sf) =	vpush v0, $0x0;
	_ =	sdelay $0xe  }
0xd9: {  	s0 =	spop (v2sf)  }
0xda: {  	p0 =	seq.s32 s0, $0xFFFFFFFF  }
.Ltmp11:
0xdb: {  	_ = 	snop;
	(pc) =	sbr.rel @p0 .LBB2_22-.Ltmp11, $1  }
0xdc: {  	_ =	sdelay $0x3  }
0xdd: {  	p0 =	slt.s32 s2, $0x1  }
.Ltmp12:
0xde: {  	_ = 	snop;
	(pc) =	sbr.rel @p0 .LBB2_20-.Ltmp12, $1  }
0xdf: {  	_ =	sdelay $0x3  }
0xe0: {  	s5 =	simm.s32 $0xC0;
	p0 =	por $0x0, $0x0  }
0xe1: {  	v1 =	vld.msk @!p0 [tilespmem:s5+$0x0], $0x1;
	_ =	sdelay $0x4  }
0xe2: {  	(v2sf) =	vpush @!p0 v1, $0x0;
	_ =	sdelay $0xd  }
0xe3: {  	p2 =	sne.s32 s2, $0x1  }
.Ltmp13:
0xe4: {  	s6 =	spop @!p0 (v2sf);
	(pc) =	sbr.rel @!p2 .LBB2_19-.Ltmp13, $4  }
0xe5: {  	p1 =	seq.s32 @!p0 s0, s6  }
0xe6: {  	s6 =	simm.s32 $0x0;
	p1 =	por !p1, p0  }
0xe7: {  	s8 =	simm.s32 $0xFFFFFFFF;
	s6 =	simm.s32 @p1 $0xFFFFFFFF  }
0xe8: {  	s7 =	simm.s32 $0x1;
	s6 =	smov.u32 @p0 s8  }
.LBB2_18:
0xe9: {  	s8 =	smov.u32 s6;
	p0 =	sne.s32 s6, $0xFFFFFFFF  }
0xea: {  	s5 =	sadd.s32 $0x1, s5;
	s6 =	smov.u32 s7;
	s7 =	sadd.s32 $0x1, s7  }
0xeb: {  	p1 =	sne.s32 s2, s7;
	v1 =	vld.msk @!p0 [tilespmem:s5+$0x0], $0x1;
	_ =	sdelay $0x4  }
0xec: {  	(v2sf) =	vpush @!p0 v1, $0x0;
	_ =	sdelay $0xe  }
.Ltmp14:
0xed: {  	s9 =	spop @!p0 (v2sf);
	(pc) =	sbr.rel @p1 .LBB2_18-.Ltmp14, $4  }
0xee: {  	p2 =	seq.s32 @!p0 s0, s9  }
0xef: {  	p2 =	por !p2, p0  }
0xf0: {  	s6 =	simm.s32 @p2 $0xFFFFFFFF  }
0xf1: {  	s6 =	smov.u32 @p0 s8  }
.LBB2_19:
0xf2: {  	p0 =	sne.s32 s6, $0xFFFFFFFF  }
.Ltmp15:
0xf3: {  	_ = 	snop;
	(pc) =	sbr.rel @!p0 .LBB2_20-.Ltmp15, $1  }
0xf4: {  	_ =	sdelay $0x3  }
0xf5: {  	v0 =	vld.msk [tilespmem:s4+$0xE0], $0x1;
	v1 =	vmov s6  }
.Ltmp16:
0xf6: {  	_ = 	snop;
	(pc) =	sbr.rel .LBB2_22-.Ltmp16, $2  }
0xf7: {  	_ =	sdelay $0x2  }
0xf8: {  	[tilespmem:v1+s3+$0x0], v0 =	vst.idx.ret.add.f32.msk $0x1, v0  }
.LBB2_23:
0xf9: {  	p0 =	slt.s32 s2, $0x1  }
.Ltmp17:
0xfa: {  	_ = 	snop;
	(pc) =	sbr.rel @p0 .LBB2_27-.Ltmp17, $3  }
0xfb: {  	_ =	sdelay $0x1  }
0xfc: {  	s0 =	simm.s32 $0x6  }
0xfd: {  	[sflag:s0] =	ssyncpa.u1 $0x1;
	s0 =	simm.s32 $0x0  }
0xfe: {  	s3 =	simm.s32 $0xC0  }
0xff: {  	v0 =	vld.msk [tilespmem:s3+$0x0], $0x1;
	_ =	sdelay $0x4  }
0x100: {  	(v2sf) =	vpush v0, $0x0;
	_ =	sdelay $0xe  }
0x101: {  	s2 =	sadd.s32 $0xFFFFFFFF, s2;
	s4 =	spop (v2sf)  }
0x102: {  	p1 =	sne.s32 s2, $0x0;
	p0 =	sgt.u32 s4, $0xFFF  }
.Ltmp18:
0x103: {  	s5 =	sshrl.u32 @!p0 s4, $0x3;
	(pc) =	sbr.rel @!p1 .LBB2_26-.Ltmp18, $4  }
0x104: {  	s3 =	simm.s32 $0xE0;
	s4 =	sand.u32 @!p0 $0x7, s4;
	s5 =	sadd.s32 @!p0 s1, s5  }
0x105: {  	[hbm4b:s5+s4] =	stream.linear.scatter @!p0 [tilespmem:s3], [sflag:$0x5], $0x1, $0x38;
	[tilespmem:$0x5B20] =	vst v63  }
0x106: {  	s5 =	simm.s32 $0x0  }
0x107: {  	s4 =	simm.s32 $0xC1;
	s5 =	simm.s32 @!p0 $0x4  }
.LBB2_25:
0x108: {  	v0 =	vld.msk [tilespmem:s4+$0x0], $0x1;
	s2 =	sadd.s32 $0xFFFFFFFF, s2;
	s0 =	sadd.s32 s0, s5  }
0x109: {  	p0 =	sne.s32 s2, $0x0;
	_ =	sdelay $0x3  }
0x10a: {  	(v2sf) =	vpush v0, $0x0;
	_ =	sdelay $0xe  }
.Ltmp19:
0x10b: {  	s6 =	spop (v2sf);
	(pc) =	sbr.rel @p0 .LBB2_25-.Ltmp19, $4  }
0x10c: {  	s5 =	simm.s32 $0x0;
	p1 =	sgt.u32 s6, $0xFFF  }
0x10d: {  	s3 =	sadd.s32 $0x1, s3;
	s5 =	simm.s32 @!p1 $0x4;
	s7 =	sshrl.u32 @!p1 s6, $0x3  }
0x10e: {  	s4 =	sadd.s32 $0x1, s4;
	s6 =	sand.u32 @!p1 $0x7, s6;
	s7 =	sadd.s32 @!p1 s1, s7  }
0x10f: {  	[hbm4b:s7+s6] =	stream.linear.scatter @!p1 [tilespmem:s3], [sflag:$0x5], $0x1, $0x38;
	[tilespmem:$0x5B20] =	vst v63  }
.LBB2_26:
0x110: {  	s0 =	sadd.s32 s0, s5  }
0x111: {  	s0 =	sshrl.u32 s0, $0x2  }
.LBB2_27:
0x112: {  	s1 =	simm.s32 $0x5  }
0x113: {  	_ =	swait.ge [sflag:s1], s0  }
0x114: {  	s28 =	ssub.s32 $0x0, s0;
	[sflag:s1] =	ssyncset.done $0x0  }
0x115: {  	[sflag:s1] =	ssyncadd.s32 s28  }
0x116: {  	[sflag:s1] =	ssyncpa.u1 $0x1  }
0x117: {  	s29 =	simm.s32 $0x1;
	_ =	sfence  }
0x118: {  	s30 =	simm.s32 $0x2;
	[sflag:s29] =	ssyncpa.u1 $0x1  }
0x119: {  	[sflag:s30] =	ssyncpa.u1 $0x1  }
0x11a: {  	_ =	strace $0x90000053  }
0x11b: {  	[bflag:$0x2] =	sbarrier.arrive $0xFFFF  }
0x11c: {  	s31 =	rddreg [dreg:$0x1]  }
0x11d: {  	s0 =	sadd.s32 $0x100000, s31  }
0x11e: {  	[sflag:s0] =	ssyncadd.tile.s32 $0x1;
	_ =	shalt  }
.Lfunc_end2:
_tile_overlayer_lowered:
.L_overlay_start_2:
0x11f: {  	(tag) =	ssettag $0x2  }
0x120: {  	s0 =	rddreg [dreg:$0x0];
	s2 =	stileid.u32  }
0x121: {  	s1 =	rddreg [dreg:$0x1];
	p0 =	sne.s32 s2, $0x0  }
0x122: {  	s3 =	rddreg [dreg:$0x2];
	[bflag:$0x3] =	sbarrier.arrive $0xFFFF;
	s2 =	simm.s32 @!p0 $0x1C01  }
0x123: {  	[timem:s3], [sflag:s2] =	dma.local @!p0 [hbm:s0], s1  }
0x124: {  	s0 =	simm.s32 @!p0 $0x1  }
0x125: {  	_ =	swait.ge @!p0 [sflag:s0], s1  }
0x126: {  	s1 =	ssub.s32 @!p0 $0x0, s1;
	[sflag:s0] =	ssyncset.done @!p0 $0x0  }
0x127: {  	[sflag:s0] =	ssyncadd.s32 @!p0 s1  }
0x128: {  	[bflag:$0x3] =	sbarrier.arrive $0xFFFF  }
0x129: {  	_ =	shalt  }

// kernel: scatter_offload_async_start
scs
__scs_entry_jumppad:
0x0: {  	(pc) =	sbr.rel $0x88, $3  }
0x1: {  	(tag) =	ssettag $0x0;
	lr =	simm.s32 $0x1  }
0x2: {  	[smem:$0x3F95] =	sst lr;
	_ =	strace $0xD0000000  }
0x3: {  	_ = 	snop  }
0x4: {  	_ = 	snop  }
0x5: {  	_ = 	snop  }
0x6: {  	_ = 	snop  }
0x7: {  	_ = 	snop  }
__scs_overlays_trampoline_lowered:
0x8: {  	[smem:$0x3FA4] =	sst s0  }
0x9: {  	[smem:$0x3FA5] =	sst s1  }
0xa: {  	[smem:$0x3FA6] =	sst s2  }
0xb: {  	[smem:$0x3FA7] =	sst s3  }
0xc: {  	[smem:$0x3FA8] =	sst s4  }
0xd: {  	[smem:$0x3FA9] =	sst s5  }
0xe: {  	[smem:$0x3FAA] =	sst s6  }
0xf: {  	[smem:$0x3FAB] =	sst s7  }
0x10: {  	[smem:$0x3FAC] =	sst s8  }
0x11: {  	[smem:$0x3FAD] =	sst s9;
	s0 =	simm.s32 @!p0 $0x0  }
0x12: {  	s1 =	sld [smem:$0x3F93];
	s0 =	simm.s32 @p0 $0x1  }
0x13: {  	[smem:$0x3FAE] =	sst s0;
	s0 =	simm.s32 @!p1 $0x0  }
0x14: {  	s2 =	sld [smem:$0x3F92];
	s0 =	simm.s32 @p1 $0x1  }
0x15: {  	[smem:$0x3FAF] =	sst s0;
	s0 =	simm.s32 @!p2 $0x0  }
0x16: {  	s3 =	sld [smem:$0x3FDB];
	s0 =	simm.s32 @p2 $0x1  }
0x17: {  	s4 =	simm.s32 $0x1BF5;
	[smem:$0x3FB1] =	sst s0  }
0x18: {  	s0 =	sld [smem:$0x3F94];
	_ =	swait.ge [sflag:s4], $0x0  }
0x19: {  	s7 =	sld [smem:$0x3F95]  }
0x1a: {  	s8 =	sadd.s32 $0xFFFFE003, lr  }
0x1b: {  	s9 =	sadd.s32 $0xFFFFFEF7, lr;
	s5 =	simm.s32 $0xFFFFFFFF;
	p2 =	slt.u32 s8, $0xFFFFF086  }
0x1c: {  	p1 =	slt.u32 s9, $0xF7A;
	s5 =	simm.s32 @!p2 $0x0  }
0x1d: {  	s5 =	simm.s32 @p1 $0x1;
	p0 =	seq.s32 s7, s2  }
0x1e: {  	s7 =	smul.u32 @!p0 $0xF7A, s2;
	p2 =	seq.s32 @!p0 s5, $0x0  }
0x1f: {  	s9 =	smul.u32 $0xF7A, s1;
	s8 =	simm.s32 @!p0 $0x1BF5;
	p2 =	por !p2, p0  }
0x20: {  	[sflag:s8] =	ssyncset.s32 @!p0 $0xFFFFF086;
	s6 =	sadd.s32 @!p0 s3, s7;
	s7 =	simm.s32 @!p0 $0x108  }
0x21: {  	s3 =	sadd.s32 s3, s9;
	s6 =	sadd.s32 @!p0 $0x88, s6;
	s7 =	simm.s32 @p2 $0x1082  }
0x22: {  	[simem:s7], [sflag:s8] =	dma.local @!p0 [hbm:s6], $0xF7A  }
0x23: {  	s9 =	sor.u32 $0xD0000000, s2;
	s6 =	simm.s32 $0x108;
	_ =	swait.ge @!p0 [sflag:s8], $0x0  }
0x24: {  	s3 =	sadd.s32 $0x88, s3;
	s6 =	simm.s32 @!p1 $0x1082;
	[sflag:s4] =	ssyncset.s32 $0xFFFFF086  }
0x25: {  	[simem:s6], [sflag:s4] =	dma.local [hbm:s3], $0xF7A  }
0x26: {  	[smem:$0x3F95] =	sst s1;
	(tag) =	ssettag s2;
	_ =	strace s9  }
0x27: {  	s1 =	sld [smem:$0x3FA5]  }
0x28: {  	s2 =	sld [smem:$0x3FA6]  }
0x29: {  	s4 =	sld [smem:$0x3FA8]  }
0x2a: {  	p0 =	seq.s32 s5, $0x0;
	s5 =	sld [smem:$0x3FA9]  }
0x2b: {  	s6 =	sld [smem:$0x3FAA]  }
0x2c: {  	s7 =	sld [smem:$0x3FAB]  }
0x2d: {  	s3 =	simm.s32 $0x108;
	s8 =	sld [smem:$0x3FAC]  }
0x2e: {  	s3 =	simm.s32 @!p0 $0x1082;
	s9 =	sld [smem:$0x3FAD]  }
0x2f: {  	lr =	sadd.s32 s0, s3;
	s0 =	sld [smem:$0x3FA4]  }
0x30: {  	s3 =	sld [smem:$0x3FA7]  }
0x31: {  	[smem:$0x3FB0] =	sst s10  }
0x32: {  	s10 =	sld [smem:$0x3FAE];
	_ =	sdelay $0x3  }
0x33: {  	p0 =	seq.s32 s10, $0x1;
	s10 =	sld [smem:$0x3FB0];
	_ =	sdelay $0x3  }
0x34: {  	[smem:$0x3FB0] =	sst s10  }
0x35: {  	s10 =	sld [smem:$0x3FAF];
	_ =	sdelay $0x3  }
0x36: {  	p1 =	seq.s32 s10, $0x1;
	s10 =	sld [smem:$0x3FB0];
	_ =	sdelay $0x3  }
0x37: {  	[smem:$0x3FB0] =	sst s10  }
0x38: {  	s10 =	sld [smem:$0x3FB1]  }
0x39: {  	_ = 	snop;
	(pc) =	sbr.ind lr, $3  }
0x3a: {  	_ = 	snop  }
0x3b: {  	_ = 	snop  }
0x3c: {  	p2 =	seq.s32 s10, $0x1;
	s10 =	sld [smem:$0x3FB0]  }
0x3d: {  	_ =	shalt  }
0x3e: {  	_ =	shalt  }
0x3f: {  	_ =	shalt  }
0x40: {  	_ =	shalt  }
0x41: {  	_ =	shalt  }
0x42: {  	_ =	shalt  }
0x43: {  	_ =	shalt  }
0x44: {  	_ =	shalt  }
0x45: {  	_ =	shalt  }
0x46: {  	_ =	shalt  }
0x47: {  	_ =	shalt  }
0x48: {  	_ =	shalt  }
0x49: {  	_ =	shalt  }
0x4a: {  	_ =	shalt  }
0x4b: {  	_ =	shalt  }
0x4c: {  	_ =	shalt  }
0x4d: {  	_ =	shalt  }
0x4e: {  	_ =	shalt  }
0x4f: {  	_ =	shalt  }
0x50: {  	_ =	shalt  }
0x51: {  	_ =	shalt  }
0x52: {  	_ =	shalt  }
0x53: {  	_ =	shalt  }
0x54: {  	_ =	shalt  }
0x55: {  	_ =	shalt  }
0x56: {  	_ =	shalt  }
0x57: {  	_ =	shalt  }
0x58: {  	_ =	shalt  }
0x59: {  	_ =	shalt  }
0x5a: {  	_ =	shalt  }
0x5b: {  	_ =	shalt  }
0x5c: {  	_ =	shalt  }
0x5d: {  	_ =	shalt  }
0x5e: {  	_ =	shalt  }
0x5f: {  	_ =	shalt  }
0x60: {  	_ =	shalt  }
0x61: {  	_ =	shalt  }
0x62: {  	_ =	shalt  }
0x63: {  	_ =	shalt  }
0x64: {  	_ =	shalt  }
0x65: {  	_ =	shalt  }
0x66: {  	_ =	shalt  }
0x67: {  	_ =	shalt  }
0x68: {  	_ =	shalt  }
0x69: {  	_ =	shalt  }
0x6a: {  	_ =	shalt  }
0x6b: {  	_ =	shalt  }
0x6c: {  	_ =	shalt  }
0x6d: {  	_ =	shalt  }
0x6e: {  	_ =	shalt  }
0x6f: {  	_ =	shalt  }
0x70: {  	_ =	shalt  }
0x71: {  	_ =	shalt  }
0x72: {  	_ =	shalt  }
0x73: {  	_ =	shalt  }
0x74: {  	_ =	shalt  }
0x75: {  	_ =	shalt  }
0x76: {  	_ =	shalt  }
0x77: {  	_ =	shalt  }
0x78: {  	_ =	shalt  }
0x79: {  	_ =	shalt  }
0x7a: {  	_ =	shalt  }
0x7b: {  	_ =	shalt  }
0x7c: {  	_ =	shalt  }
0x7d: {  	_ =	shalt  }
0x7e: {  	_ =	shalt  }
0x7f: {  	_ =	shalt  }
0x80: {  	_ =	shalt  }
0x81: {  	_ =	shalt  }
0x82: {  	_ =	shalt  }
0x83: {  	_ =	shalt  }
0x84: {  	_ =	shalt  }
0x85: {  	_ =	shalt  }
0x86: {  	_ =	shalt  }
0x87: {  	_ =	shalt  }
.Lfunc_end0:
.L_simem_size_0:
called_computation_lowered:
.L_overlay_start_0:
0x88: {  	s2 =	sld [smem:$0x3FD9]  }
0x89: {  	s3 =	sld [smem:$0x3FFE];
	_ =	sdelay $0x1  }
0x8a: {  	s1 =	srdreg.scid  }
0x8b: {  	s0 =	sand.u32 $0x1, s1  }
0x8c: {  	s17 =	sshll.u32 s0, $0xA;
	s2 =	sadd.s32 s3, s2  }
0x8d: {  	s2 =	sadd.s32 s2, s17  }
0x8e: {  	[smem:$0x3FBC] =	sst s2  }
0x8f: {  	_ = 	snop  }
0x90: {  	(tm) =	ssettm $0x1  }
0x91: {  	s18 =	sld [smem:$0x3FFB];
	_ =	sdelay $0x3  }
0x92: {  	_ =	strace s18  }
0x93: {  	s2 =	sld [smem:$0x3FFC];
	_ =	sdelay $0x3  }
0x94: {  	_ =	strace s2  }
0x95: {  	s2 =	sld [smem:$0x3FFD];
	_ =	sdelay $0x3  }
0x96: {  	_ =	strace s2  }
0x97: {  	_ =	strace $0x8FFFFFFF  }
0x98: {  	s19 =	sld [smem:$0x3FDB];
	_ =	sdelay $0x1  }
0x99: {  	s20 =	simm.s32 $_scs_section_size  }
0x9a: {  	s4 =	simm.s32 $_size__tile_overlayer_lowered;
	s5 =	simm.s32 $_tile_overlayer_lowered  }
0x9b: {  	s6 =	simm.s32 $0x1BFF;
	s21 =	sshll.u32 s5, $0x1;
	s3 =	sadd.s32 s20, s19  }
0x9c: {  	s22 =	simm.s32 $0x0;
	s4 =	sshll.u32 s4, $0x1;
	s5 =	sadd.s32 s21, s3  }
0x9d: {  	[timem:s22], [sflag:s6] =	dma.local [hbm:s5], s4  }
0x9e: {  	_ =	swait.ge [sflag:s6], s4  }
0x9f: {  	s4 =	ssub.s32 $0x0, s4;
	[sflag:s6] =	ssyncset.done $0x0  }
0xa0: {  	[sflag:s6] =	ssyncadd.s32 s4;
	_ =	sdelay $0x1  }
0xa1: {  	s23 =	simm.s32 $0x1B8B  }
0xa2: {  	_ =	swait.ge [sflag:s23], $0x1  }
0xa3: {  	[sflag:s23] =	ssyncset.done $0x0  }
0xa4: {  	[sflag:s23] =	ssyncadd.s32 $0xFFFFFFFF  }
0xa5: {  	s4 =	sld [smem:$0x0]  }
0xa6: {  	s5 =	sand.u32 $0xFFFFFFFE, s1  }
0xa7: {  	p0 =	sne.s32 s1, s5  }
0xa8: {  	s5 =	sshll.u32 @p0 s5, $0xE  }
0xa9: {  	s5 =	sadd.s32 @p0 $0x11B8D, s5;
	s6 =	sshll.u32 @p0 s4, $0x11  }
0xaa: {  	s5 =	sor.u32 @p0 s6, s5  }
0xab: {  	[sflag:s5] =	ssyncadd.remote.s32 @p0 $0x1;
	_ =	sdelay $0x1  }
0xac: {  	s5 =	simm.s32 @p0 $0x1B8D  }
0xad: {  	_ =	swait.eq @p0 [sflag:s5], $0x1  }
0xae: {  	[sflag:s5] =	ssyncadd.s32 @p0 $0xFFFFFFFF  }
0xaf: {  	s6 =	sshll.u32 @!p0 s1, $0xE  }
0xb0: {  	s6 =	sor.u32 @!p0 $0x4000, s6;
	s5 =	simm.s32 @!p0 $0x1B8D  }
0xb1: {  	s7 =	sshll.u32 @!p0 s4, $0x11;
	s6 =	sadd.s32 @!p0 $0x11B8D, s6;
	_ =	swait.eq @!p0 [sflag:s5], $0x1  }
0xb2: {  	[sflag:s5] =	ssyncadd.s32 @!p0 $0xFFFFFFFF;
	s5 =	sor.u32 @!p0 s7, s6  }
0xb3: {  	s25 =	simm.s32 $0x1B8E;
	s24 =	sld [smem:$0x3FFE];
	[sflag:s5] =	ssyncadd.remote.s32 @!p0 $0x1  }
0xb4: {  	s26 =	simm.s32 $execute0_lowered;
	[smem:$0x3FD2] =	sst s25  }
0xb5: {  	s6 =	sshll.u32 s26, $0x1;
	_ =	strace $0x8000004C;
	[dreg:$0x1] =	wrdreg $0xFFFFFFFF  }
0xb6: {  	s28 =	simm.s32 $_size_execute0_lowered;
	s3 =	sadd.s32 s3, s6;
	[dreg:$0x0] =	wrdreg $0x0  }
0xb7: {  	s6 =	sshll.u32 s28, $0x1;
	[dreg:$0x2] =	wrdreg s3  }
0xb8: {  	[dreg:$0x3] =	wrdreg s6  }
0xb9: {  	[dreg:$0x4] =	wrdreg $0xC0  }
0xba: {  	_ =	task [dreg:s22], $0x5FFFF  }
0xbb: {  	[dreg:$0x1] =	wrdreg $0xFFFFFFFF  }
0xbc: {  	[dreg:$0x0] =	wrdreg $0x60  }
0xbd: {  	[dreg:$0x2] =	wrdreg s24  }
0xbe: {  	[dreg:$0x3] =	wrdreg s1  }
0xbf: {  	[dreg:$0x4] =	wrdreg s4  }
0xc0: {  	[dreg:$0x5] =	wrdreg $0xA  }
0xc1: {  	_ =	task.clear_ibuf [dreg:s22], $0x6FFFF;
	_ =	strace $0x9000004C  }
0xc2: {  	s29 =	simm.s32 $0xA;
	_ =	strace $0x8000004E  }
0xc3: {  	_ =	swait.ge [sflag:s29], $0x1  }
0xc4: {  	[sflag:s29] =	ssyncadd.s32 $0xFFFFFFFF  }
0xc5: {  	_ =	strace $0x9000004E  }
0xc6: {  	_ =	sfence  }
0xc7: {  	s30 =	sld [smem:$0x0];
	_ =	sdelay $0x2  }
0xc8: {  	s31 =	sshll.u32 s1, $0xD;
	s1 =	sshrl.u32 s1, $0x2  }
0xc9: {  	s4 =	sand.u32 $0x4000, s31;
	s1 =	sadd.s32 s1, s30  }
0xca: {  	s0 =	sor.u32 s4, s0;
	s1 =	sshll.u32 s1, $0x11  }
0xcb: {  	s0 =	sor.u32 s1, s0  }
0xcc: {  	s0 =	sadd.s32 $0x8F2B, s0  }
0xcd: {  	[sflag:s0] =	ssyncadd.remote.s32 $0x1  }
0xce: {  	_ =	sfence.sel $0xFFFF  }
0xcf: {  	[dreg:$0x0] =	wrdreg $0xFFFFFFFF;
	(pc) =	sbr.abs _section_cstart, $3  }
0xd0: {  	[dreg:$0x1] =	wrdreg $0xFFFFFFFF  }
0xd1: {  	_ =	task.clear_ibuf [dreg:s22], $0x2FFFF;
	_ =	strace $0x9FFFFFFF  }
0xd2: {  	(tm) =	ssettm $0x7FFFFFFF  }
0xd3: {  	_ =	shalt  }
tec
execute0_lowered:
.L_overlay_start_1:
0x0: {  	(tag) =	ssettag $0x1  }
0x1: {  	s2 =	rddreg [dreg:$0x0]  }
0x2: {  	s3 =	rddreg [dreg:$0x1];
	_ =	strace $0x8000004D;
	s0 =	simm.s32 $0x1  }
0x3: {  	v0 =	vimm.s32 $0x0;
	[sflag:s0] =	ssyncpa.u1 $0x0;
	s0 =	simm.s32 $0x108  }
0x4: {  	[tilespmem:s0+$0x70] =	vst v0  }
0x5: {  	[tilespmem:s0+$0x60] =	vst v0  }
0x6: {  	[tilespmem:s0+$0x50] =	vst v0  }
0x7: {  	[tilespmem:s0+$0x40] =	vst v0  }
0x8: {  	[tilespmem:s0+$0x30] =	vst v0  }
0x9: {  	s1 =	sadd.s32 $0x7D6600, s2;
	s15 =	sadd.s32 $0x79E000, s2;
	s6 =	sadd.s32 $0xE000, s2;
	[tilespmem:s0+$0x20] =	vst v0  }
0xa: {  	s14 =	sadd.s32 $0x7ABC00, s2;
	s5 =	sand.u32 $0x1, s3;
	s3 =	simm.s32 $0x40;
	[tilespmem:s0+$0x10] =	vst v0  }
.LBB2_1:
0xb: {  	s3 =	sadd.s32 $0x40, s3;
	[tilespmem:s0+$0x0] =	vst v0;
	s0 =	sadd.s32 $0x80, s0  }
0xc: {  	p0 =	slt.u32 s3, $0x3C40;
	[tilespmem:s0+$0x70] =	vst v0  }
0xd: {  	[tilespmem:s0+$0x60] =	vst v0  }
.Ltmp0:
0xe: {  	[tilespmem:s0+$0x50] =	vst v0;
	(pc) =	sbr.rel @p0 .LBB2_1-.Ltmp0, $4  }
0xf: {  	[tilespmem:s0+$0x40] =	vst v0  }
0x10: {  	[tilespmem:s0+$0x30] =	vst v0  }
0x11: {  	[tilespmem:s0+$0x20] =	vst v0  }
0x12: {  	[tilespmem:s0+$0x10] =	vst v0  }
0x13: {  	s9 =	stileid.u32  }
0x14: {  	s2 =	smul.u32 $0x3A, s9  }
0x15: {  	s3 =	smin.u32 s9, $0xB  }
0x16: {  	s2 =	sadd.s32 s3, s2  }
0x17: {  	p0 =	slt.u32 s9, $0xB;
	s7 =	smul.u32 $0xF0, s2;
	s2 =	simm.s32 $0x3750  }
0x18: {  	s2 =	simm.s32 @!p0 $0x3660  }
0x19: {  	s2 =	sadd.s32 s2, s7  }
0x1a: {  	s8 =	smin.u32 s2, $0x37000  }
0x1b: {  	s2 =	ssub.s32 s8, s7  }
0x1c: {  	p0 =	sgt.s32 s2, $0x0  }
0x1d: {  	s29 =	simm.s32 $0x2;
	s10 =	simm.s32 $0x9;
	s2 =	simm.s32 @!p0 $0x0  }
0x1e: {  	s4 =	simm.s32 $0xA;
	s11 =	simm.s32 $0xB;
	s28 =	smulhi.u32 $0x88888889, s2  }
0x1f: {  	[dreg:$0x4] =	wrdreg s5;
	s31 =	smul.u32 $0x6E00, s5;
	s12 =	simm.s32 $0x1  }
0x20: {  	s22 =	simm.s32 $0x0;
	s18 =	simm.s32 $0xC;
	s30 =	sshrl.u32 s28, $0x7  }
0x21: {  	s20 =	simm.s32 $0x0;
	s21 =	simm.s32 $0x0;
	s3 =	smul.u32 $0xF0, s30  }
.Ltmp1:
0x22: {  	[tilespmem:s0+$0x0] =	vst v0;
	v0 =	vimm.s32 $0xFFFFFFFF;
	[sflag:s29] =	ssyncpa.u1 $0x0;
	s16 =	sshll.u32 s9, $0x8;
	(pc) =	sbr.rel .LBB2_3-.Ltmp1, $4  }
0x23: {  	[tilespmem:$0xF208] =	vst v0;
	[sflag:s10] =	ssyncpa.u1 $0x0;
	p0 =	sne.s32 s2, s3;
	s2 =	simm.s32 $0x1  }
0x24: {  	s14 =	sadd.s32 s31, s14;
	[sflag:s4] =	ssyncpa.u1 $0x0;
	s2 =	simm.s32 @!p0 $0x0  }
0x25: {  	s15 =	sadd.s32 s31, s15;
	[sflag:s11] =	ssyncpa.u1 $0x0;
	s13 =	sadd.s32 s2, s30  }
0x26: {  	v0 =	vlaneseq.u32;
	s19 =	smov.u32 s7;
	p0 =	por $0x0, $0x0;
	s17 =	sadd.s32 $0x1, s13  }
.LBB2_18:
0x27: {  	s0 =	sshrl.u32 s31, $0x2  }
.LBB2_20:
0x28: {  	_ =	swait.ge [sflag:s18], s0  }
0x29: {  	s31 =	ssub.s32 $0x0, s0;
	v1 =	vmov s24;
	vm0 =	veq.s32 v0, $0x0;
	[sflag:s18] =	ssyncset.done $0x0  }
0x2a: {  	vm15 =	veq.s32 v0, $0x2;
	v1 =	vsel vm0, s30, v1;
	[sflag:s18] =	ssyncadd.s32 s31  }
0x2b: {  	v1 =	vsel vm15, s22, v1;
	[sflag:s18] =	ssyncpa.u1 $0x1  }
0x2c: {  	[tilespmem:$0xF208] =	vst v1  }
.LBB2_21:
0x2d: {  	s0 =	sadd.s32 $0xF0, s19  }
0x2e: {  	s2 =	smov.u32 s7;
	p1 =	slt.s32 s0, s8  }
0x2f: {  	s2 =	smov.u32 @p1 s0;
	p1 =	sne.s32 s21, s17  }
.Ltmp2:
0x30: {  	_ = 	snop;
	(pc) =	sbr.rel @!p1 .LBB2_22-.Ltmp2, $3  }
0x31: {  	_ =	sdelay $0x1  }
0x32: {  	s22 =	smov.u32 s20;
	s31 =	sadd.s32 $0x1, s21;
	s20 =	smov.u32 s19  }
0x33: {  	p0 =	por !p0, !p0;
	s21 =	smov.u32 s31;
	s19 =	smov.u32 s2  }
.LBB2_3:
0x34: {  	p1 =	sge.u32 s21, s13  }
0x35: {  	s0 =	smulhi.u32 @!p1 $0xAAAAAAAB, s21  }
0x36: {  	s2 =	smov.u32 s19;
	p2 =	sgt.s32 @!p1 s19, $0x36F10  }
0x37: {  	s3 =	sshra.s32 @!p1 s19, $0x1F;
	p2 =	por !p2, p1;
	s0 =	sshrl.u32 @!p1 s0, $0x1  }
0x38: {  	s3 =	sand.u32 @!p1 s3, s19;
	s2 =	simm.s32 @p2 $0x36F10;
	s0 =	smul.u32 @!p1 $0x3, s0  }
0x39: {  	s2 =	ssub.s32 @!p1 s2, s3  }
0x3a: {  	s2 =	sadd.s32 @!p1 $0xFFFC90F0, s2;
	s0 =	ssub.s32 @!p1 s21, s0  }
0x3b: {  	s3 =	sshll.u32 @!p1 s2, $0x2;
	p2 =	sgt.s32 @!p1 s2, $0xEF;
	s0 =	smul.u32 @!p1 $0x3C0, s0  }
0x3c: {  	s4 =	sand.u32 @!p1 $0x7, s19;
	s2 =	ssub.s32 @!p1 $0x3C0, s3;
	p2 =	por !p2, p1  }
0x3d: {  	s3 =	sshrl.u32 @!p1 s19, $0x3;
	s2 =	sshrl.u32 @!p1 s2, $0x2;
	s0 =	sshrl.u32 @!p1 s0, $0x2  }
0x3e: {  	s3 =	sadd.s32 @!p1 s3, s14;
	s2 =	simm.s32 @!p2 $0x0;
	s0 =	sadd.s32 @!p1 $0x10248, s0  }
0x3f: {  	[tilespmem:s0], [sflag:$0xA] =	stream.linear.gather @!p1 [hbm4b:s3+s4], s2, $0x38;
	[tilespmem:$0x1F6F8] =	vst v63  }
0x40: {  	s0 =	sadd.s32 $0xFFFFFFFF, s21  }
0x41: {  	p1 =	sge.u32 s0, s13  }
0x42: {  	p2 =	sgt.s32 @!p1 s20, $0x36F10  }
0x43: {  	s2 =	smov.u32 s20;
	s3 =	sshra.s32 @!p1 s20, $0x1F;
	p2 =	por !p2, p1  }
0x44: {  	s3 =	sand.u32 @!p1 s3, s20;
	s2 =	simm.s32 @p2 $0x36F10  }
0x45: {  	s2 =	ssub.s32 @!p1 s2, s3  }
0x46: {  	s2 =	sadd.s32 @!p1 $0xFFFC90F0, s2  }
0x47: {  	s4 =	sand.u32 @!p1 $0x1, s0;
	s3 =	sshll.u32 @!p1 s2, $0x2  }
0x48: {  	p2 =	sgt.s32 @!p1 s2, $0xEF;
	s2 =	ssub.s32 @!p1 $0x3C0, s3;
	s3 =	smulhi.u32 @!p1 $0xAAAAAAAB, s0  }
0x49: {  	s23 =	smul.u32 @!p1 $0x3C0, s4;
	p2 =	por !p2, p1;
	s2 =	sshrl.u32 @!p1 s2, $0x2  }
0x4a: {  	s5 =	simm.s32 @!p1 $0xA;
	s2 =	simm.s32 @!p2 $0x0;
	s3 =	sshrl.u32 @!p1 s3, $0x1  }
0x4b: {  	s23 =	sshrl.u32 @!p1 s23, $0x2;
	_ =	swait.ge @!p1 [sflag:s5], s2;
	s3 =	smul.u32 @!p1 $0x3, s3  }
0x4c: {  	s23 =	sadd.s32 @!p1 $0x10518, s23;
	s24 =	ssub.s32 @!p1 $0x0, s2;
	[sflag:s5] =	ssyncset.done @!p1 $0x0  }
0x4d: {  	[sflag:s5] =	ssyncadd.s32 @!p1 s24;
	s5 =	sshrl.u32 @!p1 s20, $0x3;
	s0 =	ssub.s32 @!p1 s0, s3  }
0x4e: {  	s24 =	sand.u32 @!p1 $0x7, s20;
	s5 =	sadd.s32 @!p1 s5, s15;
	s0 =	smul.u32 @!p1 $0x3C0, s0  }
0x4f: {  	[tilespmem:s23], [sflag:$0xB] =	stream.linear.gather @!p1 [hbm4b:s5+s24], s2, $0x38;
	[tilespmem:$0x1F6F8] =	vst v63  }
0x50: {  	s3 =	ssub.s32 @!p1 $0x37000, s20;
	s2 =	smul.u32 @!p1 $0x1E000, s4  }
0x51: {  	p2 =	slt.s32 @!p1 s3, $0xF0  }
0x52: {  	p2 =	por !p2, p1;
	s0 =	sshrl.u32 @!p1 s0, $0x2;
	s2 =	sshrl.u32 @!p1 s2, $0x2  }
0x53: {  	s3 =	simm.s32 @p2 $0xF0;
	s0 =	sadd.s32 @!p1 $0x10248, s0;
	s2 =	sor.u32 @!p1 $0x106F8, s2  }
0x54: {  	[tilespmem:s2], [sflag:$0x9] =	stream.indirect.gather @!p1 [hbm4b:s6+s3], $0x80, s0, s3, $0xb8;
	[tilespmem:$0x1F6F8] =	vst v63  }
0x55: {  	p1 =	slt.u32 s21, $0x2  }
.Ltmp3:
0x56: {  	_ = 	snop;
	(pc) =	sbr.rel @p1 .LBB2_21-.Ltmp3, $1  }
0x57: {  	_ =	sdelay $0x3  }
0x58: {  	p1 =	sgt.s32 s22, $0x36F10  }
0x59: {  	s0 =	smov.u32 s22;
	s2 =	sshra.s32 s22, $0x1F;
	s3 =	ssub.s32 $0x37000, s22  }
0x5a: {  	s0 =	simm.s32 @!p1 $0x36F10;
	s2 =	sand.u32 s2, s22;
	p1 =	slt.s32 s3, $0xF0  }
0x5b: {  	s0 =	ssub.s32 s0, s2;
	s3 =	simm.s32 @!p1 $0xF0  }
0x5c: {  	s0 =	sadd.s32 $0xFFFC90F0, s0;
	s25 =	sshll.u32 s3, $0x7  }
0x5d: {  	s26 =	sshll.u32 s0, $0x2;
	s2 =	sand.u32 $0x3FFFFF80, s25  }
0x5e: {  	p1 =	sgt.s32 s0, $0xEF;
	s29 =	ssub.s32 $0x3C0, s26;
	_ =	swait.ge [sflag:s10], s2  }
0x5f: {  	s2 =	ssub.s32 $0x0, s2;
	[sflag:s10] =	ssyncset.done $0x0;
	s0 =	sshrl.u32 s29, $0x2  }
0x60: {  	[sflag:s10] =	ssyncadd.s32 s2;
	s0 =	simm.s32 @p1 $0x0  }
0x61: {  	_ =	swait.ge [sflag:s11], s0  }
0x62: {  	s0 =	ssub.s32 $0x0, s0;
	[sflag:s11] =	ssyncset.done $0x0  }
0x63: {  	[sflag:s11] =	ssyncadd.s32 s0  }
0x64: {  	v1 =	vld [tilespmem:$0xF208];
	_ =	sdelay $0x4  }
0x65: {  	(v2sf) =	vpush v1, $0x0  }
0x66: {  	(v2sf) =	vpush v1, $0x1  }
0x67: {  	(v2sf) =	vpush v1, $0x2;
	_ =	sdelay $0x3  }
0x68: {  	s0 =	sadd.s32 $0xF0, s22  }
0x69: {  	s2 =	ssub.s32 $0x6E000, s22;
	p1 =	slt.s32 s8, s0  }
0x6a: {  	s0 =	smov.u32 @p1 s8;
	p1 =	sgt.s32 s2, $0x0  }
0x6b: {  	s26 =	ssub.s32 s0, s22;
	s2 =	simm.s32 @!p1 $0x0  }
0x6c: {  	p1 =	slt.s32 s2, s26  }
0x6d: {  	s26 =	smov.u32 @p1 s2  }
0x6e: {  	s25 =	simm.s32 $0x1;
	p1 =	slt.s32 s26, $0x1  }
.Ltmp4:
0x6f: {  	s25 =	simm.s32 @!p0 $0x0;
	(pc) =	sbr.rel @p1 .LBB2_8-.Ltmp4, $4  }
0x70: {  	s31 =	smul.u32 $0x3C0, s25  }
0x71: {  	s28 =	spop (v2sf)  }
0x72: {  	s0 =	sshrl.u32 s31, $0x2;
	s30 =	spop (v2sf)  }
0x73: {  	s23 =	sadd.s32 $0x10518, s0;
	s22 =	spop (v2sf)  }
0x74: {  	s0 =	smin.u32 s26, $0x10  }
0x75: {  	v1 =	vmov s0  }
0x76: {  	p2 =	sgt.s32 s26, $0x10;
	vm1 =	vgt.u32 v1, v0  }
.Ltmp5:
0x77: {  	_ = 	snop;
	(pc) =	sbr.rel @!p2 .LBB2_7-.Ltmp5, $2  }
0x78: {  	_ =	sdelay $0x2  }
0x79: {  	s4 =	simm.s32 $0x10;
	s24 =	sadd.s32 $0xFFFFFFF0, s26;
	s0 =	smov.u32 s23;
	vm0 =	vmmov vm1  }
.LBB2_6:
0x7a: {  	s2 =	smin.u32 s24, $0x10;
	s4 =	sadd.s32 $0x10, s4;
	v1 =	vld.msk [tilespmem:s0+$0x0 ss:$0x1], vm1  }
0x7b: {  	v2 =	vmov s2;
	p2 =	slt.s32 s4, s26  }
0x7c: {  	vm1 =	vgt.u32 v2, v0  }
.Ltmp6:
0x7d: {  	(pc) =	sbr.rel @p2 .LBB2_6-.Ltmp6, $3  }
0x7e: {  	_ =	sdelay $0x1  }
0x7f: {  	v1 =	vshll.u32 v1, $0x4  }
0x80: {  	s24 =	sadd.s32 $0xFFFFFFF0, s24;
	[tilespmem:s0+$0x0] =	vst.msk vm0, v1;
	s0 =	sadd.s32 $0x10, s0;
	vm0 =	vmmov vm1  }
.LBB2_7:
0x81: {  	_ =	sdelay $0x4  }
0x82: {  	v1 =	vld.msk [tilespmem:s0+$0x0 ss:$0x1], vm1;
	_ =	sdelay $0x4  }
0x83: {  	v1 =	vshll.u32 v1, $0x4  }
0x84: {  	[tilespmem:s0+$0x0] =	vst.msk vm0, v1  }
.LBB2_8:
0x85: {  	s0 =	sand.u32 $0x1, s21  }
0x86: {  	s0 =	smul.u32 $0xF0, s0  }
0x87: {  	p2 =	sne.s32 s30, $0xFFFFFFFF  }
0x88: {  	v1 =	vld.msk @!p2 [tilespmem:s0+$0x10518], $0x1;
	_ =	sdelay $0x4  }
0x89: {  	(v2sf) =	vpush @!p2 v1, $0x0;
	_ =	sdelay $0xc  }
.Ltmp7:
0x8a: {  	_ = 	snop;
	(pc) =	sbr.rel @p1 .LBB2_19-.Ltmp7, $4  }
0x8b: {  	_ = 	snop  }
0x8c: {  	s29 =	spop @!p2 (v2sf)  }
0x8d: {  	s22 =	simm.s32 @!p2 $0x0;
	s24 =	smov.u32 s29  }
0x8e: {  	[sflag:s18] =	ssyncpa.u1 $0x0;
	s29 =	smov.u32 @p2 s28;
	s24 =	smov.u32 @p2 s30  }
0x8f: {  	v1 =	vld.msk [tilespmem:s23+$0x0], $0x1;
	_ =	sdelay $0x4  }
0x90: {  	(v2sf) =	vpush v1, $0x0;
	_ =	sdelay $0xe  }
0x91: {  	s2 =	smul.u32 $0x1E000, s25;
	s0 =	spop (v2sf)  }
0x92: {  	s26 =	ssub.s32 $0x0, s26;
	p1 =	seq.s32 s29, s0  }
0x93: {  	s30 =	sadd.s32 $0x1, s26;
	s2 =	sshrl.u32 s2, $0x2;
	p2 =	sgt.s32 @!p1 s29, $0x0  }
0x94: {  	s25 =	sor.u32 $0x10738, s2;
	s2 =	smov.u32 s29;
	p2 =	por !p2, p1  }
0x95: {  	s2 =	simm.s32 @p2 $0x0;
	p2 =	seq.s32 s30, $0x0  }
.Ltmp8:
0x96: {  	_ = 	snop;
	(pc) =	sbr.rel @p2 .LBB2_11-.Ltmp8, $4  }
0x97: {  	_ = 	snop  }
0x98: {  	s28 =	simm.s32 $0x0;
	s31 =	sadd.s32 $0x1, s23;
	s2 =	smin.u32 @!p1 s2, $0xAFFF0  }
0x99: {  	s4 =	simm.s32 @!p1 $0x1;
	s5 =	simm.s32 @!p1 $0x7988;
	s3 =	sand.u32 @!p1 $0xFFFF8, s2  }
0x9a: {  	s4 =	smov.u32 @p1 s28;
	s2 =	sand.u32 @!p1 $0x7, s2;
	s3 =	sadd.s32 @!p1 s1, s3  }
.LBB2_10:
0x9b: {  	s9 =	smov.u32 s4  }
0x9c: {  	[tilespmem:s5], [sflag:$0x2] =	stream.linear.gather @!p1 [hbm4b:s3+s2], $0x80, $0x38;
	[tilespmem:$0x1F6F8] =	vst v63  }
0x9d: {  	s30 =	sadd.s32 $0x1, s30;
	s2 =	smov.u32 s0;
	v1 =	vld.msk [tilespmem:s31+$0x0], $0x1  }
0x9e: {  	p2 =	seq.s32 s30, $0x0;
	_ =	sdelay $0x3  }
0x9f: {  	(v2sf) =	vpush v1, $0x0;
	_ =	sdelay $0xe  }
0xa0: {  	s0 =	spop (v2sf)  }
0xa1: {  	p1 =	seq.s32 s2, s0  }
0xa2: {  	p3 =	sgt.s32 @!p1 s2, $0x0;
	s3 =	sshll.u32 @!p1 s4, $0x9;
	s4 =	sadd.s32 @!p1 $0x1, s4  }
.Ltmp9:
0xa3: {  	p3 =	por !p3, p1;
	s3 =	sshra.s32 @!p1 s3, $0x2;
	(pc) =	sbr.rel @!p2 .LBB2_10-.Ltmp9, $4  }
0xa4: {  	s4 =	smov.u32 @p1 s9;
	s2 =	simm.s32 @p3 $0x0;
	s5 =	sadd.s32 @!p1 $0x7988, s3  }
0xa5: {  	s2 =	smin.u32 @!p1 s2, $0xAFFF0  }
0xa6: {  	s3 =	sand.u32 @!p1 $0xFFFF8, s2;
	s2 =	sand.u32 @!p1 $0x7, s2  }
0xa7: {  	s31 =	sadd.s32 $0x1, s31;
	s3 =	sadd.s32 @!p1 s1, s3  }
.LBB2_11:
0xa8: {  	[tilespmem:s5], [sflag:$0x2] =	stream.linear.gather @!p1 [hbm4b:s3+s2], $0x80, $0x38;
	[tilespmem:$0x1F6F8] =	vst v63  }
.Ltmp10:
0xa9: {  	s0 =	sshll.u32 s4, $0x7;
	(pc) =	sbr.rel .LBB2_12-.Ltmp10, $4  }
0xaa: {  	s30 =	simm.s32 $0x2;
	s0 =	sand.u32 $0x3FFFFF80, s0  }
0xab: {  	_ =	swait.ge [sflag:s30], s0  }
0xac: {  	s0 =	ssub.s32 $0x0, s0;
	[sflag:s30] =	ssyncset.done $0x0  }
0xad: {  	s31 =	simm.s32 $0x0;
	[sflag:s30] =	ssyncadd.s32 s0  }
.LBB2_13:
0xae: {  	v1 =	vld [tilespmem:s25+$0xFFFFFFC0];
	_ =	sdelay $0x3  }
0xaf: {  	s0 =	sshra.s32 s0, $0x2  }
0xb0: {  	[tilespmem:s0+$0x108] =	vst.add.f32.msk $0xffff, v1  }
0xb1: {  	v1 =	vld [tilespmem:s25+$0xFFFFFFD0];
	_ =	sdelay $0x4  }
0xb2: {  	[tilespmem:s0+$0x118] =	vst.add.f32.msk $0xffff, v1  }
0xb3: {  	v1 =	vld [tilespmem:s25+$0xFFFFFFE0];
	_ =	sdelay $0x4  }
0xb4: {  	[tilespmem:s0+$0x128] =	vst.add.f32.msk $0xffff, v1  }
0xb5: {  	v1 =	vld [tilespmem:s25+$0xFFFFFFF0];
	_ =	sdelay $0x4  }
0xb6: {  	[tilespmem:s0+$0x138] =	vst.add.f32.msk $0xffff, v1  }
0xb7: {  	v1 =	vld [tilespmem:s25+$0x0];
	_ =	sdelay $0x4  }
0xb8: {  	[tilespmem:s0+$0x148] =	vst.add.f32.msk $0xffff, v1  }
0xb9: {  	v1 =	vld [tilespmem:s25+$0x10];
	_ =	sdelay $0x4  }
0xba: {  	[tilespmem:s0+$0x158] =	vst.add.f32.msk $0xffff, v1  }
0xbb: {  	v1 =	vld [tilespmem:s25+$0x20];
	_ =	sdelay $0x4  }
0xbc: {  	[tilespmem:s0+$0x168] =	vst.add.f32.msk $0xffff, v1  }
0xbd: {  	v1 =	vld [tilespmem:s25+$0x30];
	_ =	sdelay $0x4  }
0xbe: {  	[tilespmem:s0+$0x178] =	vst.add.f32.msk $0xffff, v1  }
.LBB2_17:
0xbf: {  	s26 =	sadd.s32 $0x1, s26  }
0xc0: {  	p1 =	seq.s32 s26, $0x0  }
.Ltmp11:
0xc1: {  	_ = 	snop;
	(pc) =	sbr.rel @p1 .LBB2_18-.Ltmp11, $2  }
0xc2: {  	_ =	sdelay $0x2  }
0xc3: {  	s23 =	sadd.s32 $0x1, s23;
	s25 =	sadd.s32 $0x80, s25;
	s29 =	smov.u32 s30  }
.LBB2_12:
0xc4: {  	v1 =	vld.msk [tilespmem:s23+$0x0], $0x1;
	_ =	sdelay $0x4  }
0xc5: {  	(v2sf) =	vpush v1, $0x0;
	_ =	sdelay $0xe  }
0xc6: {  	s30 =	spop (v2sf)  }
0xc7: {  	p1 =	sne.s32 s29, s30  }
.Ltmp12:
0xc8: {  	_ = 	snop;
	(pc) =	sbr.rel @!p1 .LBB2_13-.Ltmp12, $2  }
0xc9: {  	_ =	sdelay $0x2  }
0xca: {  	s0 =	sshll.u32 s22, $0x9  }
0xcb: {  	p1 =	seq.s32 s29, s24  }
.Ltmp13:
0xcc: {  	_ = 	snop;
	(pc) =	sbr.rel @!p1 .LBB2_15-.Ltmp13, $1  }
0xcd: {  	_ =	sdelay $0x3  }
0xce: {  	s0 =	sshra.s32 s0, $0x2  }
.Ltmp14:
0xcf: {  	s0 =	sadd.s32 $0x108, s0;
	(pc) =	sbr.rel .LBB2_16-.Ltmp14, $4  }
0xd0: {  	[spmem:s16] =	stream.linear.scatter [tilespmem:s0], [sflag:$0x1], $0x80, $0x38;
	[tilespmem:$0x1F6F8] =	vst v63  }
0xd1: {  	_ =	swait.ge [sflag:s12], $0x80  }
0xd2: {  	[sflag:s12] =	ssyncset.done $0x0  }
0xd3: {  	[sflag:s12] =	ssyncadd.s32 $0xFFFFFF80  }
.LBB2_15:
0xd4: {  	s2 =	sshll.u32 s28, $0x9  }
0xd5: {  	s2 =	sshra.s32 s2, $0x2  }
0xd6: {  	v1 =	vld [tilespmem:s2+$0x7988];
	_ =	sdelay $0x3  }
0xd7: {  	s0 =	sshra.s32 s0, $0x2  }
0xd8: {  	[tilespmem:s0+$0x108] =	vst.add.f32.msk $0xffff, v1  }
0xd9: {  	v1 =	vld [tilespmem:s2+$0x7998];
	_ =	sdelay $0x4  }
0xda: {  	[tilespmem:s0+$0x118] =	vst.add.f32.msk $0xffff, v1  }
0xdb: {  	v1 =	vld [tilespmem:s2+$0x79A8];
	_ =	sdelay $0x4  }
0xdc: {  	[tilespmem:s0+$0x128] =	vst.add.f32.msk $0xffff, v1  }
0xdd: {  	v1 =	vld [tilespmem:s2+$0x79B8];
	_ =	sdelay $0x4  }
0xde: {  	[tilespmem:s0+$0x138] =	vst.add.f32.msk $0xffff, v1  }
0xdf: {  	v1 =	vld [tilespmem:s2+$0x79C8];
	_ =	sdelay $0x4  }
0xe0: {  	[tilespmem:s0+$0x148] =	vst.add.f32.msk $0xffff, v1  }
0xe1: {  	v1 =	vld [tilespmem:s2+$0x79D8];
	_ =	sdelay $0x4  }
0xe2: {  	[tilespmem:s0+$0x158] =	vst.add.f32.msk $0xffff, v1  }
0xe3: {  	v1 =	vld [tilespmem:s2+$0x79E8];
	_ =	sdelay $0x4  }
0xe4: {  	[tilespmem:s0+$0x168] =	vst.add.f32.msk $0xffff, v1  }
0xe5: {  	v1 =	vld [tilespmem:s2+$0x79F8];
	_ =	sdelay $0x2  }
0xe6: {  	p1 =	sgt.u32 s29, $0xAFFF0  }
0xe7: {  	s2 =	sand.u32 @!p1 $0xFFFF8, s29  }
0xe8: {  	s3 =	sadd.s32 $0x108, s0;
	[tilespmem:s0+$0x178] =	vst.add.f32.msk $0xffff, v1;
	s0 =	sadd.s32 @!p1 s1, s2;
	s2 =	sand.u32 @!p1 $0x7, s29  }
0xe9: {  	[hbm4b:s0+s2] =	stream.linear.scatter @!p1 [tilespmem:s3], [sflag:$0xC], $0x80, $0x38;
	[tilespmem:$0x1F6F8] =	vst v63  }
0xea: {  	s0 =	simm.s32 $0x0  }
0xeb: {  	s0 =	simm.s32 @!p1 $0x200  }
0xec: {  	s31 =	sadd.s32 s0, s31  }
.LBB2_16:
0xed: {  	s0 =	sadd.s32 $0x1, s22  }
0xee: {  	s2 =	smulhi.u32 $0x88888889, s0;
	_ =	sdelay $0x1  }
0xef: {  	v1 =	vld [tilespmem:s25+$0xFFFFFFC0];
	s2 =	sshrl.u32 s2, $0x7  }
0xf0: {  	s2 =	smul.u32 $0xF0, s2;
	_ =	sdelay $0x1  }
0xf1: {  	s22 =	ssub.s32 s0, s2  }
0xf2: {  	s0 =	sshll.u32 s22, $0x7  }
0xf3: {  	[tilespmem:s0+$0x108] =	vst v1  }
0xf4: {  	v1 =	vld [tilespmem:s25+$0xFFFFFFD0];
	_ =	sdelay $0x4  }
0xf5: {  	[tilespmem:s0+$0x118] =	vst v1  }
0xf6: {  	v1 =	vld [tilespmem:s25+$0xFFFFFFE0];
	_ =	sdelay $0x4  }
0xf7: {  	[tilespmem:s0+$0x128] =	vst v1  }
0xf8: {  	v1 =	vld [tilespmem:s25+$0xFFFFFFF0];
	_ =	sdelay $0x4  }
0xf9: {  	[tilespmem:s0+$0x138] =	vst v1  }
0xfa: {  	v1 =	vld [tilespmem:s25+$0x0];
	_ =	sdelay $0x4  }
0xfb: {  	[tilespmem:s0+$0x148] =	vst v1  }
0xfc: {  	v1 =	vld [tilespmem:s25+$0x10];
	_ =	sdelay $0x4  }
0xfd: {  	[tilespmem:s0+$0x158] =	vst v1  }
0xfe: {  	v1 =	vld [tilespmem:s25+$0x20];
	_ =	sdelay $0x4  }
0xff: {  	[tilespmem:s0+$0x168] =	vst v1  }
0x100: {  	v1 =	vld [tilespmem:s25+$0x30]  }
.Ltmp15:
0x101: {  	_ = 	snop;
	(pc) =	sbr.rel .LBB2_17-.Ltmp15, $2  }
0x102: {  	_ =	sdelay $0x2  }
0x103: {  	s28 =	sadd.s32 $0x1, s28;
	[tilespmem:s0+$0x178] =	vst v1  }
.LBB2_19:
.Ltmp16:
0x104: {  	(pc) =	sbr.rel .LBB2_20-.Ltmp16, $4  }
0x105: {  	_ = 	snop  }
0x106: {  	s0 =	simm.s32 $0x2  }
0x107: {  	_ =	swait.ge [sflag:s0], $0x0  }
0x108: {  	s30 =	smov.u32 s29;
	[sflag:s0] =	ssyncset.done $0x0;
	s0 =	simm.s32 $0x0  }
.LBB2_22:
0x109: {  	_ =	sfence.sel $0x180000  }
0x10a: {  	s0 =	simm.s32 $0x9;
	[bflag:$0x0] =	sbarrier.arrive $0xFFFF  }
0x10b: {  	s24 =	simm.s32 $0xA;
	[sflag:s0] =	ssyncpa.u1 $0x1  }
0x10c: {  	s25 =	simm.s32 $0xB;
	[sflag:s24] =	ssyncpa.u1 $0x1  }
0x10d: {  	s26 =	simm.s32 $0x2;
	[sflag:s25] =	ssyncpa.u1 $0x1  }
0x10e: {  	[sflag:s26] =	ssyncpa.u1 $0x1  }
0x10f: {  	v0 =	vld [tilespmem:$0xF208];
	_ =	sdelay $0x4  }
0x110: {  	(v2sf) =	vpush v0, $0x0  }
0x111: {  	(v2sf) =	vpush v0, $0x1;
	_ =	sdelay $0x1  }
0x112: {  	(v2sf) =	vpush v0, $0x2;
	_ =	sdelay $0xb  }
0x113: {  	s0 =	spop (v2sf)  }
0x114: {  	s2 =	spop (v2sf)  }
0x115: {  	s3 =	smov.u32 s0;
	p0 =	sne.s32 s0, s2  }
0x116: {  	s4 =	spop (v2sf);
	s3 =	simm.s32 @!p0 $0xFFFFFFFF  }
0x117: {  	v2 =	vimm.s32 $0x1;
	v3 =	vlaneseq.u32;
	p0 =	seq.s32 s4, $0xFFFFFFFF;
	v1 =	vmov s3  }
0x118: {  	s16 =	stileid.u32;
	v0 =	vperm.xlane v0, v2;
	p1 =	sne.s32 @!p0 s0, s2;
	v1 =	vperm.xlane v1, v3  }
0x119: {  	vm0 =	vcmask $0x3F04;
	s6 =	simm.s32 $0xF208;
	s0 =	simm.s32 @!p0 $0x1;
	p1 =	por !p1, p0  }
0x11a: {  	s3 =	sshll.u32 s16, $0x1;
	s2 =	sshll.u32 @!p0 s4, $0x9;
	s0 =	simm.s32 @p1 $0x0;
	v0 =	vsel vm0, v1, v0  }
0x11b: {  	s5 =	sor.u32 $0x1000, s3;
	s2 =	sshra.s32 @!p0 s2, $0x2;
	s0 =	sor.u32 @!p0 s0, s3;
	[tilespmem:$0xF208] =	vst v0  }
0x11c: {  	[spmem:s5] =	stream.linear.scatter [tilespmem:s6], [sflag:$0x1], $0x2, $0x38;
	[tilespmem:$0x1F6F8] =	vst v63  }
0x11d: {  	s2 =	sadd.s32 @!p0 $0x108, s2;
	s0 =	sshll.u32 @!p0 s0, $0x7  }
0x11e: {  	[spmem:s0] =	stream.linear.scatter @!p0 [tilespmem:s2], [sflag:$0x1], $0x80, $0x38;
	[tilespmem:$0x1F6F8] =	vst v63  }
0x11f: {  	s0 =	simm.s32 @!p0 $0x82  }
0x120: {  	s28 =	simm.s32 $0x1;
	s0 =	simm.s32 @p0 $0x2  }
0x121: {  	_ =	swait.ge [sflag:s28], s0  }
0x122: {  	s0 =	ssub.s32 $0x0, s0;
	[sflag:s28] =	ssyncset.done $0x0  }
0x123: {  	p0 =	sne.s32 s16, $0x0;
	[sflag:s28] =	ssyncadd.s32 s0  }
.Ltmp17:
0x124: {  	_ =	sfence.stream.spmem;
	(pc) =	sbr.rel @p0 .LBB2_39-.Ltmp17, $4  }
0x125: {  	s29 =	simm.s32 $0x3;
	[bflag:$0x0] =	sbarrier.arrive $0xFFFF  }
0x126: {  	s30 =	simm.s32 $0x4;
	[sflag:s29] =	ssyncpa.u1 $0x1  }
0x127: {  	s31 =	simm.s32 $0x3C;
	[sflag:s30] =	ssyncpa.u1 $0x1  }
0x128: {  	s15 =	rddreg [dreg:$0x4];
	[sflag:s31] =	ssyncpa.u1 $0x1  }
0x129: {  	_ =	sfence.stream.spmem;
	s0 =	simm.s32 $0x5  }
0x12a: {  	s2 =	simm.s32 $0x1000;
	s3 =	simm.s32 $0xF218;
	[sflag:s0] =	ssyncpa.u1 $0x0  }
0x12b: {  	[tilespmem:s3], [sflag:$0x5] =	stream.linear.gather [spmem:s2], $0x20, $0x38;
	[tilespmem:$0x1F6F8] =	vst v63  }
0x12c: {  	s26 =	simm.s32 $0x0;
	s28 =	simm.s32 $0xF238  }
0x12d: {  	[tilespmem:s28], [sflag:$0x5] =	stream.linear.gather [spmem:s26], $0x1000, $0x38;
	[tilespmem:$0x1F6F8] =	vst v63  }
0x12e: {  	_ =	swait.ge [sflag:s0], $0x1020  }
0x12f: {  	[sflag:s0] =	ssyncset.done $0x0  }
0x130: {  	s29 =	simm.s32 $0x0;
	[sflag:s0] =	ssyncadd.s32 $0xFFFFEFE0  }
0x131: {  	v0 =	vld.msk [tilespmem:s29+$0xF218], $0x1;
	_ =	sdelay $0x1  }
0x132: {  	s30 =	simm.s32 $0x1  }
0x133: {  	v1 =	vld.msk [tilespmem:s30+$0xF218], $0x1;
	_ =	sdelay $0x1  }
0x134: {  	(v2sf) =	vpush v0, $0x0;
	_ =	sdelay $0x2  }
0x135: {  	(v2sf) =	vpush v1, $0x0;
	_ =	sdelay $0x2  }
0x136: {  	s31 =	simm.s32 $0x2  }
0x137: {  	v0 =	vld.msk [tilespmem:s31+$0xF218], $0x1;
	_ =	sdelay $0x2  }
0x138: {  	s4 =	simm.s32 $0xFFFFFFFF;
	s5 =	simm.s32 $0xFFFFFFFF;
	s0 =	simm.s32 $0xC  }
.LBB2_24:
0x139: {  	s2 =	smov.u32 s5;
	s3 =	smov.u32 s4  }
0x13a: {  	s4 =	sshra.s32 s0, $0x2;
	p1 =	sne.s32 s0, $0x7C;
	s0 =	sadd.s32 $0x4, s0;
	(v2sf) =	vpush v0, $0x0  }
0x13b: {  	v0 =	vld.msk [tilespmem:s4+$0xF218], $0x1  }
.Ltmp18:
0x13c: {  	(pc) =	sbr.rel @p1 .LBB2_24-.Ltmp18, $4  }
0x13d: {  	s5 =	spop (v2sf)  }
0x13e: {  	p2 =	sne.s32 s3, $0xFFFFFFFF;
	s4 =	smov.u32 s5  }
0x13f: {  	p3 =	seq.s32 s5, $0xFFFFFFFF;
	s4 =	smov.u32 @p2 s3  }
0x140: {  	s5 =	smov.u32 @p3 s2;
	s4 =	smov.u32 @p3 s3  }
0x141: {  	(v2sf) =	vpush v0, $0x0;
	_ =	sdelay $0x8  }
0x142: {  	s0 =	spop (v2sf)  }
0x143: {  	p1 =	sne.s32 s4, $0xFFFFFFFF;
	s2 =	smov.u32 s0  }
0x144: {  	s9 =	simm.s32 $0x6;
	p2 =	seq.s32 s0, $0xFFFFFFFF;
	s2 =	smov.u32 @p1 s4  }
0x145: {  	s6 =	simm.s32 $0x0;
	s2 =	smov.u32 @p2 s4;
	s3 =	spop (v2sf)  }
0x146: {  	s0 =	smov.u32 @p2 s5;
	p1 =	sne.s32 s2, $0xFFFFFFFF;
	s4 =	smov.u32 s3  }
.Ltmp19:
0x147: {  	p2 =	seq.s32 s3, $0xFFFFFFFF;
	s4 =	smov.u32 @p1 s2;
	(pc) =	sbr.rel .LBB2_26-.Ltmp19, $4  }
0x148: {  	s10 =	simm.s32 $0xF188;
	s4 =	smov.u32 @p2 s2;
	s7 =	spop (v2sf)  }
0x149: {  	s11 =	simm.s32 $0x0;
	p1 =	sne.s32 s4, $0xFFFFFFFF;
	s8 =	smov.u32 s7  }
0x14a: {  	s3 =	smov.u32 @p2 s0;
	p2 =	seq.s32 s7, $0xFFFFFFFF;
	s8 =	smov.u32 @p1 s4  }
0x14b: {  	[sflag:s9] =	ssyncpa.u1 $0x0;
	s7 =	smov.u32 @p2 s3;
	s8 =	smov.u32 @p2 s4  }
.LBB2_32:
0x14c: {  	p1 =	sgt.u32 s12, $0xAFFF0  }
0x14d: {  	p2 =	seq.s32 @!p1 s12, s8  }
0x14e: {  	p1 =	por p1, p2  }
0x14f: {  	p2 =	sne.s32 @!p1 s12, s7  }
0x150: {  	p1 =	por p1, !p2  }
0x151: {  	s0 =	sshll.u32 @p1 s11, $0x9  }
0x152: {  	s0 =	sand.u32 @!p1 $0xFFFF8, s12  }
0x153: {  	s2 =	sand.u32 @!p1 $0x7, s12;
	s0 =	sadd.s32 @!p1 s1, s0  }
0x154: {  	[tilespmem:s10], [sflag:$0x6] =	stream.linear.gather @!p1 [hbm4b:s0+s2], $0x80, $0x38;
	[tilespmem:$0x1F6F8] =	vst v63  }
0x155: {  	_ =	swait.ge @!p1 [sflag:s9], $0x80  }
0x156: {  	[sflag:s9] =	ssyncset.done @!p1 $0x0  }
0x157: {  	[sflag:s9] =	ssyncadd.s32 @!p1 $0xFFFFFF80  }
0x158: {  	v1 =	vld @!p1 [tilespmem:$0xF188];
	_ =	sdelay $0x2  }
0x159: {  	s0 =	sshll.u32 @!p1 s11, $0x9  }
0x15a: {  	s2 =	sshrl.u32 @!p1 s0, $0x2  }
0x15b: {  	[tilespmem:s2+$0xF238] =	vst.add.f32.msk @!p1 $0xffff, v1  }
0x15c: {  	v1 =	vld @!p1 [tilespmem:$0xF198];
	_ =	sdelay $0x4  }
0x15d: {  	[tilespmem:s2+$0xF248] =	vst.add.f32.msk @!p1 $0xffff, v1  }
0x15e: {  	v1 =	vld @!p1 [tilespmem:$0xF1A8];
	_ =	sdelay $0x4  }
0x15f: {  	[tilespmem:s2+$0xF258] =	vst.add.f32.msk @!p1 $0xffff, v1  }
0x160: {  	v1 =	vld @!p1 [tilespmem:$0xF1B8];
	_ =	sdelay $0x4  }
0x161: {  	[tilespmem:s2+$0xF268] =	vst.add.f32.msk @!p1 $0xffff, v1  }
0x162: {  	v1 =	vld @!p1 [tilespmem:$0xF1C8];
	_ =	sdelay $0x4  }
0x163: {  	[tilespmem:s2+$0xF278] =	vst.add.f32.msk @!p1 $0xffff, v1  }
0x164: {  	v1 =	vld @!p1 [tilespmem:$0xF1D8];
	_ =	sdelay $0x4  }
0x165: {  	[tilespmem:s2+$0xF288] =	vst.add.f32.msk @!p1 $0xffff, v1  }
0x166: {  	v1 =	vld @!p1 [tilespmem:$0xF1E8];
	_ =	sdelay $0x4  }
0x167: {  	[tilespmem:s2+$0xF298] =	vst.add.f32.msk @!p1 $0xffff, v1  }
0x168: {  	v1 =	vld @!p1 [tilespmem:$0xF1F8];
	_ =	sdelay $0x4  }
0x169: {  	[tilespmem:s2+$0xF2A8] =	vst.add.f32.msk @!p1 $0xffff, v1  }
0x16a: {  	s0 =	sshrl.u32 s0, $0x2;
	[tilespmem:s6+$0xF218] =	vst.msk $0x1, v0  }
0x16b: {  	v0 =	vld [tilespmem:s0+$0xF238];
	_ =	sdelay $0x2  }
0x16c: {  	s31 =	sshll.u32 s6, $0x9  }
0x16d: {  	s2 =	sshra.s32 s31, $0x2  }
0x16e: {  	[tilespmem:s2+$0xF238] =	vst v0  }
0x16f: {  	v0 =	vld [tilespmem:s0+$0xF248];
	_ =	sdelay $0x4  }
0x170: {  	[tilespmem:s2+$0xF248] =	vst v0  }
0x171: {  	v0 =	vld [tilespmem:s0+$0xF258];
	_ =	sdelay $0x4  }
0x172: {  	[tilespmem:s2+$0xF258] =	vst v0  }
0x173: {  	v0 =	vld [tilespmem:s0+$0xF268];
	_ =	sdelay $0x4  }
0x174: {  	[tilespmem:s2+$0xF268] =	vst v0  }
0x175: {  	v0 =	vld [tilespmem:s0+$0xF278];
	_ =	sdelay $0x4  }
0x176: {  	[tilespmem:s2+$0xF278] =	vst v0  }
0x177: {  	v0 =	vld [tilespmem:s0+$0xF288];
	_ =	sdelay $0x4  }
0x178: {  	[tilespmem:s2+$0xF288] =	vst v0  }
0x179: {  	v0 =	vld [tilespmem:s0+$0xF298];
	_ =	sdelay $0x4  }
0x17a: {  	[tilespmem:s2+$0xF298] =	vst v0  }
0x17b: {  	v0 =	vld [tilespmem:s0+$0xF2A8];
	_ =	sdelay $0x4  }
0x17c: {  	s6 =	sadd.s32 $0x1, s6;
	[tilespmem:s2+$0xF2A8] =	vst v0  }
.LBB2_33:
0x17d: {  	s11 =	sadd.s32 $0x1, s11  }
0x17e: {  	p1 =	sne.s32 s11, $0x20  }
.Ltmp20:
0x17f: {  	_ = 	snop;
	(pc) =	sbr.rel @!p1 .LBB2_34-.Ltmp20, $1  }
0x180: {  	_ =	sdelay $0x3  }
.LBB2_26:
0x181: {  	v0 =	vld.msk [tilespmem:s11+$0xF218], $0x1;
	_ =	sdelay $0x4  }
0x182: {  	(v2sf) =	vpush v0, $0x0;
	_ =	sdelay $0xe  }
0x183: {  	s12 =	spop (v2sf)  }
0x184: {  	p1 =	seq.s32 s12, $0xFFFFFFFF  }
.Ltmp21:
0x185: {  	_ = 	snop;
	(pc) =	sbr.rel @p1 .LBB2_33-.Ltmp21, $1  }
0x186: {  	_ =	sdelay $0x3  }
0x187: {  	p1 =	slt.s32 s6, $0x1  }
.Ltmp22:
0x188: {  	_ = 	snop;
	(pc) =	sbr.rel @p1 .LBB2_32-.Ltmp22, $1  }
0x189: {  	_ =	sdelay $0x3  }
0x18a: {  	s13 =	simm.s32 $0xF218;
	p1 =	por $0x0, $0x0  }
0x18b: {  	v1 =	vld.msk @!p1 [tilespmem:s13+$0x0], $0x1;
	_ =	sdelay $0x4  }
0x18c: {  	(v2sf) =	vpush @!p1 v1, $0x0;
	_ =	sdelay $0xd  }
0x18d: {  	p3 =	sne.s32 s6, $0x1  }
.Ltmp23:
0x18e: {  	s0 =	spop @!p1 (v2sf);
	(pc) =	sbr.rel @!p3 .LBB2_30-.Ltmp23, $4  }
0x18f: {  	p2 =	seq.s32 @!p1 s12, s0  }
0x190: {  	s14 =	simm.s32 $0x0;
	p2 =	por !p2, p1  }
0x191: {  	s2 =	simm.s32 $0xFFFFFFFF;
	s14 =	simm.s32 @p2 $0xFFFFFFFF  }
0x192: {  	s0 =	simm.s32 $0x1;
	s14 =	smov.u32 @p1 s2  }
.LBB2_29:
0x193: {  	s2 =	smov.u32 s14;
	p1 =	sne.s32 s14, $0xFFFFFFFF  }
0x194: {  	s13 =	sadd.s32 $0x1, s13;
	s14 =	smov.u32 s0;
	s0 =	sadd.s32 $0x1, s0  }
0x195: {  	p2 =	sne.s32 s6, s0;
	v1 =	vld.msk @!p1 [tilespmem:s13+$0x0], $0x1;
	_ =	sdelay $0x4  }
0x196: {  	(v2sf) =	vpush @!p1 v1, $0x0;
	_ =	sdelay $0xe  }
.Ltmp24:
0x197: {  	s3 =	spop @!p1 (v2sf);
	(pc) =	sbr.rel @p2 .LBB2_29-.Ltmp24, $4  }
0x198: {  	p3 =	seq.s32 @!p1 s12, s3  }
0x199: {  	p3 =	por !p3, p1  }
0x19a: {  	s14 =	simm.s32 @p3 $0xFFFFFFFF  }
0x19b: {  	s14 =	smov.u32 @p1 s2  }
.LBB2_30:
0x19c: {  	p1 =	seq.s32 s14, $0xFFFFFFFF  }
.Ltmp25:
0x19d: {  	_ = 	snop;
	(pc) =	sbr.rel @p1 .LBB2_32-.Ltmp25, $1  }
0x19e: {  	_ =	sdelay $0x3  }
0x19f: {  	s0 =	sshll.u32 s11, $0x7  }
0x1a0: {  	s0 =	sand.u32 $0x3FFFFF80, s0  }
0x1a1: {  	v0 =	vld [tilespmem:s0+$0xF238];
	_ =	sdelay $0x2  }
0x1a2: {  	s2 =	sshll.u32 s14, $0x9  }
0x1a3: {  	s2 =	sshra.s32 s2, $0x2  }
0x1a4: {  	[tilespmem:s2+$0xF238] =	vst.add.f32.msk $0xffff, v0  }
0x1a5: {  	v0 =	vld [tilespmem:s0+$0xF248];
	_ =	sdelay $0x4  }
0x1a6: {  	[tilespmem:s2+$0xF248] =	vst.add.f32.msk $0xffff, v0  }
0x1a7: {  	v0 =	vld [tilespmem:s0+$0xF258];
	_ =	sdelay $0x4  }
0x1a8: {  	[tilespmem:s2+$0xF258] =	vst.add.f32.msk $0xffff, v0  }
0x1a9: {  	v0 =	vld [tilespmem:s0+$0xF268];
	_ =	sdelay $0x4  }
0x1aa: {  	[tilespmem:s2+$0xF268] =	vst.add.f32.msk $0xffff, v0  }
0x1ab: {  	v0 =	vld [tilespmem:s0+$0xF278];
	_ =	sdelay $0x4  }
0x1ac: {  	[tilespmem:s2+$0xF278] =	vst.add.f32.msk $0xffff, v0  }
0x1ad: {  	v0 =	vld [tilespmem:s0+$0xF288];
	_ =	sdelay $0x4  }
0x1ae: {  	[tilespmem:s2+$0xF288] =	vst.add.f32.msk $0xffff, v0  }
0x1af: {  	v0 =	vld [tilespmem:s0+$0xF298];
	_ =	sdelay $0x4  }
0x1b0: {  	[tilespmem:s2+$0xF298] =	vst.add.f32.msk $0xffff, v0  }
0x1b1: {  	v0 =	vld [tilespmem:s0+$0xF2A8]  }
.Ltmp26:
0x1b2: {  	_ = 	snop;
	(pc) =	sbr.rel .LBB2_33-.Ltmp26, $2  }
0x1b3: {  	_ =	sdelay $0x2  }
0x1b4: {  	[tilespmem:s2+$0xF2A8] =	vst.add.f32.msk $0xffff, v0  }
.LBB2_34:
0x1b5: {  	s0 =	simm.s32 $0x6;
	p1 =	seq.s32 s6, $0x0  }
0x1b6: {  	[sflag:s0] =	ssyncpa.u1 $0x1;
	v0 =	vimm.s32 @p1 $0xFFFFFFFF  }
0x1b7: {  	s9 =	sadd.s32 $0xFFFFFFFF, s6;
	[tilespmem:$0x10238] =	vst @p1 v0  }
0x1b8: {  	v0 =	vld.msk @!p1 [tilespmem:s9+$0xF218], $0x1;
	_ =	sdelay $0x1  }
0x1b9: {  	v1 =	vld.msk @!p1 [tilespmem:$0xF218], $0x1;
	_ =	sdelay $0x2  }
0x1ba: {  	p2 =	seq.s32 @!p1 s9, $0x0;
	v0 =	vbroadcast @!p1 v0, $0x0  }
0x1bb: {  	vm0 =	vmmov @!p1 $0x1;
	p2 =	por !p2, p1  }
0x1bc: {  	v1 =	vnsel @!p1 vm0, $0xFFFFFFFF, v1;
	vm0 =	vcmask @!p1 $0x308;
	v0 =	vpsel !p2, $0xFFFFFFFF, v0  }
0x1bd: {  	p2 =	sne.s32 @!p1 s8, s7;
	v0 =	vsel @!p1 vm0, v1, v0  }
0x1be: {  	s0 =	simm.s32 @!p1 $0xF238;
	s2 =	simm.s32 @!p1 $0x0;
	p3 =	por !p2, p1;
	[tilespmem:$0x10238] =	vst @!p1 v0  }
0x1bf: {  	[spmem:s2] =	stream.linear.scatter @!p1 [tilespmem:s0], [sflag:$0x1], $0x80, $0x38;
	[tilespmem:$0x1F6F8] =	vst v63  }
0x1c0: {  	s0 =	sshll.u32 @!p3 s9, $0x9  }
0x1c1: {  	s0 =	sshra.s32 @!p3 s0, $0x2  }
0x1c2: {  	s2 =	simm.s32 @!p3 $0x80;
	s0 =	sadd.s32 @!p3 $0xF238, s0  }
0x1c3: {  	[spmem:s2] =	stream.linear.scatter @!p3 [tilespmem:s0], [sflag:$0x1], $0x80, $0x38;
	[tilespmem:$0x1F6F8] =	vst v63  }
0x1c4: {  	s0 =	simm.s32 @!p3 $0x1  }
0x1c5: {  	_ =	swait.ge @!p3 [sflag:s0], $0x100  }
0x1c6: {  	p1 =	por p2, p1;
	[sflag:s0] =	ssyncset.done @!p3 $0x0  }
0x1c7: {  	[sflag:s0] =	ssyncadd.s32 @!p3 $0xFFFFFF00;
	s0 =	simm.s32 @!p1 $0x1  }
0x1c8: {  	_ =	swait.ge @!p1 [sflag:s0], $0x80  }
0x1c9: {  	s29 =	simm.s32 $0x10238;
	[sflag:s0] =	ssyncset.done @!p1 $0x0  }
0x1ca: {  	s30 =	simm.s32 $0x1000;
	s31 =	simm.s32 $0x1;
	[sflag:s0] =	ssyncadd.s32 @!p1 $0xFFFFFF80  }
0x1cb: {  	[spmem:s30] =	stream.linear.scatter [tilespmem:s29], [sflag:$0x1], $0x10, $0x38;
	[tilespmem:$0x1F6F8] =	vst v63  }
0x1cc: {  	_ =	swait.ge [sflag:s31], $0x10  }
0x1cd: {  	[sflag:s31] =	ssyncset.done $0x0  }
0x1ce: {  	p1 =	seq.s32 s15, $0x0;
	s8 =	rddreg [dreg:$0x1];
	[sflag:s31] =	ssyncadd.s32 $0xFFFFFFF0  }
0x1cf: {  	s2 =	sshll.u32 @p1 s8, $0xE;
	s7 =	rddreg [dreg:$0x2]  }
0x1d0: {  	s0 =	sadd.s32 @p1 $0x15C3C, s2;
	s2 =	sshll.u32 @p1 s7, $0x11  }
0x1d1: {  	_ =	sfence.stream.spmem;
	s0 =	sor.u32 @p1 s2, s0  }
0x1d2: {  	[sflag:s0] =	ssyncadd.remote.s32 @p1 $0x1;
	s0 =	simm.s32 @p1 $0x4  }
0x1d3: {  	s3 =	simm.s32 @!p1 $0x3C;
	s2 =	sand.u32 $0xFFFFFFFE, s8;
	_ =	swait.ge @p1 [sflag:s0], $0x22  }
0x1d4: {  	s4 =	simm.s32 @!p1 $0x0;
	s2 =	sadd.s32 @!p1 $0x4, s2;
	[sflag:s0] =	ssyncset.done @p1 $0x0  }
0x1d5: {  	s5 =	simm.s32 @!p1 $0x100;
	[sflag:s0] =	ssyncadd.s32 @p1 $0xFFFFFFDE;
	s0 =	sshll.u32 @!p1 s2, $0x1A  }
0x1d6: {  	s2 =	sshll.u32 @!p1 s2, $0xD;
	s0 =	sor.u32 @!p1 s0, s7;
	_ =	swait.eq @!p1 [sflag:s3], $0x1  }
0x1d7: {  	s2 =	sor.u32 @!p1 $0x1C04, s2;
	s3 =	simm.s32 @!p1 $0x1C03;
	s0 =	sor.u32 @!p1 $0x80004000, s0  }
0x1d8: {  	[spmem:s5], [sflag:s2] =	dma.general @!p1 [spmem:s4], [sflag:s3], length:$0x20, [dreg:$0x0], stride_count:$0x0, ici_dest:s0, dma_misc:DstOpCode:WRITE  }
0x1d9: {  	p2 =	slt.s32 s9, $0x2;
	s4 =	simm.s32 @!p1 $0x200;
	s5 =	simm.s32 @!p1 $0x202  }
0x1da: {  	[spmem:s5], [sflag:s2] =	dma.general @!p1 [spmem:s4], [sflag:s3], length:$0x2, [dreg:$0x0], stride_count:$0x0, ici_dest:s0, dma_misc:DstOpCode:WRITE  }
.Ltmp27:
0x1db: {  	s0 =	simm.s32 @!p1 $0x3;
	(pc) =	sbr.rel @p2 .LBB2_38-.Ltmp27, $4  }
0x1dc: {  	s2 =	sshll.u32 @!p1 s8, $0xE;
	_ =	swait.ge @!p1 [sflag:s0], $0x22  }
0x1dd: {  	s3 =	sshll.u32 @!p1 s7, $0x11;
	s2 =	sadd.s32 @!p1 $0x11C3C, s2;
	[sflag:s0] =	ssyncset.done @!p1 $0x0  }
0x1de: {  	[sflag:s0] =	ssyncadd.s32 @!p1 $0xFFFFFFDE;
	s0 =	sor.u32 @!p1 s3, s2  }
0x1df: {  	[sflag:s0] =	ssyncadd.remote.s32 @!p1 $0xFFFFFFFF;
	s0 =	simm.s32 $0x0  }
0x1e0: {  	s0 =	simm.s32 $0xF219  }
0x1e1: {  	v0 =	vld.msk [tilespmem:s0+$0x0], $0x1;
	_ =	sdelay $0x4  }
0x1e2: {  	(v2sf) =	vpush v0, $0x0;
	_ =	sdelay $0xb  }
0x1e3: {  	s31 =	sadd.s32 $0xFFFFFFFE, s6  }
0x1e4: {  	s0 =	sadd.s32 $0xFFFFFFFF, s31  }
0x1e5: {  	p2 =	sne.s32 s0, $0x0  }
.Ltmp28:
0x1e6: {  	s2 =	spop (v2sf);
	(pc) =	sbr.rel @!p2 .LBB2_37-.Ltmp28, $4  }
0x1e7: {  	s4 =	simm.s32 $0xF2B8;
	s7 =	simm.s32 $0x0;
	p1 =	sgt.u32 s2, $0xAFFF0  }
0x1e8: {  	s5 =	simm.s32 $0x0;
	s6 =	simm.s32 $0xF21A;
	s3 =	sand.u32 @!p1 $0xFFFF8, s2  }
0x1e9: {  	s2 =	sand.u32 @!p1 $0x7, s2;
	s7 =	simm.s32 @!p1 $0x200;
	s3 =	sadd.s32 @!p1 s1, s3  }
0x1ea: {  	[hbm4b:s3+s2] =	stream.linear.scatter @!p1 [tilespmem:s4], [sflag:$0x5], $0x80, $0x38;
	[tilespmem:$0x1F6F8] =	vst v63  }
.LBB2_36:
0x1eb: {  	v0 =	vld.msk [tilespmem:s6+$0x0], $0x1;
	s0 =	sadd.s32 $0xFFFFFFFF, s0;
	s5 =	sadd.s32 s5, s7  }
0x1ec: {  	p1 =	sne.s32 s0, $0x0;
	_ =	sdelay $0x3  }
0x1ed: {  	(v2sf) =	vpush v0, $0x0;
	_ =	sdelay $0xe  }
.Ltmp29:
0x1ee: {  	s2 =	spop (v2sf);
	(pc) =	sbr.rel @p1 .LBB2_36-.Ltmp29, $4  }
0x1ef: {  	s7 =	simm.s32 $0x0;
	p2 =	sgt.u32 s2, $0xAFFF0  }
0x1f0: {  	s4 =	sadd.s32 $0x80, s4;
	s7 =	simm.s32 @!p2 $0x200;
	s3 =	sand.u32 @!p2 $0xFFFF8, s2  }
0x1f1: {  	s6 =	sadd.s32 $0x1, s6;
	s2 =	sand.u32 @!p2 $0x7, s2;
	s3 =	sadd.s32 @!p2 s1, s3  }
0x1f2: {  	[hbm4b:s3+s2] =	stream.linear.scatter @!p2 [tilespmem:s4], [sflag:$0x5], $0x80, $0x38;
	[tilespmem:$0x1F6F8] =	vst v63  }
.LBB2_37:
0x1f3: {  	s0 =	sadd.s32 s5, s7  }
0x1f4: {  	s0 =	sshrl.u32 s0, $0x2  }
.LBB2_38:
0x1f5: {  	s2 =	simm.s32 $0x5  }
0x1f6: {  	_ =	swait.ge [sflag:s2], s0  }
0x1f7: {  	s31 =	ssub.s32 $0x0, s0;
	[sflag:s2] =	ssyncset.done $0x0  }
0x1f8: {  	[sflag:s2] =	ssyncadd.s32 s31  }
0x1f9: {  	[sflag:s2] =	ssyncpa.u1 $0x1  }
.LBB2_39:
0x1fa: {  	s0 =	sor.u32 s15, s16  }
0x1fb: {  	p1 =	sne.s32 s0, $0x0  }
.Ltmp30:
0x1fc: {  	_ = 	snop;
	(pc) =	sbr.rel @p1 .LBB2_54-.Ltmp30, $3  }
0x1fd: {  	_ =	sdelay $0x1  }
0x1fe: {  	[bflag:$0x0] =	sbarrier.arrive $0xFFFF  }
0x1ff: {  	_ =	sfence  }
0x200: {  	s0 =	simm.s32 $0x7  }
0x201: {  	s2 =	simm.s32 $0x1000;
	s3 =	simm.s32 $0xF218;
	[sflag:s0] =	ssyncpa.u1 $0x0  }
0x202: {  	[tilespmem:s3], [sflag:$0x7] =	stream.linear.gather [spmem:s2], $0x20, $0x38;
	[tilespmem:$0x1F6F8] =	vst v63  }
0x203: {  	s30 =	simm.s32 $0xF238;
	s2 =	simm.s32 $0x0  }
0x204: {  	[tilespmem:s30], [sflag:$0x7] =	stream.linear.gather [spmem:s2], $0x1000, $0x38;
	[tilespmem:$0x1F6F8] =	vst v63  }
.Ltmp31:
0x205: {  	_ = 	snop;
	(pc) =	sbr.rel .LBB2_41-.Ltmp31, $4  }
0x206: {  	_ =	swait.ge [sflag:s0], $0x1020  }
0x207: {  	[sflag:s0] =	ssyncset.done $0x0  }
0x208: {  	s31 =	simm.s32 $0x8;
	[sflag:s0] =	ssyncadd.s32 $0xFFFFEFE0  }
0x209: {  	s3 =	simm.s32 $0x0;
	[sflag:s31] =	ssyncpa.u1 $0x0  }
.LBB2_47:
0x20a: {  	p1 =	slt.u32 s4, $0xAFFF1  }
0x20b: {  	s0 =	sand.u32 @p1 $0xFFFF8, s4  }
0x20c: {  	s4 =	sand.u32 @p1 $0x7, s4;
	s5 =	simm.s32 @p1 $0xF188;
	s0 =	sadd.s32 @p1 s1, s0  }
0x20d: {  	[tilespmem:s5], [sflag:$0x8] =	stream.linear.gather @p1 [hbm4b:s0+s4], $0x80, $0x38;
	[tilespmem:$0x1F6F8] =	vst v63  }
0x20e: {  	s0 =	simm.s32 @p1 $0x8  }
0x20f: {  	_ =	swait.ge @p1 [sflag:s0], $0x80  }
0x210: {  	[sflag:s0] =	ssyncset.done @p1 $0x0  }
0x211: {  	[sflag:s0] =	ssyncadd.s32 @p1 $0xFFFFFF80  }
0x212: {  	v1 =	vld @p1 [tilespmem:$0xF188];
	_ =	sdelay $0x2  }
0x213: {  	s0 =	sshll.u32 @p1 s3, $0x9  }
0x214: {  	s4 =	sshrl.u32 @p1 s0, $0x2  }
0x215: {  	[tilespmem:s4+$0xF238] =	vst.add.f32.msk @p1 $0xffff, v1  }
0x216: {  	v1 =	vld @p1 [tilespmem:$0xF198];
	_ =	sdelay $0x4  }
0x217: {  	[tilespmem:s4+$0xF248] =	vst.add.f32.msk @p1 $0xffff, v1  }
0x218: {  	v1 =	vld @p1 [tilespmem:$0xF1A8];
	_ =	sdelay $0x4  }
0x219: {  	[tilespmem:s4+$0xF258] =	vst.add.f32.msk @p1 $0xffff, v1  }
0x21a: {  	v1 =	vld @p1 [tilespmem:$0xF1B8];
	_ =	sdelay $0x4  }
0x21b: {  	[tilespmem:s4+$0xF268] =	vst.add.f32.msk @p1 $0xffff, v1  }
0x21c: {  	v1 =	vld @p1 [tilespmem:$0xF1C8];
	_ =	sdelay $0x4  }
0x21d: {  	[tilespmem:s4+$0xF278] =	vst.add.f32.msk @p1 $0xffff, v1  }
0x21e: {  	v1 =	vld @p1 [tilespmem:$0xF1D8];
	_ =	sdelay $0x4  }
0x21f: {  	[tilespmem:s4+$0xF288] =	vst.add.f32.msk @p1 $0xffff, v1  }
0x220: {  	v1 =	vld @p1 [tilespmem:$0xF1E8];
	_ =	sdelay $0x4  }
0x221: {  	[tilespmem:s4+$0xF298] =	vst.add.f32.msk @p1 $0xffff, v1  }
0x222: {  	v1 =	vld @p1 [tilespmem:$0xF1F8];
	_ =	sdelay $0x3  }
0x223: {  	s5 =	sshll.u32 @!p1 s3, $0x9  }
0x224: {  	s5 =	smov.u32 @p1 s0;
	[tilespmem:s4+$0xF2A8] =	vst.add.f32.msk @p1 $0xffff, v1  }
0x225: {  	s0 =	sshrl.u32 s5, $0x2;
	[tilespmem:s2+$0xF218] =	vst.msk $0x1, v0  }
0x226: {  	v0 =	vld [tilespmem:s0+$0xF238];
	_ =	sdelay $0x2  }
0x227: {  	s31 =	sshll.u32 s2, $0x9  }
0x228: {  	s4 =	sshra.s32 s31, $0x2  }
0x229: {  	[tilespmem:s4+$0xF238] =	vst v0  }
0x22a: {  	v0 =	vld [tilespmem:s0+$0xF248];
	_ =	sdelay $0x4  }
0x22b: {  	[tilespmem:s4+$0xF248] =	vst v0  }
0x22c: {  	v0 =	vld [tilespmem:s0+$0xF258];
	_ =	sdelay $0x4  }
0x22d: {  	[tilespmem:s4+$0xF258] =	vst v0  }
0x22e: {  	v0 =	vld [tilespmem:s0+$0xF268];
	_ =	sdelay $0x4  }
0x22f: {  	[tilespmem:s4+$0xF268] =	vst v0  }
0x230: {  	v0 =	vld [tilespmem:s0+$0xF278];
	_ =	sdelay $0x4  }
0x231: {  	[tilespmem:s4+$0xF278] =	vst v0  }
0x232: {  	v0 =	vld [tilespmem:s0+$0xF288];
	_ =	sdelay $0x4  }
0x233: {  	[tilespmem:s4+$0xF288] =	vst v0  }
0x234: {  	v0 =	vld [tilespmem:s0+$0xF298];
	_ =	sdelay $0x4  }
0x235: {  	[tilespmem:s4+$0xF298] =	vst v0  }
0x236: {  	v0 =	vld [tilespmem:s0+$0xF2A8];
	_ =	sdelay $0x4  }
0x237: {  	s2 =	sadd.s32 $0x1, s2;
	[tilespmem:s4+$0xF2A8] =	vst v0  }
.LBB2_48:
0x238: {  	s3 =	sadd.s32 $0x1, s3  }
0x239: {  	p1 =	sne.s32 s3, $0x20  }
.Ltmp32:
0x23a: {  	_ = 	snop;
	(pc) =	sbr.rel @!p1 .LBB2_49-.Ltmp32, $1  }
0x23b: {  	_ =	sdelay $0x3  }
.LBB2_41:
0x23c: {  	v0 =	vld.msk [tilespmem:s3+$0xF218], $0x1;
	_ =	sdelay $0x4  }
0x23d: {  	(v2sf) =	vpush v0, $0x0;
	_ =	sdelay $0xe  }
0x23e: {  	s4 =	spop (v2sf)  }
0x23f: {  	p1 =	seq.s32 s4, $0xFFFFFFFF  }
.Ltmp33:
0x240: {  	_ = 	snop;
	(pc) =	sbr.rel @p1 .LBB2_48-.Ltmp33, $1  }
0x241: {  	_ =	sdelay $0x3  }
0x242: {  	p1 =	slt.s32 s2, $0x1  }
.Ltmp34:
0x243: {  	_ = 	snop;
	(pc) =	sbr.rel @p1 .LBB2_47-.Ltmp34, $1  }
0x244: {  	_ =	sdelay $0x3  }
0x245: {  	s5 =	simm.s32 $0xF218;
	p1 =	por $0x0, $0x0  }
0x246: {  	v1 =	vld.msk @!p1 [tilespmem:s5+$0x0], $0x1;
	_ =	sdelay $0x4  }
0x247: {  	(v2sf) =	vpush @!p1 v1, $0x0;
	_ =	sdelay $0xd  }
0x248: {  	p3 =	sne.s32 s2, $0x1  }
.Ltmp35:
0x249: {  	s0 =	spop @!p1 (v2sf);
	(pc) =	sbr.rel @!p3 .LBB2_45-.Ltmp35, $4  }
0x24a: {  	p2 =	seq.s32 @!p1 s4, s0  }
0x24b: {  	s6 =	simm.s32 $0x0;
	p2 =	por !p2, p1  }
0x24c: {  	s7 =	simm.s32 $0xFFFFFFFF;
	s6 =	simm.s32 @p2 $0xFFFFFFFF  }
0x24d: {  	s0 =	simm.s32 $0x1;
	s6 =	smov.u32 @p1 s7  }
.LBB2_44:
0x24e: {  	s7 =	smov.u32 s6;
	p1 =	sne.s32 s6, $0xFFFFFFFF  }
0x24f: {  	s5 =	sadd.s32 $0x1, s5;
	s6 =	smov.u32 s0;
	s0 =	sadd.s32 $0x1, s0  }
0x250: {  	p2 =	sne.s32 s2, s0;
	v1 =	vld.msk @!p1 [tilespmem:s5+$0x0], $0x1;
	_ =	sdelay $0x4  }
0x251: {  	(v2sf) =	vpush @!p1 v1, $0x0;
	_ =	sdelay $0xe  }
.Ltmp36:
0x252: {  	s8 =	spop @!p1 (v2sf);
	(pc) =	sbr.rel @p2 .LBB2_44-.Ltmp36, $4  }
0x253: {  	p3 =	seq.s32 @!p1 s4, s8  }
0x254: {  	p3 =	por !p3, p1  }
0x255: {  	s6 =	simm.s32 @p3 $0xFFFFFFFF  }
0x256: {  	s6 =	smov.u32 @p1 s7  }
.LBB2_45:
0x257: {  	p1 =	seq.s32 s6, $0xFFFFFFFF  }
.Ltmp37:
0x258: {  	_ = 	snop;
	(pc) =	sbr.rel @p1 .LBB2_47-.Ltmp37, $1  }
0x259: {  	_ =	sdelay $0x3  }
0x25a: {  	s0 =	sshll.u32 s3, $0x7  }
0x25b: {  	s0 =	sand.u32 $0x3FFFFF80, s0  }
0x25c: {  	v0 =	vld [tilespmem:s0+$0xF238];
	_ =	sdelay $0x2  }
0x25d: {  	s4 =	sshll.u32 s6, $0x9  }
0x25e: {  	s4 =	sshra.s32 s4, $0x2  }
0x25f: {  	[tilespmem:s4+$0xF238] =	vst.add.f32.msk $0xffff, v0  }
0x260: {  	v0 =	vld [tilespmem:s0+$0xF248];
	_ =	sdelay $0x4  }
0x261: {  	[tilespmem:s4+$0xF248] =	vst.add.f32.msk $0xffff, v0  }
0x262: {  	v0 =	vld [tilespmem:s0+$0xF258];
	_ =	sdelay $0x4  }
0x263: {  	[tilespmem:s4+$0xF258] =	vst.add.f32.msk $0xffff, v0  }
0x264: {  	v0 =	vld [tilespmem:s0+$0xF268];
	_ =	sdelay $0x4  }
0x265: {  	[tilespmem:s4+$0xF268] =	vst.add.f32.msk $0xffff, v0  }
0x266: {  	v0 =	vld [tilespmem:s0+$0xF278];
	_ =	sdelay $0x4  }
0x267: {  	[tilespmem:s4+$0xF278] =	vst.add.f32.msk $0xffff, v0  }
0x268: {  	v0 =	vld [tilespmem:s0+$0xF288];
	_ =	sdelay $0x4  }
0x269: {  	[tilespmem:s4+$0xF288] =	vst.add.f32.msk $0xffff, v0  }
0x26a: {  	v0 =	vld [tilespmem:s0+$0xF298];
	_ =	sdelay $0x4  }
0x26b: {  	[tilespmem:s4+$0xF298] =	vst.add.f32.msk $0xffff, v0  }
0x26c: {  	v0 =	vld [tilespmem:s0+$0xF2A8]  }
.Ltmp38:
0x26d: {  	_ = 	snop;
	(pc) =	sbr.rel .LBB2_48-.Ltmp38, $2  }
0x26e: {  	_ =	sdelay $0x2  }
0x26f: {  	[tilespmem:s4+$0xF2A8] =	vst.add.f32.msk $0xffff, v0  }
.LBB2_49:
0x270: {  	p1 =	slt.s32 s2, $0x1  }
.Ltmp39:
0x271: {  	_ = 	snop;
	(pc) =	sbr.rel @p1 .LBB2_53-.Ltmp39, $3  }
0x272: {  	_ =	sdelay $0x1  }
0x273: {  	s0 =	simm.s32 $0x8  }
0x274: {  	s3 =	simm.s32 $0x0;
	[sflag:s0] =	ssyncpa.u1 $0x1  }
0x275: {  	s0 =	simm.s32 $0xF218  }
0x276: {  	v0 =	vld.msk [tilespmem:s0+$0x0], $0x1;
	_ =	sdelay $0x4  }
0x277: {  	(v2sf) =	vpush v0, $0x0;
	_ =	sdelay $0xe  }
0x278: {  	s0 =	sadd.s32 $0xFFFFFFFF, s2;
	s5 =	spop (v2sf)  }
0x279: {  	p2 =	sne.s32 s0, $0x0;
	p1 =	sgt.u32 s5, $0xAFFF0  }
.Ltmp40:
0x27a: {  	s6 =	sand.u32 @!p1 $0xFFFF8, s5;
	(pc) =	sbr.rel @!p2 .LBB2_52-.Ltmp40, $4  }
0x27b: {  	s4 =	simm.s32 $0xF238;
	s5 =	sand.u32 @!p1 $0x7, s5;
	s2 =	sadd.s32 @!p1 s1, s6  }
0x27c: {  	[hbm4b:s2+s5] =	stream.linear.scatter @!p1 [tilespmem:s4], [sflag:$0x7], $0x80, $0x38;
	[tilespmem:$0x1F6F8] =	vst v63  }
0x27d: {  	s5 =	simm.s32 $0x0  }
0x27e: {  	s2 =	simm.s32 $0xF219;
	s5 =	simm.s32 @!p1 $0x200  }
.LBB2_51:
0x27f: {  	v0 =	vld.msk [tilespmem:s2+$0x0], $0x1;
	s0 =	sadd.s32 $0xFFFFFFFF, s0;
	s3 =	sadd.s32 s3, s5  }
0x280: {  	p1 =	sne.s32 s0, $0x0;
	_ =	sdelay $0x3  }
0x281: {  	(v2sf) =	vpush v0, $0x0;
	_ =	sdelay $0xe  }
.Ltmp41:
0x282: {  	s6 =	spop (v2sf);
	(pc) =	sbr.rel @p1 .LBB2_51-.Ltmp41, $4  }
0x283: {  	s5 =	simm.s32 $0x0;
	p2 =	sgt.u32 s6, $0xAFFF0  }
0x284: {  	s4 =	sadd.s32 $0x80, s4;
	s5 =	simm.s32 @!p2 $0x200;
	s7 =	sand.u32 @!p2 $0xFFFF8, s6  }
0x285: {  	s2 =	sadd.s32 $0x1, s2;
	s6 =	sand.u32 @!p2 $0x7, s6;
	s7 =	sadd.s32 @!p2 s1, s7  }
0x286: {  	[hbm4b:s7+s6] =	stream.linear.scatter @!p2 [tilespmem:s4], [sflag:$0x7], $0x80, $0x38;
	[tilespmem:$0x1F6F8] =	vst v63  }
.LBB2_52:
0x287: {  	s0 =	sadd.s32 s3, s5  }
0x288: {  	s3 =	sshrl.u32 s0, $0x2  }
.LBB2_53:
0x289: {  	s0 =	simm.s32 $0x7  }
0x28a: {  	_ =	swait.ge [sflag:s0], s3  }
0x28b: {  	s1 =	ssub.s32 $0x0, s3;
	[sflag:s0] =	ssyncset.done $0x0  }
0x28c: {  	[sflag:s0] =	ssyncadd.s32 s1  }
0x28d: {  	[sflag:s0] =	ssyncpa.u1 $0x1  }
.LBB2_54:
0x28e: {  	_ =	sfence;
	s0 =	simm.s32 $0x1  }
0x28f: {  	[sflag:s0] =	ssyncpa.u1 $0x1  }
0x290: {  	_ =	strace $0x9000004D  }
0x291: {  	[bflag:$0x2] =	sbarrier.arrive $0xFFFF  }
0x292: {  	s0 =	rddreg [dreg:$0x3]  }
0x293: {  	s0 =	sadd.s32 @!p0 $0x100000, s0  }
0x294: {  	[sflag:s0] =	ssyncadd.tile.s32 @!p0 $0x1;
	_ =	shalt  }
.Lfunc_end2:
_tile_overlayer_lowered:
.L_overlay_start_2:
0x295: {  	(tag) =	ssettag $0x2  }
0x296: {  	s0 =	rddreg [dreg:$0x0];
	s2 =	stileid.u32  }
0x297: {  	s1 =	rddreg [dreg:$0x1];
	p0 =	sne.s32 s2, $0x0  }
0x298: {  	s3 =	rddreg [dreg:$0x2];
	[bflag:$0x3] =	sbarrier.arrive $0xFFFF;
	s2 =	simm.s32 @!p0 $0x1C01  }
0x299: {  	[timem:s3], [sflag:s2] =	dma.local @!p0 [hbm:s0], s1  }
0x29a: {  	s0 =	simm.s32 @!p0 $0x1  }
0x29b: {  	_ =	swait.ge @!p0 [sflag:s0], s1  }
0x29c: {  	s1 =	ssub.s32 @!p0 $0x0, s1;
	[sflag:s0] =	ssyncset.done @!p0 $0x0  }
0x29d: {  	[sflag:s0] =	ssyncadd.s32 @!p0 s1  }
0x29e: {  	[bflag:$0x3] =	sbarrier.arrive $0xFFFF  }
0x29f: {  	_ =	shalt  }

</sc_bundles>
